<compile_context>
chip_gen: v7x
topology: tpu7x:2x2x1
jax: 0.10.2.dev20260603
libtpu: 0.0.44.dev20260713+nightly
codegen_flags: <defaults>
</compile_context>

<pallas_src>
import functools

import jax
import jax.numpy as jnp
from jax import lax
from jax.experimental import pallas as pl
from jax.experimental.pallas import tpu as pltpu
from jax.experimental.pallas import tpu_sc as plsc

N, D, H, E, K = 32768, 768, 64, 64, 2

SC_ROWS = 12288
TC_ROWS = N - SC_ROWS
TC_SPLIT = 2
TC_PART = TC_ROWS // TC_SPLIT

TC_CHUNK = 2048
TC_GRID = TC_PART // TC_CHUNK

NC, NS, L = 2, 16, 16
NW = NC * NS
RPW = SC_ROWS // NW
R = 64
NCH = RPW // R
NV = D // L


def _tc_partial_body(x_ref, w_ref, out_ref, acc_ref):
    i = pl.program_id(0)

    @pl.when(i == 0)
    def _init():
        acc_ref[...] = jnp.zeros_like(acc_ref)

    acc_ref[...] += jax.lax.dot_general(
        w_ref[...], x_ref[...], (((1,), (0,)), ((), ())),
        preferred_element_type=jnp.float32)

    @pl.when(i == TC_GRID - 1)
    def _finish():
        out_ref[...] = acc_ref[...]


def _sc_partial_body(x_hbm, w_hbm, out_hbm, xbuf, wbuf, accv, xsem, wsem):
    c = lax.axis_index("c")
    s = lax.axis_index("s")
    wid = s * NC + c
    base = TC_ROWS + wid * RPW

    pltpu.make_async_copy(
        w_hbm.at[pl.ds(base, RPW)], wbuf.at[pl.ds(0, RPW)], wsem).start()

    def chunk_copy(k):
        return pltpu.make_async_copy(
            x_hbm.at[pl.ds(base + k * R, R), :], xbuf.at[k % 2],
            xsem.at[k % 2])

    chunk_copy(0).start()
    chunk_copy(1).start()
    pltpu.make_async_copy(
        w_hbm.at[pl.ds(base, RPW)], wbuf.at[pl.ds(0, RPW)], wsem).wait()

    regs = tuple(jnp.zeros((L,), jnp.float32) for _ in range(NV))
    for k in range(NCH):
        chunk_copy(k).wait()
        slot = k % 2

        def row_body(r, rg, k=k, slot=slot):
            w = wbuf[pl.ds(k * R + r, L)][0]
            return tuple(
                rg[j] + xbuf[slot, r, pl.ds(j * L, L)] * w
                for j in range(NV))

        regs = lax.fori_loop(0, R, row_body, regs)
        if k + 2 < NCH:
            chunk_copy(k + 2).start()

    for j in range(NV):
        accv[pl.ds(j * L, L)] = regs[j]
    pltpu.sync_copy(accv, out_hbm.at[wid])


def _gate_body(pa_ref, pb_ref, psc_ref, win_ref, wlin_ref, idx_ref, p_ref):
    v = (pa_ref[...] + pb_ref[...]
         + jnp.sum(psc_ref[...], axis=0, keepdims=True))
    h = jax.lax.dot_general(
        v, win_ref[...], (((1,), (1,)), ((), ())),
        preferred_element_type=jnp.float32)
    o = jax.lax.dot_general(
        h, wlin_ref[...], (((1,), (1,)), ((), ())),
        preferred_element_type=jnp.float32)

    iota = jax.lax.broadcasted_iota(jnp.int32, (1, E), 1)
    m1 = jnp.max(o)
    i1 = jnp.min(jnp.where(o == m1, iota, E))
    masked = jnp.where(iota == i1, -jnp.inf, o)
    m2 = jnp.max(masked)
    i2 = jnp.min(jnp.where(masked == m2, iota, E))
    e = jnp.exp(m2 - m1)
    p1 = 1.0 / (1.0 + e)

    pos = jax.lax.broadcasted_iota(jnp.int32, (1, 2), 1)
    idx_ref[...] = jnp.where(pos == 0, i1, i2)
    p_ref[...] = jnp.where(pos == 0, p1, 1.0 - p1)


_sc_partial = functools.partial(
    pl.kernel,
    out_type=jax.ShapeDtypeStruct((NW, D), jnp.float32),
    mesh=plsc.VectorSubcoreMesh(core_axis_name="c", subcore_axis_name="s"),
    scratch_types=[
        pltpu.VMEM((2, R, D), jnp.float32),
        pltpu.VMEM((RPW + L,), jnp.float32),
        pltpu.VMEM((D,), jnp.float32),
        pltpu.SemaphoreType.DMA((2,)),
        pltpu.SemaphoreType.DMA,
    ],
)(_sc_partial_body)


def _tc_partial(x, W_out, part):
    return pl.pallas_call(
        _tc_partial_body,
        grid=(TC_GRID,),
        in_specs=[
            pl.BlockSpec((TC_CHUNK, D),
                         lambda i, part=part: (part * TC_GRID + i, 0)),
            pl.BlockSpec((1, TC_CHUNK),
                         lambda i, part=part: (0, part * TC_GRID + i)),
        ],
        out_specs=pl.BlockSpec((1, D), lambda i: (0, 0)),
        out_shape=jax.ShapeDtypeStruct((1, D), jnp.float32),
        scratch_shapes=[pltpu.VMEM((1, D), jnp.float32)],
    )(x, W_out)


@jax.jit
def kernel(x, W_in, W_lin, W_out):
    psc = _sc_partial(x, W_out.reshape(-1))
    pa = _tc_partial(x, W_out, 0)
    pb = _tc_partial(x, W_out, 1)

    idx2, p2 = pl.pallas_call(
        _gate_body,
        out_shape=[
            jax.ShapeDtypeStruct((1, 2), jnp.int32),
            jax.ShapeDtypeStruct((1, 2), jnp.float32),
        ],
    )(pa, pb, psc, W_in, W_lin)
    return idx2.reshape(-1), p2.reshape(-1)

# --- scband reference (transcript-rebuilt; emitter-appended) ---
"""Pipeline reference for scband-sparse-gate-10041633538671 (READ-ONLY COPY).

The authoritative reference and input builder live on the scoring server;
editing this copy changes nothing except your own understanding.
"""

import jax, jax.numpy as jnp
import numpy as np

N, D, H, E, K = 32768, 768, 64, 64, 2

def setup_inputs(seed: int = 0) -> dict:
    key = jax.random.key(seed)
    k1, k2, k3, k4 = jax.random.split(key, 4)
    x = jax.random.normal(k1, (N, D), dtype=jnp.float32)
    # nn.Linear weights are [out_features, in_features]; bias=False everywhere.
    W_in = jax.random.normal(k2, (H, D), dtype=jnp.float32) * 0.02
    W_lin = jax.random.normal(k3, (E, H), dtype=jnp.float32) * 0.02
    W_out = jax.random.normal(k4, (1, N), dtype=jnp.float32) * 0.02
    return {"x": x, "W_in": W_in, "W_lin": W_lin, "W_out": W_out}

def reference(x, W_in, W_lin, W_out):
    # Dropout layers are identity in eval mode.
    h = x @ W_in.T                      # [N, H]
    l = h @ W_lin.T                     # [N, E]
    o = (l.T @ W_out.T).reshape(-1)     # Linear over token dim on x.T: [E, 1] -> [E]
    vals, idx = jax.lax.top_k(o, K)     # torch.topk over expert logits
    probs = jax.nn.softmax(vals, axis=-1)
    # torch returns list(zip(indices, topk)); equivalent content: (indices, probs)
    return (idx, probs)

if __name__ == "__main__":
    import jax
    _d = setup_inputs()
    print(jax.jit(kernel)(*tuple(_d.values())))

</pallas_src>

<mosaic_0001>
#map = affine_map<(d0, d1) -> (0, 0)>
#map1 = affine_map<(d0, d1) -> (0)>
module attributes {stable_mosaic.version = 14 : i64} {
  func.func @_sc_partial_body(%arg0: i32, %arg1: i32, %arg2: memref<32768x768xf32, #tpu.memory_space<hbm>>, %arg3: memref<32768xf32, #tpu.memory_space<hbm>>, %arg4: memref<32x768xf32, #tpu.memory_space<hbm>>, %arg5: memref<2x64x768xf32, #tpu.memory_space<vmem>>, %arg6: memref<400xf32, #tpu.memory_space<vmem>>, %arg7: memref<768xf32, #tpu.memory_space<vmem>>, %arg8: memref<2x!tpu.dma_semaphore, #tpu.memory_space<semaphore_mem>>, %arg9: memref<!tpu.dma_semaphore, #tpu.memory_space<semaphore_mem>>) attributes {dimension_semantics = [#tpu.dimension_semantics<core_parallel>, #tpu.dimension_semantics<subcore_parallel>], iteration_bounds = array<i64: 2, 16>, scalar_prefetch = 0 : i64, scratch_operands = 5 : i64, tpu.core_type = #tpu.core_type<sc_vector_subcore>, window_params = [{transform_indices = #map}, {transform_indices = #map1}, {transform_indices = #map}]} {
    %mul3A = arith.constant 2 : i32
    %mul3A_0 = arith.muli %arg1, %mul3A : i32
    %add3A = arith.addi %mul3A_0, %arg0 : i32
    %mul3A_1 = arith.constant 384 : i32
    %mul3A_2 = arith.muli %add3A, %mul3A_1 : i32
    %add3A_3 = arith.constant 20480 : i32
    %add3A_4 = arith.addi %add3A_3, %mul3A_2 : i32
    %dma_start3A = arith.constant 0 : i32
    %dma_start3A_5 = tpu.memref_slice %arg6[%dma_start3A] : memref<400xf32, #tpu.memory_space<vmem>> -> memref<384xf32, #tpu.memory_space<vmem>>
    %dma_start3A_6 = tpu.memref_slice %arg3[%add3A_4] : memref<32768xf32, #tpu.memory_space<hbm>> -> memref<384xf32, #tpu.memory_space<hbm>>
    %dma_start3A_7 = arith.constant 0 : i32
    %dma_start3A_8 = tpu.memref_slice %arg6[%dma_start3A_7] : memref<400xf32, #tpu.memory_space<vmem>> -> memref<384xf32, #tpu.memory_space<vmem>>
    %dma_start3A_9 = tpu.memref_slice %arg3[%add3A_4] : memref<32768xf32, #tpu.memory_space<hbm>> -> memref<384xf32, #tpu.memory_space<hbm>>
    tpu.enqueue_dma source(%dma_start3A_9 : memref<384xf32, #tpu.memory_space<hbm>>) target(%dma_start3A_8 : memref<384xf32, #tpu.memory_space<vmem>>) target_semaphore(%arg9 : memref<!tpu.dma_semaphore, #tpu.memory_space<semaphore_mem>>)
    %add3A_10 = arith.constant 0 : i32
    %add3A_11 = arith.addi %add3A_4, %add3A_10 : i32
    %dma_start3A_12 = arith.constant 0 : i32
    %dma_start3A_13 = arith.constant 0 : i32
    %dma_start3A_14 = arith.constant 0 : i32
    %dma_start3A_15 = arith.constant 0 : i32
    %dma_start3A_16 = tpu.memref_slice %arg5[%dma_start3A_12, %dma_start3A_14, %dma_start3A_15] : memref<2x64x768xf32, #tpu.memory_space<vmem>> -> memref<1x64x768xf32, #tpu.memory_space<vmem>>
    %dma_start3A_17 = tpu.memref_squeeze %dma_start3A_16 : memref<1x64x768xf32, #tpu.memory_space<vmem>> -> memref<64x768xf32, #tpu.memory_space<vmem>>
    %dma_start3A_18 = arith.constant 0 : i32
    %dma_start3A_19 = tpu.memref_slice %arg2[%add3A_11, %dma_start3A_18] : memref<32768x768xf32, #tpu.memory_space<hbm>> -> memref<64x768xf32, #tpu.memory_space<hbm>>
    %dma_start3A_20 = tpu.memref_slice %arg8[%dma_start3A_13] : memref<2x!tpu.dma_semaphore, #tpu.memory_space<semaphore_mem>> -> memref<1x!tpu.dma_semaphore, #tpu.memory_space<semaphore_mem>>
    %dma_start3A_21 = tpu.memref_squeeze %dma_start3A_20 : memref<1x!tpu.dma_semaphore, #tpu.memory_space<semaphore_mem>> -> memref<!tpu.dma_semaphore, #tpu.memory_space<semaphore_mem>>
    %dma_start3A_22 = arith.constant 0 : i32
    %dma_start3A_23 = arith.constant 0 : i32
    %dma_start3A_24 = tpu.memref_slice %arg5[%dma_start3A_12, %dma_start3A_22, %dma_start3A_23] : memref<2x64x768xf32, #tpu.memory_space<vmem>> -> memref<1x64x768xf32, #tpu.memory_space<vmem>>
    %dma_start3A_25 = tpu.memref_squeeze %dma_start3A_24 : memref<1x64x768xf32, #tpu.memory_space<vmem>> -> memref<64x768xf32, #tpu.memory_space<vmem>>
    %dma_start3A_26 = arith.constant 0 : i32
    %dma_start3A_27 = tpu.memref_slice %arg2[%add3A_11, %dma_start3A_26] : memref<32768x768xf32, #tpu.memory_space<hbm>> -> memref<64x768xf32, #tpu.memory_space<hbm>>
    tpu.enqueue_dma source(%dma_start3A_27 : memref<64x768xf32, #tpu.memory_space<hbm>>) target(%dma_start3A_25 : memref<64x768xf32, #tpu.memory_space<vmem>>) target_semaphore(%dma_start3A_21 : memref<!tpu.dma_semaphore, #tpu.memory_space<semaphore_mem>>)
    %add3A_28 = arith.constant 64 : i32
    %add3A_29 = arith.addi %add3A_4, %add3A_28 : i32
    %dma_start3A_30 = arith.constant 1 : i32
    %dma_start3A_31 = arith.constant 1 : i32
    %dma_start3A_32 = arith.constant 0 : i32
    %dma_start3A_33 = arith.constant 0 : i32
    %dma_start3A_34 = tpu.memref_slice %arg5[%dma_start3A_30, %dma_start3A_32, %dma_start3A_33] : memref<2x64x768xf32, #tpu.memory_space<vmem>> -> memref<1x64x768xf32, #tpu.memory_space<vmem>>
    %dma_start3A_35 = tpu.memref_squeeze %dma_start3A_34 : memref<1x64x768xf32, #tpu.memory_space<vmem>> -> memref<64x768xf32, #tpu.memory_space<vmem>>
    %dma_start3A_36 = arith.constant 0 : i32
    %dma_start3A_37 = tpu.memref_slice %arg2[%add3A_29, %dma_start3A_36] : memref<32768x768xf32, #tpu.memory_space<hbm>> -> memref<64x768xf32, #tpu.memory_space<hbm>>
    %dma_start3A_38 = tpu.memref_slice %arg8[%dma_start3A_31] : memref<2x!tpu.dma_semaphore, #tpu.memory_space<semaphore_mem>> -> memref<1x!tpu.dma_semaphore, #tpu.memory_space<semaphore_mem>>
    %dma_start3A_39 = tpu.memref_squeeze %dma_start3A_38 : memref<1x!tpu.dma_semaphore, #tpu.memory_space<semaphore_mem>> -> memref<!tpu.dma_semaphore, #tpu.memory_space<semaphore_mem>>
    %dma_start3A_40 = arith.constant 0 : i32
    %dma_start3A_41 = arith.constant 0 : i32
    %dma_start3A_42 = tpu.memref_slice %arg5[%dma_start3A_30, %dma_start3A_40, %dma_start3A_41] : memref<2x64x768xf32, #tpu.memory_space<vmem>> -> memref<1x64x768xf32, #tpu.memory_space<vmem>>
    %dma_start3A_43 = tpu.memref_squeeze %dma_start3A_42 : memref<1x64x768xf32, #tpu.memory_space<vmem>> -> memref<64x768xf32, #tpu.memory_space<vmem>>
    %dma_start3A_44 = arith.constant 0 : i32
    %dma_start3A_45 = tpu.memref_slice %arg2[%add3A_29, %dma_start3A_44] : memref<32768x768xf32, #tpu.memory_space<hbm>> -> memref<64x768xf32, #tpu.memory_space<hbm>>
    tpu.enqueue_dma source(%dma_start3A_45 : memref<64x768xf32, #tpu.memory_space<hbm>>) target(%dma_start3A_43 : memref<64x768xf32, #tpu.memory_space<vmem>>) target_semaphore(%dma_start3A_39 : memref<!tpu.dma_semaphore, #tpu.memory_space<semaphore_mem>>)
    %dma_wait3A = arith.constant 0 : i32
    %dma_wait3A_46 = tpu.memref_slice %arg6[%dma_wait3A] : memref<400xf32, #tpu.memory_space<vmem>> -> memref<384xf32, #tpu.memory_space<vmem>>
    %dma_wait3A_47 = tpu.memref_slice %arg3[%add3A_4] : memref<32768xf32, #tpu.memory_space<hbm>> -> memref<384xf32, #tpu.memory_space<hbm>>
    %dma_wait3A_48 = arith.constant 0 : i32
    %dma_wait3A_49 = tpu.memref_slice %arg6[%dma_wait3A_48] : memref<400xf32, #tpu.memory_space<vmem>> -> memref<384xf32, #tpu.memory_space<vmem>>
    %dma_wait3A_50 = tpu.memref_slice %arg3[%add3A_4] : memref<32768xf32, #tpu.memory_space<hbm>> -> memref<384xf32, #tpu.memory_space<hbm>>
    tpu.wait_dma2 semaphore(%arg9 : memref<!tpu.dma_semaphore, #tpu.memory_space<semaphore_mem>>) src(%dma_wait3A_50 : memref<384xf32, #tpu.memory_space<hbm>>) dst(%dma_wait3A_49 : memref<384xf32, #tpu.memory_space<vmem>>)
    %broadcast_in_dim3A = arith.constant 0.000000e+00 : f32
    %broadcast_in_dim3A_51 = vector.broadcast %broadcast_in_dim3A : f32 to vector<16xf32>
    %broadcast_in_dim3A_52 = arith.constant 0.000000e+00 : f32
    %broadcast_in_dim3A_53 = vector.broadcast %broadcast_in_dim3A_52 : f32 to vector<16xf32>
    %broadcast_in_dim3A_54 = arith.constant 0.000000e+00 : f32
    %broadcast_in_dim3A_55 = vector.broadcast %broadcast_in_dim3A_54 : f32 to vector<16xf32>
    %broadcast_in_dim3A_56 = arith.constant 0.000000e+00 : f32
    %broadcast_in_dim3A_57 = vector.broadcast %broadcast_in_dim3A_56 : f32 to vector<16xf32>
    %broadcast_in_dim3A_58 = arith.constant 0.000000e+00 : f32
    %broadcast_in_dim3A_59 = vector.broadcast %broadcast_in_dim3A_58 : f32 to vector<16xf32>
    %broadcast_in_dim3A_60 = arith.constant 0.000000e+00 : f32
    %broadcast_in_dim3A_61 = vector.broadcast %broadcast_in_dim3A_60 : f32 to vector<16xf32>
    %broadcast_in_dim3A_62 = arith.constant 0.000000e+00 : f32
    %broadcast_in_dim3A_63 = vector.broadcast %broadcast_in_dim3A_62 : f32 to vector<16xf32>
    %broadcast_in_dim3A_64 = arith.constant 0.000000e+00 : f32
    %broadcast_in_dim3A_65 = vector.broadcast %broadcast_in_dim3A_64 : f32 to vector<16xf32>
    %broadcast_in_dim3A_66 = arith.constant 0.000000e+00 : f32
    %broadcast_in_dim3A_67 = vector.broadcast %broadcast_in_dim3A_66 : f32 to vector<16xf32>
    %broadcast_in_dim3A_68 = arith.constant 0.000000e+00 : f32
    %broadcast_in_dim3A_69 = vector.broadcast %broadcast_in_dim3A_68 : f32 to vector<16xf32>
    %broadcast_in_dim3A_70 = arith.constant 0.000000e+00 : f32
    %broadcast_in_dim3A_71 = vector.broadcast %broadcast_in_dim3A_70 : f32 to vector<16xf32>
    %broadcast_in_dim3A_72 = arith.constant 0.000000e+00 : f32
    %broadcast_in_dim3A_73 = vector.broadcast %broadcast_in_dim3A_72 : f32 to vector<16xf32>
    %broadcast_in_dim3A_74 = arith.constant 0.000000e+00 : f32
    %broadcast_in_dim3A_75 = vector.broadcast %broadcast_in_dim3A_74 : f32 to vector<16xf32>
    %broadcast_in_dim3A_76 = arith.constant 0.000000e+00 : f32
    %broadcast_in_dim3A_77 = vector.broadcast %broadcast_in_dim3A_76 : f32 to vector<16xf32>
    %broadcast_in_dim3A_78 = arith.constant 0.000000e+00 : f32
    %broadcast_in_dim3A_79 = vector.broadcast %broadcast_in_dim3A_78 : f32 to vector<16xf32>
    %broadcast_in_dim3A_80 = arith.constant 0.000000e+00 : f32
    %broadcast_in_dim3A_81 = vector.broadcast %broadcast_in_dim3A_80 : f32 to vector<16xf32>
    %broadcast_in_dim3A_82 = arith.constant 0.000000e+00 : f32
    %broadcast_in_dim3A_83 = vector.broadcast %broadcast_in_dim3A_82 : f32 to vector<16xf32>
    %broadcast_in_dim3A_84 = arith.constant 0.000000e+00 : f32
    %broadcast_in_dim3A_85 = vector.broadcast %broadcast_in_dim3A_84 : f32 to vector<16xf32>
    %broadcast_in_dim3A_86 = arith.constant 0.000000e+00 : f32
    %broadcast_in_dim3A_87 = vector.broadcast %broadcast_in_dim3A_86 : f32 to vector<16xf32>
    %broadcast_in_dim3A_88 = arith.constant 0.000000e+00 : f32
    %broadcast_in_dim3A_89 = vector.broadcast %broadcast_in_dim3A_88 : f32 to vector<16xf32>
    %broadcast_in_dim3A_90 = arith.constant 0.000000e+00 : f32
    %broadcast_in_dim3A_91 = vector.broadcast %broadcast_in_dim3A_90 : f32 to vector<16xf32>
    %broadcast_in_dim3A_92 = arith.constant 0.000000e+00 : f32
    %broadcast_in_dim3A_93 = vector.broadcast %broadcast_in_dim3A_92 : f32 to vector<16xf32>
    %broadcast_in_dim3A_94 = arith.constant 0.000000e+00 : f32
    %broadcast_in_dim3A_95 = vector.broadcast %broadcast_in_dim3A_94 : f32 to vector<16xf32>
    %broadcast_in_dim3A_96 = arith.constant 0.000000e+00 : f32
    %broadcast_in_dim3A_97 = vector.broadcast %broadcast_in_dim3A_96 : f32 to vector<16xf32>
    %broadcast_in_dim3A_98 = arith.constant 0.000000e+00 : f32
    %broadcast_in_dim3A_99 = vector.broadcast %broadcast_in_dim3A_98 : f32 to vector<16xf32>
    %broadcast_in_dim3A_100 = arith.constant 0.000000e+00 : f32
    %broadcast_in_dim3A_101 = vector.broadcast %broadcast_in_dim3A_100 : f32 to vector<16xf32>
    %broadcast_in_dim3A_102 = arith.constant 0.000000e+00 : f32
    %broadcast_in_dim3A_103 = vector.broadcast %broadcast_in_dim3A_102 : f32 to vector<16xf32>
    %broadcast_in_dim3A_104 = arith.constant 0.000000e+00 : f32
    %broadcast_in_dim3A_105 = vector.broadcast %broadcast_in_dim3A_104 : f32 to vector<16xf32>
    %broadcast_in_dim3A_106 = arith.constant 0.000000e+00 : f32
    %broadcast_in_dim3A_107 = vector.broadcast %broadcast_in_dim3A_106 : f32 to vector<16xf32>
    %broadcast_in_dim3A_108 = arith.constant 0.000000e+00 : f32
    %broadcast_in_dim3A_109 = vector.broadcast %broadcast_in_dim3A_108 : f32 to vector<16xf32>
    %broadcast_in_dim3A_110 = arith.constant 0.000000e+00 : f32
    %broadcast_in_dim3A_111 = vector.broadcast %broadcast_in_dim3A_110 : f32 to vector<16xf32>
    %broadcast_in_dim3A_112 = arith.constant 0.000000e+00 : f32
    %broadcast_in_dim3A_113 = vector.broadcast %broadcast_in_dim3A_112 : f32 to vector<16xf32>
    %broadcast_in_dim3A_114 = arith.constant 0.000000e+00 : f32
    %broadcast_in_dim3A_115 = vector.broadcast %broadcast_in_dim3A_114 : f32 to vector<16xf32>
    %broadcast_in_dim3A_116 = arith.constant 0.000000e+00 : f32
    %broadcast_in_dim3A_117 = vector.broadcast %broadcast_in_dim3A_116 : f32 to vector<16xf32>
    %broadcast_in_dim3A_118 = arith.constant 0.000000e+00 : f32
    %broadcast_in_dim3A_119 = vector.broadcast %broadcast_in_dim3A_118 : f32 to vector<16xf32>
    %broadcast_in_dim3A_120 = arith.constant 0.000000e+00 : f32
    %broadcast_in_dim3A_121 = vector.broadcast %broadcast_in_dim3A_120 : f32 to vector<16xf32>
    %broadcast_in_dim3A_122 = arith.constant 0.000000e+00 : f32
    %broadcast_in_dim3A_123 = vector.broadcast %broadcast_in_dim3A_122 : f32 to vector<16xf32>
    %broadcast_in_dim3A_124 = arith.constant 0.000000e+00 : f32
    %broadcast_in_dim3A_125 = vector.broadcast %broadcast_in_dim3A_124 : f32 to vector<16xf32>
    %broadcast_in_dim3A_126 = arith.constant 0.000000e+00 : f32
    %broadcast_in_dim3A_127 = vector.broadcast %broadcast_in_dim3A_126 : f32 to vector<16xf32>
    %broadcast_in_dim3A_128 = arith.constant 0.000000e+00 : f32
    %broadcast_in_dim3A_129 = vector.broadcast %broadcast_in_dim3A_128 : f32 to vector<16xf32>
    %broadcast_in_dim3A_130 = arith.constant 0.000000e+00 : f32
    %broadcast_in_dim3A_131 = vector.broadcast %broadcast_in_dim3A_130 : f32 to vector<16xf32>
    %broadcast_in_dim3A_132 = arith.constant 0.000000e+00 : f32
    %broadcast_in_dim3A_133 = vector.broadcast %broadcast_in_dim3A_132 : f32 to vector<16xf32>
    %broadcast_in_dim3A_134 = arith.constant 0.000000e+00 : f32
    %broadcast_in_dim3A_135 = vector.broadcast %broadcast_in_dim3A_134 : f32 to vector<16xf32>
    %broadcast_in_dim3A_136 = arith.constant 0.000000e+00 : f32
    %broadcast_in_dim3A_137 = vector.broadcast %broadcast_in_dim3A_136 : f32 to vector<16xf32>
    %broadcast_in_dim3A_138 = arith.constant 0.000000e+00 : f32
    %broadcast_in_dim3A_139 = vector.broadcast %broadcast_in_dim3A_138 : f32 to vector<16xf32>
    %broadcast_in_dim3A_140 = arith.constant 0.000000e+00 : f32
    %broadcast_in_dim3A_141 = vector.broadcast %broadcast_in_dim3A_140 : f32 to vector<16xf32>
    %broadcast_in_dim3A_142 = arith.constant 0.000000e+00 : f32
    %broadcast_in_dim3A_143 = vector.broadcast %broadcast_in_dim3A_142 : f32 to vector<16xf32>
    %broadcast_in_dim3A_144 = arith.constant 0.000000e+00 : f32
    %broadcast_in_dim3A_145 = vector.broadcast %broadcast_in_dim3A_144 : f32 to vector<16xf32>
    %add3A_146 = arith.constant 0 : i32
    %add3A_147 = arith.addi %add3A_4, %add3A_146 : i32
    %dma_wait3A_148 = arith.constant 0 : i32
    %dma_wait3A_149 = arith.constant 0 : i32
    %dma_wait3A_150 = arith.constant 0 : i32
    %dma_wait3A_151 = arith.constant 0 : i32
    %dma_wait3A_152 = tpu.memref_slice %arg5[%dma_wait3A_148, %dma_wait3A_150, %dma_wait3A_151] : memref<2x64x768xf32, #tpu.memory_space<vmem>> -> memref<1x64x768xf32, #tpu.memory_space<vmem>>
    %dma_wait3A_153 = tpu.memref_squeeze %dma_wait3A_152 : memref<1x64x768xf32, #tpu.memory_space<vmem>> -> memref<64x768xf32, #tpu.memory_space<vmem>>
    %dma_wait3A_154 = arith.constant 0 : i32
    %dma_wait3A_155 = tpu.memref_slice %arg2[%add3A_147, %dma_wait3A_154] : memref<32768x768xf32, #tpu.memory_space<hbm>> -> memref<64x768xf32, #tpu.memory_space<hbm>>
    %dma_wait3A_156 = tpu.memref_slice %arg8[%dma_wait3A_149] : memref<2x!tpu.dma_semaphore, #tpu.memory_space<semaphore_mem>> -> memref<1x!tpu.dma_semaphore, #tpu.memory_space<semaphore_mem>>
    %dma_wait3A_157 = tpu.memref_squeeze %dma_wait3A_156 : memref<1x!tpu.dma_semaphore, #tpu.memory_space<semaphore_mem>> -> memref<!tpu.dma_semaphore, #tpu.memory_space<semaphore_mem>>
    %dma_wait3A_158 = arith.constant 0 : i32
    %dma_wait3A_159 = arith.constant 0 : i32
    %dma_wait3A_160 = tpu.memref_slice %arg5[%dma_wait3A_148, %dma_wait3A_158, %dma_wait3A_159] : memref<2x64x768xf32, #tpu.memory_space<vmem>> -> memref<1x64x768xf32, #tpu.memory_space<vmem>>
    %dma_wait3A_161 = tpu.memref_squeeze %dma_wait3A_160 : memref<1x64x768xf32, #tpu.memory_space<vmem>> -> memref<64x768xf32, #tpu.memory_space<vmem>>
    %dma_wait3A_162 = arith.constant 0 : i32
    %dma_wait3A_163 = tpu.memref_slice %arg2[%add3A_147, %dma_wait3A_162] : memref<32768x768xf32, #tpu.memory_space<hbm>> -> memref<64x768xf32, #tpu.memory_space<hbm>>
    tpu.wait_dma2 semaphore(%dma_wait3A_157 : memref<!tpu.dma_semaphore, #tpu.memory_space<semaphore_mem>>) src(%dma_wait3A_163 : memref<64x768xf32, #tpu.memory_space<hbm>>) dst(%dma_wait3A_161 : memref<64x768xf32, #tpu.memory_space<vmem>>)
    %scan3A = arith.constant 0 : i32
    %scan3A_164 = arith.constant 64 : i32
    %scan3A_165 = arith.addi %scan3A, %scan3A_164 : i32
    %scan3A_166 = arith.constant 1 : i32
    %scan3A_167:48 = scf.for %scan3A_552 = %scan3A to %scan3A_165 step %scan3A_166 iter_args(%scan3A_553 = %broadcast_in_dim3A_51, %scan3A_554 = %broadcast_in_dim3A_53, %scan3A_555 = %broadcast_in_dim3A_55, %scan3A_556 = %broadcast_in_dim3A_57, %scan3A_557 = %broadcast_in_dim3A_59, %scan3A_558 = %broadcast_in_dim3A_61, %scan3A_559 = %broadcast_in_dim3A_63, %scan3A_560 = %broadcast_in_dim3A_65, %scan3A_561 = %broadcast_in_dim3A_67, %scan3A_562 = %broadcast_in_dim3A_69, %scan3A_563 = %broadcast_in_dim3A_71, %scan3A_564 = %broadcast_in_dim3A_73, %scan3A_565 = %broadcast_in_dim3A_75, %scan3A_566 = %broadcast_in_dim3A_77, %scan3A_567 = %broadcast_in_dim3A_79, %scan3A_568 = %broadcast_in_dim3A_81, %scan3A_569 = %broadcast_in_dim3A_83, %scan3A_570 = %broadcast_in_dim3A_85, %scan3A_571 = %broadcast_in_dim3A_87, %scan3A_572 = %broadcast_in_dim3A_89, %scan3A_573 = %broadcast_in_dim3A_91, %scan3A_574 = %broadcast_in_dim3A_93, %scan3A_575 = %broadcast_in_dim3A_95, %scan3A_576 = %broadcast_in_dim3A_97, %scan3A_577 = %broadcast_in_dim3A_99, %scan3A_578 = %broadcast_in_dim3A_101, %scan3A_579 = %broadcast_in_dim3A_103, %scan3A_580 = %broadcast_in_dim3A_105, %scan3A_581 = %broadcast_in_dim3A_107, %scan3A_582 = %broadcast_in_dim3A_109, %scan3A_583 = %broadcast_in_dim3A_111, %scan3A_584 = %broadcast_in_dim3A_113, %scan3A_585 = %broadcast_in_dim3A_115, %scan3A_586 = %broadcast_in_dim3A_117, %scan3A_587 = %broadcast_in_dim3A_119, %scan3A_588 = %broadcast_in_dim3A_121, %scan3A_589 = %broadcast_in_dim3A_123, %scan3A_590 = %broadcast_in_dim3A_125, %scan3A_591 = %broadcast_in_dim3A_127, %scan3A_592 = %broadcast_in_dim3A_129, %scan3A_593 = %broadcast_in_dim3A_131, %scan3A_594 = %broadcast_in_dim3A_133, %scan3A_595 = %broadcast_in_dim3A_135, %scan3A_596 = %broadcast_in_dim3A_137, %scan3A_597 = %broadcast_in_dim3A_139, %scan3A_598 = %broadcast_in_dim3A_141, %scan3A_599 = %broadcast_in_dim3A_143, %scan3A_600 = %broadcast_in_dim3A_145) -> (vector<16xf32>, vector<16xf32>, vector<16xf32>, vector<16xf32>, vector<16xf32>, vector<16xf32>, vector<16xf32>, vector<16xf32>, vector<16xf32>, vector<16xf32>, vector<16xf32>, vector<16xf32>, vector<16xf32>, vector<16xf32>, vector<16xf32>, vector<16xf32>, vector<16xf32>, vector<16xf32>, vector<16xf32>, vector<16xf32>, vector<16xf32>, vector<16xf32>, vector<16xf32>, vector<16xf32>, vector<16xf32>, vector<16xf32>, vector<16xf32>, vector<16xf32>, vector<16xf32>, vector<16xf32>, vector<16xf32>, vector<16xf32>, vector<16xf32>, vector<16xf32>, vector<16xf32>, vector<16xf32>, vector<16xf32>, vector<16xf32>, vector<16xf32>, vector<16xf32>, vector<16xf32>, vector<16xf32>, vector<16xf32>, vector<16xf32>, vector<16xf32>, vector<16xf32>, vector<16xf32>, vector<16xf32>)  : i32 {
      %add3A_601 = arith.constant 0 : i32
      %add3A_602 = arith.addi %add3A_601, %scan3A_552 : i32
      %get3A = arith.index_cast %add3A_602 : i32 to index
      %get3A_603 = tpu.vector_load %arg6[%get3A] {strides = array<i32>} : memref<400xf32, #tpu.memory_space<vmem>>, vector<16xf32>,
      %get3A_604 = vector.shape_cast %get3A_603 : vector<16xf32> to vector<16xf32>
      %slice3A = vector.extract_strided_slice %get3A_604 {offsets = [0], sizes = [1], strides = [1]} : vector<16xf32> to vector<1xf32>
      %squeeze3A = vector.extract %slice3A[0] : f32 from vector<1xf32>
      %get3A_605 = arith.constant 0 : i32
      %get3A_606 = arith.index_cast %get3A_605 : i32 to index
      %get3A_607 = arith.index_cast %scan3A_552 : i32 to index
      %get3A_608 = arith.constant 0 : index
      %get3A_609 = tpu.vector_load %arg5[%get3A_606, %get3A_607, %get3A_608] {strides = array<i32>} : memref<2x64x768xf32, #tpu.memory_space<vmem>>, vector<1x1x16xf32>,
      %get3A_610 = vector.shape_cast %get3A_609 : vector<1x1x16xf32> to vector<16xf32>
      %mul3A_611 = vector.broadcast %squeeze3A : f32 to vector<16xf32>
      %mul3A_612 = arith.mulf %get3A_610, %mul3A_611 : vector<16xf32>
      %add3A_613 = arith.addf %scan3A_553, %mul3A_612 : vector<16xf32>
      %get3A_614 = arith.constant 0 : i32
      %get3A_615 = arith.index_cast %get3A_614 : i32 to index
      %get3A_616 = arith.index_cast %scan3A_552 : i32 to index
      %get3A_617 = arith.constant 16 : index
      %get3A_618 = tpu.vector_load %arg5[%get3A_615, %get3A_616, %get3A_617] {strides = array<i32>} : memref<2x64x768xf32, #tpu.memory_space<vmem>>, vector<1x1x16xf32>,
      %get3A_619 = vector.shape_cast %get3A_618 : vector<1x1x16xf32> to vector<16xf32>
      %mul3A_620 = vector.broadcast %squeeze3A : f32 to vector<16xf32>
      %mul3A_621 = arith.mulf %get3A_619, %mul3A_620 : vector<16xf32>
      %add3A_622 = arith.addf %scan3A_554, %mul3A_621 : vector<16xf32>
      %get3A_623 = arith.constant 0 : i32
      %get3A_624 = arith.index_cast %get3A_623 : i32 to index
      %get3A_625 = arith.index_cast %scan3A_552 : i32 to index
      %get3A_626 = arith.constant 32 : index
      %get3A_627 = tpu.vector_load %arg5[%get3A_624, %get3A_625, %get3A_626] {strides = array<i32>} : memref<2x64x768xf32, #tpu.memory_space<vmem>>, vector<1x1x16xf32>,
      %get3A_628 = vector.shape_cast %get3A_627 : vector<1x1x16xf32> to vector<16xf32>
      %mul3A_629 = vector.broadcast %squeeze3A : f32 to vector<16xf32>
      %mul3A_630 = arith.mulf %get3A_628, %mul3A_629 : vector<16xf32>
      %add3A_631 = arith.addf %scan3A_555, %mul3A_630 : vector<16xf32>
      %get3A_632 = arith.constant 0 : i32
      %get3A_633 = arith.index_cast %get3A_632 : i32 to index
      %get3A_634 = arith.index_cast %scan3A_552 : i32 to index
      %get3A_635 = arith.constant 48 : index
      %get3A_636 = tpu.vector_load %arg5[%get3A_633, %get3A_634, %get3A_635] {strides = array<i32>} : memref<2x64x768xf32, #tpu.memory_space<vmem>>, vector<1x1x16xf32>,
      %get3A_637 = vector.shape_cast %get3A_636 : vector<1x1x16xf32> to vector<16xf32>
      %mul3A_638 = vector.broadcast %squeeze3A : f32 to vector<16xf32>
      %mul3A_639 = arith.mulf %get3A_637, %mul3A_638 : vector<16xf32>
      %add3A_640 = arith.addf %scan3A_556, %mul3A_639 : vector<16xf32>
      %get3A_641 = arith.constant 0 : i32
      %get3A_642 = arith.index_cast %get3A_641 : i32 to index
      %get3A_643 = arith.index_cast %scan3A_552 : i32 to index
      %get3A_644 = arith.constant 64 : index
      %get3A_645 = tpu.vector_load %arg5[%get3A_642, %get3A_643, %get3A_644] {strides = array<i32>} : memref<2x64x768xf32, #tpu.memory_space<vmem>>, vector<1x1x16xf32>,
      %get3A_646 = vector.shape_cast %get3A_645 : vector<1x1x16xf32> to vector<16xf32>
      %mul3A_647 = vector.broadcast %squeeze3A : f32 to vector<16xf32>
      %mul3A_648 = arith.mulf %get3A_646, %mul3A_647 : vector<16xf32>
      %add3A_649 = arith.addf %scan3A_557, %mul3A_648 : vector<16xf32>
      %get3A_650 = arith.constant 0 : i32
      %get3A_651 = arith.index_cast %get3A_650 : i32 to index
      %get3A_652 = arith.index_cast %scan3A_552 : i32 to index
      %get3A_653 = arith.constant 80 : index
      %get3A_654 = tpu.vector_load %arg5[%get3A_651, %get3A_652, %get3A_653] {strides = array<i32>} : memref<2x64x768xf32, #tpu.memory_space<vmem>>, vector<1x1x16xf32>,
      %get3A_655 = vector.shape_cast %get3A_654 : vector<1x1x16xf32> to vector<16xf32>
      %mul3A_656 = vector.broadcast %squeeze3A : f32 to vector<16xf32>
      %mul3A_657 = arith.mulf %get3A_655, %mul3A_656 : vector<16xf32>
      %add3A_658 = arith.addf %scan3A_558, %mul3A_657 : vector<16xf32>
      %get3A_659 = arith.constant 0 : i32
      %get3A_660 = arith.index_cast %get3A_659 : i32 to index
      %get3A_661 = arith.index_cast %scan3A_552 : i32 to index
      %get3A_662 = arith.constant 96 : index
      %get3A_663 = tpu.vector_load %arg5[%get3A_660, %get3A_661, %get3A_662] {strides = array<i32>} : memref<2x64x768xf32, #tpu.memory_space<vmem>>, vector<1x1x16xf32>,
      %get3A_664 = vector.shape_cast %get3A_663 : vector<1x1x16xf32> to vector<16xf32>
      %mul3A_665 = vector.broadcast %squeeze3A : f32 to vector<16xf32>
      %mul3A_666 = arith.mulf %get3A_664, %mul3A_665 : vector<16xf32>
      %add3A_667 = arith.addf %scan3A_559, %mul3A_666 : vector<16xf32>
      %get3A_668 = arith.constant 0 : i32
      %get3A_669 = arith.index_cast %get3A_668 : i32 to index
      %get3A_670 = arith.index_cast %scan3A_552 : i32 to index
      %get3A_671 = arith.constant 112 : index
      %get3A_672 = tpu.vector_load %arg5[%get3A_669, %get3A_670, %get3A_671] {strides = array<i32>} : memref<2x64x768xf32, #tpu.memory_space<vmem>>, vector<1x1x16xf32>,
      %get3A_673 = vector.shape_cast %get3A_672 : vector<1x1x16xf32> to vector<16xf32>
      %mul3A_674 = vector.broadcast %squeeze3A : f32 to vector<16xf32>
      %mul3A_675 = arith.mulf %get3A_673, %mul3A_674 : vector<16xf32>
      %add3A_676 = arith.addf %scan3A_560, %mul3A_675 : vector<16xf32>
      %get3A_677 = arith.constant 0 : i32
      %get3A_678 = arith.index_cast %get3A_677 : i32 to index
      %get3A_679 = arith.index_cast %scan3A_552 : i32 to index
      %get3A_680 = arith.constant 128 : index
      %get3A_681 = tpu.vector_load %arg5[%get3A_678, %get3A_679, %get3A_680] {strides = array<i32>} : memref<2x64x768xf32, #tpu.memory_space<vmem>>, vector<1x1x16xf32>,
      %get3A_682 = vector.shape_cast %get3A_681 : vector<1x1x16xf32> to vector<16xf32>
      %mul3A_683 = vector.broadcast %squeeze3A : f32 to vector<16xf32>
      %mul3A_684 = arith.mulf %get3A_682, %mul3A_683 : vector<16xf32>
      %add3A_685 = arith.addf %scan3A_561, %mul3A_684 : vector<16xf32>
      %get3A_686 = arith.constant 0 : i32
      %get3A_687 = arith.index_cast %get3A_686 : i32 to index
      %get3A_688 = arith.index_cast %scan3A_552 : i32 to index
      %get3A_689 = arith.constant 144 : index
      %get3A_690 = tpu.vector_load %arg5[%get3A_687, %get3A_688, %get3A_689] {strides = array<i32>} : memref<2x64x768xf32, #tpu.memory_space<vmem>>, vector<1x1x16xf32>,
      %get3A_691 = vector.shape_cast %get3A_690 : vector<1x1x16xf32> to vector<16xf32>
      %mul3A_692 = vector.broadcast %squeeze3A : f32 to vector<16xf32>
      %mul3A_693 = arith.mulf %get3A_691, %mul3A_692 : vector<16xf32>
      %add3A_694 = arith.addf %scan3A_562, %mul3A_693 : vector<16xf32>
      %get3A_695 = arith.constant 0 : i32
      %get3A_696 = arith.index_cast %get3A_695 : i32 to index
      %get3A_697 = arith.index_cast %scan3A_552 : i32 to index
      %get3A_698 = arith.constant 160 : index
      %get3A_699 = tpu.vector_load %arg5[%get3A_696, %get3A_697, %get3A_698] {strides = array<i32>} : memref<2x64x768xf32, #tpu.memory_space<vmem>>, vector<1x1x16xf32>,
      %get3A_700 = vector.shape_cast %get3A_699 : vector<1x1x16xf32> to vector<16xf32>
      %mul3A_701 = vector.broadcast %squeeze3A : f32 to vector<16xf32>
      %mul3A_702 = arith.mulf %get3A_700, %mul3A_701 : vector<16xf32>
      %add3A_703 = arith.addf %scan3A_563, %mul3A_702 : vector<16xf32>
      %get3A_704 = arith.constant 0 : i32
      %get3A_705 = arith.index_cast %get3A_704 : i32 to index
      %get3A_706 = arith.index_cast %scan3A_552 : i32 to index
      %get3A_707 = arith.constant 176 : index
      %get3A_708 = tpu.vector_load %arg5[%get3A_705, %get3A_706, %get3A_707] {strides = array<i32>} : memref<2x64x768xf32, #tpu.memory_space<vmem>>, vector<1x1x16xf32>,
      %get3A_709 = vector.shape_cast %get3A_708 : vector<1x1x16xf32> to vector<16xf32>
      %mul3A_710 = vector.broadcast %squeeze3A : f32 to vector<16xf32>
      %mul3A_711 = arith.mulf %get3A_709, %mul3A_710 : vector<16xf32>
      %add3A_712 = arith.addf %scan3A_564, %mul3A_711 : vector<16xf32>
      %get3A_713 = arith.constant 0 : i32
      %get3A_714 = arith.index_cast %get3A_713 : i32 to index
      %get3A_715 = arith.index_cast %scan3A_552 : i32 to index
      %get3A_716 = arith.constant 192 : index
      %get3A_717 = tpu.vector_load %arg5[%get3A_714, %get3A_715, %get3A_716] {strides = array<i32>} : memref<2x64x768xf32, #tpu.memory_space<vmem>>, vector<1x1x16xf32>,
      %get3A_718 = vector.shape_cast %get3A_717 : vector<1x1x16xf32> to vector<16xf32>
      %mul3A_719 = vector.broadcast %squeeze3A : f32 to vector<16xf32>
      %mul3A_720 = arith.mulf %get3A_718, %mul3A_719 : vector<16xf32>
      %add3A_721 = arith.addf %scan3A_565, %mul3A_720 : vector<16xf32>
      %get3A_722 = arith.constant 0 : i32
      %get3A_723 = arith.index_cast %get3A_722 : i32 to index
      %get3A_724 = arith.index_cast %scan3A_552 : i32 to index
      %get3A_725 = arith.constant 208 : index
      %get3A_726 = tpu.vector_load %arg5[%get3A_723, %get3A_724, %get3A_725] {strides = array<i32>} : memref<2x64x768xf32, #tpu.memory_space<vmem>>, vector<1x1x16xf32>,
      %get3A_727 = vector.shape_cast %get3A_726 : vector<1x1x16xf32> to vector<16xf32>
      %mul3A_728 = vector.broadcast %squeeze3A : f32 to vector<16xf32>
      %mul3A_729 = arith.mulf %get3A_727, %mul3A_728 : vector<16xf32>
      %add3A_730 = arith.addf %scan3A_566, %mul3A_729 : vector<16xf32>
      %get3A_731 = arith.constant 0 : i32
      %get3A_732 = arith.index_cast %get3A_731 : i32 to index
      %get3A_733 = arith.index_cast %scan3A_552 : i32 to index
      %get3A_734 = arith.constant 224 : index
      %get3A_735 = tpu.vector_load %arg5[%get3A_732, %get3A_733, %get3A_734] {strides = array<i32>} : memref<2x64x768xf32, #tpu.memory_space<vmem>>, vector<1x1x16xf32>,
      %get3A_736 = vector.shape_cast %get3A_735 : vector<1x1x16xf32> to vector<16xf32>
      %mul3A_737 = vector.broadcast %squeeze3A : f32 to vector<16xf32>
      %mul3A_738 = arith.mulf %get3A_736, %mul3A_737 : vector<16xf32>
      %add3A_739 = arith.addf %scan3A_567, %mul3A_738 : vector<16xf32>
      %get3A_740 = arith.constant 0 : i32
      %get3A_741 = arith.index_cast %get3A_740 : i32 to index
      %get3A_742 = arith.index_cast %scan3A_552 : i32 to index
      %get3A_743 = arith.constant 240 : index
      %get3A_744 = tpu.vector_load %arg5[%get3A_741, %get3A_742, %get3A_743] {strides = array<i32>} : memref<2x64x768xf32, #tpu.memory_space<vmem>>, vector<1x1x16xf32>,
      %get3A_745 = vector.shape_cast %get3A_744 : vector<1x1x16xf32> to vector<16xf32>
      %mul3A_746 = vector.broadcast %squeeze3A : f32 to vector<16xf32>
      %mul3A_747 = arith.mulf %get3A_745, %mul3A_746 : vector<16xf32>
      %add3A_748 = arith.addf %scan3A_568, %mul3A_747 : vector<16xf32>
      %get3A_749 = arith.constant 0 : i32
      %get3A_750 = arith.index_cast %get3A_749 : i32 to index
      %get3A_751 = arith.index_cast %scan3A_552 : i32 to index
      %get3A_752 = arith.constant 256 : index
      %get3A_753 = tpu.vector_load %arg5[%get3A_750, %get3A_751, %get3A_752] {strides = array<i32>} : memref<2x64x768xf32, #tpu.memory_space<vmem>>, vector<1x1x16xf32>,
      %get3A_754 = vector.shape_cast %get3A_753 : vector<1x1x16xf32> to vector<16xf32>
      %mul3A_755 = vector.broadcast %squeeze3A : f32 to vector<16xf32>
      %mul3A_756 = arith.mulf %get3A_754, %mul3A_755 : vector<16xf32>
      %add3A_757 = arith.addf %scan3A_569, %mul3A_756 : vector<16xf32>
      %get3A_758 = arith.constant 0 : i32
      %get3A_759 = arith.index_cast %get3A_758 : i32 to index
      %get3A_760 = arith.index_cast %scan3A_552 : i32 to index
      %get3A_761 = arith.constant 272 : index
      %get3A_762 = tpu.vector_load %arg5[%get3A_759, %get3A_760, %get3A_761] {strides = array<i32>} : memref<2x64x768xf32, #tpu.memory_space<vmem>>, vector<1x1x16xf32>,
      %get3A_763 = vector.shape_cast %get3A_762 : vector<1x1x16xf32> to vector<16xf32>
      %mul3A_764 = vector.broadcast %squeeze3A : f32 to vector<16xf32>
      %mul3A_765 = arith.mulf %get3A_763, %mul3A_764 : vector<16xf32>
      %add3A_766 = arith.addf %scan3A_570, %mul3A_765 : vector<16xf32>
      %get3A_767 = arith.constant 0 : i32
      %get3A_768 = arith.index_cast %get3A_767 : i32 to index
      %get3A_769 = arith.index_cast %scan3A_552 : i32 to index
      %get3A_770 = arith.constant 288 : index
      %get3A_771 = tpu.vector_load %arg5[%get3A_768, %get3A_769, %get3A_770] {strides = array<i32>} : memref<2x64x768xf32, #tpu.memory_space<vmem>>, vector<1x1x16xf32>,
      %get3A_772 = vector.shape_cast %get3A_771 : vector<1x1x16xf32> to vector<16xf32>
      %mul3A_773 = vector.broadcast %squeeze3A : f32 to vector<16xf32>
      %mul3A_774 = arith.mulf %get3A_772, %mul3A_773 : vector<16xf32>
      %add3A_775 = arith.addf %scan3A_571, %mul3A_774 : vector<16xf32>
      %get3A_776 = arith.constant 0 : i32
      %get3A_777 = arith.index_cast %get3A_776 : i32 to index
      %get3A_778 = arith.index_cast %scan3A_552 : i32 to index
      %get3A_779 = arith.constant 304 : index
      %get3A_780 = tpu.vector_load %arg5[%get3A_777, %get3A_778, %get3A_779] {strides = array<i32>} : memref<2x64x768xf32, #tpu.memory_space<vmem>>, vector<1x1x16xf32>,
      %get3A_781 = vector.shape_cast %get3A_780 : vector<1x1x16xf32> to vector<16xf32>
      %mul3A_782 = vector.broadcast %squeeze3A : f32 to vector<16xf32>
      %mul3A_783 = arith.mulf %get3A_781, %mul3A_782 : vector<16xf32>
      %add3A_784 = arith.addf %scan3A_572, %mul3A_783 : vector<16xf32>
      %get3A_785 = arith.constant 0 : i32
      %get3A_786 = arith.index_cast %get3A_785 : i32 to index
      %get3A_787 = arith.index_cast %scan3A_552 : i32 to index
      %get3A_788 = arith.constant 320 : index
      %get3A_789 = tpu.vector_load %arg5[%get3A_786, %get3A_787, %get3A_788] {strides = array<i32>} : memref<2x64x768xf32, #tpu.memory_space<vmem>>, vector<1x1x16xf32>,
      %get3A_790 = vector.shape_cast %get3A_789 : vector<1x1x16xf32> to vector<16xf32>
      %mul3A_791 = vector.broadcast %squeeze3A : f32 to vector<16xf32>
      %mul3A_792 = arith.mulf %get3A_790, %mul3A_791 : vector<16xf32>
      %add3A_793 = arith.addf %scan3A_573, %mul3A_792 : vector<16xf32>
      %get3A_794 = arith.constant 0 : i32
      %get3A_795 = arith.index_cast %get3A_794 : i32 to index
      %get3A_796 = arith.index_cast %scan3A_552 : i32 to index
      %get3A_797 = arith.constant 336 : index
      %get3A_798 = tpu.vector_load %arg5[%get3A_795, %get3A_796, %get3A_797] {strides = array<i32>} : memref<2x64x768xf32, #tpu.memory_space<vmem>>, vector<1x1x16xf32>,
      %get3A_799 = vector.shape_cast %get3A_798 : vector<1x1x16xf32> to vector<16xf32>
      %mul3A_800 = vector.broadcast %squeeze3A : f32 to vector<16xf32>
      %mul3A_801 = arith.mulf %get3A_799, %mul3A_800 : vector<16xf32>
      %add3A_802 = arith.addf %scan3A_574, %mul3A_801 : vector<16xf32>
      %get3A_803 = arith.constant 0 : i32
      %get3A_804 = arith.index_cast %get3A_803 : i32 to index
      %get3A_805 = arith.index_cast %scan3A_552 : i32 to index
      %get3A_806 = arith.constant 352 : index
      %get3A_807 = tpu.vector_load %arg5[%get3A_804, %get3A_805, %get3A_806] {strides = array<i32>} : memref<2x64x768xf32, #tpu.memory_space<vmem>>, vector<1x1x16xf32>,
      %get3A_808 = vector.shape_cast %get3A_807 : vector<1x1x16xf32> to vector<16xf32>
      %mul3A_809 = vector.broadcast %squeeze3A : f32 to vector<16xf32>
      %mul3A_810 = arith.mulf %get3A_808, %mul3A_809 : vector<16xf32>
      %add3A_811 = arith.addf %scan3A_575, %mul3A_810 : vector<16xf32>
      %get3A_812 = arith.constant 0 : i32
      %get3A_813 = arith.index_cast %get3A_812 : i32 to index
      %get3A_814 = arith.index_cast %scan3A_552 : i32 to index
      %get3A_815 = arith.constant 368 : index
      %get3A_816 = tpu.vector_load %arg5[%get3A_813, %get3A_814, %get3A_815] {strides = array<i32>} : memref<2x64x768xf32, #tpu.memory_space<vmem>>, vector<1x1x16xf32>,
      %get3A_817 = vector.shape_cast %get3A_816 : vector<1x1x16xf32> to vector<16xf32>
      %mul3A_818 = vector.broadcast %squeeze3A : f32 to vector<16xf32>
      %mul3A_819 = arith.mulf %get3A_817, %mul3A_818 : vector<16xf32>
      %add3A_820 = arith.addf %scan3A_576, %mul3A_819 : vector<16xf32>
      %get3A_821 = arith.constant 0 : i32
      %get3A_822 = arith.index_cast %get3A_821 : i32 to index
      %get3A_823 = arith.index_cast %scan3A_552 : i32 to index
      %get3A_824 = arith.constant 384 : index
      %get3A_825 = tpu.vector_load %arg5[%get3A_822, %get3A_823, %get3A_824] {strides = array<i32>} : memref<2x64x768xf32, #tpu.memory_space<vmem>>, vector<1x1x16xf32>,
      %get3A_826 = vector.shape_cast %get3A_825 : vector<1x1x16xf32> to vector<16xf32>
      %mul3A_827 = vector.broadcast %squeeze3A : f32 to vector<16xf32>
      %mul3A_828 = arith.mulf %get3A_826, %mul3A_827 : vector<16xf32>
      %add3A_829 = arith.addf %scan3A_577, %mul3A_828 : vector<16xf32>
      %get3A_830 = arith.constant 0 : i32
      %get3A_831 = arith.index_cast %get3A_830 : i32 to index
      %get3A_832 = arith.index_cast %scan3A_552 : i32 to index
      %get3A_833 = arith.constant 400 : index
      %get3A_834 = tpu.vector_load %arg5[%get3A_831, %get3A_832, %get3A_833] {strides = array<i32>} : memref<2x64x768xf32, #tpu.memory_space<vmem>>, vector<1x1x16xf32>,
      %get3A_835 = vector.shape_cast %get3A_834 : vector<1x1x16xf32> to vector<16xf32>
      %mul3A_836 = vector.broadcast %squeeze3A : f32 to vector<16xf32>
      %mul3A_837 = arith.mulf %get3A_835, %mul3A_836 : vector<16xf32>
      %add3A_838 = arith.addf %scan3A_578, %mul3A_837 : vector<16xf32>
      %get3A_839 = arith.constant 0 : i32
      %get3A_840 = arith.index_cast %get3A_839 : i32 to index
      %get3A_841 = arith.index_cast %scan3A_552 : i32 to index
      %get3A_842 = arith.constant 416 : index
      %get3A_843 = tpu.vector_load %arg5[%get3A_840, %get3A_841, %get3A_842] {strides = array<i32>} : memref<2x64x768xf32, #tpu.memory_space<vmem>>, vector<1x1x16xf32>,
      %get3A_844 = vector.shape_cast %get3A_843 : vector<1x1x16xf32> to vector<16xf32>
      %mul3A_845 = vector.broadcast %squeeze3A : f32 to vector<16xf32>
      %mul3A_846 = arith.mulf %get3A_844, %mul3A_845 : vector<16xf32>
      %add3A_847 = arith.addf %scan3A_579, %mul3A_846 : vector<16xf32>
      %get3A_848 = arith.constant 0 : i32
      %get3A_849 = arith.index_cast %get3A_848 : i32 to index
      %get3A_850 = arith.index_cast %scan3A_552 : i32 to index
      %get3A_851 = arith.constant 432 : index
      %get3A_852 = tpu.vector_load %arg5[%get3A_849, %get3A_850, %get3A_851] {strides = array<i32>} : memref<2x64x768xf32, #tpu.memory_space<vmem>>, vector<1x1x16xf32>,
      %get3A_853 = vector.shape_cast %get3A_852 : vector<1x1x16xf32> to vector<16xf32>
      %mul3A_854 = vector.broadcast %squeeze3A : f32 to vector<16xf32>
      %mul3A_855 = arith.mulf %get3A_853, %mul3A_854 : vector<16xf32>
      %add3A_856 = arith.addf %scan3A_580, %mul3A_855 : vector<16xf32>
      %get3A_857 = arith.constant 0 : i32
      %get3A_858 = arith.index_cast %get3A_857 : i32 to index
      %get3A_859 = arith.index_cast %scan3A_552 : i32 to index
      %get3A_860 = arith.constant 448 : index
      %get3A_861 = tpu.vector_load %arg5[%get3A_858, %get3A_859, %get3A_860] {strides = array<i32>} : memref<2x64x768xf32, #tpu.memory_space<vmem>>, vector<1x1x16xf32>,
      %get3A_862 = vector.shape_cast %get3A_861 : vector<1x1x16xf32> to vector<16xf32>
      %mul3A_863 = vector.broadcast %squeeze3A : f32 to vector<16xf32>
      %mul3A_864 = arith.mulf %get3A_862, %mul3A_863 : vector<16xf32>
      %add3A_865 = arith.addf %scan3A_581, %mul3A_864 : vector<16xf32>
      %get3A_866 = arith.constant 0 : i32
      %get3A_867 = arith.index_cast %get3A_866 : i32 to index
      %get3A_868 = arith.index_cast %scan3A_552 : i32 to index
      %get3A_869 = arith.constant 464 : index
      %get3A_870 = tpu.vector_load %arg5[%get3A_867, %get3A_868, %get3A_869] {strides = array<i32>} : memref<2x64x768xf32, #tpu.memory_space<vmem>>, vector<1x1x16xf32>,
      %get3A_871 = vector.shape_cast %get3A_870 : vector<1x1x16xf32> to vector<16xf32>
      %mul3A_872 = vector.broadcast %squeeze3A : f32 to vector<16xf32>
      %mul3A_873 = arith.mulf %get3A_871, %mul3A_872 : vector<16xf32>
      %add3A_874 = arith.addf %scan3A_582, %mul3A_873 : vector<16xf32>
      %get3A_875 = arith.constant 0 : i32
      %get3A_876 = arith.index_cast %get3A_875 : i32 to index
      %get3A_877 = arith.index_cast %scan3A_552 : i32 to index
      %get3A_878 = arith.constant 480 : index
      %get3A_879 = tpu.vector_load %arg5[%get3A_876, %get3A_877, %get3A_878] {strides = array<i32>} : memref<2x64x768xf32, #tpu.memory_space<vmem>>, vector<1x1x16xf32>,
      %get3A_880 = vector.shape_cast %get3A_879 : vector<1x1x16xf32> to vector<16xf32>
      %mul3A_881 = vector.broadcast %squeeze3A : f32 to vector<16xf32>
      %mul3A_882 = arith.mulf %get3A_880, %mul3A_881 : vector<16xf32>
      %add3A_883 = arith.addf %scan3A_583, %mul3A_882 : vector<16xf32>
      %get3A_884 = arith.constant 0 : i32
      %get3A_885 = arith.index_cast %get3A_884 : i32 to index
      %get3A_886 = arith.index_cast %scan3A_552 : i32 to index
      %get3A_887 = arith.constant 496 : index
      %get3A_888 = tpu.vector_load %arg5[%get3A_885, %get3A_886, %get3A_887] {strides = array<i32>} : memref<2x64x768xf32, #tpu.memory_space<vmem>>, vector<1x1x16xf32>,
      %get3A_889 = vector.shape_cast %get3A_888 : vector<1x1x16xf32> to vector<16xf32>
      %mul3A_890 = vector.broadcast %squeeze3A : f32 to vector<16xf32>
      %mul3A_891 = arith.mulf %get3A_889, %mul3A_890 : vector<16xf32>
      %add3A_892 = arith.addf %scan3A_584, %mul3A_891 : vector<16xf32>
      %get3A_893 = arith.constant 0 : i32
      %get3A_894 = arith.index_cast %get3A_893 : i32 to index
      %get3A_895 = arith.index_cast %scan3A_552 : i32 to index
      %get3A_896 = arith.constant 512 : index
      %get3A_897 = tpu.vector_load %arg5[%get3A_894, %get3A_895, %get3A_896] {strides = array<i32>} : memref<2x64x768xf32, #tpu.memory_space<vmem>>, vector<1x1x16xf32>,
      %get3A_898 = vector.shape_cast %get3A_897 : vector<1x1x16xf32> to vector<16xf32>
      %mul3A_899 = vector.broadcast %squeeze3A : f32 to vector<16xf32>
      %mul3A_900 = arith.mulf %get3A_898, %mul3A_899 : vector<16xf32>
      %add3A_901 = arith.addf %scan3A_585, %mul3A_900 : vector<16xf32>
      %get3A_902 = arith.constant 0 : i32
      %get3A_903 = arith.index_cast %get3A_902 : i32 to index
      %get3A_904 = arith.index_cast %scan3A_552 : i32 to index
      %get3A_905 = arith.constant 528 : index
      %get3A_906 = tpu.vector_load %arg5[%get3A_903, %get3A_904, %get3A_905] {strides = array<i32>} : memref<2x64x768xf32, #tpu.memory_space<vmem>>, vector<1x1x16xf32>,
      %get3A_907 = vector.shape_cast %get3A_906 : vector<1x1x16xf32> to vector<16xf32>
      %mul3A_908 = vector.broadcast %squeeze3A : f32 to vector<16xf32>
      %mul3A_909 = arith.mulf %get3A_907, %mul3A_908 : vector<16xf32>
      %add3A_910 = arith.addf %scan3A_586, %mul3A_909 : vector<16xf32>
      %get3A_911 = arith.constant 0 : i32
      %get3A_912 = arith.index_cast %get3A_911 : i32 to index
      %get3A_913 = arith.index_cast %scan3A_552 : i32 to index
      %get3A_914 = arith.constant 544 : index
      %get3A_915 = tpu.vector_load %arg5[%get3A_912, %get3A_913, %get3A_914] {strides = array<i32>} : memref<2x64x768xf32, #tpu.memory_space<vmem>>, vector<1x1x16xf32>,
      %get3A_916 = vector.shape_cast %get3A_915 : vector<1x1x16xf32> to vector<16xf32>
      %mul3A_917 = vector.broadcast %squeeze3A : f32 to vector<16xf32>
      %mul3A_918 = arith.mulf %get3A_916, %mul3A_917 : vector<16xf32>
      %add3A_919 = arith.addf %scan3A_587, %mul3A_918 : vector<16xf32>
      %get3A_920 = arith.constant 0 : i32
      %get3A_921 = arith.index_cast %get3A_920 : i32 to index
      %get3A_922 = arith.index_cast %scan3A_552 : i32 to index
      %get3A_923 = arith.constant 560 : index
      %get3A_924 = tpu.vector_load %arg5[%get3A_921, %get3A_922, %get3A_923] {strides = array<i32>} : memref<2x64x768xf32, #tpu.memory_space<vmem>>, vector<1x1x16xf32>,
      %get3A_925 = vector.shape_cast %get3A_924 : vector<1x1x16xf32> to vector<16xf32>
      %mul3A_926 = vector.broadcast %squeeze3A : f32 to vector<16xf32>
      %mul3A_927 = arith.mulf %get3A_925, %mul3A_926 : vector<16xf32>
      %add3A_928 = arith.addf %scan3A_588, %mul3A_927 : vector<16xf32>
      %get3A_929 = arith.constant 0 : i32
      %get3A_930 = arith.index_cast %get3A_929 : i32 to index
      %get3A_931 = arith.index_cast %scan3A_552 : i32 to index
      %get3A_932 = arith.constant 576 : index
      %get3A_933 = tpu.vector_load %arg5[%get3A_930, %get3A_931, %get3A_932] {strides = array<i32>} : memref<2x64x768xf32, #tpu.memory_space<vmem>>, vector<1x1x16xf32>,
      %get3A_934 = vector.shape_cast %get3A_933 : vector<1x1x16xf32> to vector<16xf32>
      %mul3A_935 = vector.broadcast %squeeze3A : f32 to vector<16xf32>
      %mul3A_936 = arith.mulf %get3A_934, %mul3A_935 : vector<16xf32>
      %add3A_937 = arith.addf %scan3A_589, %mul3A_936 : vector<16xf32>
      %get3A_938 = arith.constant 0 : i32
      %get3A_939 = arith.index_cast %get3A_938 : i32 to index
      %get3A_940 = arith.index_cast %scan3A_552 : i32 to index
      %get3A_941 = arith.constant 592 : index
      %get3A_942 = tpu.vector_load %arg5[%get3A_939, %get3A_940, %get3A_941] {strides = array<i32>} : memref<2x64x768xf32, #tpu.memory_space<vmem>>, vector<1x1x16xf32>,
      %get3A_943 = vector.shape_cast %get3A_942 : vector<1x1x16xf32> to vector<16xf32>
      %mul3A_944 = vector.broadcast %squeeze3A : f32 to vector<16xf32>
      %mul3A_945 = arith.mulf %get3A_943, %mul3A_944 : vector<16xf32>
      %add3A_946 = arith.addf %scan3A_590, %mul3A_945 : vector<16xf32>
      %get3A_947 = arith.constant 0 : i32
      %get3A_948 = arith.index_cast %get3A_947 : i32 to index
      %get3A_949 = arith.index_cast %scan3A_552 : i32 to index
      %get3A_950 = arith.constant 608 : index
      %get3A_951 = tpu.vector_load %arg5[%get3A_948, %get3A_949, %get3A_950] {strides = array<i32>} : memref<2x64x768xf32, #tpu.memory_space<vmem>>, vector<1x1x16xf32>,
      %get3A_952 = vector.shape_cast %get3A_951 : vector<1x1x16xf32> to vector<16xf32>
      %mul3A_953 = vector.broadcast %squeeze3A : f32 to vector<16xf32>
      %mul3A_954 = arith.mulf %get3A_952, %mul3A_953 : vector<16xf32>
      %add3A_955 = arith.addf %scan3A_591, %mul3A_954 : vector<16xf32>
      %get3A_956 = arith.constant 0 : i32
      %get3A_957 = arith.index_cast %get3A_956 : i32 to index
      %get3A_958 = arith.index_cast %scan3A_552 : i32 to index
      %get3A_959 = arith.constant 624 : index
      %get3A_960 = tpu.vector_load %arg5[%get3A_957, %get3A_958, %get3A_959] {strides = array<i32>} : memref<2x64x768xf32, #tpu.memory_space<vmem>>, vector<1x1x16xf32>,
      %get3A_961 = vector.shape_cast %get3A_960 : vector<1x1x16xf32> to vector<16xf32>
      %mul3A_962 = vector.broadcast %squeeze3A : f32 to vector<16xf32>
      %mul3A_963 = arith.mulf %get3A_961, %mul3A_962 : vector<16xf32>
      %add3A_964 = arith.addf %scan3A_592, %mul3A_963 : vector<16xf32>
      %get3A_965 = arith.constant 0 : i32
      %get3A_966 = arith.index_cast %get3A_965 : i32 to index
      %get3A_967 = arith.index_cast %scan3A_552 : i32 to index
      %get3A_968 = arith.constant 640 : index
      %get3A_969 = tpu.vector_load %arg5[%get3A_966, %get3A_967, %get3A_968] {strides = array<i32>} : memref<2x64x768xf32, #tpu.memory_space<vmem>>, vector<1x1x16xf32>,
      %get3A_970 = vector.shape_cast %get3A_969 : vector<1x1x16xf32> to vector<16xf32>
      %mul3A_971 = vector.broadcast %squeeze3A : f32 to vector<16xf32>
      %mul3A_972 = arith.mulf %get3A_970, %mul3A_971 : vector<16xf32>
      %add3A_973 = arith.addf %scan3A_593, %mul3A_972 : vector<16xf32>
      %get3A_974 = arith.constant 0 : i32
      %get3A_975 = arith.index_cast %get3A_974 : i32 to index
      %get3A_976 = arith.index_cast %scan3A_552 : i32 to index
      %get3A_977 = arith.constant 656 : index
      %get3A_978 = tpu.vector_load %arg5[%get3A_975, %get3A_976, %get3A_977] {strides = array<i32>} : memref<2x64x768xf32, #tpu.memory_space<vmem>>, vector<1x1x16xf32>,
      %get3A_979 = vector.shape_cast %get3A_978 : vector<1x1x16xf32> to vector<16xf32>
      %mul3A_980 = vector.broadcast %squeeze3A : f32 to vector<16xf32>
      %mul3A_981 = arith.mulf %get3A_979, %mul3A_980 : vector<16xf32>
      %add3A_982 = arith.addf %scan3A_594, %mul3A_981 : vector<16xf32>
      %get3A_983 = arith.constant 0 : i32
      %get3A_984 = arith.index_cast %get3A_983 : i32 to index
      %get3A_985 = arith.index_cast %scan3A_552 : i32 to index
      %get3A_986 = arith.constant 672 : index
      %get3A_987 = tpu.vector_load %arg5[%get3A_984, %get3A_985, %get3A_986] {strides = array<i32>} : memref<2x64x768xf32, #tpu.memory_space<vmem>>, vector<1x1x16xf32>,
      %get3A_988 = vector.shape_cast %get3A_987 : vector<1x1x16xf32> to vector<16xf32>
      %mul3A_989 = vector.broadcast %squeeze3A : f32 to vector<16xf32>
      %mul3A_990 = arith.mulf %get3A_988, %mul3A_989 : vector<16xf32>
      %add3A_991 = arith.addf %scan3A_595, %mul3A_990 : vector<16xf32>
      %get3A_992 = arith.constant 0 : i32
      %get3A_993 = arith.index_cast %get3A_992 : i32 to index
      %get3A_994 = arith.index_cast %scan3A_552 : i32 to index
      %get3A_995 = arith.constant 688 : index
      %get3A_996 = tpu.vector_load %arg5[%get3A_993, %get3A_994, %get3A_995] {strides = array<i32>} : memref<2x64x768xf32, #tpu.memory_space<vmem>>, vector<1x1x16xf32>,
      %get3A_997 = vector.shape_cast %get3A_996 : vector<1x1x16xf32> to vector<16xf32>
      %mul3A_998 = vector.broadcast %squeeze3A : f32 to vector<16xf32>
      %mul3A_999 = arith.mulf %get3A_997, %mul3A_998 : vector<16xf32>
      %add3A_1000 = arith.addf %scan3A_596, %mul3A_999 : vector<16xf32>
      %get3A_1001 = arith.constant 0 : i32
      %get3A_1002 = arith.index_cast %get3A_1001 : i32 to index
      %get3A_1003 = arith.index_cast %scan3A_552 : i32 to index
      %get3A_1004 = arith.constant 704 : index
      %get3A_1005 = tpu.vector_load %arg5[%get3A_1002, %get3A_1003, %get3A_1004] {strides = array<i32>} : memref<2x64x768xf32, #tpu.memory_space<vmem>>, vector<1x1x16xf32>,
      %get3A_1006 = vector.shape_cast %get3A_1005 : vector<1x1x16xf32> to vector<16xf32>
      %mul3A_1007 = vector.broadcast %squeeze3A : f32 to vector<16xf32>
      %mul3A_1008 = arith.mulf %get3A_1006, %mul3A_1007 : vector<16xf32>
      %add3A_1009 = arith.addf %scan3A_597, %mul3A_1008 : vector<16xf32>
      %get3A_1010 = arith.constant 0 : i32
      %get3A_1011 = arith.index_cast %get3A_1010 : i32 to index
      %get3A_1012 = arith.index_cast %scan3A_552 : i32 to index
      %get3A_1013 = arith.constant 720 : index
      %get3A_1014 = tpu.vector_load %arg5[%get3A_1011, %get3A_1012, %get3A_1013] {strides = array<i32>} : memref<2x64x768xf32, #tpu.memory_space<vmem>>, vector<1x1x16xf32>,
      %get3A_1015 = vector.shape_cast %get3A_1014 : vector<1x1x16xf32> to vector<16xf32>
      %mul3A_1016 = vector.broadcast %squeeze3A : f32 to vector<16xf32>
      %mul3A_1017 = arith.mulf %get3A_1015, %mul3A_1016 : vector<16xf32>
      %add3A_1018 = arith.addf %scan3A_598, %mul3A_1017 : vector<16xf32>
      %get3A_1019 = arith.constant 0 : i32
      %get3A_1020 = arith.index_cast %get3A_1019 : i32 to index
      %get3A_1021 = arith.index_cast %scan3A_552 : i32 to index
      %get3A_1022 = arith.constant 736 : index
      %get3A_1023 = tpu.vector_load %arg5[%get3A_1020, %get3A_1021, %get3A_1022] {strides = array<i32>} : memref<2x64x768xf32, #tpu.memory_space<vmem>>, vector<1x1x16xf32>,
      %get3A_1024 = vector.shape_cast %get3A_1023 : vector<1x1x16xf32> to vector<16xf32>
      %mul3A_1025 = vector.broadcast %squeeze3A : f32 to vector<16xf32>
      %mul3A_1026 = arith.mulf %get3A_1024, %mul3A_1025 : vector<16xf32>
      %add3A_1027 = arith.addf %scan3A_599, %mul3A_1026 : vector<16xf32>
      %get3A_1028 = arith.constant 0 : i32
      %get3A_1029 = arith.index_cast %get3A_1028 : i32 to index
      %get3A_1030 = arith.index_cast %scan3A_552 : i32 to index
      %get3A_1031 = arith.constant 752 : index
      %get3A_1032 = tpu.vector_load %arg5[%get3A_1029, %get3A_1030, %get3A_1031] {strides = array<i32>} : memref<2x64x768xf32, #tpu.memory_space<vmem>>, vector<1x1x16xf32>,
      %get3A_1033 = vector.shape_cast %get3A_1032 : vector<1x1x16xf32> to vector<16xf32>
      %mul3A_1034 = vector.broadcast %squeeze3A : f32 to vector<16xf32>
      %mul3A_1035 = arith.mulf %get3A_1033, %mul3A_1034 : vector<16xf32>
      %add3A_1036 = arith.addf %scan3A_600, %mul3A_1035 : vector<16xf32>
      scf.yield %add3A_613, %add3A_622, %add3A_631, %add3A_640, %add3A_649, %add3A_658, %add3A_667, %add3A_676, %add3A_685, %add3A_694, %add3A_703, %add3A_712, %add3A_721, %add3A_730, %add3A_739, %add3A_748, %add3A_757, %add3A_766, %add3A_775, %add3A_784, %add3A_793, %add3A_802, %add3A_811, %add3A_820, %add3A_829, %add3A_838, %add3A_847, %add3A_856, %add3A_865, %add3A_874, %add3A_883, %add3A_892, %add3A_901, %add3A_910, %add3A_919, %add3A_928, %add3A_937, %add3A_946, %add3A_955, %add3A_964, %add3A_973, %add3A_982, %add3A_991, %add3A_1000, %add3A_1009, %add3A_1018, %add3A_1027, %add3A_1036 : vector<16xf32>, vector<16xf32>, vector<16xf32>, vector<16xf32>, vector<16xf32>, vector<16xf32>, vector<16xf32>, vector<16xf32>, vector<16xf32>, vector<16xf32>, vector<16xf32>, vector<16xf32>, vector<16xf32>, vector<16xf32>, vector<16xf32>, vector<16xf32>, vector<16xf32>, vector<16xf32>, vector<16xf32>, vector<16xf32>, vector<16xf32>, vector<16xf32>, vector<16xf32>, vector<16xf32>, vector<16xf32>, vector<16xf32>, vector<16xf32>, vector<16xf32>, vector<16xf32>, vector<16xf32>, vector<16xf32>, vector<16xf32>, vector<16xf32>, vector<16xf32>, vector<16xf32>, vector<16xf32>, vector<16xf32>, vector<16xf32>, vector<16xf32>, vector<16xf32>, vector<16xf32>, vector<16xf32>, vector<16xf32>, vector<16xf32>, vector<16xf32>, vector<16xf32>, vector<16xf32>, vector<16xf32>
    }
    %scan3A_168 = arith.constant 64 : i32
    %add3A_169 = arith.constant 128 : i32
    %add3A_170 = arith.addi %add3A_4, %add3A_169 : i32
    %dma_start3A_171 = arith.constant 0 : i32
    %dma_start3A_172 = arith.constant 0 : i32
    %dma_start3A_173 = arith.constant 0 : i32
    %dma_start3A_174 = arith.constant 0 : i32
    %dma_start3A_175 = tpu.memref_slice %arg5[%dma_start3A_171, %dma_start3A_173, %dma_start3A_174] : memref<2x64x768xf32, #tpu.memory_space<vmem>> -> memref<1x64x768xf32, #tpu.memory_space<vmem>>
    %dma_start3A_176 = tpu.memref_squeeze %dma_start3A_175 : memref<1x64x768xf32, #tpu.memory_space<vmem>> -> memref<64x768xf32, #tpu.memory_space<vmem>>
    %dma_start3A_177 = arith.constant 0 : i32
    %dma_start3A_178 = tpu.memref_slice %arg2[%add3A_170, %dma_start3A_177] : memref<32768x768xf32, #tpu.memory_space<hbm>> -> memref<64x768xf32, #tpu.memory_space<hbm>>
    %dma_start3A_179 = tpu.memref_slice %arg8[%dma_start3A_172] : memref<2x!tpu.dma_semaphore, #tpu.memory_space<semaphore_mem>> -> memref<1x!tpu.dma_semaphore, #tpu.memory_space<semaphore_mem>>
    %dma_start3A_180 = tpu.memref_squeeze %dma_start3A_179 : memref<1x!tpu.dma_semaphore, #tpu.memory_space<semaphore_mem>> -> memref<!tpu.dma_semaphore, #tpu.memory_space<semaphore_mem>>
    %dma_start3A_181 = arith.constant 0 : i32
    %dma_start3A_182 = arith.constant 0 : i32
    %dma_start3A_183 = tpu.memref_slice %arg5[%dma_start3A_171, %dma_start3A_181, %dma_start3A_182] : memref<2x64x768xf32, #tpu.memory_space<vmem>> -> memref<1x64x768xf32, #tpu.memory_space<vmem>>
    %dma_start3A_184 = tpu.memref_squeeze %dma_start3A_183 : memref<1x64x768xf32, #tpu.memory_space<vmem>> -> memref<64x768xf32, #tpu.memory_space<vmem>>
    %dma_start3A_185 = arith.constant 0 : i32
    %dma_start3A_186 = tpu.memref_slice %arg2[%add3A_170, %dma_start3A_185] : memref<32768x768xf32, #tpu.memory_space<hbm>> -> memref<64x768xf32, #tpu.memory_space<hbm>>
    tpu.enqueue_dma source(%dma_start3A_186 : memref<64x768xf32, #tpu.memory_space<hbm>>) target(%dma_start3A_184 : memref<64x768xf32, #tpu.memory_space<vmem>>) target_semaphore(%dma_start3A_180 : memref<!tpu.dma_semaphore, #tpu.memory_space<semaphore_mem>>)
    %add3A_187 = arith.constant 64 : i32
    %add3A_188 = arith.addi %add3A_4, %add3A_187 : i32
    %dma_wait3A_189 = arith.constant 1 : i32
    %dma_wait3A_190 = arith.constant 1 : i32
    %dma_wait3A_191 = arith.constant 0 : i32
    %dma_wait3A_192 = arith.constant 0 : i32
    %dma_wait3A_193 = tpu.memref_slice %arg5[%dma_wait3A_189, %dma_wait3A_191, %dma_wait3A_192] : memref<2x64x768xf32, #tpu.memory_space<vmem>> -> memref<1x64x768xf32, #tpu.memory_space<vmem>>
    %dma_wait3A_194 = tpu.memref_squeeze %dma_wait3A_193 : memref<1x64x768xf32, #tpu.memory_space<vmem>> -> memref<64x768xf32, #tpu.memory_space<vmem>>
    %dma_wait3A_195 = arith.constant 0 : i32
    %dma_wait3A_196 = tpu.memref_slice %arg2[%add3A_188, %dma_wait3A_195] : memref<32768x768xf32, #tpu.memory_space<hbm>> -> memref<64x768xf32, #tpu.memory_space<hbm>>
    %dma_wait3A_197 = tpu.memref_slice %arg8[%dma_wait3A_190] : memref<2x!tpu.dma_semaphore, #tpu.memory_space<semaphore_mem>> -> memref<1x!tpu.dma_semaphore, #tpu.memory_space<semaphore_mem>>
    %dma_wait3A_198 = tpu.memref_squeeze %dma_wait3A_197 : memref<1x!tpu.dma_semaphore, #tpu.memory_space<semaphore_mem>> -> memref<!tpu.dma_semaphore, #tpu.memory_space<semaphore_mem>>
    %dma_wait3A_199 = arith.constant 0 : i32
    %dma_wait3A_200 = arith.constant 0 : i32
    %dma_wait3A_201 = tpu.memref_slice %arg5[%dma_wait3A_189, %dma_wait3A_199, %dma_wait3A_200] : memref<2x64x768xf32, #tpu.memory_space<vmem>> -> memref<1x64x768xf32, #tpu.memory_space<vmem>>
    %dma_wait3A_202 = tpu.memref_squeeze %dma_wait3A_201 : memref<1x64x768xf32, #tpu.memory_space<vmem>> -> memref<64x768xf32, #tpu.memory_space<vmem>>
    %dma_wait3A_203 = arith.constant 0 : i32
    %dma_wait3A_204 = tpu.memref_slice %arg2[%add3A_188, %dma_wait3A_203] : memref<32768x768xf32, #tpu.memory_space<hbm>> -> memref<64x768xf32, #tpu.memory_space<hbm>>
    tpu.wait_dma2 semaphore(%dma_wait3A_198 : memref<!tpu.dma_semaphore, #tpu.memory_space<semaphore_mem>>) src(%dma_wait3A_204 : memref<64x768xf32, #tpu.memory_space<hbm>>) dst(%dma_wait3A_202 : memref<64x768xf32, #tpu.memory_space<vmem>>)
    %scan3A_205 = arith.constant 0 : i32
    %scan3A_206 = arith.constant 64 : i32
    %scan3A_207 = arith.addi %scan3A_205, %scan3A_206 : i32
    %scan3A_208 = arith.constant 1 : i32
    %scan3A_209:48 = scf.for %scan3A_552 = %scan3A_205 to %scan3A_207 step %scan3A_208 iter_args(%scan3A_553 = %scan3A_167#0, %scan3A_554 = %scan3A_167#1, %scan3A_555 = %scan3A_167#2, %scan3A_556 = %scan3A_167#3, %scan3A_557 = %scan3A_167#4, %scan3A_558 = %scan3A_167#5, %scan3A_559 = %scan3A_167#6, %scan3A_560 = %scan3A_167#7, %scan3A_561 = %scan3A_167#8, %scan3A_562 = %scan3A_167#9, %scan3A_563 = %scan3A_167#10, %scan3A_564 = %scan3A_167#11, %scan3A_565 = %scan3A_167#12, %scan3A_566 = %scan3A_167#13, %scan3A_567 = %scan3A_167#14, %scan3A_568 = %scan3A_167#15, %scan3A_569 = %scan3A_167#16, %scan3A_570 = %scan3A_167#17, %scan3A_571 = %scan3A_167#18, %scan3A_572 = %scan3A_167#19, %scan3A_573 = %scan3A_167#20, %scan3A_574 = %scan3A_167#21, %scan3A_575 = %scan3A_167#22, %scan3A_576 = %scan3A_167#23, %scan3A_577 = %scan3A_167#24, %scan3A_578 = %scan3A_167#25, %scan3A_579 = %scan3A_167#26, %scan3A_580 = %scan3A_167#27, %scan3A_581 = %scan3A_167#28, %scan3A_582 = %scan3A_167#29, %scan3A_583 = %scan3A_167#30, %scan3A_584 = %scan3A_167#31, %scan3A_585 = %scan3A_167#32, %scan3A_586 = %scan3A_167#33, %scan3A_587 = %scan3A_167#34, %scan3A_588 = %scan3A_167#35, %scan3A_589 = %scan3A_167#36, %scan3A_590 = %scan3A_167#37, %scan3A_591 = %scan3A_167#38, %scan3A_592 = %scan3A_167#39, %scan3A_593 = %scan3A_167#40, %scan3A_594 = %scan3A_167#41, %scan3A_595 = %scan3A_167#42, %scan3A_596 = %scan3A_167#43, %scan3A_597 = %scan3A_167#44, %scan3A_598 = %scan3A_167#45, %scan3A_599 = %scan3A_167#46, %scan3A_600 = %scan3A_167#47) -> (vector<16xf32>, vector<16xf32>, vector<16xf32>, vector<16xf32>, vector<16xf32>, vector<16xf32>, vector<16xf32>, vector<16xf32>, vector<16xf32>, vector<16xf32>, vector<16xf32>, vector<16xf32>, vector<16xf32>, vector<16xf32>, vector<16xf32>, vector<16xf32>, vector<16xf32>, vector<16xf32>, vector<16xf32>, vector<16xf32>, vector<16xf32>, vector<16xf32>, vector<16xf32>, vector<16xf32>, vector<16xf32>, vector<16xf32>, vector<16xf32>, vector<16xf32>, vector<16xf32>, vector<16xf32>, vector<16xf32>, vector<16xf32>, vector<16xf32>, vector<16xf32>, vector<16xf32>, vector<16xf32>, vector<16xf32>, vector<16xf32>, vector<16xf32>, vector<16xf32>, vector<16xf32>, vector<16xf32>, vector<16xf32>, vector<16xf32>, vector<16xf32>, vector<16xf32>, vector<16xf32>, vector<16xf32>)  : i32 {
      %add3A_601 = arith.constant 64 : i32
      %add3A_602 = arith.addi %add3A_601, %scan3A_552 : i32
      %get3A = arith.index_cast %add3A_602 : i32 to index
      %get3A_603 = tpu.vector_load %arg6[%get3A] {strides = array<i32>} : memref<400xf32, #tpu.memory_space<vmem>>, vector<16xf32>,
      %get3A_604 = vector.shape_cast %get3A_603 : vector<16xf32> to vector<16xf32>
      %slice3A = vector.extract_strided_slice %get3A_604 {offsets = [0], sizes = [1], strides = [1]} : vector<16xf32> to vector<1xf32>
      %squeeze3A = vector.extract %slice3A[0] : f32 from vector<1xf32>
      %get3A_605 = arith.constant 1 : i32
      %get3A_606 = arith.index_cast %get3A_605 : i32 to index
      %get3A_607 = arith.index_cast %scan3A_552 : i32 to index
      %get3A_608 = arith.constant 0 : index
      %get3A_609 = tpu.vector_load %arg5[%get3A_606, %get3A_607, %get3A_608] {strides = array<i32>} : memref<2x64x768xf32, #tpu.memory_space<vmem>>, vector<1x1x16xf32>,
      %get3A_610 = vector.shape_cast %get3A_609 : vector<1x1x16xf32> to vector<16xf32>
      %mul3A_611 = vector.broadcast %squeeze3A : f32 to vector<16xf32>
      %mul3A_612 = arith.mulf %get3A_610, %mul3A_611 : vector<16xf32>
      %add3A_613 = arith.addf %scan3A_553, %mul3A_612 : vector<16xf32>
      %get3A_614 = arith.constant 1 : i32
      %get3A_615 = arith.index_cast %get3A_614 : i32 to index
      %get3A_616 = arith.index_cast %scan3A_552 : i32 to index
      %get3A_617 = arith.constant 16 : index
      %get3A_618 = tpu.vector_load %arg5[%get3A_615, %get3A_616, %get3A_617] {strides = array<i32>} : memref<2x64x768xf32, #tpu.memory_space<vmem>>, vector<1x1x16xf32>,
      %get3A_619 = vector.shape_cast %get3A_618 : vector<1x1x16xf32> to vector<16xf32>
      %mul3A_620 = vector.broadcast %squeeze3A : f32 to vector<16xf32>
      %mul3A_621 = arith.mulf %get3A_619, %mul3A_620 : vector<16xf32>
      %add3A_622 = arith.addf %scan3A_554, %mul3A_621 : vector<16xf32>
      %get3A_623 = arith.constant 1 : i32
      %get3A_624 = arith.index_cast %get3A_623 : i32 to index
      %get3A_625 = arith.index_cast %scan3A_552 : i32 to index
      %get3A_626 = arith.constant 32 : index
      %get3A_627 = tpu.vector_load %arg5[%get3A_624, %get3A_625, %get3A_626] {strides = array<i32>} : memref<2x64x768xf32, #tpu.memory_space<vmem>>, vector<1x1x16xf32>,
      %get3A_628 = vector.shape_cast %get3A_627 : vector<1x1x16xf32> to vector<16xf32>
      %mul3A_629 = vector.broadcast %squeeze3A : f32 to vector<16xf32>
      %mul3A_630 = arith.mulf %get3A_628, %mul3A_629 : vector<16xf32>
      %add3A_631 = arith.addf %scan3A_555, %mul3A_630 : vector<16xf32>
      %get3A_632 = arith.constant 1 : i32
      %get3A_633 = arith.index_cast %get3A_632 : i32 to index
      %get3A_634 = arith.index_cast %scan3A_552 : i32 to index
      %get3A_635 = arith.constant 48 : index
      %get3A_636 = tpu.vector_load %arg5[%get3A_633, %get3A_634, %get3A_635] {strides = array<i32>} : memref<2x64x768xf32, #tpu.memory_space<vmem>>, vector<1x1x16xf32>,
      %get3A_637 = vector.shape_cast %get3A_636 : vector<1x1x16xf32> to vector<16xf32>
      %mul3A_638 = vector.broadcast %squeeze3A : f32 to vector<16xf32>
      %mul3A_639 = arith.mulf %get3A_637, %mul3A_638 : vector<16xf32>
      %add3A_640 = arith.addf %scan3A_556, %mul3A_639 : vector<16xf32>
      %get3A_641 = arith.constant 1 : i32
      %get3A_642 = arith.index_cast %get3A_641 : i32 to index
      %get3A_643 = arith.index_cast %scan3A_552 : i32 to index
      %get3A_644 = arith.constant 64 : index
      %get3A_645 = tpu.vector_load %arg5[%get3A_642, %get3A_643, %get3A_644] {strides = array<i32>} : memref<2x64x768xf32, #tpu.memory_space<vmem>>, vector<1x1x16xf32>,
      %get3A_646 = vector.shape_cast %get3A_645 : vector<1x1x16xf32> to vector<16xf32>
      %mul3A_647 = vector.broadcast %squeeze3A : f32 to vector<16xf32>
      %mul3A_648 = arith.mulf %get3A_646, %mul3A_647 : vector<16xf32>
      %add3A_649 = arith.addf %scan3A_557, %mul3A_648 : vector<16xf32>
      %get3A_650 = arith.constant 1 : i32
      %get3A_651 = arith.index_cast %get3A_650 : i32 to index
      %get3A_652 = arith.index_cast %scan3A_552 : i32 to index
      %get3A_653 = arith.constant 80 : index
      %get3A_654 = tpu.vector_load %arg5[%get3A_651, %get3A_652, %get3A_653] {strides = array<i32>} : memref<2x64x768xf32, #tpu.memory_space<vmem>>, vector<1x1x16xf32>,
      %get3A_655 = vector.shape_cast %get3A_654 : vector<1x1x16xf32> to vector<16xf32>
      %mul3A_656 = vector.broadcast %squeeze3A : f32 to vector<16xf32>
      %mul3A_657 = arith.mulf %get3A_655, %mul3A_656 : vector<16xf32>
      %add3A_658 = arith.addf %scan3A_558, %mul3A_657 : vector<16xf32>
      %get3A_659 = arith.constant 1 : i32
      %get3A_660 = arith.index_cast %get3A_659 : i32 to index
      %get3A_661 = arith.index_cast %scan3A_552 : i32 to index
      %get3A_662 = arith.constant 96 : index
      %get3A_663 = tpu.vector_load %arg5[%get3A_660, %get3A_661, %get3A_662] {strides = array<i32>} : memref<2x64x768xf32, #tpu.memory_space<vmem>>, vector<1x1x16xf32>,
      %get3A_664 = vector.shape_cast %get3A_663 : vector<1x1x16xf32> to vector<16xf32>
      %mul3A_665 = vector.broadcast %squeeze3A : f32 to vector<16xf32>
      %mul3A_666 = arith.mulf %get3A_664, %mul3A_665 : vector<16xf32>
      %add3A_667 = arith.addf %scan3A_559, %mul3A_666 : vector<16xf32>
      %get3A_668 = arith.constant 1 : i32
      %get3A_669 = arith.index_cast %get3A_668 : i32 to index
      %get3A_670 = arith.index_cast %scan3A_552 : i32 to index
      %get3A_671 = arith.constant 112 : index
      %get3A_672 = tpu.vector_load %arg5[%get3A_669, %get3A_670, %get3A_671] {strides = array<i32>} : memref<2x64x768xf32, #tpu.memory_space<vmem>>, vector<1x1x16xf32>,
      %get3A_673 = vector.shape_cast %get3A_672 : vector<1x1x16xf32> to vector<16xf32>
      %mul3A_674 = vector.broadcast %squeeze3A : f32 to vector<16xf32>
      %mul3A_675 = arith.mulf %get3A_673, %mul3A_674 : vector<16xf32>
      %add3A_676 = arith.addf %scan3A_560, %mul3A_675 : vector<16xf32>
      %get3A_677 = arith.constant 1 : i32
      %get3A_678 = arith.index_cast %get3A_677 : i32 to index
      %get3A_679 = arith.index_cast %scan3A_552 : i32 to index
      %get3A_680 = arith.constant 128 : index
      %get3A_681 = tpu.vector_load %arg5[%get3A_678, %get3A_679, %get3A_680] {strides = array<i32>} : memref<2x64x768xf32, #tpu.memory_space<vmem>>, vector<1x1x16xf32>,
      %get3A_682 = vector.shape_cast %get3A_681 : vector<1x1x16xf32> to vector<16xf32>
      %mul3A_683 = vector.broadcast %squeeze3A : f32 to vector<16xf32>
      %mul3A_684 = arith.mulf %get3A_682, %mul3A_683 : vector<16xf32>
      %add3A_685 = arith.addf %scan3A_561, %mul3A_684 : vector<16xf32>
      %get3A_686 = arith.constant 1 : i32
      %get3A_687 = arith.index_cast %get3A_686 : i32 to index
      %get3A_688 = arith.index_cast %scan3A_552 : i32 to index
      %get3A_689 = arith.constant 144 : index
      %get3A_690 = tpu.vector_load %arg5[%get3A_687, %get3A_688, %get3A_689] {strides = array<i32>} : memref<2x64x768xf32, #tpu.memory_space<vmem>>, vector<1x1x16xf32>,
      %get3A_691 = vector.shape_cast %get3A_690 : vector<1x1x16xf32> to vector<16xf32>
      %mul3A_692 = vector.broadcast %squeeze3A : f32 to vector<16xf32>
      %mul3A_693 = arith.mulf %get3A_691, %mul3A_692 : vector<16xf32>
      %add3A_694 = arith.addf %scan3A_562, %mul3A_693 : vector<16xf32>
      %get3A_695 = arith.constant 1 : i32
      %get3A_696 = arith.index_cast %get3A_695 : i32 to index
      %get3A_697 = arith.index_cast %scan3A_552 : i32 to index
      %get3A_698 = arith.constant 160 : index
      %get3A_699 = tpu.vector_load %arg5[%get3A_696, %get3A_697, %get3A_698] {strides = array<i32>} : memref<2x64x768xf32, #tpu.memory_space<vmem>>, vector<1x1x16xf32>,
      %get3A_700 = vector.shape_cast %get3A_699 : vector<1x1x16xf32> to vector<16xf32>
      %mul3A_701 = vector.broadcast %squeeze3A : f32 to vector<16xf32>
      %mul3A_702 = arith.mulf %get3A_700, %mul3A_701 : vector<16xf32>
      %add3A_703 = arith.addf %scan3A_563, %mul3A_702 : vector<16xf32>
      %get3A_704 = arith.constant 1 : i32
      %get3A_705 = arith.index_cast %get3A_704 : i32 to index
      %get3A_706 = arith.index_cast %scan3A_552 : i32 to index
      %get3A_707 = arith.constant 176 : index
      %get3A_708 = tpu.vector_load %arg5[%get3A_705, %get3A_706, %get3A_707] {strides = array<i32>} : memref<2x64x768xf32, #tpu.memory_space<vmem>>, vector<1x1x16xf32>,
      %get3A_709 = vector.shape_cast %get3A_708 : vector<1x1x16xf32> to vector<16xf32>
      %mul3A_710 = vector.broadcast %squeeze3A : f32 to vector<16xf32>
      %mul3A_711 = arith.mulf %get3A_709, %mul3A_710 : vector<16xf32>
      %add3A_712 = arith.addf %scan3A_564, %mul3A_711 : vector<16xf32>
      %get3A_713 = arith.constant 1 : i32
      %get3A_714 = arith.index_cast %get3A_713 : i32 to index
      %get3A_715 = arith.index_cast %scan3A_552 : i32 to index
      %get3A_716 = arith.constant 192 : index
      %get3A_717 = tpu.vector_load %arg5[%get3A_714, %get3A_715, %get3A_716] {strides = array<i32>} : memref<2x64x768xf32, #tpu.memory_space<vmem>>, vector<1x1x16xf32>,
      %get3A_718 = vector.shape_cast %get3A_717 : vector<1x1x16xf32> to vector<16xf32>
      %mul3A_719 = vector.broadcast %squeeze3A : f32 to vector<16xf32>
      %mul3A_720 = arith.mulf %get3A_718, %mul3A_719 : vector<16xf32>
      %add3A_721 = arith.addf %scan3A_565, %mul3A_720 : vector<16xf32>
      %get3A_722 = arith.constant 1 : i32
      %get3A_723 = arith.index_cast %get3A_722 : i32 to index
      %get3A_724 = arith.index_cast %scan3A_552 : i32 to index
      %get3A_725 = arith.constant 208 : index
      %get3A_726 = tpu.vector_load %arg5[%get3A_723, %get3A_724, %get3A_725] {strides = array<i32>} : memref<2x64x768xf32, #tpu.memory_space<vmem>>, vector<1x1x16xf32>,
      %get3A_727 = vector.shape_cast %get3A_726 : vector<1x1x16xf32> to vector<16xf32>
      %mul3A_728 = vector.broadcast %squeeze3A : f32 to vector<16xf32>
      %mul3A_729 = arith.mulf %get3A_727, %mul3A_728 : vector<16xf32>
      %add3A_730 = arith.addf %scan3A_566, %mul3A_729 : vector<16xf32>
      %get3A_731 = arith.constant 1 : i32
      %get3A_732 = arith.index_cast %get3A_731 : i32 to index
      %get3A_733 = arith.index_cast %scan3A_552 : i32 to index
      %get3A_734 = arith.constant 224 : index
      %get3A_735 = tpu.vector_load %arg5[%get3A_732, %get3A_733, %get3A_734] {strides = array<i32>} : memref<2x64x768xf32, #tpu.memory_space<vmem>>, vector<1x1x16xf32>,
      %get3A_736 = vector.shape_cast %get3A_735 : vector<1x1x16xf32> to vector<16xf32>
      %mul3A_737 = vector.broadcast %squeeze3A : f32 to vector<16xf32>
      %mul3A_738 = arith.mulf %get3A_736, %mul3A_737 : vector<16xf32>
      %add3A_739 = arith.addf %scan3A_567, %mul3A_738 : vector<16xf32>
      %get3A_740 = arith.constant 1 : i32
      %get3A_741 = arith.index_cast %get3A_740 : i32 to index
      %get3A_742 = arith.index_cast %scan3A_552 : i32 to index
      %get3A_743 = arith.constant 240 : index
      %get3A_744 = tpu.vector_load %arg5[%get3A_741, %get3A_742, %get3A_743] {strides = array<i32>} : memref<2x64x768xf32, #tpu.memory_space<vmem>>, vector<1x1x16xf32>,
      %get3A_745 = vector.shape_cast %get3A_744 : vector<1x1x16xf32> to vector<16xf32>
      %mul3A_746 = vector.broadcast %squeeze3A : f32 to vector<16xf32>
      %mul3A_747 = arith.mulf %get3A_745, %mul3A_746 : vector<16xf32>
      %add3A_748 = arith.addf %scan3A_568, %mul3A_747 : vector<16xf32>
      %get3A_749 = arith.constant 1 : i32
      %get3A_750 = arith.index_cast %get3A_749 : i32 to index
      %get3A_751 = arith.index_cast %scan3A_552 : i32 to index
      %get3A_752 = arith.constant 256 : index
      %get3A_753 = tpu.vector_load %arg5[%get3A_750, %get3A_751, %get3A_752] {strides = array<i32>} : memref<2x64x768xf32, #tpu.memory_space<vmem>>, vector<1x1x16xf32>,
      %get3A_754 = vector.shape_cast %get3A_753 : vector<1x1x16xf32> to vector<16xf32>
      %mul3A_755 = vector.broadcast %squeeze3A : f32 to vector<16xf32>
      %mul3A_756 = arith.mulf %get3A_754, %mul3A_755 : vector<16xf32>
      %add3A_757 = arith.addf %scan3A_569, %mul3A_756 : vector<16xf32>
      %get3A_758 = arith.constant 1 : i32
      %get3A_759 = arith.index_cast %get3A_758 : i32 to index
      %get3A_760 = arith.index_cast %scan3A_552 : i32 to index
      %get3A_761 = arith.constant 272 : index
      %get3A_762 = tpu.vector_load %arg5[%get3A_759, %get3A_760, %get3A_761] {strides = array<i32>} : memref<2x64x768xf32, #tpu.memory_space<vmem>>, vector<1x1x16xf32>,
      %get3A_763 = vector.shape_cast %get3A_762 : vector<1x1x16xf32> to vector<16xf32>
      %mul3A_764 = vector.broadcast %squeeze3A : f32 to vector<16xf32>
      %mul3A_765 = arith.mulf %get3A_763, %mul3A_764 : vector<16xf32>
      %add3A_766 = arith.addf %scan3A_570, %mul3A_765 : vector<16xf32>
      %get3A_767 = arith.constant 1 : i32
      %get3A_768 = arith.index_cast %get3A_767 : i32 to index
      %get3A_769 = arith.index_cast %scan3A_552 : i32 to index
      %get3A_770 = arith.constant 288 : index
      %get3A_771 = tpu.vector_load %arg5[%get3A_768, %get3A_769, %get3A_770] {strides = array<i32>} : memref<2x64x768xf32, #tpu.memory_space<vmem>>, vector<1x1x16xf32>,
      %get3A_772 = vector.shape_cast %get3A_771 : vector<1x1x16xf32> to vector<16xf32>
      %mul3A_773 = vector.broadcast %squeeze3A : f32 to vector<16xf32>
      %mul3A_774 = arith.mulf %get3A_772, %mul3A_773 : vector<16xf32>
      %add3A_775 = arith.addf %scan3A_571, %mul3A_774 : vector<16xf32>
      %get3A_776 = arith.constant 1 : i32
      %get3A_777 = arith.index_cast %get3A_776 : i32 to index
      %get3A_778 = arith.index_cast %scan3A_552 : i32 to index
      %get3A_779 = arith.constant 304 : index
      %get3A_780 = tpu.vector_load %arg5[%get3A_777, %get3A_778, %get3A_779] {strides = array<i32>} : memref<2x64x768xf32, #tpu.memory_space<vmem>>, vector<1x1x16xf32>,
      %get3A_781 = vector.shape_cast %get3A_780 : vector<1x1x16xf32> to vector<16xf32>
      %mul3A_782 = vector.broadcast %squeeze3A : f32 to vector<16xf32>
      %mul3A_783 = arith.mulf %get3A_781, %mul3A_782 : vector<16xf32>
      %add3A_784 = arith.addf %scan3A_572, %mul3A_783 : vector<16xf32>
      %get3A_785 = arith.constant 1 : i32
      %get3A_786 = arith.index_cast %get3A_785 : i32 to index
      %get3A_787 = arith.index_cast %scan3A_552 : i32 to index
      %get3A_788 = arith.constant 320 : index
      %get3A_789 = tpu.vector_load %arg5[%get3A_786, %get3A_787, %get3A_788] {strides = array<i32>} : memref<2x64x768xf32, #tpu.memory_space<vmem>>, vector<1x1x16xf32>,
      %get3A_790 = vector.shape_cast %get3A_789 : vector<1x1x16xf32> to vector<16xf32>
      %mul3A_791 = vector.broadcast %squeeze3A : f32 to vector<16xf32>
      %mul3A_792 = arith.mulf %get3A_790, %mul3A_791 : vector<16xf32>
      %add3A_793 = arith.addf %scan3A_573, %mul3A_792 : vector<16xf32>
      %get3A_794 = arith.constant 1 : i32
      %get3A_795 = arith.index_cast %get3A_794 : i32 to index
      %get3A_796 = arith.index_cast %scan3A_552 : i32 to index
      %get3A_797 = arith.constant 336 : index
      %get3A_798 = tpu.vector_load %arg5[%get3A_795, %get3A_796, %get3A_797] {strides = array<i32>} : memref<2x64x768xf32, #tpu.memory_space<vmem>>, vector<1x1x16xf32>,
      %get3A_799 = vector.shape_cast %get3A_798 : vector<1x1x16xf32> to vector<16xf32>
      %mul3A_800 = vector.broadcast %squeeze3A : f32 to vector<16xf32>
      %mul3A_801 = arith.mulf %get3A_799, %mul3A_800 : vector<16xf32>
      %add3A_802 = arith.addf %scan3A_574, %mul3A_801 : vector<16xf32>
      %get3A_803 = arith.constant 1 : i32
      %get3A_804 = arith.index_cast %get3A_803 : i32 to index
      %get3A_805 = arith.index_cast %scan3A_552 : i32 to index
      %get3A_806 = arith.constant 352 : index
      %get3A_807 = tpu.vector_load %arg5[%get3A_804, %get3A_805, %get3A_806] {strides = array<i32>} : memref<2x64x768xf32, #tpu.memory_space<vmem>>, vector<1x1x16xf32>,
      %get3A_808 = vector.shape_cast %get3A_807 : vector<1x1x16xf32> to vector<16xf32>
      %mul3A_809 = vector.broadcast %squeeze3A : f32 to vector<16xf32>
      %mul3A_810 = arith.mulf %get3A_808, %mul3A_809 : vector<16xf32>
      %add3A_811 = arith.addf %scan3A_575, %mul3A_810 : vector<16xf32>
      %get3A_812 = arith.constant 1 : i32
      %get3A_813 = arith.index_cast %get3A_812 : i32 to index
      %get3A_814 = arith.index_cast %scan3A_552 : i32 to index
      %get3A_815 = arith.constant 368 : index
      %get3A_816 = tpu.vector_load %arg5[%get3A_813, %get3A_814, %get3A_815] {strides = array<i32>} : memref<2x64x768xf32, #tpu.memory_space<vmem>>, vector<1x1x16xf32>,
      %get3A_817 = vector.shape_cast %get3A_816 : vector<1x1x16xf32> to vector<16xf32>
      %mul3A_818 = vector.broadcast %squeeze3A : f32 to vector<16xf32>
      %mul3A_819 = arith.mulf %get3A_817, %mul3A_818 : vector<16xf32>
      %add3A_820 = arith.addf %scan3A_576, %mul3A_819 : vector<16xf32>
      %get3A_821 = arith.constant 1 : i32
      %get3A_822 = arith.index_cast %get3A_821 : i32 to index
      %get3A_823 = arith.index_cast %scan3A_552 : i32 to index
      %get3A_824 = arith.constant 384 : index
      %get3A_825 = tpu.vector_load %arg5[%get3A_822, %get3A_823, %get3A_824] {strides = array<i32>} : memref<2x64x768xf32, #tpu.memory_space<vmem>>, vector<1x1x16xf32>,
      %get3A_826 = vector.shape_cast %get3A_825 : vector<1x1x16xf32> to vector<16xf32>
      %mul3A_827 = vector.broadcast %squeeze3A : f32 to vector<16xf32>
      %mul3A_828 = arith.mulf %get3A_826, %mul3A_827 : vector<16xf32>
      %add3A_829 = arith.addf %scan3A_577, %mul3A_828 : vector<16xf32>
      %get3A_830 = arith.constant 1 : i32
      %get3A_831 = arith.index_cast %get3A_830 : i32 to index
      %get3A_832 = arith.index_cast %scan3A_552 : i32 to index
      %get3A_833 = arith.constant 400 : index
      %get3A_834 = tpu.vector_load %arg5[%get3A_831, %get3A_832, %get3A_833] {strides = array<i32>} : memref<2x64x768xf32, #tpu.memory_space<vmem>>, vector<1x1x16xf32>,
      %get3A_835 = vector.shape_cast %get3A_834 : vector<1x1x16xf32> to vector<16xf32>
      %mul3A_836 = vector.broadcast %squeeze3A : f32 to vector<16xf32>
      %mul3A_837 = arith.mulf %get3A_835, %mul3A_836 : vector<16xf32>
      %add3A_838 = arith.addf %scan3A_578, %mul3A_837 : vector<16xf32>
      %get3A_839 = arith.constant 1 : i32
      %get3A_840 = arith.index_cast %get3A_839 : i32 to index
      %get3A_841 = arith.index_cast %scan3A_552 : i32 to index
      %get3A_842 = arith.constant 416 : index
      %get3A_843 = tpu.vector_load %arg5[%get3A_840, %get3A_841, %get3A_842] {strides = array<i32>} : memref<2x64x768xf32, #tpu.memory_space<vmem>>, vector<1x1x16xf32>,
      %get3A_844 = vector.shape_cast %get3A_843 : vector<1x1x16xf32> to vector<16xf32>
      %mul3A_845 = vector.broadcast %squeeze3A : f32 to vector<16xf32>
      %mul3A_846 = arith.mulf %get3A_844, %mul3A_845 : vector<16xf32>
      %add3A_847 = arith.addf %scan3A_579, %mul3A_846 : vector<16xf32>
      %get3A_848 = arith.constant 1 : i32
      %get3A_849 = arith.index_cast %get3A_848 : i32 to index
      %get3A_850 = arith.index_cast %scan3A_552 : i32 to index
      %get3A_851 = arith.constant 432 : index
      %get3A_852 = tpu.vector_load %arg5[%get3A_849, %get3A_850, %get3A_851] {strides = array<i32>} : memref<2x64x768xf32, #tpu.memory_space<vmem>>, vector<1x1x16xf32>,
      %get3A_853 = vector.shape_cast %get3A_852 : vector<1x1x16xf32> to vector<16xf32>
      %mul3A_854 = vector.broadcast %squeeze3A : f32 to vector<16xf32>
      %mul3A_855 = arith.mulf %get3A_853, %mul3A_854 : vector<16xf32>
      %add3A_856 = arith.addf %scan3A_580, %mul3A_855 : vector<16xf32>
      %get3A_857 = arith.constant 1 : i32
      %get3A_858 = arith.index_cast %get3A_857 : i32 to index
      %get3A_859 = arith.index_cast %scan3A_552 : i32 to index
      %get3A_860 = arith.constant 448 : index
      %get3A_861 = tpu.vector_load %arg5[%get3A_858, %get3A_859, %get3A_860] {strides = array<i32>} : memref<2x64x768xf32, #tpu.memory_space<vmem>>, vector<1x1x16xf32>,
      %get3A_862 = vector.shape_cast %get3A_861 : vector<1x1x16xf32> to vector<16xf32>
      %mul3A_863 = vector.broadcast %squeeze3A : f32 to vector<16xf32>
      %mul3A_864 = arith.mulf %get3A_862, %mul3A_863 : vector<16xf32>
      %add3A_865 = arith.addf %scan3A_581, %mul3A_864 : vector<16xf32>
      %get3A_866 = arith.constant 1 : i32
      %get3A_867 = arith.index_cast %get3A_866 : i32 to index
      %get3A_868 = arith.index_cast %scan3A_552 : i32 to index
      %get3A_869 = arith.constant 464 : index
      %get3A_870 = tpu.vector_load %arg5[%get3A_867, %get3A_868, %get3A_869] {strides = array<i32>} : memref<2x64x768xf32, #tpu.memory_space<vmem>>, vector<1x1x16xf32>,
      %get3A_871 = vector.shape_cast %get3A_870 : vector<1x1x16xf32> to vector<16xf32>
      %mul3A_872 = vector.broadcast %squeeze3A : f32 to vector<16xf32>
      %mul3A_873 = arith.mulf %get3A_871, %mul3A_872 : vector<16xf32>
      %add3A_874 = arith.addf %scan3A_582, %mul3A_873 : vector<16xf32>
      %get3A_875 = arith.constant 1 : i32
      %get3A_876 = arith.index_cast %get3A_875 : i32 to index
      %get3A_877 = arith.index_cast %scan3A_552 : i32 to index
      %get3A_878 = arith.constant 480 : index
      %get3A_879 = tpu.vector_load %arg5[%get3A_876, %get3A_877, %get3A_878] {strides = array<i32>} : memref<2x64x768xf32, #tpu.memory_space<vmem>>, vector<1x1x16xf32>,
      %get3A_880 = vector.shape_cast %get3A_879 : vector<1x1x16xf32> to vector<16xf32>
      %mul3A_881 = vector.broadcast %squeeze3A : f32 to vector<16xf32>
      %mul3A_882 = arith.mulf %get3A_880, %mul3A_881 : vector<16xf32>
      %add3A_883 = arith.addf %scan3A_583, %mul3A_882 : vector<16xf32>
      %get3A_884 = arith.constant 1 : i32
      %get3A_885 = arith.index_cast %get3A_884 : i32 to index
      %get3A_886 = arith.index_cast %scan3A_552 : i32 to index
      %get3A_887 = arith.constant 496 : index
      %get3A_888 = tpu.vector_load %arg5[%get3A_885, %get3A_886, %get3A_887] {strides = array<i32>} : memref<2x64x768xf32, #tpu.memory_space<vmem>>, vector<1x1x16xf32>,
      %get3A_889 = vector.shape_cast %get3A_888 : vector<1x1x16xf32> to vector<16xf32>
      %mul3A_890 = vector.broadcast %squeeze3A : f32 to vector<16xf32>
      %mul3A_891 = arith.mulf %get3A_889, %mul3A_890 : vector<16xf32>
      %add3A_892 = arith.addf %scan3A_584, %mul3A_891 : vector<16xf32>
      %get3A_893 = arith.constant 1 : i32
      %get3A_894 = arith.index_cast %get3A_893 : i32 to index
      %get3A_895 = arith.index_cast %scan3A_552 : i32 to index
      %get3A_896 = arith.constant 512 : index
      %get3A_897 = tpu.vector_load %arg5[%get3A_894, %get3A_895, %get3A_896] {strides = array<i32>} : memref<2x64x768xf32, #tpu.memory_space<vmem>>, vector<1x1x16xf32>,
      %get3A_898 = vector.shape_cast %get3A_897 : vector<1x1x16xf32> to vector<16xf32>
      %mul3A_899 = vector.broadcast %squeeze3A : f32 to vector<16xf32>
      %mul3A_900 = arith.mulf %get3A_898, %mul3A_899 : vector<16xf32>
      %add3A_901 = arith.addf %scan3A_585, %mul3A_900 : vector<16xf32>
      %get3A_902 = arith.constant 1 : i32
      %get3A_903 = arith.index_cast %get3A_902 : i32 to index
      %get3A_904 = arith.index_cast %scan3A_552 : i32 to index
      %get3A_905 = arith.constant 528 : index
      %get3A_906 = tpu.vector_load %arg5[%get3A_903, %get3A_904, %get3A_905] {strides = array<i32>} : memref<2x64x768xf32, #tpu.memory_space<vmem>>, vector<1x1x16xf32>,
      %get3A_907 = vector.shape_cast %get3A_906 : vector<1x1x16xf32> to vector<16xf32>
      %mul3A_908 = vector.broadcast %squeeze3A : f32 to vector<16xf32>
      %mul3A_909 = arith.mulf %get3A_907, %mul3A_908 : vector<16xf32>
      %add3A_910 = arith.addf %scan3A_586, %mul3A_909 : vector<16xf32>
      %get3A_911 = arith.constant 1 : i32
      %get3A_912 = arith.index_cast %get3A_911 : i32 to index
      %get3A_913 = arith.index_cast %scan3A_552 : i32 to index
      %get3A_914 = arith.constant 544 : index
      %get3A_915 = tpu.vector_load %arg5[%get3A_912, %get3A_913, %get3A_914] {strides = array<i32>} : memref<2x64x768xf32, #tpu.memory_space<vmem>>, vector<1x1x16xf32>,
      %get3A_916 = vector.shape_cast %get3A_915 : vector<1x1x16xf32> to vector<16xf32>
      %mul3A_917 = vector.broadcast %squeeze3A : f32 to vector<16xf32>
      %mul3A_918 = arith.mulf %get3A_916, %mul3A_917 : vector<16xf32>
      %add3A_919 = arith.addf %scan3A_587, %mul3A_918 : vector<16xf32>
      %get3A_920 = arith.constant 1 : i32
      %get3A_921 = arith.index_cast %get3A_920 : i32 to index
      %get3A_922 = arith.index_cast %scan3A_552 : i32 to index
      %get3A_923 = arith.constant 560 : index
      %get3A_924 = tpu.vector_load %arg5[%get3A_921, %get3A_922, %get3A_923] {strides = array<i32>} : memref<2x64x768xf32, #tpu.memory_space<vmem>>, vector<1x1x16xf32>,
      %get3A_925 = vector.shape_cast %get3A_924 : vector<1x1x16xf32> to vector<16xf32>
      %mul3A_926 = vector.broadcast %squeeze3A : f32 to vector<16xf32>
      %mul3A_927 = arith.mulf %get3A_925, %mul3A_926 : vector<16xf32>
      %add3A_928 = arith.addf %scan3A_588, %mul3A_927 : vector<16xf32>
      %get3A_929 = arith.constant 1 : i32
      %get3A_930 = arith.index_cast %get3A_929 : i32 to index
      %get3A_931 = arith.index_cast %scan3A_552 : i32 to index
      %get3A_932 = arith.constant 576 : index
      %get3A_933 = tpu.vector_load %arg5[%get3A_930, %get3A_931, %get3A_932] {strides = array<i32>} : memref<2x64x768xf32, #tpu.memory_space<vmem>>, vector<1x1x16xf32>,
      %get3A_934 = vector.shape_cast %get3A_933 : vector<1x1x16xf32> to vector<16xf32>
      %mul3A_935 = vector.broadcast %squeeze3A : f32 to vector<16xf32>
      %mul3A_936 = arith.mulf %get3A_934, %mul3A_935 : vector<16xf32>
      %add3A_937 = arith.addf %scan3A_589, %mul3A_936 : vector<16xf32>
      %get3A_938 = arith.constant 1 : i32
      %get3A_939 = arith.index_cast %get3A_938 : i32 to index
      %get3A_940 = arith.index_cast %scan3A_552 : i32 to index
      %get3A_941 = arith.constant 592 : index
      %get3A_942 = tpu.vector_load %arg5[%get3A_939, %get3A_940, %get3A_941] {strides = array<i32>} : memref<2x64x768xf32, #tpu.memory_space<vmem>>, vector<1x1x16xf32>,
      %get3A_943 = vector.shape_cast %get3A_942 : vector<1x1x16xf32> to vector<16xf32>
      %mul3A_944 = vector.broadcast %squeeze3A : f32 to vector<16xf32>
      %mul3A_945 = arith.mulf %get3A_943, %mul3A_944 : vector<16xf32>
      %add3A_946 = arith.addf %scan3A_590, %mul3A_945 : vector<16xf32>
      %get3A_947 = arith.constant 1 : i32
      %get3A_948 = arith.index_cast %get3A_947 : i32 to index
      %get3A_949 = arith.index_cast %scan3A_552 : i32 to index
      %get3A_950 = arith.constant 608 : index
      %get3A_951 = tpu.vector_load %arg5[%get3A_948, %get3A_949, %get3A_950] {strides = array<i32>} : memref<2x64x768xf32, #tpu.memory_space<vmem>>, vector<1x1x16xf32>,
      %get3A_952 = vector.shape_cast %get3A_951 : vector<1x1x16xf32> to vector<16xf32>
      %mul3A_953 = vector.broadcast %squeeze3A : f32 to vector<16xf32>
      %mul3A_954 = arith.mulf %get3A_952, %mul3A_953 : vector<16xf32>
      %add3A_955 = arith.addf %scan3A_591, %mul3A_954 : vector<16xf32>
      %get3A_956 = arith.constant 1 : i32
      %get3A_957 = arith.index_cast %get3A_956 : i32 to index
      %get3A_958 = arith.index_cast %scan3A_552 : i32 to index
      %get3A_959 = arith.constant 624 : index
      %get3A_960 = tpu.vector_load %arg5[%get3A_957, %get3A_958, %get3A_959] {strides = array<i32>} : memref<2x64x768xf32, #tpu.memory_space<vmem>>, vector<1x1x16xf32>,
      %get3A_961 = vector.shape_cast %get3A_960 : vector<1x1x16xf32> to vector<16xf32>
      %mul3A_962 = vector.broadcast %squeeze3A : f32 to vector<16xf32>
      %mul3A_963 = arith.mulf %get3A_961, %mul3A_962 : vector<16xf32>
      %add3A_964 = arith.addf %scan3A_592, %mul3A_963 : vector<16xf32>
      %get3A_965 = arith.constant 1 : i32
      %get3A_966 = arith.index_cast %get3A_965 : i32 to index
      %get3A_967 = arith.index_cast %scan3A_552 : i32 to index
      %get3A_968 = arith.constant 640 : index
      %get3A_969 = tpu.vector_load %arg5[%get3A_966, %get3A_967, %get3A_968] {strides = array<i32>} : memref<2x64x768xf32, #tpu.memory_space<vmem>>, vector<1x1x16xf32>,
      %get3A_970 = vector.shape_cast %get3A_969 : vector<1x1x16xf32> to vector<16xf32>
      %mul3A_971 = vector.broadcast %squeeze3A : f32 to vector<16xf32>
      %mul3A_972 = arith.mulf %get3A_970, %mul3A_971 : vector<16xf32>
      %add3A_973 = arith.addf %scan3A_593, %mul3A_972 : vector<16xf32>
      %get3A_974 = arith.constant 1 : i32
      %get3A_975 = arith.index_cast %get3A_974 : i32 to index
      %get3A_976 = arith.index_cast %scan3A_552 : i32 to index
      %get3A_977 = arith.constant 656 : index
      %get3A_978 = tpu.vector_load %arg5[%get3A_975, %get3A_976, %get3A_977] {strides = array<i32>} : memref<2x64x768xf32, #tpu.memory_space<vmem>>, vector<1x1x16xf32>,
      %get3A_979 = vector.shape_cast %get3A_978 : vector<1x1x16xf32> to vector<16xf32>
      %mul3A_980 = vector.broadcast %squeeze3A : f32 to vector<16xf32>
      %mul3A_981 = arith.mulf %get3A_979, %mul3A_980 : vector<16xf32>
      %add3A_982 = arith.addf %scan3A_594, %mul3A_981 : vector<16xf32>
      %get3A_983 = arith.constant 1 : i32
      %get3A_984 = arith.index_cast %get3A_983 : i32 to index
      %get3A_985 = arith.index_cast %scan3A_552 : i32 to index
      %get3A_986 = arith.constant 672 : index
      %get3A_987 = tpu.vector_load %arg5[%get3A_984, %get3A_985, %get3A_986] {strides = array<i32>} : memref<2x64x768xf32, #tpu.memory_space<vmem>>, vector<1x1x16xf32>,
      %get3A_988 = vector.shape_cast %get3A_987 : vector<1x1x16xf32> to vector<16xf32>
      %mul3A_989 = vector.broadcast %squeeze3A : f32 to vector<16xf32>
      %mul3A_990 = arith.mulf %get3A_988, %mul3A_989 : vector<16xf32>
      %add3A_991 = arith.addf %scan3A_595, %mul3A_990 : vector<16xf32>
      %get3A_992 = arith.constant 1 : i32
      %get3A_993 = arith.index_cast %get3A_992 : i32 to index
      %get3A_994 = arith.index_cast %scan3A_552 : i32 to index
      %get3A_995 = arith.constant 688 : index
      %get3A_996 = tpu.vector_load %arg5[%get3A_993, %get3A_994, %get3A_995] {strides = array<i32>} : memref<2x64x768xf32, #tpu.memory_space<vmem>>, vector<1x1x16xf32>,
      %get3A_997 = vector.shape_cast %get3A_996 : vector<1x1x16xf32> to vector<16xf32>
      %mul3A_998 = vector.broadcast %squeeze3A : f32 to vector<16xf32>
      %mul3A_999 = arith.mulf %get3A_997, %mul3A_998 : vector<16xf32>
      %add3A_1000 = arith.addf %scan3A_596, %mul3A_999 : vector<16xf32>
      %get3A_1001 = arith.constant 1 : i32
      %get3A_1002 = arith.index_cast %get3A_1001 : i32 to index
      %get3A_1003 = arith.index_cast %scan3A_552 : i32 to index
      %get3A_1004 = arith.constant 704 : index
      %get3A_1005 = tpu.vector_load %arg5[%get3A_1002, %get3A_1003, %get3A_1004] {strides = array<i32>} : memref<2x64x768xf32, #tpu.memory_space<vmem>>, vector<1x1x16xf32>,
      %get3A_1006 = vector.shape_cast %get3A_1005 : vector<1x1x16xf32> to vector<16xf32>
      %mul3A_1007 = vector.broadcast %squeeze3A : f32 to vector<16xf32>
      %mul3A_1008 = arith.mulf %get3A_1006, %mul3A_1007 : vector<16xf32>
      %add3A_1009 = arith.addf %scan3A_597, %mul3A_1008 : vector<16xf32>
      %get3A_1010 = arith.constant 1 : i32
      %get3A_1011 = arith.index_cast %get3A_1010 : i32 to index
      %get3A_1012 = arith.index_cast %scan3A_552 : i32 to index
      %get3A_1013 = arith.constant 720 : index
      %get3A_1014 = tpu.vector_load %arg5[%get3A_1011, %get3A_1012, %get3A_1013] {strides = array<i32>} : memref<2x64x768xf32, #tpu.memory_space<vmem>>, vector<1x1x16xf32>,
      %get3A_1015 = vector.shape_cast %get3A_1014 : vector<1x1x16xf32> to vector<16xf32>
      %mul3A_1016 = vector.broadcast %squeeze3A : f32 to vector<16xf32>
      %mul3A_1017 = arith.mulf %get3A_1015, %mul3A_1016 : vector<16xf32>
      %add3A_1018 = arith.addf %scan3A_598, %mul3A_1017 : vector<16xf32>
      %get3A_1019 = arith.constant 1 : i32
      %get3A_1020 = arith.index_cast %get3A_1019 : i32 to index
      %get3A_1021 = arith.index_cast %scan3A_552 : i32 to index
      %get3A_1022 = arith.constant 736 : index
      %get3A_1023 = tpu.vector_load %arg5[%get3A_1020, %get3A_1021, %get3A_1022] {strides = array<i32>} : memref<2x64x768xf32, #tpu.memory_space<vmem>>, vector<1x1x16xf32>,
      %get3A_1024 = vector.shape_cast %get3A_1023 : vector<1x1x16xf32> to vector<16xf32>
      %mul3A_1025 = vector.broadcast %squeeze3A : f32 to vector<16xf32>
      %mul3A_1026 = arith.mulf %get3A_1024, %mul3A_1025 : vector<16xf32>
      %add3A_1027 = arith.addf %scan3A_599, %mul3A_1026 : vector<16xf32>
      %get3A_1028 = arith.constant 1 : i32
      %get3A_1029 = arith.index_cast %get3A_1028 : i32 to index
      %get3A_1030 = arith.index_cast %scan3A_552 : i32 to index
      %get3A_1031 = arith.constant 752 : index
      %get3A_1032 = tpu.vector_load %arg5[%get3A_1029, %get3A_1030, %get3A_1031] {strides = array<i32>} : memref<2x64x768xf32, #tpu.memory_space<vmem>>, vector<1x1x16xf32>,
      %get3A_1033 = vector.shape_cast %get3A_1032 : vector<1x1x16xf32> to vector<16xf32>
      %mul3A_1034 = vector.broadcast %squeeze3A : f32 to vector<16xf32>
      %mul3A_1035 = arith.mulf %get3A_1033, %mul3A_1034 : vector<16xf32>
      %add3A_1036 = arith.addf %scan3A_600, %mul3A_1035 : vector<16xf32>
      scf.yield %add3A_613, %add3A_622, %add3A_631, %add3A_640, %add3A_649, %add3A_658, %add3A_667, %add3A_676, %add3A_685, %add3A_694, %add3A_703, %add3A_712, %add3A_721, %add3A_730, %add3A_739, %add3A_748, %add3A_757, %add3A_766, %add3A_775, %add3A_784, %add3A_793, %add3A_802, %add3A_811, %add3A_820, %add3A_829, %add3A_838, %add3A_847, %add3A_856, %add3A_865, %add3A_874, %add3A_883, %add3A_892, %add3A_901, %add3A_910, %add3A_919, %add3A_928, %add3A_937, %add3A_946, %add3A_955, %add3A_964, %add3A_973, %add3A_982, %add3A_991, %add3A_1000, %add3A_1009, %add3A_1018, %add3A_1027, %add3A_1036 : vector<16xf32>, vector<16xf32>, vector<16xf32>, vector<16xf32>, vector<16xf32>, vector<16xf32>, vector<16xf32>, vector<16xf32>, vector<16xf32>, vector<16xf32>, vector<16xf32>, vector<16xf32>, vector<16xf32>, vector<16xf32>, vector<16xf32>, vector<16xf32>, vector<16xf32>, vector<16xf32>, vector<16xf32>, vector<16xf32>, vector<16xf32>, vector<16xf32>, vector<16xf32>, vector<16xf32>, vector<16xf32>, vector<16xf32>, vector<16xf32>, vector<16xf32>, vector<16xf32>, vector<16xf32>, vector<16xf32>, vector<16xf32>, vector<16xf32>, vector<16xf32>, vector<16xf32>, vector<16xf32>, vector<16xf32>, vector<16xf32>, vector<16xf32>, vector<16xf32>, vector<16xf32>, vector<16xf32>, vector<16xf32>, vector<16xf32>, vector<16xf32>, vector<16xf32>, vector<16xf32>, vector<16xf32>
    }
    %scan3A_210 = arith.constant 64 : i32
    %add3A_211 = arith.constant 192 : i32
    %add3A_212 = arith.addi %add3A_4, %add3A_211 : i32
    %dma_start3A_213 = arith.constant 1 : i32
    %dma_start3A_214 = arith.constant 1 : i32
    %dma_start3A_215 = arith.constant 0 : i32
    %dma_start3A_216 = arith.constant 0 : i32
    %dma_start3A_217 = tpu.memref_slice %arg5[%dma_start3A_213, %dma_start3A_215, %dma_start3A_216] : memref<2x64x768xf32, #tpu.memory_space<vmem>> -> memref<1x64x768xf32, #tpu.memory_space<vmem>>
    %dma_start3A_218 = tpu.memref_squeeze %dma_start3A_217 : memref<1x64x768xf32, #tpu.memory_space<vmem>> -> memref<64x768xf32, #tpu.memory_space<vmem>>
    %dma_start3A_219 = arith.constant 0 : i32
    %dma_start3A_220 = tpu.memref_slice %arg2[%add3A_212, %dma_start3A_219] : memref<32768x768xf32, #tpu.memory_space<hbm>> -> memref<64x768xf32, #tpu.memory_space<hbm>>
    %dma_start3A_221 = tpu.memref_slice %arg8[%dma_start3A_214] : memref<2x!tpu.dma_semaphore, #tpu.memory_space<semaphore_mem>> -> memref<1x!tpu.dma_semaphore, #tpu.memory_space<semaphore_mem>>
    %dma_start3A_222 = tpu.memref_squeeze %dma_start3A_221 : memref<1x!tpu.dma_semaphore, #tpu.memory_space<semaphore_mem>> -> memref<!tpu.dma_semaphore, #tpu.memory_space<semaphore_mem>>
    %dma_start3A_223 = arith.constant 0 : i32
    %dma_start3A_224 = arith.constant 0 : i32
    %dma_start3A_225 = tpu.memref_slice %arg5[%dma_start3A_213, %dma_start3A_223, %dma_start3A_224] : memref<2x64x768xf32, #tpu.memory_space<vmem>> -> memref<1x64x768xf32, #tpu.memory_space<vmem>>
    %dma_start3A_226 = tpu.memref_squeeze %dma_start3A_225 : memref<1x64x768xf32, #tpu.memory_space<vmem>> -> memref<64x768xf32, #tpu.memory_space<vmem>>
    %dma_start3A_227 = arith.constant 0 : i32
    %dma_start3A_228 = tpu.memref_slice %arg2[%add3A_212, %dma_start3A_227] : memref<32768x768xf32, #tpu.memory_space<hbm>> -> memref<64x768xf32, #tpu.memory_space<hbm>>
    tpu.enqueue_dma source(%dma_start3A_228 : memref<64x768xf32, #tpu.memory_space<hbm>>) target(%dma_start3A_226 : memref<64x768xf32, #tpu.memory_space<vmem>>) target_semaphore(%dma_start3A_222 : memref<!tpu.dma_semaphore, #tpu.memory_space<semaphore_mem>>)
    %add3A_229 = arith.constant 128 : i32
    %add3A_230 = arith.addi %add3A_4, %add3A_229 : i32
    %dma_wait3A_231 = arith.constant 0 : i32
    %dma_wait3A_232 = arith.constant 0 : i32
    %dma_wait3A_233 = arith.constant 0 : i32
    %dma_wait3A_234 = arith.constant 0 : i32
    %dma_wait3A_235 = tpu.memref_slice %arg5[%dma_wait3A_231, %dma_wait3A_233, %dma_wait3A_234] : memref<2x64x768xf32, #tpu.memory_space<vmem>> -> memref<1x64x768xf32, #tpu.memory_space<vmem>>
    %dma_wait3A_236 = tpu.memref_squeeze %dma_wait3A_235 : memref<1x64x768xf32, #tpu.memory_space<vmem>> -> memref<64x768xf32, #tpu.memory_space<vmem>>
    %dma_wait3A_237 = arith.constant 0 : i32
    %dma_wait3A_238 = tpu.memref_slice %arg2[%add3A_230, %dma_wait3A_237] : memref<32768x768xf32, #tpu.memory_space<hbm>> -> memref<64x768xf32, #tpu.memory_space<hbm>>
    %dma_wait3A_239 = tpu.memref_slice %arg8[%dma_wait3A_232] : memref<2x!tpu.dma_semaphore, #tpu.memory_space<semaphore_mem>> -> memref<1x!tpu.dma_semaphore, #tpu.memory_space<semaphore_mem>>
    %dma_wait3A_240 = tpu.memref_squeeze %dma_wait3A_239 : memref<1x!tpu.dma_semaphore, #tpu.memory_space<semaphore_mem>> -> memref<!tpu.dma_semaphore, #tpu.memory_space<semaphore_mem>>
    %dma_wait3A_241 = arith.constant 0 : i32
    %dma_wait3A_242 = arith.constant 0 : i32
    %dma_wait3A_243 = tpu.memref_slice %arg5[%dma_wait3A_231, %dma_wait3A_241, %dma_wait3A_242] : memref<2x64x768xf32, #tpu.memory_space<vmem>> -> memref<1x64x768xf32, #tpu.memory_space<vmem>>
    %dma_wait3A_244 = tpu.memref_squeeze %dma_wait3A_243 : memref<1x64x768xf32, #tpu.memory_space<vmem>> -> memref<64x768xf32, #tpu.memory_space<vmem>>
    %dma_wait3A_245 = arith.constant 0 : i32
    %dma_wait3A_246 = tpu.memref_slice %arg2[%add3A_230, %dma_wait3A_245] : memref<32768x768xf32, #tpu.memory_space<hbm>> -> memref<64x768xf32, #tpu.memory_space<hbm>>
    tpu.wait_dma2 semaphore(%dma_wait3A_240 : memref<!tpu.dma_semaphore, #tpu.memory_space<semaphore_mem>>) src(%dma_wait3A_246 : memref<64x768xf32, #tpu.memory_space<hbm>>) dst(%dma_wait3A_244 : memref<64x768xf32, #tpu.memory_space<vmem>>)
    %scan3A_247 = arith.constant 0 : i32
    %scan3A_248 = arith.constant 64 : i32
    %scan3A_249 = arith.addi %scan3A_247, %scan3A_248 : i32
    %scan3A_250 = arith.constant 1 : i32
    %scan3A_251:48 = scf.for %scan3A_552 = %scan3A_247 to %scan3A_249 step %scan3A_250 iter_args(%scan3A_553 = %scan3A_209#0, %scan3A_554 = %scan3A_209#1, %scan3A_555 = %scan3A_209#2, %scan3A_556 = %scan3A_209#3, %scan3A_557 = %scan3A_209#4, %scan3A_558 = %scan3A_209#5, %scan3A_559 = %scan3A_209#6, %scan3A_560 = %scan3A_209#7, %scan3A_561 = %scan3A_209#8, %scan3A_562 = %scan3A_209#9, %scan3A_563 = %scan3A_209#10, %scan3A_564 = %scan3A_209#11, %scan3A_565 = %scan3A_209#12, %scan3A_566 = %scan3A_209#13, %scan3A_567 = %scan3A_209#14, %scan3A_568 = %scan3A_209#15, %scan3A_569 = %scan3A_209#16, %scan3A_570 = %scan3A_209#17, %scan3A_571 = %scan3A_209#18, %scan3A_572 = %scan3A_209#19, %scan3A_573 = %scan3A_209#20, %scan3A_574 = %scan3A_209#21, %scan3A_575 = %scan3A_209#22, %scan3A_576 = %scan3A_209#23, %scan3A_577 = %scan3A_209#24, %scan3A_578 = %scan3A_209#25, %scan3A_579 = %scan3A_209#26, %scan3A_580 = %scan3A_209#27, %scan3A_581 = %scan3A_209#28, %scan3A_582 = %scan3A_209#29, %scan3A_583 = %scan3A_209#30, %scan3A_584 = %scan3A_209#31, %scan3A_585 = %scan3A_209#32, %scan3A_586 = %scan3A_209#33, %scan3A_587 = %scan3A_209#34, %scan3A_588 = %scan3A_209#35, %scan3A_589 = %scan3A_209#36, %scan3A_590 = %scan3A_209#37, %scan3A_591 = %scan3A_209#38, %scan3A_592 = %scan3A_209#39, %scan3A_593 = %scan3A_209#40, %scan3A_594 = %scan3A_209#41, %scan3A_595 = %scan3A_209#42, %scan3A_596 = %scan3A_209#43, %scan3A_597 = %scan3A_209#44, %scan3A_598 = %scan3A_209#45, %scan3A_599 = %scan3A_209#46, %scan3A_600 = %scan3A_209#47) -> (vector<16xf32>, vector<16xf32>, vector<16xf32>, vector<16xf32>, vector<16xf32>, vector<16xf32>, vector<16xf32>, vector<16xf32>, vector<16xf32>, vector<16xf32>, vector<16xf32>, vector<16xf32>, vector<16xf32>, vector<16xf32>, vector<16xf32>, vector<16xf32>, vector<16xf32>, vector<16xf32>, vector<16xf32>, vector<16xf32>, vector<16xf32>, vector<16xf32>, vector<16xf32>, vector<16xf32>, vector<16xf32>, vector<16xf32>, vector<16xf32>, vector<16xf32>, vector<16xf32>, vector<16xf32>, vector<16xf32>, vector<16xf32>, vector<16xf32>, vector<16xf32>, vector<16xf32>, vector<16xf32>, vector<16xf32>, vector<16xf32>, vector<16xf32>, vector<16xf32>, vector<16xf32>, vector<16xf32>, vector<16xf32>, vector<16xf32>, vector<16xf32>, vector<16xf32>, vector<16xf32>, vector<16xf32>)  : i32 {
      %add3A_601 = arith.constant 128 : i32
      %add3A_602 = arith.addi %add3A_601, %scan3A_552 : i32
      %get3A = arith.index_cast %add3A_602 : i32 to index
      %get3A_603 = tpu.vector_load %arg6[%get3A] {strides = array<i32>} : memref<400xf32, #tpu.memory_space<vmem>>, vector<16xf32>,
      %get3A_604 = vector.shape_cast %get3A_603 : vector<16xf32> to vector<16xf32>
      %slice3A = vector.extract_strided_slice %get3A_604 {offsets = [0], sizes = [1], strides = [1]} : vector<16xf32> to vector<1xf32>
      %squeeze3A = vector.extract %slice3A[0] : f32 from vector<1xf32>
      %get3A_605 = arith.constant 0 : i32
      %get3A_606 = arith.index_cast %get3A_605 : i32 to index
      %get3A_607 = arith.index_cast %scan3A_552 : i32 to index
      %get3A_608 = arith.constant 0 : index
      %get3A_609 = tpu.vector_load %arg5[%get3A_606, %get3A_607, %get3A_608] {strides = array<i32>} : memref<2x64x768xf32, #tpu.memory_space<vmem>>, vector<1x1x16xf32>,
      %get3A_610 = vector.shape_cast %get3A_609 : vector<1x1x16xf32> to vector<16xf32>
      %mul3A_611 = vector.broadcast %squeeze3A : f32 to vector<16xf32>
      %mul3A_612 = arith.mulf %get3A_610, %mul3A_611 : vector<16xf32>
      %add3A_613 = arith.addf %scan3A_553, %mul3A_612 : vector<16xf32>
      %get3A_614 = arith.constant 0 : i32
      %get3A_615 = arith.index_cast %get3A_614 : i32 to index
      %get3A_616 = arith.index_cast %scan3A_552 : i32 to index
      %get3A_617 = arith.constant 16 : index
      %get3A_618 = tpu.vector_load %arg5[%get3A_615, %get3A_616, %get3A_617] {strides = array<i32>} : memref<2x64x768xf32, #tpu.memory_space<vmem>>, vector<1x1x16xf32>,
      %get3A_619 = vector.shape_cast %get3A_618 : vector<1x1x16xf32> to vector<16xf32>
      %mul3A_620 = vector.broadcast %squeeze3A : f32 to vector<16xf32>
      %mul3A_621 = arith.mulf %get3A_619, %mul3A_620 : vector<16xf32>
      %add3A_622 = arith.addf %scan3A_554, %mul3A_621 : vector<16xf32>
      %get3A_623 = arith.constant 0 : i32
      %get3A_624 = arith.index_cast %get3A_623 : i32 to index
      %get3A_625 = arith.index_cast %scan3A_552 : i32 to index
      %get3A_626 = arith.constant 32 : index
      %get3A_627 = tpu.vector_load %arg5[%get3A_624, %get3A_625, %get3A_626] {strides = array<i32>} : memref<2x64x768xf32, #tpu.memory_space<vmem>>, vector<1x1x16xf32>,
      %get3A_628 = vector.shape_cast %get3A_627 : vector<1x1x16xf32> to vector<16xf32>
      %mul3A_629 = vector.broadcast %squeeze3A : f32 to vector<16xf32>
      %mul3A_630 = arith.mulf %get3A_628, %mul3A_629 : vector<16xf32>
      %add3A_631 = arith.addf %scan3A_555, %mul3A_630 : vector<16xf32>
      %get3A_632 = arith.constant 0 : i32
      %get3A_633 = arith.index_cast %get3A_632 : i32 to index
      %get3A_634 = arith.index_cast %scan3A_552 : i32 to index
      %get3A_635 = arith.constant 48 : index
      %get3A_636 = tpu.vector_load %arg5[%get3A_633, %get3A_634, %get3A_635] {strides = array<i32>} : memref<2x64x768xf32, #tpu.memory_space<vmem>>, vector<1x1x16xf32>,
      %get3A_637 = vector.shape_cast %get3A_636 : vector<1x1x16xf32> to vector<16xf32>
      %mul3A_638 = vector.broadcast %squeeze3A : f32 to vector<16xf32>
      %mul3A_639 = arith.mulf %get3A_637, %mul3A_638 : vector<16xf32>
      %add3A_640 = arith.addf %scan3A_556, %mul3A_639 : vector<16xf32>
      %get3A_641 = arith.constant 0 : i32
      %get3A_642 = arith.index_cast %get3A_641 : i32 to index
      %get3A_643 = arith.index_cast %scan3A_552 : i32 to index
      %get3A_644 = arith.constant 64 : index
      %get3A_645 = tpu.vector_load %arg5[%get3A_642, %get3A_643, %get3A_644] {strides = array<i32>} : memref<2x64x768xf32, #tpu.memory_space<vmem>>, vector<1x1x16xf32>,
      %get3A_646 = vector.shape_cast %get3A_645 : vector<1x1x16xf32> to vector<16xf32>
      %mul3A_647 = vector.broadcast %squeeze3A : f32 to vector<16xf32>
      %mul3A_648 = arith.mulf %get3A_646, %mul3A_647 : vector<16xf32>
      %add3A_649 = arith.addf %scan3A_557, %mul3A_648 : vector<16xf32>
      %get3A_650 = arith.constant 0 : i32
      %get3A_651 = arith.index_cast %get3A_650 : i32 to index
      %get3A_652 = arith.index_cast %scan3A_552 : i32 to index
      %get3A_653 = arith.constant 80 : index
      %get3A_654 = tpu.vector_load %arg5[%get3A_651, %get3A_652, %get3A_653] {strides = array<i32>} : memref<2x64x768xf32, #tpu.memory_space<vmem>>, vector<1x1x16xf32>,
      %get3A_655 = vector.shape_cast %get3A_654 : vector<1x1x16xf32> to vector<16xf32>
      %mul3A_656 = vector.broadcast %squeeze3A : f32 to vector<16xf32>
      %mul3A_657 = arith.mulf %get3A_655, %mul3A_656 : vector<16xf32>
      %add3A_658 = arith.addf %scan3A_558, %mul3A_657 : vector<16xf32>
      %get3A_659 = arith.constant 0 : i32
      %get3A_660 = arith.index_cast %get3A_659 : i32 to index
      %get3A_661 = arith.index_cast %scan3A_552 : i32 to index
      %get3A_662 = arith.constant 96 : index
      %get3A_663 = tpu.vector_load %arg5[%get3A_660, %get3A_661, %get3A_662] {strides = array<i32>} : memref<2x64x768xf32, #tpu.memory_space<vmem>>, vector<1x1x16xf32>,
      %get3A_664 = vector.shape_cast %get3A_663 : vector<1x1x16xf32> to vector<16xf32>
      %mul3A_665 = vector.broadcast %squeeze3A : f32 to vector<16xf32>
      %mul3A_666 = arith.mulf %get3A_664, %mul3A_665 : vector<16xf32>
      %add3A_667 = arith.addf %scan3A_559, %mul3A_666 : vector<16xf32>
      %get3A_668 = arith.constant 0 : i32
      %get3A_669 = arith.index_cast %get3A_668 : i32 to index
      %get3A_670 = arith.index_cast %scan3A_552 : i32 to index
      %get3A_671 = arith.constant 112 : index
      %get3A_672 = tpu.vector_load %arg5[%get3A_669, %get3A_670, %get3A_671] {strides = array<i32>} : memref<2x64x768xf32, #tpu.memory_space<vmem>>, vector<1x1x16xf32>,
      %get3A_673 = vector.shape_cast %get3A_672 : vector<1x1x16xf32> to vector<16xf32>
      %mul3A_674 = vector.broadcast %squeeze3A : f32 to vector<16xf32>
      %mul3A_675 = arith.mulf %get3A_673, %mul3A_674 : vector<16xf32>
      %add3A_676 = arith.addf %scan3A_560, %mul3A_675 : vector<16xf32>
      %get3A_677 = arith.constant 0 : i32
      %get3A_678 = arith.index_cast %get3A_677 : i32 to index
      %get3A_679 = arith.index_cast %scan3A_552 : i32 to index
      %get3A_680 = arith.constant 128 : index
      %get3A_681 = tpu.vector_load %arg5[%get3A_678, %get3A_679, %get3A_680] {strides = array<i32>} : memref<2x64x768xf32, #tpu.memory_space<vmem>>, vector<1x1x16xf32>,
      %get3A_682 = vector.shape_cast %get3A_681 : vector<1x1x16xf32> to vector<16xf32>
      %mul3A_683 = vector.broadcast %squeeze3A : f32 to vector<16xf32>
      %mul3A_684 = arith.mulf %get3A_682, %mul3A_683 : vector<16xf32>
      %add3A_685 = arith.addf %scan3A_561, %mul3A_684 : vector<16xf32>
      %get3A_686 = arith.constant 0 : i32
      %get3A_687 = arith.index_cast %get3A_686 : i32 to index
      %get3A_688 = arith.index_cast %scan3A_552 : i32 to index
      %get3A_689 = arith.constant 144 : index
      %get3A_690 = tpu.vector_load %arg5[%get3A_687, %get3A_688, %get3A_689] {strides = array<i32>} : memref<2x64x768xf32, #tpu.memory_space<vmem>>, vector<1x1x16xf32>,
      %get3A_691 = vector.shape_cast %get3A_690 : vector<1x1x16xf32> to vector<16xf32>
      %mul3A_692 = vector.broadcast %squeeze3A : f32 to vector<16xf32>
      %mul3A_693 = arith.mulf %get3A_691, %mul3A_692 : vector<16xf32>
      %add3A_694 = arith.addf %scan3A_562, %mul3A_693 : vector<16xf32>
      %get3A_695 = arith.constant 0 : i32
      %get3A_696 = arith.index_cast %get3A_695 : i32 to index
      %get3A_697 = arith.index_cast %scan3A_552 : i32 to index
      %get3A_698 = arith.constant 160 : index
      %get3A_699 = tpu.vector_load %arg5[%get3A_696, %get3A_697, %get3A_698] {strides = array<i32>} : memref<2x64x768xf32, #tpu.memory_space<vmem>>, vector<1x1x16xf32>,
      %get3A_700 = vector.shape_cast %get3A_699 : vector<1x1x16xf32> to vector<16xf32>
      %mul3A_701 = vector.broadcast %squeeze3A : f32 to vector<16xf32>
      %mul3A_702 = arith.mulf %get3A_700, %mul3A_701 : vector<16xf32>
      %add3A_703 = arith.addf %scan3A_563, %mul3A_702 : vector<16xf32>
      %get3A_704 = arith.constant 0 : i32
      %get3A_705 = arith.index_cast %get3A_704 : i32 to index
      %get3A_706 = arith.index_cast %scan3A_552 : i32 to index
      %get3A_707 = arith.constant 176 : index
      %get3A_708 = tpu.vector_load %arg5[%get3A_705, %get3A_706, %get3A_707] {strides = array<i32>} : memref<2x64x768xf32, #tpu.memory_space<vmem>>, vector<1x1x16xf32>,
      %get3A_709 = vector.shape_cast %get3A_708 : vector<1x1x16xf32> to vector<16xf32>
      %mul3A_710 = vector.broadcast %squeeze3A : f32 to vector<16xf32>
      %mul3A_711 = arith.mulf %get3A_709, %mul3A_710 : vector<16xf32>
      %add3A_712 = arith.addf %scan3A_564, %mul3A_711 : vector<16xf32>
      %get3A_713 = arith.constant 0 : i32
      %get3A_714 = arith.index_cast %get3A_713 : i32 to index
      %get3A_715 = arith.index_cast %scan3A_552 : i32 to index
      %get3A_716 = arith.constant 192 : index
      %get3A_717 = tpu.vector_load %arg5[%get3A_714, %get3A_715, %get3A_716] {strides = array<i32>} : memref<2x64x768xf32, #tpu.memory_space<vmem>>, vector<1x1x16xf32>,
      %get3A_718 = vector.shape_cast %get3A_717 : vector<1x1x16xf32> to vector<16xf32>
      %mul3A_719 = vector.broadcast %squeeze3A : f32 to vector<16xf32>
      %mul3A_720 = arith.mulf %get3A_718, %mul3A_719 : vector<16xf32>
      %add3A_721 = arith.addf %scan3A_565, %mul3A_720 : vector<16xf32>
      %get3A_722 = arith.constant 0 : i32
      %get3A_723 = arith.index_cast %get3A_722 : i32 to index
      %get3A_724 = arith.index_cast %scan3A_552 : i32 to index
      %get3A_725 = arith.constant 208 : index
      %get3A_726 = tpu.vector_load %arg5[%get3A_723, %get3A_724, %get3A_725] {strides = array<i32>} : memref<2x64x768xf32, #tpu.memory_space<vmem>>, vector<1x1x16xf32>,
      %get3A_727 = vector.shape_cast %get3A_726 : vector<1x1x16xf32> to vector<16xf32>
      %mul3A_728 = vector.broadcast %squeeze3A : f32 to vector<16xf32>
      %mul3A_729 = arith.mulf %get3A_727, %mul3A_728 : vector<16xf32>
      %add3A_730 = arith.addf %scan3A_566, %mul3A_729 : vector<16xf32>
      %get3A_731 = arith.constant 0 : i32
      %get3A_732 = arith.index_cast %get3A_731 : i32 to index
      %get3A_733 = arith.index_cast %scan3A_552 : i32 to index
      %get3A_734 = arith.constant 224 : index
      %get3A_735 = tpu.vector_load %arg5[%get3A_732, %get3A_733, %get3A_734] {strides = array<i32>} : memref<2x64x768xf32, #tpu.memory_space<vmem>>, vector<1x1x16xf32>,
      %get3A_736 = vector.shape_cast %get3A_735 : vector<1x1x16xf32> to vector<16xf32>
      %mul3A_737 = vector.broadcast %squeeze3A : f32 to vector<16xf32>
      %mul3A_738 = arith.mulf %get3A_736, %mul3A_737 : vector<16xf32>
      %add3A_739 = arith.addf %scan3A_567, %mul3A_738 : vector<16xf32>
      %get3A_740 = arith.constant 0 : i32
      %get3A_741 = arith.index_cast %get3A_740 : i32 to index
      %get3A_742 = arith.index_cast %scan3A_552 : i32 to index
      %get3A_743 = arith.constant 240 : index
      %get3A_744 = tpu.vector_load %arg5[%get3A_741, %get3A_742, %get3A_743] {strides = array<i32>} : memref<2x64x768xf32, #tpu.memory_space<vmem>>, vector<1x1x16xf32>,
      %get3A_745 = vector.shape_cast %get3A_744 : vector<1x1x16xf32> to vector<16xf32>
      %mul3A_746 = vector.broadcast %squeeze3A : f32 to vector<16xf32>
      %mul3A_747 = arith.mulf %get3A_745, %mul3A_746 : vector<16xf32>
      %add3A_748 = arith.addf %scan3A_568, %mul3A_747 : vector<16xf32>
      %get3A_749 = arith.constant 0 : i32
      %get3A_750 = arith.index_cast %get3A_749 : i32 to index
      %get3A_751 = arith.index_cast %scan3A_552 : i32 to index
      %get3A_752 = arith.constant 256 : index
      %get3A_753 = tpu.vector_load %arg5[%get3A_750, %get3A_751, %get3A_752] {strides = array<i32>} : memref<2x64x768xf32, #tpu.memory_space<vmem>>, vector<1x1x16xf32>,
      %get3A_754 = vector.shape_cast %get3A_753 : vector<1x1x16xf32> to vector<16xf32>
      %mul3A_755 = vector.broadcast %squeeze3A : f32 to vector<16xf32>
      %mul3A_756 = arith.mulf %get3A_754, %mul3A_755 : vector<16xf32>
      %add3A_757 = arith.addf %scan3A_569, %mul3A_756 : vector<16xf32>
      %get3A_758 = arith.constant 0 : i32
      %get3A_759 = arith.index_cast %get3A_758 : i32 to index
      %get3A_760 = arith.index_cast %scan3A_552 : i32 to index
      %get3A_761 = arith.constant 272 : index
      %get3A_762 = tpu.vector_load %arg5[%get3A_759, %get3A_760, %get3A_761] {strides = array<i32>} : memref<2x64x768xf32, #tpu.memory_space<vmem>>, vector<1x1x16xf32>,
      %get3A_763 = vector.shape_cast %get3A_762 : vector<1x1x16xf32> to vector<16xf32>
      %mul3A_764 = vector.broadcast %squeeze3A : f32 to vector<16xf32>
      %mul3A_765 = arith.mulf %get3A_763, %mul3A_764 : vector<16xf32>
      %add3A_766 = arith.addf %scan3A_570, %mul3A_765 : vector<16xf32>
      %get3A_767 = arith.constant 0 : i32
      %get3A_768 = arith.index_cast %get3A_767 : i32 to index
      %get3A_769 = arith.index_cast %scan3A_552 : i32 to index
      %get3A_770 = arith.constant 288 : index
      %get3A_771 = tpu.vector_load %arg5[%get3A_768, %get3A_769, %get3A_770] {strides = array<i32>} : memref<2x64x768xf32, #tpu.memory_space<vmem>>, vector<1x1x16xf32>,
      %get3A_772 = vector.shape_cast %get3A_771 : vector<1x1x16xf32> to vector<16xf32>
      %mul3A_773 = vector.broadcast %squeeze3A : f32 to vector<16xf32>
      %mul3A_774 = arith.mulf %get3A_772, %mul3A_773 : vector<16xf32>
      %add3A_775 = arith.addf %scan3A_571, %mul3A_774 : vector<16xf32>
      %get3A_776 = arith.constant 0 : i32
      %get3A_777 = arith.index_cast %get3A_776 : i32 to index
      %get3A_778 = arith.index_cast %scan3A_552 : i32 to index
      %get3A_779 = arith.constant 304 : index
      %get3A_780 = tpu.vector_load %arg5[%get3A_777, %get3A_778, %get3A_779] {strides = array<i32>} : memref<2x64x768xf32, #tpu.memory_space<vmem>>, vector<1x1x16xf32>,
      %get3A_781 = vector.shape_cast %get3A_780 : vector<1x1x16xf32> to vector<16xf32>
      %mul3A_782 = vector.broadcast %squeeze3A : f32 to vector<16xf32>
      %mul3A_783 = arith.mulf %get3A_781, %mul3A_782 : vector<16xf32>
      %add3A_784 = arith.addf %scan3A_572, %mul3A_783 : vector<16xf32>
      %get3A_785 = arith.constant 0 : i32
      %get3A_786 = arith.index_cast %get3A_785 : i32 to index
      %get3A_787 = arith.index_cast %scan3A_552 : i32 to index
      %get3A_788 = arith.constant 320 : index
      %get3A_789 = tpu.vector_load %arg5[%get3A_786, %get3A_787, %get3A_788] {strides = array<i32>} : memref<2x64x768xf32, #tpu.memory_space<vmem>>, vector<1x1x16xf32>,
      %get3A_790 = vector.shape_cast %get3A_789 : vector<1x1x16xf32> to vector<16xf32>
      %mul3A_791 = vector.broadcast %squeeze3A : f32 to vector<16xf32>
      %mul3A_792 = arith.mulf %get3A_790, %mul3A_791 : vector<16xf32>
      %add3A_793 = arith.addf %scan3A_573, %mul3A_792 : vector<16xf32>
      %get3A_794 = arith.constant 0 : i32
      %get3A_795 = arith.index_cast %get3A_794 : i32 to index
      %get3A_796 = arith.index_cast %scan3A_552 : i32 to index
      %get3A_797 = arith.constant 336 : index
      %get3A_798 = tpu.vector_load %arg5[%get3A_795, %get3A_796, %get3A_797] {strides = array<i32>} : memref<2x64x768xf32, #tpu.memory_space<vmem>>, vector<1x1x16xf32>,
      %get3A_799 = vector.shape_cast %get3A_798 : vector<1x1x16xf32> to vector<16xf32>
      %mul3A_800 = vector.broadcast %squeeze3A : f32 to vector<16xf32>
      %mul3A_801 = arith.mulf %get3A_799, %mul3A_800 : vector<16xf32>
      %add3A_802 = arith.addf %scan3A_574, %mul3A_801 : vector<16xf32>
      %get3A_803 = arith.constant 0 : i32
      %get3A_804 = arith.index_cast %get3A_803 : i32 to index
      %get3A_805 = arith.index_cast %scan3A_552 : i32 to index
      %get3A_806 = arith.constant 352 : index
      %get3A_807 = tpu.vector_load %arg5[%get3A_804, %get3A_805, %get3A_806] {strides = array<i32>} : memref<2x64x768xf32, #tpu.memory_space<vmem>>, vector<1x1x16xf32>,
      %get3A_808 = vector.shape_cast %get3A_807 : vector<1x1x16xf32> to vector<16xf32>
      %mul3A_809 = vector.broadcast %squeeze3A : f32 to vector<16xf32>
      %mul3A_810 = arith.mulf %get3A_808, %mul3A_809 : vector<16xf32>
      %add3A_811 = arith.addf %scan3A_575, %mul3A_810 : vector<16xf32>
      %get3A_812 = arith.constant 0 : i32
      %get3A_813 = arith.index_cast %get3A_812 : i32 to index
      %get3A_814 = arith.index_cast %scan3A_552 : i32 to index
      %get3A_815 = arith.constant 368 : index
      %get3A_816 = tpu.vector_load %arg5[%get3A_813, %get3A_814, %get3A_815] {strides = array<i32>} : memref<2x64x768xf32, #tpu.memory_space<vmem>>, vector<1x1x16xf32>,
      %get3A_817 = vector.shape_cast %get3A_816 : vector<1x1x16xf32> to vector<16xf32>
      %mul3A_818 = vector.broadcast %squeeze3A : f32 to vector<16xf32>
      %mul3A_819 = arith.mulf %get3A_817, %mul3A_818 : vector<16xf32>
      %add3A_820 = arith.addf %scan3A_576, %mul3A_819 : vector<16xf32>
      %get3A_821 = arith.constant 0 : i32
      %get3A_822 = arith.index_cast %get3A_821 : i32 to index
      %get3A_823 = arith.index_cast %scan3A_552 : i32 to index
      %get3A_824 = arith.constant 384 : index
      %get3A_825 = tpu.vector_load %arg5[%get3A_822, %get3A_823, %get3A_824] {strides = array<i32>} : memref<2x64x768xf32, #tpu.memory_space<vmem>>, vector<1x1x16xf32>,
      %get3A_826 = vector.shape_cast %get3A_825 : vector<1x1x16xf32> to vector<16xf32>
      %mul3A_827 = vector.broadcast %squeeze3A : f32 to vector<16xf32>
      %mul3A_828 = arith.mulf %get3A_826, %mul3A_827 : vector<16xf32>
      %add3A_829 = arith.addf %scan3A_577, %mul3A_828 : vector<16xf32>
      %get3A_830 = arith.constant 0 : i32
      %get3A_831 = arith.index_cast %get3A_830 : i32 to index
      %get3A_832 = arith.index_cast %scan3A_552 : i32 to index
      %get3A_833 = arith.constant 400 : index
      %get3A_834 = tpu.vector_load %arg5[%get3A_831, %get3A_832, %get3A_833] {strides = array<i32>} : memref<2x64x768xf32, #tpu.memory_space<vmem>>, vector<1x1x16xf32>,
      %get3A_835 = vector.shape_cast %get3A_834 : vector<1x1x16xf32> to vector<16xf32>
      %mul3A_836 = vector.broadcast %squeeze3A : f32 to vector<16xf32>
      %mul3A_837 = arith.mulf %get3A_835, %mul3A_836 : vector<16xf32>
      %add3A_838 = arith.addf %scan3A_578, %mul3A_837 : vector<16xf32>
      %get3A_839 = arith.constant 0 : i32
      %get3A_840 = arith.index_cast %get3A_839 : i32 to index
      %get3A_841 = arith.index_cast %scan3A_552 : i32 to index
      %get3A_842 = arith.constant 416 : index
      %get3A_843 = tpu.vector_load %arg5[%get3A_840, %get3A_841, %get3A_842] {strides = array<i32>} : memref<2x64x768xf32, #tpu.memory_space<vmem>>, vector<1x1x16xf32>,
      %get3A_844 = vector.shape_cast %get3A_843 : vector<1x1x16xf32> to vector<16xf32>
      %mul3A_845 = vector.broadcast %squeeze3A : f32 to vector<16xf32>
      %mul3A_846 = arith.mulf %get3A_844, %mul3A_845 : vector<16xf32>
      %add3A_847 = arith.addf %scan3A_579, %mul3A_846 : vector<16xf32>
      %get3A_848 = arith.constant 0 : i32
      %get3A_849 = arith.index_cast %get3A_848 : i32 to index
      %get3A_850 = arith.index_cast %scan3A_552 : i32 to index
      %get3A_851 = arith.constant 432 : index
      %get3A_852 = tpu.vector_load %arg5[%get3A_849, %get3A_850, %get3A_851] {strides = array<i32>} : memref<2x64x768xf32, #tpu.memory_space<vmem>>, vector<1x1x16xf32>,
      %get3A_853 = vector.shape_cast %get3A_852 : vector<1x1x16xf32> to vector<16xf32>
      %mul3A_854 = vector.broadcast %squeeze3A : f32 to vector<16xf32>
      %mul3A_855 = arith.mulf %get3A_853, %mul3A_854 : vector<16xf32>
      %add3A_856 = arith.addf %scan3A_580, %mul3A_855 : vector<16xf32>
      %get3A_857 = arith.constant 0 : i32
      %get3A_858 = arith.index_cast %get3A_857 : i32 to index
      %get3A_859 = arith.index_cast %scan3A_552 : i32 to index
      %get3A_860 = arith.constant 448 : index
      %get3A_861 = tpu.vector_load %arg5[%get3A_858, %get3A_859, %get3A_860] {strides = array<i32>} : memref<2x64x768xf32, #tpu.memory_space<vmem>>, vector<1x1x16xf32>,
      %get3A_862 = vector.shape_cast %get3A_861 : vector<1x1x16xf32> to vector<16xf32>
      %mul3A_863 = vector.broadcast %squeeze3A : f32 to vector<16xf32>
      %mul3A_864 = arith.mulf %get3A_862, %mul3A_863 : vector<16xf32>
      %add3A_865 = arith.addf %scan3A_581, %mul3A_864 : vector<16xf32>
      %get3A_866 = arith.constant 0 : i32
      %get3A_867 = arith.index_cast %get3A_866 : i32 to index
      %get3A_868 = arith.index_cast %scan3A_552 : i32 to index
      %get3A_869 = arith.constant 464 : index
      %get3A_870 = tpu.vector_load %arg5[%get3A_867, %get3A_868, %get3A_869] {strides = array<i32>} : memref<2x64x768xf32, #tpu.memory_space<vmem>>, vector<1x1x16xf32>,
      %get3A_871 = vector.shape_cast %get3A_870 : vector<1x1x16xf32> to vector<16xf32>
      %mul3A_872 = vector.broadcast %squeeze3A : f32 to vector<16xf32>
      %mul3A_873 = arith.mulf %get3A_871, %mul3A_872 : vector<16xf32>
      %add3A_874 = arith.addf %scan3A_582, %mul3A_873 : vector<16xf32>
      %get3A_875 = arith.constant 0 : i32
      %get3A_876 = arith.index_cast %get3A_875 : i32 to index
      %get3A_877 = arith.index_cast %scan3A_552 : i32 to index
      %get3A_878 = arith.constant 480 : index
      %get3A_879 = tpu.vector_load %arg5[%get3A_876, %get3A_877, %get3A_878] {strides = array<i32>} : memref<2x64x768xf32, #tpu.memory_space<vmem>>, vector<1x1x16xf32>,
      %get3A_880 = vector.shape_cast %get3A_879 : vector<1x1x16xf32> to vector<16xf32>
      %mul3A_881 = vector.broadcast %squeeze3A : f32 to vector<16xf32>
      %mul3A_882 = arith.mulf %get3A_880, %mul3A_881 : vector<16xf32>
      %add3A_883 = arith.addf %scan3A_583, %mul3A_882 : vector<16xf32>
      %get3A_884 = arith.constant 0 : i32
      %get3A_885 = arith.index_cast %get3A_884 : i32 to index
      %get3A_886 = arith.index_cast %scan3A_552 : i32 to index
      %get3A_887 = arith.constant 496 : index
      %get3A_888 = tpu.vector_load %arg5[%get3A_885, %get3A_886, %get3A_887] {strides = array<i32>} : memref<2x64x768xf32, #tpu.memory_space<vmem>>, vector<1x1x16xf32>,
      %get3A_889 = vector.shape_cast %get3A_888 : vector<1x1x16xf32> to vector<16xf32>
      %mul3A_890 = vector.broadcast %squeeze3A : f32 to vector<16xf32>
      %mul3A_891 = arith.mulf %get3A_889, %mul3A_890 : vector<16xf32>
      %add3A_892 = arith.addf %scan3A_584, %mul3A_891 : vector<16xf32>
      %get3A_893 = arith.constant 0 : i32
      %get3A_894 = arith.index_cast %get3A_893 : i32 to index
      %get3A_895 = arith.index_cast %scan3A_552 : i32 to index
      %get3A_896 = arith.constant 512 : index
      %get3A_897 = tpu.vector_load %arg5[%get3A_894, %get3A_895, %get3A_896] {strides = array<i32>} : memref<2x64x768xf32, #tpu.memory_space<vmem>>, vector<1x1x16xf32>,
      %get3A_898 = vector.shape_cast %get3A_897 : vector<1x1x16xf32> to vector<16xf32>
      %mul3A_899 = vector.broadcast %squeeze3A : f32 to vector<16xf32>
      %mul3A_900 = arith.mulf %get3A_898, %mul3A_899 : vector<16xf32>
      %add3A_901 = arith.addf %scan3A_585, %mul3A_900 : vector<16xf32>
      %get3A_902 = arith.constant 0 : i32
      %get3A_903 = arith.index_cast %get3A_902 : i32 to index
      %get3A_904 = arith.index_cast %scan3A_552 : i32 to index
      %get3A_905 = arith.constant 528 : index
      %get3A_906 = tpu.vector_load %arg5[%get3A_903, %get3A_904, %get3A_905] {strides = array<i32>} : memref<2x64x768xf32, #tpu.memory_space<vmem>>, vector<1x1x16xf32>,
      %get3A_907 = vector.shape_cast %get3A_906 : vector<1x1x16xf32> to vector<16xf32>
      %mul3A_908 = vector.broadcast %squeeze3A : f32 to vector<16xf32>
      %mul3A_909 = arith.mulf %get3A_907, %mul3A_908 : vector<16xf32>
      %add3A_910 = arith.addf %scan3A_586, %mul3A_909 : vector<16xf32>
      %get3A_911 = arith.constant 0 : i32
      %get3A_912 = arith.index_cast %get3A_911 : i32 to index
      %get3A_913 = arith.index_cast %scan3A_552 : i32 to index
      %get3A_914 = arith.constant 544 : index
      %get3A_915 = tpu.vector_load %arg5[%get3A_912, %get3A_913, %get3A_914] {strides = array<i32>} : memref<2x64x768xf32, #tpu.memory_space<vmem>>, vector<1x1x16xf32>,
      %get3A_916 = vector.shape_cast %get3A_915 : vector<1x1x16xf32> to vector<16xf32>
      %mul3A_917 = vector.broadcast %squeeze3A : f32 to vector<16xf32>
      %mul3A_918 = arith.mulf %get3A_916, %mul3A_917 : vector<16xf32>
      %add3A_919 = arith.addf %scan3A_587, %mul3A_918 : vector<16xf32>
      %get3A_920 = arith.constant 0 : i32
      %get3A_921 = arith.index_cast %get3A_920 : i32 to index
      %get3A_922 = arith.index_cast %scan3A_552 : i32 to index
      %get3A_923 = arith.constant 560 : index
      %get3A_924 = tpu.vector_load %arg5[%get3A_921, %get3A_922, %get3A_923] {strides = array<i32>} : memref<2x64x768xf32, #tpu.memory_space<vmem>>, vector<1x1x16xf32>,
      %get3A_925 = vector.shape_cast %get3A_924 : vector<1x1x16xf32> to vector<16xf32>
      %mul3A_926 = vector.broadcast %squeeze3A : f32 to vector<16xf32>
      %mul3A_927 = arith.mulf %get3A_925, %mul3A_926 : vector<16xf32>
      %add3A_928 = arith.addf %scan3A_588, %mul3A_927 : vector<16xf32>
      %get3A_929 = arith.constant 0 : i32
      %get3A_930 = arith.index_cast %get3A_929 : i32 to index
      %get3A_931 = arith.index_cast %scan3A_552 : i32 to index
      %get3A_932 = arith.constant 576 : index
      %get3A_933 = tpu.vector_load %arg5[%get3A_930, %get3A_931, %get3A_932] {strides = array<i32>} : memref<2x64x768xf32, #tpu.memory_space<vmem>>, vector<1x1x16xf32>,
      %get3A_934 = vector.shape_cast %get3A_933 : vector<1x1x16xf32> to vector<16xf32>
      %mul3A_935 = vector.broadcast %squeeze3A : f32 to vector<16xf32>
      %mul3A_936 = arith.mulf %get3A_934, %mul3A_935 : vector<16xf32>
      %add3A_937 = arith.addf %scan3A_589, %mul3A_936 : vector<16xf32>
      %get3A_938 = arith.constant 0 : i32
      %get3A_939 = arith.index_cast %get3A_938 : i32 to index
      %get3A_940 = arith.index_cast %scan3A_552 : i32 to index
      %get3A_941 = arith.constant 592 : index
      %get3A_942 = tpu.vector_load %arg5[%get3A_939, %get3A_940, %get3A_941] {strides = array<i32>} : memref<2x64x768xf32, #tpu.memory_space<vmem>>, vector<1x1x16xf32>,
      %get3A_943 = vector.shape_cast %get3A_942 : vector<1x1x16xf32> to vector<16xf32>
      %mul3A_944 = vector.broadcast %squeeze3A : f32 to vector<16xf32>
      %mul3A_945 = arith.mulf %get3A_943, %mul3A_944 : vector<16xf32>
      %add3A_946 = arith.addf %scan3A_590, %mul3A_945 : vector<16xf32>
      %get3A_947 = arith.constant 0 : i32
      %get3A_948 = arith.index_cast %get3A_947 : i32 to index
      %get3A_949 = arith.index_cast %scan3A_552 : i32 to index
      %get3A_950 = arith.constant 608 : index
      %get3A_951 = tpu.vector_load %arg5[%get3A_948, %get3A_949, %get3A_950] {strides = array<i32>} : memref<2x64x768xf32, #tpu.memory_space<vmem>>, vector<1x1x16xf32>,
      %get3A_952 = vector.shape_cast %get3A_951 : vector<1x1x16xf32> to vector<16xf32>
      %mul3A_953 = vector.broadcast %squeeze3A : f32 to vector<16xf32>
      %mul3A_954 = arith.mulf %get3A_952, %mul3A_953 : vector<16xf32>
      %add3A_955 = arith.addf %scan3A_591, %mul3A_954 : vector<16xf32>
      %get3A_956 = arith.constant 0 : i32
      %get3A_957 = arith.index_cast %get3A_956 : i32 to index
      %get3A_958 = arith.index_cast %scan3A_552 : i32 to index
      %get3A_959 = arith.constant 624 : index
      %get3A_960 = tpu.vector_load %arg5[%get3A_957, %get3A_958, %get3A_959] {strides = array<i32>} : memref<2x64x768xf32, #tpu.memory_space<vmem>>, vector<1x1x16xf32>,
      %get3A_961 = vector.shape_cast %get3A_960 : vector<1x1x16xf32> to vector<16xf32>
      %mul3A_962 = vector.broadcast %squeeze3A : f32 to vector<16xf32>
      %mul3A_963 = arith.mulf %get3A_961, %mul3A_962 : vector<16xf32>
      %add3A_964 = arith.addf %scan3A_592, %mul3A_963 : vector<16xf32>
      %get3A_965 = arith.constant 0 : i32
      %get3A_966 = arith.index_cast %get3A_965 : i32 to index
      %get3A_967 = arith.index_cast %scan3A_552 : i32 to index
      %get3A_968 = arith.constant 640 : index
      %get3A_969 = tpu.vector_load %arg5[%get3A_966, %get3A_967, %get3A_968] {strides = array<i32>} : memref<2x64x768xf32, #tpu.memory_space<vmem>>, vector<1x1x16xf32>,
      %get3A_970 = vector.shape_cast %get3A_969 : vector<1x1x16xf32> to vector<16xf32>
      %mul3A_971 = vector.broadcast %squeeze3A : f32 to vector<16xf32>
      %mul3A_972 = arith.mulf %get3A_970, %mul3A_971 : vector<16xf32>
      %add3A_973 = arith.addf %scan3A_593, %mul3A_972 : vector<16xf32>
      %get3A_974 = arith.constant 0 : i32
      %get3A_975 = arith.index_cast %get3A_974 : i32 to index
      %get3A_976 = arith.index_cast %scan3A_552 : i32 to index
      %get3A_977 = arith.constant 656 : index
      %get3A_978 = tpu.vector_load %arg5[%get3A_975, %get3A_976, %get3A_977] {strides = array<i32>} : memref<2x64x768xf32, #tpu.memory_space<vmem>>, vector<1x1x16xf32>,
      %get3A_979 = vector.shape_cast %get3A_978 : vector<1x1x16xf32> to vector<16xf32>
      %mul3A_980 = vector.broadcast %squeeze3A : f32 to vector<16xf32>
      %mul3A_981 = arith.mulf %get3A_979, %mul3A_980 : vector<16xf32>
      %add3A_982 = arith.addf %scan3A_594, %mul3A_981 : vector<16xf32>
      %get3A_983 = arith.constant 0 : i32
      %get3A_984 = arith.index_cast %get3A_983 : i32 to index
      %get3A_985 = arith.index_cast %scan3A_552 : i32 to index
      %get3A_986 = arith.constant 672 : index
      %get3A_987 = tpu.vector_load %arg5[%get3A_984, %get3A_985, %get3A_986] {strides = array<i32>} : memref<2x64x768xf32, #tpu.memory_space<vmem>>, vector<1x1x16xf32>,
      %get3A_988 = vector.shape_cast %get3A_987 : vector<1x1x16xf32> to vector<16xf32>
      %mul3A_989 = vector.broadcast %squeeze3A : f32 to vector<16xf32>
      %mul3A_990 = arith.mulf %get3A_988, %mul3A_989 : vector<16xf32>
      %add3A_991 = arith.addf %scan3A_595, %mul3A_990 : vector<16xf32>
      %get3A_992 = arith.constant 0 : i32
      %get3A_993 = arith.index_cast %get3A_992 : i32 to index
      %get3A_994 = arith.index_cast %scan3A_552 : i32 to index
      %get3A_995 = arith.constant 688 : index
      %get3A_996 = tpu.vector_load %arg5[%get3A_993, %get3A_994, %get3A_995] {strides = array<i32>} : memref<2x64x768xf32, #tpu.memory_space<vmem>>, vector<1x1x16xf32>,
      %get3A_997 = vector.shape_cast %get3A_996 : vector<1x1x16xf32> to vector<16xf32>
      %mul3A_998 = vector.broadcast %squeeze3A : f32 to vector<16xf32>
      %mul3A_999 = arith.mulf %get3A_997, %mul3A_998 : vector<16xf32>
      %add3A_1000 = arith.addf %scan3A_596, %mul3A_999 : vector<16xf32>
      %get3A_1001 = arith.constant 0 : i32
      %get3A_1002 = arith.index_cast %get3A_1001 : i32 to index
      %get3A_1003 = arith.index_cast %scan3A_552 : i32 to index
      %get3A_1004 = arith.constant 704 : index
      %get3A_1005 = tpu.vector_load %arg5[%get3A_1002, %get3A_1003, %get3A_1004] {strides = array<i32>} : memref<2x64x768xf32, #tpu.memory_space<vmem>>, vector<1x1x16xf32>,
      %get3A_1006 = vector.shape_cast %get3A_1005 : vector<1x1x16xf32> to vector<16xf32>
      %mul3A_1007 = vector.broadcast %squeeze3A : f32 to vector<16xf32>
      %mul3A_1008 = arith.mulf %get3A_1006, %mul3A_1007 : vector<16xf32>
      %add3A_1009 = arith.addf %scan3A_597, %mul3A_1008 : vector<16xf32>
      %get3A_1010 = arith.constant 0 : i32
      %get3A_1011 = arith.index_cast %get3A_1010 : i32 to index
      %get3A_1012 = arith.index_cast %scan3A_552 : i32 to index
      %get3A_1013 = arith.constant 720 : index
      %get3A_1014 = tpu.vector_load %arg5[%get3A_1011, %get3A_1012, %get3A_1013] {strides = array<i32>} : memref<2x64x768xf32, #tpu.memory_space<vmem>>, vector<1x1x16xf32>,
      %get3A_1015 = vector.shape_cast %get3A_1014 : vector<1x1x16xf32> to vector<16xf32>
      %mul3A_1016 = vector.broadcast %squeeze3A : f32 to vector<16xf32>
      %mul3A_1017 = arith.mulf %get3A_1015, %mul3A_1016 : vector<16xf32>
      %add3A_1018 = arith.addf %scan3A_598, %mul3A_1017 : vector<16xf32>
      %get3A_1019 = arith.constant 0 : i32
      %get3A_1020 = arith.index_cast %get3A_1019 : i32 to index
      %get3A_1021 = arith.index_cast %scan3A_552 : i32 to index
      %get3A_1022 = arith.constant 736 : index
      %get3A_1023 = tpu.vector_load %arg5[%get3A_1020, %get3A_1021, %get3A_1022] {strides = array<i32>} : memref<2x64x768xf32, #tpu.memory_space<vmem>>, vector<1x1x16xf32>,
      %get3A_1024 = vector.shape_cast %get3A_1023 : vector<1x1x16xf32> to vector<16xf32>
      %mul3A_1025 = vector.broadcast %squeeze3A : f32 to vector<16xf32>
      %mul3A_1026 = arith.mulf %get3A_1024, %mul3A_1025 : vector<16xf32>
      %add3A_1027 = arith.addf %scan3A_599, %mul3A_1026 : vector<16xf32>
      %get3A_1028 = arith.constant 0 : i32
      %get3A_1029 = arith.index_cast %get3A_1028 : i32 to index
      %get3A_1030 = arith.index_cast %scan3A_552 : i32 to index
      %get3A_1031 = arith.constant 752 : index
      %get3A_1032 = tpu.vector_load %arg5[%get3A_1029, %get3A_1030, %get3A_1031] {strides = array<i32>} : memref<2x64x768xf32, #tpu.memory_space<vmem>>, vector<1x1x16xf32>,
      %get3A_1033 = vector.shape_cast %get3A_1032 : vector<1x1x16xf32> to vector<16xf32>
      %mul3A_1034 = vector.broadcast %squeeze3A : f32 to vector<16xf32>
      %mul3A_1035 = arith.mulf %get3A_1033, %mul3A_1034 : vector<16xf32>
      %add3A_1036 = arith.addf %scan3A_600, %mul3A_1035 : vector<16xf32>
      scf.yield %add3A_613, %add3A_622, %add3A_631, %add3A_640, %add3A_649, %add3A_658, %add3A_667, %add3A_676, %add3A_685, %add3A_694, %add3A_703, %add3A_712, %add3A_721, %add3A_730, %add3A_739, %add3A_748, %add3A_757, %add3A_766, %add3A_775, %add3A_784, %add3A_793, %add3A_802, %add3A_811, %add3A_820, %add3A_829, %add3A_838, %add3A_847, %add3A_856, %add3A_865, %add3A_874, %add3A_883, %add3A_892, %add3A_901, %add3A_910, %add3A_919, %add3A_928, %add3A_937, %add3A_946, %add3A_955, %add3A_964, %add3A_973, %add3A_982, %add3A_991, %add3A_1000, %add3A_1009, %add3A_1018, %add3A_1027, %add3A_1036 : vector<16xf32>, vector<16xf32>, vector<16xf32>, vector<16xf32>, vector<16xf32>, vector<16xf32>, vector<16xf32>, vector<16xf32>, vector<16xf32>, vector<16xf32>, vector<16xf32>, vector<16xf32>, vector<16xf32>, vector<16xf32>, vector<16xf32>, vector<16xf32>, vector<16xf32>, vector<16xf32>, vector<16xf32>, vector<16xf32>, vector<16xf32>, vector<16xf32>, vector<16xf32>, vector<16xf32>, vector<16xf32>, vector<16xf32>, vector<16xf32>, vector<16xf32>, vector<16xf32>, vector<16xf32>, vector<16xf32>, vector<16xf32>, vector<16xf32>, vector<16xf32>, vector<16xf32>, vector<16xf32>, vector<16xf32>, vector<16xf32>, vector<16xf32>, vector<16xf32>, vector<16xf32>, vector<16xf32>, vector<16xf32>, vector<16xf32>, vector<16xf32>, vector<16xf32>, vector<16xf32>, vector<16xf32>
    }
    %scan3A_252 = arith.constant 64 : i32
    %add3A_253 = arith.constant 256 : i32
    %add3A_254 = arith.addi %add3A_4, %add3A_253 : i32
    %dma_start3A_255 = arith.constant 0 : i32
    %dma_start3A_256 = arith.constant 0 : i32
    %dma_start3A_257 = arith.constant 0 : i32
    %dma_start3A_258 = arith.constant 0 : i32
    %dma_start3A_259 = tpu.memref_slice %arg5[%dma_start3A_255, %dma_start3A_257, %dma_start3A_258] : memref<2x64x768xf32, #tpu.memory_space<vmem>> -> memref<1x64x768xf32, #tpu.memory_space<vmem>>
    %dma_start3A_260 = tpu.memref_squeeze %dma_start3A_259 : memref<1x64x768xf32, #tpu.memory_space<vmem>> -> memref<64x768xf32, #tpu.memory_space<vmem>>
    %dma_start3A_261 = arith.constant 0 : i32
    %dma_start3A_262 = tpu.memref_slice %arg2[%add3A_254, %dma_start3A_261] : memref<32768x768xf32, #tpu.memory_space<hbm>> -> memref<64x768xf32, #tpu.memory_space<hbm>>
    %dma_start3A_263 = tpu.memref_slice %arg8[%dma_start3A_256] : memref<2x!tpu.dma_semaphore, #tpu.memory_space<semaphore_mem>> -> memref<1x!tpu.dma_semaphore, #tpu.memory_space<semaphore_mem>>
    %dma_start3A_264 = tpu.memref_squeeze %dma_start3A_263 : memref<1x!tpu.dma_semaphore, #tpu.memory_space<semaphore_mem>> -> memref<!tpu.dma_semaphore, #tpu.memory_space<semaphore_mem>>
    %dma_start3A_265 = arith.constant 0 : i32
    %dma_start3A_266 = arith.constant 0 : i32
    %dma_start3A_267 = tpu.memref_slice %arg5[%dma_start3A_255, %dma_start3A_265, %dma_start3A_266] : memref<2x64x768xf32, #tpu.memory_space<vmem>> -> memref<1x64x768xf32, #tpu.memory_space<vmem>>
    %dma_start3A_268 = tpu.memref_squeeze %dma_start3A_267 : memref<1x64x768xf32, #tpu.memory_space<vmem>> -> memref<64x768xf32, #tpu.memory_space<vmem>>
    %dma_start3A_269 = arith.constant 0 : i32
    %dma_start3A_270 = tpu.memref_slice %arg2[%add3A_254, %dma_start3A_269] : memref<32768x768xf32, #tpu.memory_space<hbm>> -> memref<64x768xf32, #tpu.memory_space<hbm>>
    tpu.enqueue_dma source(%dma_start3A_270 : memref<64x768xf32, #tpu.memory_space<hbm>>) target(%dma_start3A_268 : memref<64x768xf32, #tpu.memory_space<vmem>>) target_semaphore(%dma_start3A_264 : memref<!tpu.dma_semaphore, #tpu.memory_space<semaphore_mem>>)
    %add3A_271 = arith.constant 192 : i32
    %add3A_272 = arith.addi %add3A_4, %add3A_271 : i32
    %dma_wait3A_273 = arith.constant 1 : i32
    %dma_wait3A_274 = arith.constant 1 : i32
    %dma_wait3A_275 = arith.constant 0 : i32
    %dma_wait3A_276 = arith.constant 0 : i32
    %dma_wait3A_277 = tpu.memref_slice %arg5[%dma_wait3A_273, %dma_wait3A_275, %dma_wait3A_276] : memref<2x64x768xf32, #tpu.memory_space<vmem>> -> memref<1x64x768xf32, #tpu.memory_space<vmem>>
    %dma_wait3A_278 = tpu.memref_squeeze %dma_wait3A_277 : memref<1x64x768xf32, #tpu.memory_space<vmem>> -> memref<64x768xf32, #tpu.memory_space<vmem>>
    %dma_wait3A_279 = arith.constant 0 : i32
    %dma_wait3A_280 = tpu.memref_slice %arg2[%add3A_272, %dma_wait3A_279] : memref<32768x768xf32, #tpu.memory_space<hbm>> -> memref<64x768xf32, #tpu.memory_space<hbm>>
    %dma_wait3A_281 = tpu.memref_slice %arg8[%dma_wait3A_274] : memref<2x!tpu.dma_semaphore, #tpu.memory_space<semaphore_mem>> -> memref<1x!tpu.dma_semaphore, #tpu.memory_space<semaphore_mem>>
    %dma_wait3A_282 = tpu.memref_squeeze %dma_wait3A_281 : memref<1x!tpu.dma_semaphore, #tpu.memory_space<semaphore_mem>> -> memref<!tpu.dma_semaphore, #tpu.memory_space<semaphore_mem>>
    %dma_wait3A_283 = arith.constant 0 : i32
    %dma_wait3A_284 = arith.constant 0 : i32
    %dma_wait3A_285 = tpu.memref_slice %arg5[%dma_wait3A_273, %dma_wait3A_283, %dma_wait3A_284] : memref<2x64x768xf32, #tpu.memory_space<vmem>> -> memref<1x64x768xf32, #tpu.memory_space<vmem>>
    %dma_wait3A_286 = tpu.memref_squeeze %dma_wait3A_285 : memref<1x64x768xf32, #tpu.memory_space<vmem>> -> memref<64x768xf32, #tpu.memory_space<vmem>>
    %dma_wait3A_287 = arith.constant 0 : i32
    %dma_wait3A_288 = tpu.memref_slice %arg2[%add3A_272, %dma_wait3A_287] : memref<32768x768xf32, #tpu.memory_space<hbm>> -> memref<64x768xf32, #tpu.memory_space<hbm>>
    tpu.wait_dma2 semaphore(%dma_wait3A_282 : memref<!tpu.dma_semaphore, #tpu.memory_space<semaphore_mem>>) src(%dma_wait3A_288 : memref<64x768xf32, #tpu.memory_space<hbm>>) dst(%dma_wait3A_286 : memref<64x768xf32, #tpu.memory_space<vmem>>)
    %scan3A_289 = arith.constant 0 : i32
    %scan3A_290 = arith.constant 64 : i32
    %scan3A_291 = arith.addi %scan3A_289, %scan3A_290 : i32
    %scan3A_292 = arith.constant 1 : i32
    %scan3A_293:48 = scf.for %scan3A_552 = %scan3A_289 to %scan3A_291 step %scan3A_292 iter_args(%scan3A_553 = %scan3A_251#0, %scan3A_554 = %scan3A_251#1, %scan3A_555 = %scan3A_251#2, %scan3A_556 = %scan3A_251#3, %scan3A_557 = %scan3A_251#4, %scan3A_558 = %scan3A_251#5, %scan3A_559 = %scan3A_251#6, %scan3A_560 = %scan3A_251#7, %scan3A_561 = %scan3A_251#8, %scan3A_562 = %scan3A_251#9, %scan3A_563 = %scan3A_251#10, %scan3A_564 = %scan3A_251#11, %scan3A_565 = %scan3A_251#12, %scan3A_566 = %scan3A_251#13, %scan3A_567 = %scan3A_251#14, %scan3A_568 = %scan3A_251#15, %scan3A_569 = %scan3A_251#16, %scan3A_570 = %scan3A_251#17, %scan3A_571 = %scan3A_251#18, %scan3A_572 = %scan3A_251#19, %scan3A_573 = %scan3A_251#20, %scan3A_574 = %scan3A_251#21, %scan3A_575 = %scan3A_251#22, %scan3A_576 = %scan3A_251#23, %scan3A_577 = %scan3A_251#24, %scan3A_578 = %scan3A_251#25, %scan3A_579 = %scan3A_251#26, %scan3A_580 = %scan3A_251#27, %scan3A_581 = %scan3A_251#28, %scan3A_582 = %scan3A_251#29, %scan3A_583 = %scan3A_251#30, %scan3A_584 = %scan3A_251#31, %scan3A_585 = %scan3A_251#32, %scan3A_586 = %scan3A_251#33, %scan3A_587 = %scan3A_251#34, %scan3A_588 = %scan3A_251#35, %scan3A_589 = %scan3A_251#36, %scan3A_590 = %scan3A_251#37, %scan3A_591 = %scan3A_251#38, %scan3A_592 = %scan3A_251#39, %scan3A_593 = %scan3A_251#40, %scan3A_594 = %scan3A_251#41, %scan3A_595 = %scan3A_251#42, %scan3A_596 = %scan3A_251#43, %scan3A_597 = %scan3A_251#44, %scan3A_598 = %scan3A_251#45, %scan3A_599 = %scan3A_251#46, %scan3A_600 = %scan3A_251#47) -> (vector<16xf32>, vector<16xf32>, vector<16xf32>, vector<16xf32>, vector<16xf32>, vector<16xf32>, vector<16xf32>, vector<16xf32>, vector<16xf32>, vector<16xf32>, vector<16xf32>, vector<16xf32>, vector<16xf32>, vector<16xf32>, vector<16xf32>, vector<16xf32>, vector<16xf32>, vector<16xf32>, vector<16xf32>, vector<16xf32>, vector<16xf32>, vector<16xf32>, vector<16xf32>, vector<16xf32>, vector<16xf32>, vector<16xf32>, vector<16xf32>, vector<16xf32>, vector<16xf32>, vector<16xf32>, vector<16xf32>, vector<16xf32>, vector<16xf32>, vector<16xf32>, vector<16xf32>, vector<16xf32>, vector<16xf32>, vector<16xf32>, vector<16xf32>, vector<16xf32>, vector<16xf32>, vector<16xf32>, vector<16xf32>, vector<16xf32>, vector<16xf32>, vector<16xf32>, vector<16xf32>, vector<16xf32>)  : i32 {
      %add3A_601 = arith.constant 192 : i32
      %add3A_602 = arith.addi %add3A_601, %scan3A_552 : i32
      %get3A = arith.index_cast %add3A_602 : i32 to index
      %get3A_603 = tpu.vector_load %arg6[%get3A] {strides = array<i32>} : memref<400xf32, #tpu.memory_space<vmem>>, vector<16xf32>,
      %get3A_604 = vector.shape_cast %get3A_603 : vector<16xf32> to vector<16xf32>
      %slice3A = vector.extract_strided_slice %get3A_604 {offsets = [0], sizes = [1], strides = [1]} : vector<16xf32> to vector<1xf32>
      %squeeze3A = vector.extract %slice3A[0] : f32 from vector<1xf32>
      %get3A_605 = arith.constant 1 : i32
      %get3A_606 = arith.index_cast %get3A_605 : i32 to index
      %get3A_607 = arith.index_cast %scan3A_552 : i32 to index
      %get3A_608 = arith.constant 0 : index
      %get3A_609 = tpu.vector_load %arg5[%get3A_606, %get3A_607, %get3A_608] {strides = array<i32>} : memref<2x64x768xf32, #tpu.memory_space<vmem>>, vector<1x1x16xf32>,
      %get3A_610 = vector.shape_cast %get3A_609 : vector<1x1x16xf32> to vector<16xf32>
      %mul3A_611 = vector.broadcast %squeeze3A : f32 to vector<16xf32>
      %mul3A_612 = arith.mulf %get3A_610, %mul3A_611 : vector<16xf32>
      %add3A_613 = arith.addf %scan3A_553, %mul3A_612 : vector<16xf32>
      %get3A_614 = arith.constant 1 : i32
      %get3A_615 = arith.index_cast %get3A_614 : i32 to index
      %get3A_616 = arith.index_cast %scan3A_552 : i32 to index
      %get3A_617 = arith.constant 16 : index
      %get3A_618 = tpu.vector_load %arg5[%get3A_615, %get3A_616, %get3A_617] {strides = array<i32>} : memref<2x64x768xf32, #tpu.memory_space<vmem>>, vector<1x1x16xf32>,
      %get3A_619 = vector.shape_cast %get3A_618 : vector<1x1x16xf32> to vector<16xf32>
      %mul3A_620 = vector.broadcast %squeeze3A : f32 to vector<16xf32>
      %mul3A_621 = arith.mulf %get3A_619, %mul3A_620 : vector<16xf32>
      %add3A_622 = arith.addf %scan3A_554, %mul3A_621 : vector<16xf32>
      %get3A_623 = arith.constant 1 : i32
      %get3A_624 = arith.index_cast %get3A_623 : i32 to index
      %get3A_625 = arith.index_cast %scan3A_552 : i32 to index
      %get3A_626 = arith.constant 32 : index
      %get3A_627 = tpu.vector_load %arg5[%get3A_624, %get3A_625, %get3A_626] {strides = array<i32>} : memref<2x64x768xf32, #tpu.memory_space<vmem>>, vector<1x1x16xf32>,
      %get3A_628 = vector.shape_cast %get3A_627 : vector<1x1x16xf32> to vector<16xf32>
      %mul3A_629 = vector.broadcast %squeeze3A : f32 to vector<16xf32>
      %mul3A_630 = arith.mulf %get3A_628, %mul3A_629 : vector<16xf32>
      %add3A_631 = arith.addf %scan3A_555, %mul3A_630 : vector<16xf32>
      %get3A_632 = arith.constant 1 : i32
      %get3A_633 = arith.index_cast %get3A_632 : i32 to index
      %get3A_634 = arith.index_cast %scan3A_552 : i32 to index
      %get3A_635 = arith.constant 48 : index
      %get3A_636 = tpu.vector_load %arg5[%get3A_633, %get3A_634, %get3A_635] {strides = array<i32>} : memref<2x64x768xf32, #tpu.memory_space<vmem>>, vector<1x1x16xf32>,
      %get3A_637 = vector.shape_cast %get3A_636 : vector<1x1x16xf32> to vector<16xf32>
      %mul3A_638 = vector.broadcast %squeeze3A : f32 to vector<16xf32>
      %mul3A_639 = arith.mulf %get3A_637, %mul3A_638 : vector<16xf32>
      %add3A_640 = arith.addf %scan3A_556, %mul3A_639 : vector<16xf32>
      %get3A_641 = arith.constant 1 : i32
      %get3A_642 = arith.index_cast %get3A_641 : i32 to index
      %get3A_643 = arith.index_cast %scan3A_552 : i32 to index
      %get3A_644 = arith.constant 64 : index
      %get3A_645 = tpu.vector_load %arg5[%get3A_642, %get3A_643, %get3A_644] {strides = array<i32>} : memref<2x64x768xf32, #tpu.memory_space<vmem>>, vector<1x1x16xf32>,
      %get3A_646 = vector.shape_cast %get3A_645 : vector<1x1x16xf32> to vector<16xf32>
      %mul3A_647 = vector.broadcast %squeeze3A : f32 to vector<16xf32>
      %mul3A_648 = arith.mulf %get3A_646, %mul3A_647 : vector<16xf32>
      %add3A_649 = arith.addf %scan3A_557, %mul3A_648 : vector<16xf32>
      %get3A_650 = arith.constant 1 : i32
      %get3A_651 = arith.index_cast %get3A_650 : i32 to index
      %get3A_652 = arith.index_cast %scan3A_552 : i32 to index
      %get3A_653 = arith.constant 80 : index
      %get3A_654 = tpu.vector_load %arg5[%get3A_651, %get3A_652, %get3A_653] {strides = array<i32>} : memref<2x64x768xf32, #tpu.memory_space<vmem>>, vector<1x1x16xf32>,
      %get3A_655 = vector.shape_cast %get3A_654 : vector<1x1x16xf32> to vector<16xf32>
      %mul3A_656 = vector.broadcast %squeeze3A : f32 to vector<16xf32>
      %mul3A_657 = arith.mulf %get3A_655, %mul3A_656 : vector<16xf32>
      %add3A_658 = arith.addf %scan3A_558, %mul3A_657 : vector<16xf32>
      %get3A_659 = arith.constant 1 : i32
      %get3A_660 = arith.index_cast %get3A_659 : i32 to index
      %get3A_661 = arith.index_cast %scan3A_552 : i32 to index
      %get3A_662 = arith.constant 96 : index
      %get3A_663 = tpu.vector_load %arg5[%get3A_660, %get3A_661, %get3A_662] {strides = array<i32>} : memref<2x64x768xf32, #tpu.memory_space<vmem>>, vector<1x1x16xf32>,
      %get3A_664 = vector.shape_cast %get3A_663 : vector<1x1x16xf32> to vector<16xf32>
      %mul3A_665 = vector.broadcast %squeeze3A : f32 to vector<16xf32>
      %mul3A_666 = arith.mulf %get3A_664, %mul3A_665 : vector<16xf32>
      %add3A_667 = arith.addf %scan3A_559, %mul3A_666 : vector<16xf32>
      %get3A_668 = arith.constant 1 : i32
      %get3A_669 = arith.index_cast %get3A_668 : i32 to index
      %get3A_670 = arith.index_cast %scan3A_552 : i32 to index
      %get3A_671 = arith.constant 112 : index
      %get3A_672 = tpu.vector_load %arg5[%get3A_669, %get3A_670, %get3A_671] {strides = array<i32>} : memref<2x64x768xf32, #tpu.memory_space<vmem>>, vector<1x1x16xf32>,
      %get3A_673 = vector.shape_cast %get3A_672 : vector<1x1x16xf32> to vector<16xf32>
      %mul3A_674 = vector.broadcast %squeeze3A : f32 to vector<16xf32>
      %mul3A_675 = arith.mulf %get3A_673, %mul3A_674 : vector<16xf32>
      %add3A_676 = arith.addf %scan3A_560, %mul3A_675 : vector<16xf32>
      %get3A_677 = arith.constant 1 : i32
      %get3A_678 = arith.index_cast %get3A_677 : i32 to index
      %get3A_679 = arith.index_cast %scan3A_552 : i32 to index
      %get3A_680 = arith.constant 128 : index
      %get3A_681 = tpu.vector_load %arg5[%get3A_678, %get3A_679, %get3A_680] {strides = array<i32>} : memref<2x64x768xf32, #tpu.memory_space<vmem>>, vector<1x1x16xf32>,
      %get3A_682 = vector.shape_cast %get3A_681 : vector<1x1x16xf32> to vector<16xf32>
      %mul3A_683 = vector.broadcast %squeeze3A : f32 to vector<16xf32>
      %mul3A_684 = arith.mulf %get3A_682, %mul3A_683 : vector<16xf32>
      %add3A_685 = arith.addf %scan3A_561, %mul3A_684 : vector<16xf32>
      %get3A_686 = arith.constant 1 : i32
      %get3A_687 = arith.index_cast %get3A_686 : i32 to index
      %get3A_688 = arith.index_cast %scan3A_552 : i32 to index
      %get3A_689 = arith.constant 144 : index
      %get3A_690 = tpu.vector_load %arg5[%get3A_687, %get3A_688, %get3A_689] {strides = array<i32>} : memref<2x64x768xf32, #tpu.memory_space<vmem>>, vector<1x1x16xf32>,
      %get3A_691 = vector.shape_cast %get3A_690 : vector<1x1x16xf32> to vector<16xf32>
      %mul3A_692 = vector.broadcast %squeeze3A : f32 to vector<16xf32>
      %mul3A_693 = arith.mulf %get3A_691, %mul3A_692 : vector<16xf32>
      %add3A_694 = arith.addf %scan3A_562, %mul3A_693 : vector<16xf32>
      %get3A_695 = arith.constant 1 : i32
      %get3A_696 = arith.index_cast %get3A_695 : i32 to index
      %get3A_697 = arith.index_cast %scan3A_552 : i32 to index
      %get3A_698 = arith.constant 160 : index
      %get3A_699 = tpu.vector_load %arg5[%get3A_696, %get3A_697, %get3A_698] {strides = array<i32>} : memref<2x64x768xf32, #tpu.memory_space<vmem>>, vector<1x1x16xf32>,
      %get3A_700 = vector.shape_cast %get3A_699 : vector<1x1x16xf32> to vector<16xf32>
      %mul3A_701 = vector.broadcast %squeeze3A : f32 to vector<16xf32>
      %mul3A_702 = arith.mulf %get3A_700, %mul3A_701 : vector<16xf32>
      %add3A_703 = arith.addf %scan3A_563, %mul3A_702 : vector<16xf32>
      %get3A_704 = arith.constant 1 : i32
      %get3A_705 = arith.index_cast %get3A_704 : i32 to index
      %get3A_706 = arith.index_cast %scan3A_552 : i32 to index
      %get3A_707 = arith.constant 176 : index
      %get3A_708 = tpu.vector_load %arg5[%get3A_705, %get3A_706, %get3A_707] {strides = array<i32>} : memref<2x64x768xf32, #tpu.memory_space<vmem>>, vector<1x1x16xf32>,
      %get3A_709 = vector.shape_cast %get3A_708 : vector<1x1x16xf32> to vector<16xf32>
      %mul3A_710 = vector.broadcast %squeeze3A : f32 to vector<16xf32>
      %mul3A_711 = arith.mulf %get3A_709, %mul3A_710 : vector<16xf32>
      %add3A_712 = arith.addf %scan3A_564, %mul3A_711 : vector<16xf32>
      %get3A_713 = arith.constant 1 : i32
      %get3A_714 = arith.index_cast %get3A_713 : i32 to index
      %get3A_715 = arith.index_cast %scan3A_552 : i32 to index
      %get3A_716 = arith.constant 192 : index
      %get3A_717 = tpu.vector_load %arg5[%get3A_714, %get3A_715, %get3A_716] {strides = array<i32>} : memref<2x64x768xf32, #tpu.memory_space<vmem>>, vector<1x1x16xf32>,
      %get3A_718 = vector.shape_cast %get3A_717 : vector<1x1x16xf32> to vector<16xf32>
      %mul3A_719 = vector.broadcast %squeeze3A : f32 to vector<16xf32>
      %mul3A_720 = arith.mulf %get3A_718, %mul3A_719 : vector<16xf32>
      %add3A_721 = arith.addf %scan3A_565, %mul3A_720 : vector<16xf32>
      %get3A_722 = arith.constant 1 : i32
      %get3A_723 = arith.index_cast %get3A_722 : i32 to index
      %get3A_724 = arith.index_cast %scan3A_552 : i32 to index
      %get3A_725 = arith.constant 208 : index
      %get3A_726 = tpu.vector_load %arg5[%get3A_723, %get3A_724, %get3A_725] {strides = array<i32>} : memref<2x64x768xf32, #tpu.memory_space<vmem>>, vector<1x1x16xf32>,
      %get3A_727 = vector.shape_cast %get3A_726 : vector<1x1x16xf32> to vector<16xf32>
      %mul3A_728 = vector.broadcast %squeeze3A : f32 to vector<16xf32>
      %mul3A_729 = arith.mulf %get3A_727, %mul3A_728 : vector<16xf32>
      %add3A_730 = arith.addf %scan3A_566, %mul3A_729 : vector<16xf32>
      %get3A_731 = arith.constant 1 : i32
      %get3A_732 = arith.index_cast %get3A_731 : i32 to index
      %get3A_733 = arith.index_cast %scan3A_552 : i32 to index
      %get3A_734 = arith.constant 224 : index
      %get3A_735 = tpu.vector_load %arg5[%get3A_732, %get3A_733, %get3A_734] {strides = array<i32>} : memref<2x64x768xf32, #tpu.memory_space<vmem>>, vector<1x1x16xf32>,
      %get3A_736 = vector.shape_cast %get3A_735 : vector<1x1x16xf32> to vector<16xf32>
      %mul3A_737 = vector.broadcast %squeeze3A : f32 to vector<16xf32>
      %mul3A_738 = arith.mulf %get3A_736, %mul3A_737 : vector<16xf32>
      %add3A_739 = arith.addf %scan3A_567, %mul3A_738 : vector<16xf32>
      %get3A_740 = arith.constant 1 : i32
      %get3A_741 = arith.index_cast %get3A_740 : i32 to index
      %get3A_742 = arith.index_cast %scan3A_552 : i32 to index
      %get3A_743 = arith.constant 240 : index
      %get3A_744 = tpu.vector_load %arg5[%get3A_741, %get3A_742, %get3A_743] {strides = array<i32>} : memref<2x64x768xf32, #tpu.memory_space<vmem>>, vector<1x1x16xf32>,
      %get3A_745 = vector.shape_cast %get3A_744 : vector<1x1x16xf32> to vector<16xf32>
      %mul3A_746 = vector.broadcast %squeeze3A : f32 to vector<16xf32>
      %mul3A_747 = arith.mulf %get3A_745, %mul3A_746 : vector<16xf32>
      %add3A_748 = arith.addf %scan3A_568, %mul3A_747 : vector<16xf32>
      %get3A_749 = arith.constant 1 : i32
      %get3A_750 = arith.index_cast %get3A_749 : i32 to index
      %get3A_751 = arith.index_cast %scan3A_552 : i32 to index
      %get3A_752 = arith.constant 256 : index
      %get3A_753 = tpu.vector_load %arg5[%get3A_750, %get3A_751, %get3A_752] {strides = array<i32>} : memref<2x64x768xf32, #tpu.memory_space<vmem>>, vector<1x1x16xf32>,
      %get3A_754 = vector.shape_cast %get3A_753 : vector<1x1x16xf32> to vector<16xf32>
      %mul3A_755 = vector.broadcast %squeeze3A : f32 to vector<16xf32>
      %mul3A_756 = arith.mulf %get3A_754, %mul3A_755 : vector<16xf32>
      %add3A_757 = arith.addf %scan3A_569, %mul3A_756 : vector<16xf32>
      %get3A_758 = arith.constant 1 : i32
      %get3A_759 = arith.index_cast %get3A_758 : i32 to index
      %get3A_760 = arith.index_cast %scan3A_552 : i32 to index
      %get3A_761 = arith.constant 272 : index
      %get3A_762 = tpu.vector_load %arg5[%get3A_759, %get3A_760, %get3A_761] {strides = array<i32>} : memref<2x64x768xf32, #tpu.memory_space<vmem>>, vector<1x1x16xf32>,
      %get3A_763 = vector.shape_cast %get3A_762 : vector<1x1x16xf32> to vector<16xf32>
      %mul3A_764 = vector.broadcast %squeeze3A : f32 to vector<16xf32>
      %mul3A_765 = arith.mulf %get3A_763, %mul3A_764 : vector<16xf32>
      %add3A_766 = arith.addf %scan3A_570, %mul3A_765 : vector<16xf32>
      %get3A_767 = arith.constant 1 : i32
      %get3A_768 = arith.index_cast %get3A_767 : i32 to index
      %get3A_769 = arith.index_cast %scan3A_552 : i32 to index
      %get3A_770 = arith.constant 288 : index
      %get3A_771 = tpu.vector_load %arg5[%get3A_768, %get3A_769, %get3A_770] {strides = array<i32>} : memref<2x64x768xf32, #tpu.memory_space<vmem>>, vector<1x1x16xf32>,
      %get3A_772 = vector.shape_cast %get3A_771 : vector<1x1x16xf32> to vector<16xf32>
      %mul3A_773 = vector.broadcast %squeeze3A : f32 to vector<16xf32>
      %mul3A_774 = arith.mulf %get3A_772, %mul3A_773 : vector<16xf32>
      %add3A_775 = arith.addf %scan3A_571, %mul3A_774 : vector<16xf32>
      %get3A_776 = arith.constant 1 : i32
      %get3A_777 = arith.index_cast %get3A_776 : i32 to index
      %get3A_778 = arith.index_cast %scan3A_552 : i32 to index
      %get3A_779 = arith.constant 304 : index
      %get3A_780 = tpu.vector_load %arg5[%get3A_777, %get3A_778, %get3A_779] {strides = array<i32>} : memref<2x64x768xf32, #tpu.memory_space<vmem>>, vector<1x1x16xf32>,
      %get3A_781 = vector.shape_cast %get3A_780 : vector<1x1x16xf32> to vector<16xf32>
      %mul3A_782 = vector.broadcast %squeeze3A : f32 to vector<16xf32>
      %mul3A_783 = arith.mulf %get3A_781, %mul3A_782 : vector<16xf32>
      %add3A_784 = arith.addf %scan3A_572, %mul3A_783 : vector<16xf32>
      %get3A_785 = arith.constant 1 : i32
      %get3A_786 = arith.index_cast %get3A_785 : i32 to index
      %get3A_787 = arith.index_cast %scan3A_552 : i32 to index
      %get3A_788 = arith.constant 320 : index
      %get3A_789 = tpu.vector_load %arg5[%get3A_786, %get3A_787, %get3A_788] {strides = array<i32>} : memref<2x64x768xf32, #tpu.memory_space<vmem>>, vector<1x1x16xf32>,
      %get3A_790 = vector.shape_cast %get3A_789 : vector<1x1x16xf32> to vector<16xf32>
      %mul3A_791 = vector.broadcast %squeeze3A : f32 to vector<16xf32>
      %mul3A_792 = arith.mulf %get3A_790, %mul3A_791 : vector<16xf32>
      %add3A_793 = arith.addf %scan3A_573, %mul3A_792 : vector<16xf32>
      %get3A_794 = arith.constant 1 : i32
      %get3A_795 = arith.index_cast %get3A_794 : i32 to index
      %get3A_796 = arith.index_cast %scan3A_552 : i32 to index
      %get3A_797 = arith.constant 336 : index
      %get3A_798 = tpu.vector_load %arg5[%get3A_795, %get3A_796, %get3A_797] {strides = array<i32>} : memref<2x64x768xf32, #tpu.memory_space<vmem>>, vector<1x1x16xf32>,
      %get3A_799 = vector.shape_cast %get3A_798 : vector<1x1x16xf32> to vector<16xf32>
      %mul3A_800 = vector.broadcast %squeeze3A : f32 to vector<16xf32>
      %mul3A_801 = arith.mulf %get3A_799, %mul3A_800 : vector<16xf32>
      %add3A_802 = arith.addf %scan3A_574, %mul3A_801 : vector<16xf32>
      %get3A_803 = arith.constant 1 : i32
      %get3A_804 = arith.index_cast %get3A_803 : i32 to index
      %get3A_805 = arith.index_cast %scan3A_552 : i32 to index
      %get3A_806 = arith.constant 352 : index
      %get3A_807 = tpu.vector_load %arg5[%get3A_804, %get3A_805, %get3A_806] {strides = array<i32>} : memref<2x64x768xf32, #tpu.memory_space<vmem>>, vector<1x1x16xf32>,
      %get3A_808 = vector.shape_cast %get3A_807 : vector<1x1x16xf32> to vector<16xf32>
      %mul3A_809 = vector.broadcast %squeeze3A : f32 to vector<16xf32>
      %mul3A_810 = arith.mulf %get3A_808, %mul3A_809 : vector<16xf32>
      %add3A_811 = arith.addf %scan3A_575, %mul3A_810 : vector<16xf32>
      %get3A_812 = arith.constant 1 : i32
      %get3A_813 = arith.index_cast %get3A_812 : i32 to index
      %get3A_814 = arith.index_cast %scan3A_552 : i32 to index
      %get3A_815 = arith.constant 368 : index
      %get3A_816 = tpu.vector_load %arg5[%get3A_813, %get3A_814, %get3A_815] {strides = array<i32>} : memref<2x64x768xf32, #tpu.memory_space<vmem>>, vector<1x1x16xf32>,
      %get3A_817 = vector.shape_cast %get3A_816 : vector<1x1x16xf32> to vector<16xf32>
      %mul3A_818 = vector.broadcast %squeeze3A : f32 to vector<16xf32>
      %mul3A_819 = arith.mulf %get3A_817, %mul3A_818 : vector<16xf32>
      %add3A_820 = arith.addf %scan3A_576, %mul3A_819 : vector<16xf32>
      %get3A_821 = arith.constant 1 : i32
      %get3A_822 = arith.index_cast %get3A_821 : i32 to index
      %get3A_823 = arith.index_cast %scan3A_552 : i32 to index
      %get3A_824 = arith.constant 384 : index
      %get3A_825 = tpu.vector_load %arg5[%get3A_822, %get3A_823, %get3A_824] {strides = array<i32>} : memref<2x64x768xf32, #tpu.memory_space<vmem>>, vector<1x1x16xf32>,
      %get3A_826 = vector.shape_cast %get3A_825 : vector<1x1x16xf32> to vector<16xf32>
      %mul3A_827 = vector.broadcast %squeeze3A : f32 to vector<16xf32>
      %mul3A_828 = arith.mulf %get3A_826, %mul3A_827 : vector<16xf32>
      %add3A_829 = arith.addf %scan3A_577, %mul3A_828 : vector<16xf32>
      %get3A_830 = arith.constant 1 : i32
      %get3A_831 = arith.index_cast %get3A_830 : i32 to index
      %get3A_832 = arith.index_cast %scan3A_552 : i32 to index
      %get3A_833 = arith.constant 400 : index
      %get3A_834 = tpu.vector_load %arg5[%get3A_831, %get3A_832, %get3A_833] {strides = array<i32>} : memref<2x64x768xf32, #tpu.memory_space<vmem>>, vector<1x1x16xf32>,
      %get3A_835 = vector.shape_cast %get3A_834 : vector<1x1x16xf32> to vector<16xf32>
      %mul3A_836 = vector.broadcast %squeeze3A : f32 to vector<16xf32>
      %mul3A_837 = arith.mulf %get3A_835, %mul3A_836 : vector<16xf32>
      %add3A_838 = arith.addf %scan3A_578, %mul3A_837 : vector<16xf32>
      %get3A_839 = arith.constant 1 : i32
      %get3A_840 = arith.index_cast %get3A_839 : i32 to index
      %get3A_841 = arith.index_cast %scan3A_552 : i32 to index
      %get3A_842 = arith.constant 416 : index
      %get3A_843 = tpu.vector_load %arg5[%get3A_840, %get3A_841, %get3A_842] {strides = array<i32>} : memref<2x64x768xf32, #tpu.memory_space<vmem>>, vector<1x1x16xf32>,
      %get3A_844 = vector.shape_cast %get3A_843 : vector<1x1x16xf32> to vector<16xf32>
      %mul3A_845 = vector.broadcast %squeeze3A : f32 to vector<16xf32>
      %mul3A_846 = arith.mulf %get3A_844, %mul3A_845 : vector<16xf32>
      %add3A_847 = arith.addf %scan3A_579, %mul3A_846 : vector<16xf32>
      %get3A_848 = arith.constant 1 : i32
      %get3A_849 = arith.index_cast %get3A_848 : i32 to index
      %get3A_850 = arith.index_cast %scan3A_552 : i32 to index
      %get3A_851 = arith.constant 432 : index
      %get3A_852 = tpu.vector_load %arg5[%get3A_849, %get3A_850, %get3A_851] {strides = array<i32>} : memref<2x64x768xf32, #tpu.memory_space<vmem>>, vector<1x1x16xf32>,
      %get3A_853 = vector.shape_cast %get3A_852 : vector<1x1x16xf32> to vector<16xf32>
      %mul3A_854 = vector.broadcast %squeeze3A : f32 to vector<16xf32>
      %mul3A_855 = arith.mulf %get3A_853, %mul3A_854 : vector<16xf32>
      %add3A_856 = arith.addf %scan3A_580, %mul3A_855 : vector<16xf32>
      %get3A_857 = arith.constant 1 : i32
      %get3A_858 = arith.index_cast %get3A_857 : i32 to index
      %get3A_859 = arith.index_cast %scan3A_552 : i32 to index
      %get3A_860 = arith.constant 448 : index
      %get3A_861 = tpu.vector_load %arg5[%get3A_858, %get3A_859, %get3A_860] {strides = array<i32>} : memref<2x64x768xf32, #tpu.memory_space<vmem>>, vector<1x1x16xf32>,
      %get3A_862 = vector.shape_cast %get3A_861 : vector<1x1x16xf32> to vector<16xf32>
      %mul3A_863 = vector.broadcast %squeeze3A : f32 to vector<16xf32>
      %mul3A_864 = arith.mulf %get3A_862, %mul3A_863 : vector<16xf32>
      %add3A_865 = arith.addf %scan3A_581, %mul3A_864 : vector<16xf32>
      %get3A_866 = arith.constant 1 : i32
      %get3A_867 = arith.index_cast %get3A_866 : i32 to index
      %get3A_868 = arith.index_cast %scan3A_552 : i32 to index
      %get3A_869 = arith.constant 464 : index
      %get3A_870 = tpu.vector_load %arg5[%get3A_867, %get3A_868, %get3A_869] {strides = array<i32>} : memref<2x64x768xf32, #tpu.memory_space<vmem>>, vector<1x1x16xf32>,
      %get3A_871 = vector.shape_cast %get3A_870 : vector<1x1x16xf32> to vector<16xf32>
      %mul3A_872 = vector.broadcast %squeeze3A : f32 to vector<16xf32>
      %mul3A_873 = arith.mulf %get3A_871, %mul3A_872 : vector<16xf32>
      %add3A_874 = arith.addf %scan3A_582, %mul3A_873 : vector<16xf32>
      %get3A_875 = arith.constant 1 : i32
      %get3A_876 = arith.index_cast %get3A_875 : i32 to index
      %get3A_877 = arith.index_cast %scan3A_552 : i32 to index
      %get3A_878 = arith.constant 480 : index
      %get3A_879 = tpu.vector_load %arg5[%get3A_876, %get3A_877, %get3A_878] {strides = array<i32>} : memref<2x64x768xf32, #tpu.memory_space<vmem>>, vector<1x1x16xf32>,
      %get3A_880 = vector.shape_cast %get3A_879 : vector<1x1x16xf32> to vector<16xf32>
      %mul3A_881 = vector.broadcast %squeeze3A : f32 to vector<16xf32>
      %mul3A_882 = arith.mulf %get3A_880, %mul3A_881 : vector<16xf32>
      %add3A_883 = arith.addf %scan3A_583, %mul3A_882 : vector<16xf32>
      %get3A_884 = arith.constant 1 : i32
      %get3A_885 = arith.index_cast %get3A_884 : i32 to index
      %get3A_886 = arith.index_cast %scan3A_552 : i32 to index
      %get3A_887 = arith.constant 496 : index
      %get3A_888 = tpu.vector_load %arg5[%get3A_885, %get3A_886, %get3A_887] {strides = array<i32>} : memref<2x64x768xf32, #tpu.memory_space<vmem>>, vector<1x1x16xf32>,
      %get3A_889 = vector.shape_cast %get3A_888 : vector<1x1x16xf32> to vector<16xf32>
      %mul3A_890 = vector.broadcast %squeeze3A : f32 to vector<16xf32>
      %mul3A_891 = arith.mulf %get3A_889, %mul3A_890 : vector<16xf32>
      %add3A_892 = arith.addf %scan3A_584, %mul3A_891 : vector<16xf32>
      %get3A_893 = arith.constant 1 : i32
      %get3A_894 = arith.index_cast %get3A_893 : i32 to index
      %get3A_895 = arith.index_cast %scan3A_552 : i32 to index
      %get3A_896 = arith.constant 512 : index
      %get3A_897 = tpu.vector_load %arg5[%get3A_894, %get3A_895, %get3A_896] {strides = array<i32>} : memref<2x64x768xf32, #tpu.memory_space<vmem>>, vector<1x1x16xf32>,
      %get3A_898 = vector.shape_cast %get3A_897 : vector<1x1x16xf32> to vector<16xf32>
      %mul3A_899 = vector.broadcast %squeeze3A : f32 to vector<16xf32>
      %mul3A_900 = arith.mulf %get3A_898, %mul3A_899 : vector<16xf32>
      %add3A_901 = arith.addf %scan3A_585, %mul3A_900 : vector<16xf32>
      %get3A_902 = arith.constant 1 : i32
      %get3A_903 = arith.index_cast %get3A_902 : i32 to index
      %get3A_904 = arith.index_cast %scan3A_552 : i32 to index
      %get3A_905 = arith.constant 528 : index
      %get3A_906 = tpu.vector_load %arg5[%get3A_903, %get3A_904, %get3A_905] {strides = array<i32>} : memref<2x64x768xf32, #tpu.memory_space<vmem>>, vector<1x1x16xf32>,
      %get3A_907 = vector.shape_cast %get3A_906 : vector<1x1x16xf32> to vector<16xf32>
      %mul3A_908 = vector.broadcast %squeeze3A : f32 to vector<16xf32>
      %mul3A_909 = arith.mulf %get3A_907, %mul3A_908 : vector<16xf32>
      %add3A_910 = arith.addf %scan3A_586, %mul3A_909 : vector<16xf32>
      %get3A_911 = arith.constant 1 : i32
      %get3A_912 = arith.index_cast %get3A_911 : i32 to index
      %get3A_913 = arith.index_cast %scan3A_552 : i32 to index
      %get3A_914 = arith.constant 544 : index
      %get3A_915 = tpu.vector_load %arg5[%get3A_912, %get3A_913, %get3A_914] {strides = array<i32>} : memref<2x64x768xf32, #tpu.memory_space<vmem>>, vector<1x1x16xf32>,
      %get3A_916 = vector.shape_cast %get3A_915 : vector<1x1x16xf32> to vector<16xf32>
      %mul3A_917 = vector.broadcast %squeeze3A : f32 to vector<16xf32>
      %mul3A_918 = arith.mulf %get3A_916, %mul3A_917 : vector<16xf32>
      %add3A_919 = arith.addf %scan3A_587, %mul3A_918 : vector<16xf32>
      %get3A_920 = arith.constant 1 : i32
      %get3A_921 = arith.index_cast %get3A_920 : i32 to index
      %get3A_922 = arith.index_cast %scan3A_552 : i32 to index
      %get3A_923 = arith.constant 560 : index
      %get3A_924 = tpu.vector_load %arg5[%get3A_921, %get3A_922, %get3A_923] {strides = array<i32>} : memref<2x64x768xf32, #tpu.memory_space<vmem>>, vector<1x1x16xf32>,
      %get3A_925 = vector.shape_cast %get3A_924 : vector<1x1x16xf32> to vector<16xf32>
      %mul3A_926 = vector.broadcast %squeeze3A : f32 to vector<16xf32>
      %mul3A_927 = arith.mulf %get3A_925, %mul3A_926 : vector<16xf32>
      %add3A_928 = arith.addf %scan3A_588, %mul3A_927 : vector<16xf32>
      %get3A_929 = arith.constant 1 : i32
      %get3A_930 = arith.index_cast %get3A_929 : i32 to index
      %get3A_931 = arith.index_cast %scan3A_552 : i32 to index
      %get3A_932 = arith.constant 576 : index
      %get3A_933 = tpu.vector_load %arg5[%get3A_930, %get3A_931, %get3A_932] {strides = array<i32>} : memref<2x64x768xf32, #tpu.memory_space<vmem>>, vector<1x1x16xf32>,
      %get3A_934 = vector.shape_cast %get3A_933 : vector<1x1x16xf32> to vector<16xf32>
      %mul3A_935 = vector.broadcast %squeeze3A : f32 to vector<16xf32>
      %mul3A_936 = arith.mulf %get3A_934, %mul3A_935 : vector<16xf32>
      %add3A_937 = arith.addf %scan3A_589, %mul3A_936 : vector<16xf32>
      %get3A_938 = arith.constant 1 : i32
      %get3A_939 = arith.index_cast %get3A_938 : i32 to index
      %get3A_940 = arith.index_cast %scan3A_552 : i32 to index
      %get3A_941 = arith.constant 592 : index
      %get3A_942 = tpu.vector_load %arg5[%get3A_939, %get3A_940, %get3A_941] {strides = array<i32>} : memref<2x64x768xf32, #tpu.memory_space<vmem>>, vector<1x1x16xf32>,
      %get3A_943 = vector.shape_cast %get3A_942 : vector<1x1x16xf32> to vector<16xf32>
      %mul3A_944 = vector.broadcast %squeeze3A : f32 to vector<16xf32>
      %mul3A_945 = arith.mulf %get3A_943, %mul3A_944 : vector<16xf32>
      %add3A_946 = arith.addf %scan3A_590, %mul3A_945 : vector<16xf32>
      %get3A_947 = arith.constant 1 : i32
      %get3A_948 = arith.index_cast %get3A_947 : i32 to index
      %get3A_949 = arith.index_cast %scan3A_552 : i32 to index
      %get3A_950 = arith.constant 608 : index
      %get3A_951 = tpu.vector_load %arg5[%get3A_948, %get3A_949, %get3A_950] {strides = array<i32>} : memref<2x64x768xf32, #tpu.memory_space<vmem>>, vector<1x1x16xf32>,
      %get3A_952 = vector.shape_cast %get3A_951 : vector<1x1x16xf32> to vector<16xf32>
      %mul3A_953 = vector.broadcast %squeeze3A : f32 to vector<16xf32>
      %mul3A_954 = arith.mulf %get3A_952, %mul3A_953 : vector<16xf32>
      %add3A_955 = arith.addf %scan3A_591, %mul3A_954 : vector<16xf32>
      %get3A_956 = arith.constant 1 : i32
      %get3A_957 = arith.index_cast %get3A_956 : i32 to index
      %get3A_958 = arith.index_cast %scan3A_552 : i32 to index
      %get3A_959 = arith.constant 624 : index
      %get3A_960 = tpu.vector_load %arg5[%get3A_957, %get3A_958, %get3A_959] {strides = array<i32>} : memref<2x64x768xf32, #tpu.memory_space<vmem>>, vector<1x1x16xf32>,
      %get3A_961 = vector.shape_cast %get3A_960 : vector<1x1x16xf32> to vector<16xf32>
      %mul3A_962 = vector.broadcast %squeeze3A : f32 to vector<16xf32>
      %mul3A_963 = arith.mulf %get3A_961, %mul3A_962 : vector<16xf32>
      %add3A_964 = arith.addf %scan3A_592, %mul3A_963 : vector<16xf32>
      %get3A_965 = arith.constant 1 : i32
      %get3A_966 = arith.index_cast %get3A_965 : i32 to index
      %get3A_967 = arith.index_cast %scan3A_552 : i32 to index
      %get3A_968 = arith.constant 640 : index
      %get3A_969 = tpu.vector_load %arg5[%get3A_966, %get3A_967, %get3A_968] {strides = array<i32>} : memref<2x64x768xf32, #tpu.memory_space<vmem>>, vector<1x1x16xf32>,
      %get3A_970 = vector.shape_cast %get3A_969 : vector<1x1x16xf32> to vector<16xf32>
      %mul3A_971 = vector.broadcast %squeeze3A : f32 to vector<16xf32>
      %mul3A_972 = arith.mulf %get3A_970, %mul3A_971 : vector<16xf32>
      %add3A_973 = arith.addf %scan3A_593, %mul3A_972 : vector<16xf32>
      %get3A_974 = arith.constant 1 : i32
      %get3A_975 = arith.index_cast %get3A_974 : i32 to index
      %get3A_976 = arith.index_cast %scan3A_552 : i32 to index
      %get3A_977 = arith.constant 656 : index
      %get3A_978 = tpu.vector_load %arg5[%get3A_975, %get3A_976, %get3A_977] {strides = array<i32>} : memref<2x64x768xf32, #tpu.memory_space<vmem>>, vector<1x1x16xf32>,
      %get3A_979 = vector.shape_cast %get3A_978 : vector<1x1x16xf32> to vector<16xf32>
      %mul3A_980 = vector.broadcast %squeeze3A : f32 to vector<16xf32>
      %mul3A_981 = arith.mulf %get3A_979, %mul3A_980 : vector<16xf32>
      %add3A_982 = arith.addf %scan3A_594, %mul3A_981 : vector<16xf32>
      %get3A_983 = arith.constant 1 : i32
      %get3A_984 = arith.index_cast %get3A_983 : i32 to index
      %get3A_985 = arith.index_cast %scan3A_552 : i32 to index
      %get3A_986 = arith.constant 672 : index
      %get3A_987 = tpu.vector_load %arg5[%get3A_984, %get3A_985, %get3A_986] {strides = array<i32>} : memref<2x64x768xf32, #tpu.memory_space<vmem>>, vector<1x1x16xf32>,
      %get3A_988 = vector.shape_cast %get3A_987 : vector<1x1x16xf32> to vector<16xf32>
      %mul3A_989 = vector.broadcast %squeeze3A : f32 to vector<16xf32>
      %mul3A_990 = arith.mulf %get3A_988, %mul3A_989 : vector<16xf32>
      %add3A_991 = arith.addf %scan3A_595, %mul3A_990 : vector<16xf32>
      %get3A_992 = arith.constant 1 : i32
      %get3A_993 = arith.index_cast %get3A_992 : i32 to index
      %get3A_994 = arith.index_cast %scan3A_552 : i32 to index
      %get3A_995 = arith.constant 688 : index
      %get3A_996 = tpu.vector_load %arg5[%get3A_993, %get3A_994, %get3A_995] {strides = array<i32>} : memref<2x64x768xf32, #tpu.memory_space<vmem>>, vector<1x1x16xf32>,
      %get3A_997 = vector.shape_cast %get3A_996 : vector<1x1x16xf32> to vector<16xf32>
      %mul3A_998 = vector.broadcast %squeeze3A : f32 to vector<16xf32>
      %mul3A_999 = arith.mulf %get3A_997, %mul3A_998 : vector<16xf32>
      %add3A_1000 = arith.addf %scan3A_596, %mul3A_999 : vector<16xf32>
      %get3A_1001 = arith.constant 1 : i32
      %get3A_1002 = arith.index_cast %get3A_1001 : i32 to index
      %get3A_1003 = arith.index_cast %scan3A_552 : i32 to index
      %get3A_1004 = arith.constant 704 : index
      %get3A_1005 = tpu.vector_load %arg5[%get3A_1002, %get3A_1003, %get3A_1004] {strides = array<i32>} : memref<2x64x768xf32, #tpu.memory_space<vmem>>, vector<1x1x16xf32>,
      %get3A_1006 = vector.shape_cast %get3A_1005 : vector<1x1x16xf32> to vector<16xf32>
      %mul3A_1007 = vector.broadcast %squeeze3A : f32 to vector<16xf32>
      %mul3A_1008 = arith.mulf %get3A_1006, %mul3A_1007 : vector<16xf32>
      %add3A_1009 = arith.addf %scan3A_597, %mul3A_1008 : vector<16xf32>
      %get3A_1010 = arith.constant 1 : i32
      %get3A_1011 = arith.index_cast %get3A_1010 : i32 to index
      %get3A_1012 = arith.index_cast %scan3A_552 : i32 to index
      %get3A_1013 = arith.constant 720 : index
      %get3A_1014 = tpu.vector_load %arg5[%get3A_1011, %get3A_1012, %get3A_1013] {strides = array<i32>} : memref<2x64x768xf32, #tpu.memory_space<vmem>>, vector<1x1x16xf32>,
      %get3A_1015 = vector.shape_cast %get3A_1014 : vector<1x1x16xf32> to vector<16xf32>
      %mul3A_1016 = vector.broadcast %squeeze3A : f32 to vector<16xf32>
      %mul3A_1017 = arith.mulf %get3A_1015, %mul3A_1016 : vector<16xf32>
      %add3A_1018 = arith.addf %scan3A_598, %mul3A_1017 : vector<16xf32>
      %get3A_1019 = arith.constant 1 : i32
      %get3A_1020 = arith.index_cast %get3A_1019 : i32 to index
      %get3A_1021 = arith.index_cast %scan3A_552 : i32 to index
      %get3A_1022 = arith.constant 736 : index
      %get3A_1023 = tpu.vector_load %arg5[%get3A_1020, %get3A_1021, %get3A_1022] {strides = array<i32>} : memref<2x64x768xf32, #tpu.memory_space<vmem>>, vector<1x1x16xf32>,
      %get3A_1024 = vector.shape_cast %get3A_1023 : vector<1x1x16xf32> to vector<16xf32>
      %mul3A_1025 = vector.broadcast %squeeze3A : f32 to vector<16xf32>
      %mul3A_1026 = arith.mulf %get3A_1024, %mul3A_1025 : vector<16xf32>
      %add3A_1027 = arith.addf %scan3A_599, %mul3A_1026 : vector<16xf32>
      %get3A_1028 = arith.constant 1 : i32
      %get3A_1029 = arith.index_cast %get3A_1028 : i32 to index
      %get3A_1030 = arith.index_cast %scan3A_552 : i32 to index
      %get3A_1031 = arith.constant 752 : index
      %get3A_1032 = tpu.vector_load %arg5[%get3A_1029, %get3A_1030, %get3A_1031] {strides = array<i32>} : memref<2x64x768xf32, #tpu.memory_space<vmem>>, vector<1x1x16xf32>,
      %get3A_1033 = vector.shape_cast %get3A_1032 : vector<1x1x16xf32> to vector<16xf32>
      %mul3A_1034 = vector.broadcast %squeeze3A : f32 to vector<16xf32>
      %mul3A_1035 = arith.mulf %get3A_1033, %mul3A_1034 : vector<16xf32>
      %add3A_1036 = arith.addf %scan3A_600, %mul3A_1035 : vector<16xf32>
      scf.yield %add3A_613, %add3A_622, %add3A_631, %add3A_640, %add3A_649, %add3A_658, %add3A_667, %add3A_676, %add3A_685, %add3A_694, %add3A_703, %add3A_712, %add3A_721, %add3A_730, %add3A_739, %add3A_748, %add3A_757, %add3A_766, %add3A_775, %add3A_784, %add3A_793, %add3A_802, %add3A_811, %add3A_820, %add3A_829, %add3A_838, %add3A_847, %add3A_856, %add3A_865, %add3A_874, %add3A_883, %add3A_892, %add3A_901, %add3A_910, %add3A_919, %add3A_928, %add3A_937, %add3A_946, %add3A_955, %add3A_964, %add3A_973, %add3A_982, %add3A_991, %add3A_1000, %add3A_1009, %add3A_1018, %add3A_1027, %add3A_1036 : vector<16xf32>, vector<16xf32>, vector<16xf32>, vector<16xf32>, vector<16xf32>, vector<16xf32>, vector<16xf32>, vector<16xf32>, vector<16xf32>, vector<16xf32>, vector<16xf32>, vector<16xf32>, vector<16xf32>, vector<16xf32>, vector<16xf32>, vector<16xf32>, vector<16xf32>, vector<16xf32>, vector<16xf32>, vector<16xf32>, vector<16xf32>, vector<16xf32>, vector<16xf32>, vector<16xf32>, vector<16xf32>, vector<16xf32>, vector<16xf32>, vector<16xf32>, vector<16xf32>, vector<16xf32>, vector<16xf32>, vector<16xf32>, vector<16xf32>, vector<16xf32>, vector<16xf32>, vector<16xf32>, vector<16xf32>, vector<16xf32>, vector<16xf32>, vector<16xf32>, vector<16xf32>, vector<16xf32>, vector<16xf32>, vector<16xf32>, vector<16xf32>, vector<16xf32>, vector<16xf32>, vector<16xf32>
    }
    %scan3A_294 = arith.constant 64 : i32
    %add3A_295 = arith.constant 320 : i32
    %add3A_296 = arith.addi %add3A_4, %add3A_295 : i32
    %dma_start3A_297 = arith.constant 1 : i32
    %dma_start3A_298 = arith.constant 1 : i32
    %dma_start3A_299 = arith.constant 0 : i32
    %dma_start3A_300 = arith.constant 0 : i32
    %dma_start3A_301 = tpu.memref_slice %arg5[%dma_start3A_297, %dma_start3A_299, %dma_start3A_300] : memref<2x64x768xf32, #tpu.memory_space<vmem>> -> memref<1x64x768xf32, #tpu.memory_space<vmem>>
    %dma_start3A_302 = tpu.memref_squeeze %dma_start3A_301 : memref<1x64x768xf32, #tpu.memory_space<vmem>> -> memref<64x768xf32, #tpu.memory_space<vmem>>
    %dma_start3A_303 = arith.constant 0 : i32
    %dma_start3A_304 = tpu.memref_slice %arg2[%add3A_296, %dma_start3A_303] : memref<32768x768xf32, #tpu.memory_space<hbm>> -> memref<64x768xf32, #tpu.memory_space<hbm>>
    %dma_start3A_305 = tpu.memref_slice %arg8[%dma_start3A_298] : memref<2x!tpu.dma_semaphore, #tpu.memory_space<semaphore_mem>> -> memref<1x!tpu.dma_semaphore, #tpu.memory_space<semaphore_mem>>
    %dma_start3A_306 = tpu.memref_squeeze %dma_start3A_305 : memref<1x!tpu.dma_semaphore, #tpu.memory_space<semaphore_mem>> -> memref<!tpu.dma_semaphore, #tpu.memory_space<semaphore_mem>>
    %dma_start3A_307 = arith.constant 0 : i32
    %dma_start3A_308 = arith.constant 0 : i32
    %dma_start3A_309 = tpu.memref_slice %arg5[%dma_start3A_297, %dma_start3A_307, %dma_start3A_308] : memref<2x64x768xf32, #tpu.memory_space<vmem>> -> memref<1x64x768xf32, #tpu.memory_space<vmem>>
    %dma_start3A_310 = tpu.memref_squeeze %dma_start3A_309 : memref<1x64x768xf32, #tpu.memory_space<vmem>> -> memref<64x768xf32, #tpu.memory_space<vmem>>
    %dma_start3A_311 = arith.constant 0 : i32
    %dma_start3A_312 = tpu.memref_slice %arg2[%add3A_296, %dma_start3A_311] : memref<32768x768xf32, #tpu.memory_space<hbm>> -> memref<64x768xf32, #tpu.memory_space<hbm>>
    tpu.enqueue_dma source(%dma_start3A_312 : memref<64x768xf32, #tpu.memory_space<hbm>>) target(%dma_start3A_310 : memref<64x768xf32, #tpu.memory_space<vmem>>) target_semaphore(%dma_start3A_306 : memref<!tpu.dma_semaphore, #tpu.memory_space<semaphore_mem>>)
    %add3A_313 = arith.constant 256 : i32
    %add3A_314 = arith.addi %add3A_4, %add3A_313 : i32
    %dma_wait3A_315 = arith.constant 0 : i32
    %dma_wait3A_316 = arith.constant 0 : i32
    %dma_wait3A_317 = arith.constant 0 : i32
    %dma_wait3A_318 = arith.constant 0 : i32
    %dma_wait3A_319 = tpu.memref_slice %arg5[%dma_wait3A_315, %dma_wait3A_317, %dma_wait3A_318] : memref<2x64x768xf32, #tpu.memory_space<vmem>> -> memref<1x64x768xf32, #tpu.memory_space<vmem>>
    %dma_wait3A_320 = tpu.memref_squeeze %dma_wait3A_319 : memref<1x64x768xf32, #tpu.memory_space<vmem>> -> memref<64x768xf32, #tpu.memory_space<vmem>>
    %dma_wait3A_321 = arith.constant 0 : i32
    %dma_wait3A_322 = tpu.memref_slice %arg2[%add3A_314, %dma_wait3A_321] : memref<32768x768xf32, #tpu.memory_space<hbm>> -> memref<64x768xf32, #tpu.memory_space<hbm>>
    %dma_wait3A_323 = tpu.memref_slice %arg8[%dma_wait3A_316] : memref<2x!tpu.dma_semaphore, #tpu.memory_space<semaphore_mem>> -> memref<1x!tpu.dma_semaphore, #tpu.memory_space<semaphore_mem>>
    %dma_wait3A_324 = tpu.memref_squeeze %dma_wait3A_323 : memref<1x!tpu.dma_semaphore, #tpu.memory_space<semaphore_mem>> -> memref<!tpu.dma_semaphore, #tpu.memory_space<semaphore_mem>>
    %dma_wait3A_325 = arith.constant 0 : i32
    %dma_wait3A_326 = arith.constant 0 : i32
    %dma_wait3A_327 = tpu.memref_slice %arg5[%dma_wait3A_315, %dma_wait3A_325, %dma_wait3A_326] : memref<2x64x768xf32, #tpu.memory_space<vmem>> -> memref<1x64x768xf32, #tpu.memory_space<vmem>>
    %dma_wait3A_328 = tpu.memref_squeeze %dma_wait3A_327 : memref<1x64x768xf32, #tpu.memory_space<vmem>> -> memref<64x768xf32, #tpu.memory_space<vmem>>
    %dma_wait3A_329 = arith.constant 0 : i32
    %dma_wait3A_330 = tpu.memref_slice %arg2[%add3A_314, %dma_wait3A_329] : memref<32768x768xf32, #tpu.memory_space<hbm>> -> memref<64x768xf32, #tpu.memory_space<hbm>>
    tpu.wait_dma2 semaphore(%dma_wait3A_324 : memref<!tpu.dma_semaphore, #tpu.memory_space<semaphore_mem>>) src(%dma_wait3A_330 : memref<64x768xf32, #tpu.memory_space<hbm>>) dst(%dma_wait3A_328 : memref<64x768xf32, #tpu.memory_space<vmem>>)
    %scan3A_331 = arith.constant 0 : i32
    %scan3A_332 = arith.constant 64 : i32
    %scan3A_333 = arith.addi %scan3A_331, %scan3A_332 : i32
    %scan3A_334 = arith.constant 1 : i32
    %scan3A_335:48 = scf.for %scan3A_552 = %scan3A_331 to %scan3A_333 step %scan3A_334 iter_args(%scan3A_553 = %scan3A_293#0, %scan3A_554 = %scan3A_293#1, %scan3A_555 = %scan3A_293#2, %scan3A_556 = %scan3A_293#3, %scan3A_557 = %scan3A_293#4, %scan3A_558 = %scan3A_293#5, %scan3A_559 = %scan3A_293#6, %scan3A_560 = %scan3A_293#7, %scan3A_561 = %scan3A_293#8, %scan3A_562 = %scan3A_293#9, %scan3A_563 = %scan3A_293#10, %scan3A_564 = %scan3A_293#11, %scan3A_565 = %scan3A_293#12, %scan3A_566 = %scan3A_293#13, %scan3A_567 = %scan3A_293#14, %scan3A_568 = %scan3A_293#15, %scan3A_569 = %scan3A_293#16, %scan3A_570 = %scan3A_293#17, %scan3A_571 = %scan3A_293#18, %scan3A_572 = %scan3A_293#19, %scan3A_573 = %scan3A_293#20, %scan3A_574 = %scan3A_293#21, %scan3A_575 = %scan3A_293#22, %scan3A_576 = %scan3A_293#23, %scan3A_577 = %scan3A_293#24, %scan3A_578 = %scan3A_293#25, %scan3A_579 = %scan3A_293#26, %scan3A_580 = %scan3A_293#27, %scan3A_581 = %scan3A_293#28, %scan3A_582 = %scan3A_293#29, %scan3A_583 = %scan3A_293#30, %scan3A_584 = %scan3A_293#31, %scan3A_585 = %scan3A_293#32, %scan3A_586 = %scan3A_293#33, %scan3A_587 = %scan3A_293#34, %scan3A_588 = %scan3A_293#35, %scan3A_589 = %scan3A_293#36, %scan3A_590 = %scan3A_293#37, %scan3A_591 = %scan3A_293#38, %scan3A_592 = %scan3A_293#39, %scan3A_593 = %scan3A_293#40, %scan3A_594 = %scan3A_293#41, %scan3A_595 = %scan3A_293#42, %scan3A_596 = %scan3A_293#43, %scan3A_597 = %scan3A_293#44, %scan3A_598 = %scan3A_293#45, %scan3A_599 = %scan3A_293#46, %scan3A_600 = %scan3A_293#47) -> (vector<16xf32>, vector<16xf32>, vector<16xf32>, vector<16xf32>, vector<16xf32>, vector<16xf32>, vector<16xf32>, vector<16xf32>, vector<16xf32>, vector<16xf32>, vector<16xf32>, vector<16xf32>, vector<16xf32>, vector<16xf32>, vector<16xf32>, vector<16xf32>, vector<16xf32>, vector<16xf32>, vector<16xf32>, vector<16xf32>, vector<16xf32>, vector<16xf32>, vector<16xf32>, vector<16xf32>, vector<16xf32>, vector<16xf32>, vector<16xf32>, vector<16xf32>, vector<16xf32>, vector<16xf32>, vector<16xf32>, vector<16xf32>, vector<16xf32>, vector<16xf32>, vector<16xf32>, vector<16xf32>, vector<16xf32>, vector<16xf32>, vector<16xf32>, vector<16xf32>, vector<16xf32>, vector<16xf32>, vector<16xf32>, vector<16xf32>, vector<16xf32>, vector<16xf32>, vector<16xf32>, vector<16xf32>)  : i32 {
      %add3A_601 = arith.constant 256 : i32
      %add3A_602 = arith.addi %add3A_601, %scan3A_552 : i32
      %get3A = arith.index_cast %add3A_602 : i32 to index
      %get3A_603 = tpu.vector_load %arg6[%get3A] {strides = array<i32>} : memref<400xf32, #tpu.memory_space<vmem>>, vector<16xf32>,
      %get3A_604 = vector.shape_cast %get3A_603 : vector<16xf32> to vector<16xf32>
      %slice3A = vector.extract_strided_slice %get3A_604 {offsets = [0], sizes = [1], strides = [1]} : vector<16xf32> to vector<1xf32>
      %squeeze3A = vector.extract %slice3A[0] : f32 from vector<1xf32>
      %get3A_605 = arith.constant 0 : i32
      %get3A_606 = arith.index_cast %get3A_605 : i32 to index
      %get3A_607 = arith.index_cast %scan3A_552 : i32 to index
      %get3A_608 = arith.constant 0 : index
      %get3A_609 = tpu.vector_load %arg5[%get3A_606, %get3A_607, %get3A_608] {strides = array<i32>} : memref<2x64x768xf32, #tpu.memory_space<vmem>>, vector<1x1x16xf32>,
      %get3A_610 = vector.shape_cast %get3A_609 : vector<1x1x16xf32> to vector<16xf32>
      %mul3A_611 = vector.broadcast %squeeze3A : f32 to vector<16xf32>
      %mul3A_612 = arith.mulf %get3A_610, %mul3A_611 : vector<16xf32>
      %add3A_613 = arith.addf %scan3A_553, %mul3A_612 : vector<16xf32>
      %get3A_614 = arith.constant 0 : i32
      %get3A_615 = arith.index_cast %get3A_614 : i32 to index
      %get3A_616 = arith.index_cast %scan3A_552 : i32 to index
      %get3A_617 = arith.constant 16 : index
      %get3A_618 = tpu.vector_load %arg5[%get3A_615, %get3A_616, %get3A_617] {strides = array<i32>} : memref<2x64x768xf32, #tpu.memory_space<vmem>>, vector<1x1x16xf32>,
      %get3A_619 = vector.shape_cast %get3A_618 : vector<1x1x16xf32> to vector<16xf32>
      %mul3A_620 = vector.broadcast %squeeze3A : f32 to vector<16xf32>
      %mul3A_621 = arith.mulf %get3A_619, %mul3A_620 : vector<16xf32>
      %add3A_622 = arith.addf %scan3A_554, %mul3A_621 : vector<16xf32>
      %get3A_623 = arith.constant 0 : i32
      %get3A_624 = arith.index_cast %get3A_623 : i32 to index
      %get3A_625 = arith.index_cast %scan3A_552 : i32 to index
      %get3A_626 = arith.constant 32 : index
      %get3A_627 = tpu.vector_load %arg5[%get3A_624, %get3A_625, %get3A_626] {strides = array<i32>} : memref<2x64x768xf32, #tpu.memory_space<vmem>>, vector<1x1x16xf32>,
      %get3A_628 = vector.shape_cast %get3A_627 : vector<1x1x16xf32> to vector<16xf32>
      %mul3A_629 = vector.broadcast %squeeze3A : f32 to vector<16xf32>
      %mul3A_630 = arith.mulf %get3A_628, %mul3A_629 : vector<16xf32>
      %add3A_631 = arith.addf %scan3A_555, %mul3A_630 : vector<16xf32>
      %get3A_632 = arith.constant 0 : i32
      %get3A_633 = arith.index_cast %get3A_632 : i32 to index
      %get3A_634 = arith.index_cast %scan3A_552 : i32 to index
      %get3A_635 = arith.constant 48 : index
      %get3A_636 = tpu.vector_load %arg5[%get3A_633, %get3A_634, %get3A_635] {strides = array<i32>} : memref<2x64x768xf32, #tpu.memory_space<vmem>>, vector<1x1x16xf32>,
      %get3A_637 = vector.shape_cast %get3A_636 : vector<1x1x16xf32> to vector<16xf32>
      %mul3A_638 = vector.broadcast %squeeze3A : f32 to vector<16xf32>
      %mul3A_639 = arith.mulf %get3A_637, %mul3A_638 : vector<16xf32>
      %add3A_640 = arith.addf %scan3A_556, %mul3A_639 : vector<16xf32>
      %get3A_641 = arith.constant 0 : i32
      %get3A_642 = arith.index_cast %get3A_641 : i32 to index
      %get3A_643 = arith.index_cast %scan3A_552 : i32 to index
      %get3A_644 = arith.constant 64 : index
      %get3A_645 = tpu.vector_load %arg5[%get3A_642, %get3A_643, %get3A_644] {strides = array<i32>} : memref<2x64x768xf32, #tpu.memory_space<vmem>>, vector<1x1x16xf32>,
      %get3A_646 = vector.shape_cast %get3A_645 : vector<1x1x16xf32> to vector<16xf32>
      %mul3A_647 = vector.broadcast %squeeze3A : f32 to vector<16xf32>
      %mul3A_648 = arith.mulf %get3A_646, %mul3A_647 : vector<16xf32>
      %add3A_649 = arith.addf %scan3A_557, %mul3A_648 : vector<16xf32>
      %get3A_650 = arith.constant 0 : i32
      %get3A_651 = arith.index_cast %get3A_650 : i32 to index
      %get3A_652 = arith.index_cast %scan3A_552 : i32 to index
      %get3A_653 = arith.constant 80 : index
      %get3A_654 = tpu.vector_load %arg5[%get3A_651, %get3A_652, %get3A_653] {strides = array<i32>} : memref<2x64x768xf32, #tpu.memory_space<vmem>>, vector<1x1x16xf32>,
      %get3A_655 = vector.shape_cast %get3A_654 : vector<1x1x16xf32> to vector<16xf32>
      %mul3A_656 = vector.broadcast %squeeze3A : f32 to vector<16xf32>
      %mul3A_657 = arith.mulf %get3A_655, %mul3A_656 : vector<16xf32>
      %add3A_658 = arith.addf %scan3A_558, %mul3A_657 : vector<16xf32>
      %get3A_659 = arith.constant 0 : i32
      %get3A_660 = arith.index_cast %get3A_659 : i32 to index
      %get3A_661 = arith.index_cast %scan3A_552 : i32 to index
      %get3A_662 = arith.constant 96 : index
      %get3A_663 = tpu.vector_load %arg5[%get3A_660, %get3A_661, %get3A_662] {strides = array<i32>} : memref<2x64x768xf32, #tpu.memory_space<vmem>>, vector<1x1x16xf32>,
      %get3A_664 = vector.shape_cast %get3A_663 : vector<1x1x16xf32> to vector<16xf32>
      %mul3A_665 = vector.broadcast %squeeze3A : f32 to vector<16xf32>
      %mul3A_666 = arith.mulf %get3A_664, %mul3A_665 : vector<16xf32>
      %add3A_667 = arith.addf %scan3A_559, %mul3A_666 : vector<16xf32>
      %get3A_668 = arith.constant 0 : i32
      %get3A_669 = arith.index_cast %get3A_668 : i32 to index
      %get3A_670 = arith.index_cast %scan3A_552 : i32 to index
      %get3A_671 = arith.constant 112 : index
      %get3A_672 = tpu.vector_load %arg5[%get3A_669, %get3A_670, %get3A_671] {strides = array<i32>} : memref<2x64x768xf32, #tpu.memory_space<vmem>>, vector<1x1x16xf32>,
      %get3A_673 = vector.shape_cast %get3A_672 : vector<1x1x16xf32> to vector<16xf32>
      %mul3A_674 = vector.broadcast %squeeze3A : f32 to vector<16xf32>
      %mul3A_675 = arith.mulf %get3A_673, %mul3A_674 : vector<16xf32>
      %add3A_676 = arith.addf %scan3A_560, %mul3A_675 : vector<16xf32>
      %get3A_677 = arith.constant 0 : i32
      %get3A_678 = arith.index_cast %get3A_677 : i32 to index
      %get3A_679 = arith.index_cast %scan3A_552 : i32 to index
      %get3A_680 = arith.constant 128 : index
      %get3A_681 = tpu.vector_load %arg5[%get3A_678, %get3A_679, %get3A_680] {strides = array<i32>} : memref<2x64x768xf32, #tpu.memory_space<vmem>>, vector<1x1x16xf32>,
      %get3A_682 = vector.shape_cast %get3A_681 : vector<1x1x16xf32> to vector<16xf32>
      %mul3A_683 = vector.broadcast %squeeze3A : f32 to vector<16xf32>
      %mul3A_684 = arith.mulf %get3A_682, %mul3A_683 : vector<16xf32>
      %add3A_685 = arith.addf %scan3A_561, %mul3A_684 : vector<16xf32>
      %get3A_686 = arith.constant 0 : i32
      %get3A_687 = arith.index_cast %get3A_686 : i32 to index
      %get3A_688 = arith.index_cast %scan3A_552 : i32 to index
      %get3A_689 = arith.constant 144 : index
      %get3A_690 = tpu.vector_load %arg5[%get3A_687, %get3A_688, %get3A_689] {strides = array<i32>} : memref<2x64x768xf32, #tpu.memory_space<vmem>>, vector<1x1x16xf32>,
      %get3A_691 = vector.shape_cast %get3A_690 : vector<1x1x16xf32> to vector<16xf32>
      %mul3A_692 = vector.broadcast %squeeze3A : f32 to vector<16xf32>
      %mul3A_693 = arith.mulf %get3A_691, %mul3A_692 : vector<16xf32>
      %add3A_694 = arith.addf %scan3A_562, %mul3A_693 : vector<16xf32>
      %get3A_695 = arith.constant 0 : i32
      %get3A_696 = arith.index_cast %get3A_695 : i32 to index
      %get3A_697 = arith.index_cast %scan3A_552 : i32 to index
      %get3A_698 = arith.constant 160 : index
      %get3A_699 = tpu.vector_load %arg5[%get3A_696, %get3A_697, %get3A_698] {strides = array<i32>} : memref<2x64x768xf32, #tpu.memory_space<vmem>>, vector<1x1x16xf32>,
      %get3A_700 = vector.shape_cast %get3A_699 : vector<1x1x16xf32> to vector<16xf32>
      %mul3A_701 = vector.broadcast %squeeze3A : f32 to vector<16xf32>
      %mul3A_702 = arith.mulf %get3A_700, %mul3A_701 : vector<16xf32>
      %add3A_703 = arith.addf %scan3A_563, %mul3A_702 : vector<16xf32>
      %get3A_704 = arith.constant 0 : i32
      %get3A_705 = arith.index_cast %get3A_704 : i32 to index
      %get3A_706 = arith.index_cast %scan3A_552 : i32 to index
      %get3A_707 = arith.constant 176 : index
      %get3A_708 = tpu.vector_load %arg5[%get3A_705, %get3A_706, %get3A_707] {strides = array<i32>} : memref<2x64x768xf32, #tpu.memory_space<vmem>>, vector<1x1x16xf32>,
      %get3A_709 = vector.shape_cast %get3A_708 : vector<1x1x16xf32> to vector<16xf32>
      %mul3A_710 = vector.broadcast %squeeze3A : f32 to vector<16xf32>
      %mul3A_711 = arith.mulf %get3A_709, %mul3A_710 : vector<16xf32>
      %add3A_712 = arith.addf %scan3A_564, %mul3A_711 : vector<16xf32>
      %get3A_713 = arith.constant 0 : i32
      %get3A_714 = arith.index_cast %get3A_713 : i32 to index
      %get3A_715 = arith.index_cast %scan3A_552 : i32 to index
      %get3A_716 = arith.constant 192 : index
      %get3A_717 = tpu.vector_load %arg5[%get3A_714, %get3A_715, %get3A_716] {strides = array<i32>} : memref<2x64x768xf32, #tpu.memory_space<vmem>>, vector<1x1x16xf32>,
      %get3A_718 = vector.shape_cast %get3A_717 : vector<1x1x16xf32> to vector<16xf32>
      %mul3A_719 = vector.broadcast %squeeze3A : f32 to vector<16xf32>
      %mul3A_720 = arith.mulf %get3A_718, %mul3A_719 : vector<16xf32>
      %add3A_721 = arith.addf %scan3A_565, %mul3A_720 : vector<16xf32>
      %get3A_722 = arith.constant 0 : i32
      %get3A_723 = arith.index_cast %get3A_722 : i32 to index
      %get3A_724 = arith.index_cast %scan3A_552 : i32 to index
      %get3A_725 = arith.constant 208 : index
      %get3A_726 = tpu.vector_load %arg5[%get3A_723, %get3A_724, %get3A_725] {strides = array<i32>} : memref<2x64x768xf32, #tpu.memory_space<vmem>>, vector<1x1x16xf32>,
      %get3A_727 = vector.shape_cast %get3A_726 : vector<1x1x16xf32> to vector<16xf32>
      %mul3A_728 = vector.broadcast %squeeze3A : f32 to vector<16xf32>
      %mul3A_729 = arith.mulf %get3A_727, %mul3A_728 : vector<16xf32>
      %add3A_730 = arith.addf %scan3A_566, %mul3A_729 : vector<16xf32>
      %get3A_731 = arith.constant 0 : i32
      %get3A_732 = arith.index_cast %get3A_731 : i32 to index
      %get3A_733 = arith.index_cast %scan3A_552 : i32 to index
      %get3A_734 = arith.constant 224 : index
      %get3A_735 = tpu.vector_load %arg5[%get3A_732, %get3A_733, %get3A_734] {strides = array<i32>} : memref<2x64x768xf32, #tpu.memory_space<vmem>>, vector<1x1x16xf32>,
      %get3A_736 = vector.shape_cast %get3A_735 : vector<1x1x16xf32> to vector<16xf32>
      %mul3A_737 = vector.broadcast %squeeze3A : f32 to vector<16xf32>
      %mul3A_738 = arith.mulf %get3A_736, %mul3A_737 : vector<16xf32>
      %add3A_739 = arith.addf %scan3A_567, %mul3A_738 : vector<16xf32>
      %get3A_740 = arith.constant 0 : i32
      %get3A_741 = arith.index_cast %get3A_740 : i32 to index
      %get3A_742 = arith.index_cast %scan3A_552 : i32 to index
      %get3A_743 = arith.constant 240 : index
      %get3A_744 = tpu.vector_load %arg5[%get3A_741, %get3A_742, %get3A_743] {strides = array<i32>} : memref<2x64x768xf32, #tpu.memory_space<vmem>>, vector<1x1x16xf32>,
      %get3A_745 = vector.shape_cast %get3A_744 : vector<1x1x16xf32> to vector<16xf32>
      %mul3A_746 = vector.broadcast %squeeze3A : f32 to vector<16xf32>
      %mul3A_747 = arith.mulf %get3A_745, %mul3A_746 : vector<16xf32>
      %add3A_748 = arith.addf %scan3A_568, %mul3A_747 : vector<16xf32>
      %get3A_749 = arith.constant 0 : i32
      %get3A_750 = arith.index_cast %get3A_749 : i32 to index
      %get3A_751 = arith.index_cast %scan3A_552 : i32 to index
      %get3A_752 = arith.constant 256 : index
      %get3A_753 = tpu.vector_load %arg5[%get3A_750, %get3A_751, %get3A_752] {strides = array<i32>} : memref<2x64x768xf32, #tpu.memory_space<vmem>>, vector<1x1x16xf32>,
      %get3A_754 = vector.shape_cast %get3A_753 : vector<1x1x16xf32> to vector<16xf32>
      %mul3A_755 = vector.broadcast %squeeze3A : f32 to vector<16xf32>
      %mul3A_756 = arith.mulf %get3A_754, %mul3A_755 : vector<16xf32>
      %add3A_757 = arith.addf %scan3A_569, %mul3A_756 : vector<16xf32>
      %get3A_758 = arith.constant 0 : i32
      %get3A_759 = arith.index_cast %get3A_758 : i32 to index
      %get3A_760 = arith.index_cast %scan3A_552 : i32 to index
      %get3A_761 = arith.constant 272 : index
      %get3A_762 = tpu.vector_load %arg5[%get3A_759, %get3A_760, %get3A_761] {strides = array<i32>} : memref<2x64x768xf32, #tpu.memory_space<vmem>>, vector<1x1x16xf32>,
      %get3A_763 = vector.shape_cast %get3A_762 : vector<1x1x16xf32> to vector<16xf32>
      %mul3A_764 = vector.broadcast %squeeze3A : f32 to vector<16xf32>
      %mul3A_765 = arith.mulf %get3A_763, %mul3A_764 : vector<16xf32>
      %add3A_766 = arith.addf %scan3A_570, %mul3A_765 : vector<16xf32>
      %get3A_767 = arith.constant 0 : i32
      %get3A_768 = arith.index_cast %get3A_767 : i32 to index
      %get3A_769 = arith.index_cast %scan3A_552 : i32 to index
      %get3A_770 = arith.constant 288 : index
      %get3A_771 = tpu.vector_load %arg5[%get3A_768, %get3A_769, %get3A_770] {strides = array<i32>} : memref<2x64x768xf32, #tpu.memory_space<vmem>>, vector<1x1x16xf32>,
      %get3A_772 = vector.shape_cast %get3A_771 : vector<1x1x16xf32> to vector<16xf32>
      %mul3A_773 = vector.broadcast %squeeze3A : f32 to vector<16xf32>
      %mul3A_774 = arith.mulf %get3A_772, %mul3A_773 : vector<16xf32>
      %add3A_775 = arith.addf %scan3A_571, %mul3A_774 : vector<16xf32>
      %get3A_776 = arith.constant 0 : i32
      %get3A_777 = arith.index_cast %get3A_776 : i32 to index
      %get3A_778 = arith.index_cast %scan3A_552 : i32 to index
      %get3A_779 = arith.constant 304 : index
      %get3A_780 = tpu.vector_load %arg5[%get3A_777, %get3A_778, %get3A_779] {strides = array<i32>} : memref<2x64x768xf32, #tpu.memory_space<vmem>>, vector<1x1x16xf32>,
      %get3A_781 = vector.shape_cast %get3A_780 : vector<1x1x16xf32> to vector<16xf32>
      %mul3A_782 = vector.broadcast %squeeze3A : f32 to vector<16xf32>
      %mul3A_783 = arith.mulf %get3A_781, %mul3A_782 : vector<16xf32>
      %add3A_784 = arith.addf %scan3A_572, %mul3A_783 : vector<16xf32>
      %get3A_785 = arith.constant 0 : i32
      %get3A_786 = arith.index_cast %get3A_785 : i32 to index
      %get3A_787 = arith.index_cast %scan3A_552 : i32 to index
      %get3A_788 = arith.constant 320 : index
      %get3A_789 = tpu.vector_load %arg5[%get3A_786, %get3A_787, %get3A_788] {strides = array<i32>} : memref<2x64x768xf32, #tpu.memory_space<vmem>>, vector<1x1x16xf32>,
      %get3A_790 = vector.shape_cast %get3A_789 : vector<1x1x16xf32> to vector<16xf32>
      %mul3A_791 = vector.broadcast %squeeze3A : f32 to vector<16xf32>
      %mul3A_792 = arith.mulf %get3A_790, %mul3A_791 : vector<16xf32>
      %add3A_793 = arith.addf %scan3A_573, %mul3A_792 : vector<16xf32>
      %get3A_794 = arith.constant 0 : i32
      %get3A_795 = arith.index_cast %get3A_794 : i32 to index
      %get3A_796 = arith.index_cast %scan3A_552 : i32 to index
      %get3A_797 = arith.constant 336 : index
      %get3A_798 = tpu.vector_load %arg5[%get3A_795, %get3A_796, %get3A_797] {strides = array<i32>} : memref<2x64x768xf32, #tpu.memory_space<vmem>>, vector<1x1x16xf32>,
      %get3A_799 = vector.shape_cast %get3A_798 : vector<1x1x16xf32> to vector<16xf32>
      %mul3A_800 = vector.broadcast %squeeze3A : f32 to vector<16xf32>
      %mul3A_801 = arith.mulf %get3A_799, %mul3A_800 : vector<16xf32>
      %add3A_802 = arith.addf %scan3A_574, %mul3A_801 : vector<16xf32>
      %get3A_803 = arith.constant 0 : i32
      %get3A_804 = arith.index_cast %get3A_803 : i32 to index
      %get3A_805 = arith.index_cast %scan3A_552 : i32 to index
      %get3A_806 = arith.constant 352 : index
      %get3A_807 = tpu.vector_load %arg5[%get3A_804, %get3A_805, %get3A_806] {strides = array<i32>} : memref<2x64x768xf32, #tpu.memory_space<vmem>>, vector<1x1x16xf32>,
      %get3A_808 = vector.shape_cast %get3A_807 : vector<1x1x16xf32> to vector<16xf32>
      %mul3A_809 = vector.broadcast %squeeze3A : f32 to vector<16xf32>
      %mul3A_810 = arith.mulf %get3A_808, %mul3A_809 : vector<16xf32>
      %add3A_811 = arith.addf %scan3A_575, %mul3A_810 : vector<16xf32>
      %get3A_812 = arith.constant 0 : i32
      %get3A_813 = arith.index_cast %get3A_812 : i32 to index
      %get3A_814 = arith.index_cast %scan3A_552 : i32 to index
      %get3A_815 = arith.constant 368 : index
      %get3A_816 = tpu.vector_load %arg5[%get3A_813, %get3A_814, %get3A_815] {strides = array<i32>} : memref<2x64x768xf32, #tpu.memory_space<vmem>>, vector<1x1x16xf32>,
      %get3A_817 = vector.shape_cast %get3A_816 : vector<1x1x16xf32> to vector<16xf32>
      %mul3A_818 = vector.broadcast %squeeze3A : f32 to vector<16xf32>
      %mul3A_819 = arith.mulf %get3A_817, %mul3A_818 : vector<16xf32>
      %add3A_820 = arith.addf %scan3A_576, %mul3A_819 : vector<16xf32>
      %get3A_821 = arith.constant 0 : i32
      %get3A_822 = arith.index_cast %get3A_821 : i32 to index
      %get3A_823 = arith.index_cast %scan3A_552 : i32 to index
      %get3A_824 = arith.constant 384 : index
      %get3A_825 = tpu.vector_load %arg5[%get3A_822, %get3A_823, %get3A_824] {strides = array<i32>} : memref<2x64x768xf32, #tpu.memory_space<vmem>>, vector<1x1x16xf32>,
      %get3A_826 = vector.shape_cast %get3A_825 : vector<1x1x16xf32> to vector<16xf32>
      %mul3A_827 = vector.broadcast %squeeze3A : f32 to vector<16xf32>
      %mul3A_828 = arith.mulf %get3A_826, %mul3A_827 : vector<16xf32>
      %add3A_829 = arith.addf %scan3A_577, %mul3A_828 : vector<16xf32>
      %get3A_830 = arith.constant 0 : i32
      %get3A_831 = arith.index_cast %get3A_830 : i32 to index
      %get3A_832 = arith.index_cast %scan3A_552 : i32 to index
      %get3A_833 = arith.constant 400 : index
      %get3A_834 = tpu.vector_load %arg5[%get3A_831, %get3A_832, %get3A_833] {strides = array<i32>} : memref<2x64x768xf32, #tpu.memory_space<vmem>>, vector<1x1x16xf32>,
      %get3A_835 = vector.shape_cast %get3A_834 : vector<1x1x16xf32> to vector<16xf32>
      %mul3A_836 = vector.broadcast %squeeze3A : f32 to vector<16xf32>
      %mul3A_837 = arith.mulf %get3A_835, %mul3A_836 : vector<16xf32>
      %add3A_838 = arith.addf %scan3A_578, %mul3A_837 : vector<16xf32>
      %get3A_839 = arith.constant 0 : i32
      %get3A_840 = arith.index_cast %get3A_839 : i32 to index
      %get3A_841 = arith.index_cast %scan3A_552 : i32 to index
      %get3A_842 = arith.constant 416 : index
      %get3A_843 = tpu.vector_load %arg5[%get3A_840, %get3A_841, %get3A_842] {strides = array<i32>} : memref<2x64x768xf32, #tpu.memory_space<vmem>>, vector<1x1x16xf32>,
      %get3A_844 = vector.shape_cast %get3A_843 : vector<1x1x16xf32> to vector<16xf32>
      %mul3A_845 = vector.broadcast %squeeze3A : f32 to vector<16xf32>
      %mul3A_846 = arith.mulf %get3A_844, %mul3A_845 : vector<16xf32>
      %add3A_847 = arith.addf %scan3A_579, %mul3A_846 : vector<16xf32>
      %get3A_848 = arith.constant 0 : i32
      %get3A_849 = arith.index_cast %get3A_848 : i32 to index
      %get3A_850 = arith.index_cast %scan3A_552 : i32 to index
      %get3A_851 = arith.constant 432 : index
      %get3A_852 = tpu.vector_load %arg5[%get3A_849, %get3A_850, %get3A_851] {strides = array<i32>} : memref<2x64x768xf32, #tpu.memory_space<vmem>>, vector<1x1x16xf32>,
      %get3A_853 = vector.shape_cast %get3A_852 : vector<1x1x16xf32> to vector<16xf32>
      %mul3A_854 = vector.broadcast %squeeze3A : f32 to vector<16xf32>
      %mul3A_855 = arith.mulf %get3A_853, %mul3A_854 : vector<16xf32>
      %add3A_856 = arith.addf %scan3A_580, %mul3A_855 : vector<16xf32>
      %get3A_857 = arith.constant 0 : i32
      %get3A_858 = arith.index_cast %get3A_857 : i32 to index
      %get3A_859 = arith.index_cast %scan3A_552 : i32 to index
      %get3A_860 = arith.constant 448 : index
      %get3A_861 = tpu.vector_load %arg5[%get3A_858, %get3A_859, %get3A_860] {strides = array<i32>} : memref<2x64x768xf32, #tpu.memory_space<vmem>>, vector<1x1x16xf32>,
      %get3A_862 = vector.shape_cast %get3A_861 : vector<1x1x16xf32> to vector<16xf32>
      %mul3A_863 = vector.broadcast %squeeze3A : f32 to vector<16xf32>
      %mul3A_864 = arith.mulf %get3A_862, %mul3A_863 : vector<16xf32>
      %add3A_865 = arith.addf %scan3A_581, %mul3A_864 : vector<16xf32>
      %get3A_866 = arith.constant 0 : i32
      %get3A_867 = arith.index_cast %get3A_866 : i32 to index
      %get3A_868 = arith.index_cast %scan3A_552 : i32 to index
      %get3A_869 = arith.constant 464 : index
      %get3A_870 = tpu.vector_load %arg5[%get3A_867, %get3A_868, %get3A_869] {strides = array<i32>} : memref<2x64x768xf32, #tpu.memory_space<vmem>>, vector<1x1x16xf32>,
      %get3A_871 = vector.shape_cast %get3A_870 : vector<1x1x16xf32> to vector<16xf32>
      %mul3A_872 = vector.broadcast %squeeze3A : f32 to vector<16xf32>
      %mul3A_873 = arith.mulf %get3A_871, %mul3A_872 : vector<16xf32>
      %add3A_874 = arith.addf %scan3A_582, %mul3A_873 : vector<16xf32>
      %get3A_875 = arith.constant 0 : i32
      %get3A_876 = arith.index_cast %get3A_875 : i32 to index
      %get3A_877 = arith.index_cast %scan3A_552 : i32 to index
      %get3A_878 = arith.constant 480 : index
      %get3A_879 = tpu.vector_load %arg5[%get3A_876, %get3A_877, %get3A_878] {strides = array<i32>} : memref<2x64x768xf32, #tpu.memory_space<vmem>>, vector<1x1x16xf32>,
      %get3A_880 = vector.shape_cast %get3A_879 : vector<1x1x16xf32> to vector<16xf32>
      %mul3A_881 = vector.broadcast %squeeze3A : f32 to vector<16xf32>
      %mul3A_882 = arith.mulf %get3A_880, %mul3A_881 : vector<16xf32>
      %add3A_883 = arith.addf %scan3A_583, %mul3A_882 : vector<16xf32>
      %get3A_884 = arith.constant 0 : i32
      %get3A_885 = arith.index_cast %get3A_884 : i32 to index
      %get3A_886 = arith.index_cast %scan3A_552 : i32 to index
      %get3A_887 = arith.constant 496 : index
      %get3A_888 = tpu.vector_load %arg5[%get3A_885, %get3A_886, %get3A_887] {strides = array<i32>} : memref<2x64x768xf32, #tpu.memory_space<vmem>>, vector<1x1x16xf32>,
      %get3A_889 = vector.shape_cast %get3A_888 : vector<1x1x16xf32> to vector<16xf32>
      %mul3A_890 = vector.broadcast %squeeze3A : f32 to vector<16xf32>
      %mul3A_891 = arith.mulf %get3A_889, %mul3A_890 : vector<16xf32>
      %add3A_892 = arith.addf %scan3A_584, %mul3A_891 : vector<16xf32>
      %get3A_893 = arith.constant 0 : i32
      %get3A_894 = arith.index_cast %get3A_893 : i32 to index
      %get3A_895 = arith.index_cast %scan3A_552 : i32 to index
      %get3A_896 = arith.constant 512 : index
      %get3A_897 = tpu.vector_load %arg5[%get3A_894, %get3A_895, %get3A_896] {strides = array<i32>} : memref<2x64x768xf32, #tpu.memory_space<vmem>>, vector<1x1x16xf32>,
      %get3A_898 = vector.shape_cast %get3A_897 : vector<1x1x16xf32> to vector<16xf32>
      %mul3A_899 = vector.broadcast %squeeze3A : f32 to vector<16xf32>
      %mul3A_900 = arith.mulf %get3A_898, %mul3A_899 : vector<16xf32>
      %add3A_901 = arith.addf %scan3A_585, %mul3A_900 : vector<16xf32>
      %get3A_902 = arith.constant 0 : i32
      %get3A_903 = arith.index_cast %get3A_902 : i32 to index
      %get3A_904 = arith.index_cast %scan3A_552 : i32 to index
      %get3A_905 = arith.constant 528 : index
      %get3A_906 = tpu.vector_load %arg5[%get3A_903, %get3A_904, %get3A_905] {strides = array<i32>} : memref<2x64x768xf32, #tpu.memory_space<vmem>>, vector<1x1x16xf32>,
      %get3A_907 = vector.shape_cast %get3A_906 : vector<1x1x16xf32> to vector<16xf32>
      %mul3A_908 = vector.broadcast %squeeze3A : f32 to vector<16xf32>
      %mul3A_909 = arith.mulf %get3A_907, %mul3A_908 : vector<16xf32>
      %add3A_910 = arith.addf %scan3A_586, %mul3A_909 : vector<16xf32>
      %get3A_911 = arith.constant 0 : i32
      %get3A_912 = arith.index_cast %get3A_911 : i32 to index
      %get3A_913 = arith.index_cast %scan3A_552 : i32 to index
      %get3A_914 = arith.constant 544 : index
      %get3A_915 = tpu.vector_load %arg5[%get3A_912, %get3A_913, %get3A_914] {strides = array<i32>} : memref<2x64x768xf32, #tpu.memory_space<vmem>>, vector<1x1x16xf32>,
      %get3A_916 = vector.shape_cast %get3A_915 : vector<1x1x16xf32> to vector<16xf32>
      %mul3A_917 = vector.broadcast %squeeze3A : f32 to vector<16xf32>
      %mul3A_918 = arith.mulf %get3A_916, %mul3A_917 : vector<16xf32>
      %add3A_919 = arith.addf %scan3A_587, %mul3A_918 : vector<16xf32>
      %get3A_920 = arith.constant 0 : i32
      %get3A_921 = arith.index_cast %get3A_920 : i32 to index
      %get3A_922 = arith.index_cast %scan3A_552 : i32 to index
      %get3A_923 = arith.constant 560 : index
      %get3A_924 = tpu.vector_load %arg5[%get3A_921, %get3A_922, %get3A_923] {strides = array<i32>} : memref<2x64x768xf32, #tpu.memory_space<vmem>>, vector<1x1x16xf32>,
      %get3A_925 = vector.shape_cast %get3A_924 : vector<1x1x16xf32> to vector<16xf32>
      %mul3A_926 = vector.broadcast %squeeze3A : f32 to vector<16xf32>
      %mul3A_927 = arith.mulf %get3A_925, %mul3A_926 : vector<16xf32>
      %add3A_928 = arith.addf %scan3A_588, %mul3A_927 : vector<16xf32>
      %get3A_929 = arith.constant 0 : i32
      %get3A_930 = arith.index_cast %get3A_929 : i32 to index
      %get3A_931 = arith.index_cast %scan3A_552 : i32 to index
      %get3A_932 = arith.constant 576 : index
      %get3A_933 = tpu.vector_load %arg5[%get3A_930, %get3A_931, %get3A_932] {strides = array<i32>} : memref<2x64x768xf32, #tpu.memory_space<vmem>>, vector<1x1x16xf32>,
      %get3A_934 = vector.shape_cast %get3A_933 : vector<1x1x16xf32> to vector<16xf32>
      %mul3A_935 = vector.broadcast %squeeze3A : f32 to vector<16xf32>
      %mul3A_936 = arith.mulf %get3A_934, %mul3A_935 : vector<16xf32>
      %add3A_937 = arith.addf %scan3A_589, %mul3A_936 : vector<16xf32>
      %get3A_938 = arith.constant 0 : i32
      %get3A_939 = arith.index_cast %get3A_938 : i32 to index
      %get3A_940 = arith.index_cast %scan3A_552 : i32 to index
      %get3A_941 = arith.constant 592 : index
      %get3A_942 = tpu.vector_load %arg5[%get3A_939, %get3A_940, %get3A_941] {strides = array<i32>} : memref<2x64x768xf32, #tpu.memory_space<vmem>>, vector<1x1x16xf32>,
      %get3A_943 = vector.shape_cast %get3A_942 : vector<1x1x16xf32> to vector<16xf32>
      %mul3A_944 = vector.broadcast %squeeze3A : f32 to vector<16xf32>
      %mul3A_945 = arith.mulf %get3A_943, %mul3A_944 : vector<16xf32>
      %add3A_946 = arith.addf %scan3A_590, %mul3A_945 : vector<16xf32>
      %get3A_947 = arith.constant 0 : i32
      %get3A_948 = arith.index_cast %get3A_947 : i32 to index
      %get3A_949 = arith.index_cast %scan3A_552 : i32 to index
      %get3A_950 = arith.constant 608 : index
      %get3A_951 = tpu.vector_load %arg5[%get3A_948, %get3A_949, %get3A_950] {strides = array<i32>} : memref<2x64x768xf32, #tpu.memory_space<vmem>>, vector<1x1x16xf32>,
      %get3A_952 = vector.shape_cast %get3A_951 : vector<1x1x16xf32> to vector<16xf32>
      %mul3A_953 = vector.broadcast %squeeze3A : f32 to vector<16xf32>
      %mul3A_954 = arith.mulf %get3A_952, %mul3A_953 : vector<16xf32>
      %add3A_955 = arith.addf %scan3A_591, %mul3A_954 : vector<16xf32>
      %get3A_956 = arith.constant 0 : i32
      %get3A_957 = arith.index_cast %get3A_956 : i32 to index
      %get3A_958 = arith.index_cast %scan3A_552 : i32 to index
      %get3A_959 = arith.constant 624 : index
      %get3A_960 = tpu.vector_load %arg5[%get3A_957, %get3A_958, %get3A_959] {strides = array<i32>} : memref<2x64x768xf32, #tpu.memory_space<vmem>>, vector<1x1x16xf32>,
      %get3A_961 = vector.shape_cast %get3A_960 : vector<1x1x16xf32> to vector<16xf32>
      %mul3A_962 = vector.broadcast %squeeze3A : f32 to vector<16xf32>
      %mul3A_963 = arith.mulf %get3A_961, %mul3A_962 : vector<16xf32>
      %add3A_964 = arith.addf %scan3A_592, %mul3A_963 : vector<16xf32>
      %get3A_965 = arith.constant 0 : i32
      %get3A_966 = arith.index_cast %get3A_965 : i32 to index
      %get3A_967 = arith.index_cast %scan3A_552 : i32 to index
      %get3A_968 = arith.constant 640 : index
      %get3A_969 = tpu.vector_load %arg5[%get3A_966, %get3A_967, %get3A_968] {strides = array<i32>} : memref<2x64x768xf32, #tpu.memory_space<vmem>>, vector<1x1x16xf32>,
      %get3A_970 = vector.shape_cast %get3A_969 : vector<1x1x16xf32> to vector<16xf32>
      %mul3A_971 = vector.broadcast %squeeze3A : f32 to vector<16xf32>
      %mul3A_972 = arith.mulf %get3A_970, %mul3A_971 : vector<16xf32>
      %add3A_973 = arith.addf %scan3A_593, %mul3A_972 : vector<16xf32>
      %get3A_974 = arith.constant 0 : i32
      %get3A_975 = arith.index_cast %get3A_974 : i32 to index
      %get3A_976 = arith.index_cast %scan3A_552 : i32 to index
      %get3A_977 = arith.constant 656 : index
      %get3A_978 = tpu.vector_load %arg5[%get3A_975, %get3A_976, %get3A_977] {strides = array<i32>} : memref<2x64x768xf32, #tpu.memory_space<vmem>>, vector<1x1x16xf32>,
      %get3A_979 = vector.shape_cast %get3A_978 : vector<1x1x16xf32> to vector<16xf32>
      %mul3A_980 = vector.broadcast %squeeze3A : f32 to vector<16xf32>
      %mul3A_981 = arith.mulf %get3A_979, %mul3A_980 : vector<16xf32>
      %add3A_982 = arith.addf %scan3A_594, %mul3A_981 : vector<16xf32>
      %get3A_983 = arith.constant 0 : i32
      %get3A_984 = arith.index_cast %get3A_983 : i32 to index
      %get3A_985 = arith.index_cast %scan3A_552 : i32 to index
      %get3A_986 = arith.constant 672 : index
      %get3A_987 = tpu.vector_load %arg5[%get3A_984, %get3A_985, %get3A_986] {strides = array<i32>} : memref<2x64x768xf32, #tpu.memory_space<vmem>>, vector<1x1x16xf32>,
      %get3A_988 = vector.shape_cast %get3A_987 : vector<1x1x16xf32> to vector<16xf32>
      %mul3A_989 = vector.broadcast %squeeze3A : f32 to vector<16xf32>
      %mul3A_990 = arith.mulf %get3A_988, %mul3A_989 : vector<16xf32>
      %add3A_991 = arith.addf %scan3A_595, %mul3A_990 : vector<16xf32>
      %get3A_992 = arith.constant 0 : i32
      %get3A_993 = arith.index_cast %get3A_992 : i32 to index
      %get3A_994 = arith.index_cast %scan3A_552 : i32 to index
      %get3A_995 = arith.constant 688 : index
      %get3A_996 = tpu.vector_load %arg5[%get3A_993, %get3A_994, %get3A_995] {strides = array<i32>} : memref<2x64x768xf32, #tpu.memory_space<vmem>>, vector<1x1x16xf32>,
      %get3A_997 = vector.shape_cast %get3A_996 : vector<1x1x16xf32> to vector<16xf32>
      %mul3A_998 = vector.broadcast %squeeze3A : f32 to vector<16xf32>
      %mul3A_999 = arith.mulf %get3A_997, %mul3A_998 : vector<16xf32>
      %add3A_1000 = arith.addf %scan3A_596, %mul3A_999 : vector<16xf32>
      %get3A_1001 = arith.constant 0 : i32
      %get3A_1002 = arith.index_cast %get3A_1001 : i32 to index
      %get3A_1003 = arith.index_cast %scan3A_552 : i32 to index
      %get3A_1004 = arith.constant 704 : index
      %get3A_1005 = tpu.vector_load %arg5[%get3A_1002, %get3A_1003, %get3A_1004] {strides = array<i32>} : memref<2x64x768xf32, #tpu.memory_space<vmem>>, vector<1x1x16xf32>,
      %get3A_1006 = vector.shape_cast %get3A_1005 : vector<1x1x16xf32> to vector<16xf32>
      %mul3A_1007 = vector.broadcast %squeeze3A : f32 to vector<16xf32>
      %mul3A_1008 = arith.mulf %get3A_1006, %mul3A_1007 : vector<16xf32>
      %add3A_1009 = arith.addf %scan3A_597, %mul3A_1008 : vector<16xf32>
      %get3A_1010 = arith.constant 0 : i32
      %get3A_1011 = arith.index_cast %get3A_1010 : i32 to index
      %get3A_1012 = arith.index_cast %scan3A_552 : i32 to index
      %get3A_1013 = arith.constant 720 : index
      %get3A_1014 = tpu.vector_load %arg5[%get3A_1011, %get3A_1012, %get3A_1013] {strides = array<i32>} : memref<2x64x768xf32, #tpu.memory_space<vmem>>, vector<1x1x16xf32>,
      %get3A_1015 = vector.shape_cast %get3A_1014 : vector<1x1x16xf32> to vector<16xf32>
      %mul3A_1016 = vector.broadcast %squeeze3A : f32 to vector<16xf32>
      %mul3A_1017 = arith.mulf %get3A_1015, %mul3A_1016 : vector<16xf32>
      %add3A_1018 = arith.addf %scan3A_598, %mul3A_1017 : vector<16xf32>
      %get3A_1019 = arith.constant 0 : i32
      %get3A_1020 = arith.index_cast %get3A_1019 : i32 to index
      %get3A_1021 = arith.index_cast %scan3A_552 : i32 to index
      %get3A_1022 = arith.constant 736 : index
      %get3A_1023 = tpu.vector_load %arg5[%get3A_1020, %get3A_1021, %get3A_1022] {strides = array<i32>} : memref<2x64x768xf32, #tpu.memory_space<vmem>>, vector<1x1x16xf32>,
      %get3A_1024 = vector.shape_cast %get3A_1023 : vector<1x1x16xf32> to vector<16xf32>
      %mul3A_1025 = vector.broadcast %squeeze3A : f32 to vector<16xf32>
      %mul3A_1026 = arith.mulf %get3A_1024, %mul3A_1025 : vector<16xf32>
      %add3A_1027 = arith.addf %scan3A_599, %mul3A_1026 : vector<16xf32>
      %get3A_1028 = arith.constant 0 : i32
      %get3A_1029 = arith.index_cast %get3A_1028 : i32 to index
      %get3A_1030 = arith.index_cast %scan3A_552 : i32 to index
      %get3A_1031 = arith.constant 752 : index
      %get3A_1032 = tpu.vector_load %arg5[%get3A_1029, %get3A_1030, %get3A_1031] {strides = array<i32>} : memref<2x64x768xf32, #tpu.memory_space<vmem>>, vector<1x1x16xf32>,
      %get3A_1033 = vector.shape_cast %get3A_1032 : vector<1x1x16xf32> to vector<16xf32>
      %mul3A_1034 = vector.broadcast %squeeze3A : f32 to vector<16xf32>
      %mul3A_1035 = arith.mulf %get3A_1033, %mul3A_1034 : vector<16xf32>
      %add3A_1036 = arith.addf %scan3A_600, %mul3A_1035 : vector<16xf32>
      scf.yield %add3A_613, %add3A_622, %add3A_631, %add3A_640, %add3A_649, %add3A_658, %add3A_667, %add3A_676, %add3A_685, %add3A_694, %add3A_703, %add3A_712, %add3A_721, %add3A_730, %add3A_739, %add3A_748, %add3A_757, %add3A_766, %add3A_775, %add3A_784, %add3A_793, %add3A_802, %add3A_811, %add3A_820, %add3A_829, %add3A_838, %add3A_847, %add3A_856, %add3A_865, %add3A_874, %add3A_883, %add3A_892, %add3A_901, %add3A_910, %add3A_919, %add3A_928, %add3A_937, %add3A_946, %add3A_955, %add3A_964, %add3A_973, %add3A_982, %add3A_991, %add3A_1000, %add3A_1009, %add3A_1018, %add3A_1027, %add3A_1036 : vector<16xf32>, vector<16xf32>, vector<16xf32>, vector<16xf32>, vector<16xf32>, vector<16xf32>, vector<16xf32>, vector<16xf32>, vector<16xf32>, vector<16xf32>, vector<16xf32>, vector<16xf32>, vector<16xf32>, vector<16xf32>, vector<16xf32>, vector<16xf32>, vector<16xf32>, vector<16xf32>, vector<16xf32>, vector<16xf32>, vector<16xf32>, vector<16xf32>, vector<16xf32>, vector<16xf32>, vector<16xf32>, vector<16xf32>, vector<16xf32>, vector<16xf32>, vector<16xf32>, vector<16xf32>, vector<16xf32>, vector<16xf32>, vector<16xf32>, vector<16xf32>, vector<16xf32>, vector<16xf32>, vector<16xf32>, vector<16xf32>, vector<16xf32>, vector<16xf32>, vector<16xf32>, vector<16xf32>, vector<16xf32>, vector<16xf32>, vector<16xf32>, vector<16xf32>, vector<16xf32>, vector<16xf32>
    }
    %scan3A_336 = arith.constant 64 : i32
    %add3A_337 = arith.constant 320 : i32
    %add3A_338 = arith.addi %add3A_4, %add3A_337 : i32
    %dma_wait3A_339 = arith.constant 1 : i32
    %dma_wait3A_340 = arith.constant 1 : i32
    %dma_wait3A_341 = arith.constant 0 : i32
    %dma_wait3A_342 = arith.constant 0 : i32
    %dma_wait3A_343 = tpu.memref_slice %arg5[%dma_wait3A_339, %dma_wait3A_341, %dma_wait3A_342] : memref<2x64x768xf32, #tpu.memory_space<vmem>> -> memref<1x64x768xf32, #tpu.memory_space<vmem>>
    %dma_wait3A_344 = tpu.memref_squeeze %dma_wait3A_343 : memref<1x64x768xf32, #tpu.memory_space<vmem>> -> memref<64x768xf32, #tpu.memory_space<vmem>>
    %dma_wait3A_345 = arith.constant 0 : i32
    %dma_wait3A_346 = tpu.memref_slice %arg2[%add3A_338, %dma_wait3A_345] : memref<32768x768xf32, #tpu.memory_space<hbm>> -> memref<64x768xf32, #tpu.memory_space<hbm>>
    %dma_wait3A_347 = tpu.memref_slice %arg8[%dma_wait3A_340] : memref<2x!tpu.dma_semaphore, #tpu.memory_space<semaphore_mem>> -> memref<1x!tpu.dma_semaphore, #tpu.memory_space<semaphore_mem>>
    %dma_wait3A_348 = tpu.memref_squeeze %dma_wait3A_347 : memref<1x!tpu.dma_semaphore, #tpu.memory_space<semaphore_mem>> -> memref<!tpu.dma_semaphore, #tpu.memory_space<semaphore_mem>>
    %dma_wait3A_349 = arith.constant 0 : i32
    %dma_wait3A_350 = arith.constant 0 : i32
    %dma_wait3A_351 = tpu.memref_slice %arg5[%dma_wait3A_339, %dma_wait3A_349, %dma_wait3A_350] : memref<2x64x768xf32, #tpu.memory_space<vmem>> -> memref<1x64x768xf32, #tpu.memory_space<vmem>>
    %dma_wait3A_352 = tpu.memref_squeeze %dma_wait3A_351 : memref<1x64x768xf32, #tpu.memory_space<vmem>> -> memref<64x768xf32, #tpu.memory_space<vmem>>
    %dma_wait3A_353 = arith.constant 0 : i32
    %dma_wait3A_354 = tpu.memref_slice %arg2[%add3A_338, %dma_wait3A_353] : memref<32768x768xf32, #tpu.memory_space<hbm>> -> memref<64x768xf32, #tpu.memory_space<hbm>>
    tpu.wait_dma2 semaphore(%dma_wait3A_348 : memref<!tpu.dma_semaphore, #tpu.memory_space<semaphore_mem>>) src(%dma_wait3A_354 : memref<64x768xf32, #tpu.memory_space<hbm>>) dst(%dma_wait3A_352 : memref<64x768xf32, #tpu.memory_space<vmem>>)
    %scan3A_355 = arith.constant 0 : i32
    %scan3A_356 = arith.constant 64 : i32
    %scan3A_357 = arith.addi %scan3A_355, %scan3A_356 : i32
    %scan3A_358 = arith.constant 1 : i32
    %scan3A_359:48 = scf.for %scan3A_552 = %scan3A_355 to %scan3A_357 step %scan3A_358 iter_args(%scan3A_553 = %scan3A_335#0, %scan3A_554 = %scan3A_335#1, %scan3A_555 = %scan3A_335#2, %scan3A_556 = %scan3A_335#3, %scan3A_557 = %scan3A_335#4, %scan3A_558 = %scan3A_335#5, %scan3A_559 = %scan3A_335#6, %scan3A_560 = %scan3A_335#7, %scan3A_561 = %scan3A_335#8, %scan3A_562 = %scan3A_335#9, %scan3A_563 = %scan3A_335#10, %scan3A_564 = %scan3A_335#11, %scan3A_565 = %scan3A_335#12, %scan3A_566 = %scan3A_335#13, %scan3A_567 = %scan3A_335#14, %scan3A_568 = %scan3A_335#15, %scan3A_569 = %scan3A_335#16, %scan3A_570 = %scan3A_335#17, %scan3A_571 = %scan3A_335#18, %scan3A_572 = %scan3A_335#19, %scan3A_573 = %scan3A_335#20, %scan3A_574 = %scan3A_335#21, %scan3A_575 = %scan3A_335#22, %scan3A_576 = %scan3A_335#23, %scan3A_577 = %scan3A_335#24, %scan3A_578 = %scan3A_335#25, %scan3A_579 = %scan3A_335#26, %scan3A_580 = %scan3A_335#27, %scan3A_581 = %scan3A_335#28, %scan3A_582 = %scan3A_335#29, %scan3A_583 = %scan3A_335#30, %scan3A_584 = %scan3A_335#31, %scan3A_585 = %scan3A_335#32, %scan3A_586 = %scan3A_335#33, %scan3A_587 = %scan3A_335#34, %scan3A_588 = %scan3A_335#35, %scan3A_589 = %scan3A_335#36, %scan3A_590 = %scan3A_335#37, %scan3A_591 = %scan3A_335#38, %scan3A_592 = %scan3A_335#39, %scan3A_593 = %scan3A_335#40, %scan3A_594 = %scan3A_335#41, %scan3A_595 = %scan3A_335#42, %scan3A_596 = %scan3A_335#43, %scan3A_597 = %scan3A_335#44, %scan3A_598 = %scan3A_335#45, %scan3A_599 = %scan3A_335#46, %scan3A_600 = %scan3A_335#47) -> (vector<16xf32>, vector<16xf32>, vector<16xf32>, vector<16xf32>, vector<16xf32>, vector<16xf32>, vector<16xf32>, vector<16xf32>, vector<16xf32>, vector<16xf32>, vector<16xf32>, vector<16xf32>, vector<16xf32>, vector<16xf32>, vector<16xf32>, vector<16xf32>, vector<16xf32>, vector<16xf32>, vector<16xf32>, vector<16xf32>, vector<16xf32>, vector<16xf32>, vector<16xf32>, vector<16xf32>, vector<16xf32>, vector<16xf32>, vector<16xf32>, vector<16xf32>, vector<16xf32>, vector<16xf32>, vector<16xf32>, vector<16xf32>, vector<16xf32>, vector<16xf32>, vector<16xf32>, vector<16xf32>, vector<16xf32>, vector<16xf32>, vector<16xf32>, vector<16xf32>, vector<16xf32>, vector<16xf32>, vector<16xf32>, vector<16xf32>, vector<16xf32>, vector<16xf32>, vector<16xf32>, vector<16xf32>)  : i32 {
      %add3A_601 = arith.constant 320 : i32
      %add3A_602 = arith.addi %add3A_601, %scan3A_552 : i32
      %get3A = arith.index_cast %add3A_602 : i32 to index
      %get3A_603 = tpu.vector_load %arg6[%get3A] {strides = array<i32>} : memref<400xf32, #tpu.memory_space<vmem>>, vector<16xf32>,
      %get3A_604 = vector.shape_cast %get3A_603 : vector<16xf32> to vector<16xf32>
      %slice3A = vector.extract_strided_slice %get3A_604 {offsets = [0], sizes = [1], strides = [1]} : vector<16xf32> to vector<1xf32>
      %squeeze3A = vector.extract %slice3A[0] : f32 from vector<1xf32>
      %get3A_605 = arith.constant 1 : i32
      %get3A_606 = arith.index_cast %get3A_605 : i32 to index
      %get3A_607 = arith.index_cast %scan3A_552 : i32 to index
      %get3A_608 = arith.constant 0 : index
      %get3A_609 = tpu.vector_load %arg5[%get3A_606, %get3A_607, %get3A_608] {strides = array<i32>} : memref<2x64x768xf32, #tpu.memory_space<vmem>>, vector<1x1x16xf32>,
      %get3A_610 = vector.shape_cast %get3A_609 : vector<1x1x16xf32> to vector<16xf32>
      %mul3A_611 = vector.broadcast %squeeze3A : f32 to vector<16xf32>
      %mul3A_612 = arith.mulf %get3A_610, %mul3A_611 : vector<16xf32>
      %add3A_613 = arith.addf %scan3A_553, %mul3A_612 : vector<16xf32>
      %get3A_614 = arith.constant 1 : i32
      %get3A_615 = arith.index_cast %get3A_614 : i32 to index
      %get3A_616 = arith.index_cast %scan3A_552 : i32 to index
      %get3A_617 = arith.constant 16 : index
      %get3A_618 = tpu.vector_load %arg5[%get3A_615, %get3A_616, %get3A_617] {strides = array<i32>} : memref<2x64x768xf32, #tpu.memory_space<vmem>>, vector<1x1x16xf32>,
      %get3A_619 = vector.shape_cast %get3A_618 : vector<1x1x16xf32> to vector<16xf32>
      %mul3A_620 = vector.broadcast %squeeze3A : f32 to vector<16xf32>
      %mul3A_621 = arith.mulf %get3A_619, %mul3A_620 : vector<16xf32>
      %add3A_622 = arith.addf %scan3A_554, %mul3A_621 : vector<16xf32>
      %get3A_623 = arith.constant 1 : i32
      %get3A_624 = arith.index_cast %get3A_623 : i32 to index
      %get3A_625 = arith.index_cast %scan3A_552 : i32 to index
      %get3A_626 = arith.constant 32 : index
      %get3A_627 = tpu.vector_load %arg5[%get3A_624, %get3A_625, %get3A_626] {strides = array<i32>} : memref<2x64x768xf32, #tpu.memory_space<vmem>>, vector<1x1x16xf32>,
      %get3A_628 = vector.shape_cast %get3A_627 : vector<1x1x16xf32> to vector<16xf32>
      %mul3A_629 = vector.broadcast %squeeze3A : f32 to vector<16xf32>
      %mul3A_630 = arith.mulf %get3A_628, %mul3A_629 : vector<16xf32>
      %add3A_631 = arith.addf %scan3A_555, %mul3A_630 : vector<16xf32>
      %get3A_632 = arith.constant 1 : i32
      %get3A_633 = arith.index_cast %get3A_632 : i32 to index
      %get3A_634 = arith.index_cast %scan3A_552 : i32 to index
      %get3A_635 = arith.constant 48 : index
      %get3A_636 = tpu.vector_load %arg5[%get3A_633, %get3A_634, %get3A_635] {strides = array<i32>} : memref<2x64x768xf32, #tpu.memory_space<vmem>>, vector<1x1x16xf32>,
      %get3A_637 = vector.shape_cast %get3A_636 : vector<1x1x16xf32> to vector<16xf32>
      %mul3A_638 = vector.broadcast %squeeze3A : f32 to vector<16xf32>
      %mul3A_639 = arith.mulf %get3A_637, %mul3A_638 : vector<16xf32>
      %add3A_640 = arith.addf %scan3A_556, %mul3A_639 : vector<16xf32>
      %get3A_641 = arith.constant 1 : i32
      %get3A_642 = arith.index_cast %get3A_641 : i32 to index
      %get3A_643 = arith.index_cast %scan3A_552 : i32 to index
      %get3A_644 = arith.constant 64 : index
      %get3A_645 = tpu.vector_load %arg5[%get3A_642, %get3A_643, %get3A_644] {strides = array<i32>} : memref<2x64x768xf32, #tpu.memory_space<vmem>>, vector<1x1x16xf32>,
      %get3A_646 = vector.shape_cast %get3A_645 : vector<1x1x16xf32> to vector<16xf32>
      %mul3A_647 = vector.broadcast %squeeze3A : f32 to vector<16xf32>
      %mul3A_648 = arith.mulf %get3A_646, %mul3A_647 : vector<16xf32>
      %add3A_649 = arith.addf %scan3A_557, %mul3A_648 : vector<16xf32>
      %get3A_650 = arith.constant 1 : i32
      %get3A_651 = arith.index_cast %get3A_650 : i32 to index
      %get3A_652 = arith.index_cast %scan3A_552 : i32 to index
      %get3A_653 = arith.constant 80 : index
      %get3A_654 = tpu.vector_load %arg5[%get3A_651, %get3A_652, %get3A_653] {strides = array<i32>} : memref<2x64x768xf32, #tpu.memory_space<vmem>>, vector<1x1x16xf32>,
      %get3A_655 = vector.shape_cast %get3A_654 : vector<1x1x16xf32> to vector<16xf32>
      %mul3A_656 = vector.broadcast %squeeze3A : f32 to vector<16xf32>
      %mul3A_657 = arith.mulf %get3A_655, %mul3A_656 : vector<16xf32>
      %add3A_658 = arith.addf %scan3A_558, %mul3A_657 : vector<16xf32>
      %get3A_659 = arith.constant 1 : i32
      %get3A_660 = arith.index_cast %get3A_659 : i32 to index
      %get3A_661 = arith.index_cast %scan3A_552 : i32 to index
      %get3A_662 = arith.constant 96 : index
      %get3A_663 = tpu.vector_load %arg5[%get3A_660, %get3A_661, %get3A_662] {strides = array<i32>} : memref<2x64x768xf32, #tpu.memory_space<vmem>>, vector<1x1x16xf32>,
      %get3A_664 = vector.shape_cast %get3A_663 : vector<1x1x16xf32> to vector<16xf32>
      %mul3A_665 = vector.broadcast %squeeze3A : f32 to vector<16xf32>
      %mul3A_666 = arith.mulf %get3A_664, %mul3A_665 : vector<16xf32>
      %add3A_667 = arith.addf %scan3A_559, %mul3A_666 : vector<16xf32>
      %get3A_668 = arith.constant 1 : i32
      %get3A_669 = arith.index_cast %get3A_668 : i32 to index
      %get3A_670 = arith.index_cast %scan3A_552 : i32 to index
      %get3A_671 = arith.constant 112 : index
      %get3A_672 = tpu.vector_load %arg5[%get3A_669, %get3A_670, %get3A_671] {strides = array<i32>} : memref<2x64x768xf32, #tpu.memory_space<vmem>>, vector<1x1x16xf32>,
      %get3A_673 = vector.shape_cast %get3A_672 : vector<1x1x16xf32> to vector<16xf32>
      %mul3A_674 = vector.broadcast %squeeze3A : f32 to vector<16xf32>
      %mul3A_675 = arith.mulf %get3A_673, %mul3A_674 : vector<16xf32>
      %add3A_676 = arith.addf %scan3A_560, %mul3A_675 : vector<16xf32>
      %get3A_677 = arith.constant 1 : i32
      %get3A_678 = arith.index_cast %get3A_677 : i32 to index
      %get3A_679 = arith.index_cast %scan3A_552 : i32 to index
      %get3A_680 = arith.constant 128 : index
      %get3A_681 = tpu.vector_load %arg5[%get3A_678, %get3A_679, %get3A_680] {strides = array<i32>} : memref<2x64x768xf32, #tpu.memory_space<vmem>>, vector<1x1x16xf32>,
      %get3A_682 = vector.shape_cast %get3A_681 : vector<1x1x16xf32> to vector<16xf32>
      %mul3A_683 = vector.broadcast %squeeze3A : f32 to vector<16xf32>
      %mul3A_684 = arith.mulf %get3A_682, %mul3A_683 : vector<16xf32>
      %add3A_685 = arith.addf %scan3A_561, %mul3A_684 : vector<16xf32>
      %get3A_686 = arith.constant 1 : i32
      %get3A_687 = arith.index_cast %get3A_686 : i32 to index
      %get3A_688 = arith.index_cast %scan3A_552 : i32 to index
      %get3A_689 = arith.constant 144 : index
      %get3A_690 = tpu.vector_load %arg5[%get3A_687, %get3A_688, %get3A_689] {strides = array<i32>} : memref<2x64x768xf32, #tpu.memory_space<vmem>>, vector<1x1x16xf32>,
      %get3A_691 = vector.shape_cast %get3A_690 : vector<1x1x16xf32> to vector<16xf32>
      %mul3A_692 = vector.broadcast %squeeze3A : f32 to vector<16xf32>
      %mul3A_693 = arith.mulf %get3A_691, %mul3A_692 : vector<16xf32>
      %add3A_694 = arith.addf %scan3A_562, %mul3A_693 : vector<16xf32>
      %get3A_695 = arith.constant 1 : i32
      %get3A_696 = arith.index_cast %get3A_695 : i32 to index
      %get3A_697 = arith.index_cast %scan3A_552 : i32 to index
      %get3A_698 = arith.constant 160 : index
      %get3A_699 = tpu.vector_load %arg5[%get3A_696, %get3A_697, %get3A_698] {strides = array<i32>} : memref<2x64x768xf32, #tpu.memory_space<vmem>>, vector<1x1x16xf32>,
      %get3A_700 = vector.shape_cast %get3A_699 : vector<1x1x16xf32> to vector<16xf32>
      %mul3A_701 = vector.broadcast %squeeze3A : f32 to vector<16xf32>
      %mul3A_702 = arith.mulf %get3A_700, %mul3A_701 : vector<16xf32>
      %add3A_703 = arith.addf %scan3A_563, %mul3A_702 : vector<16xf32>
      %get3A_704 = arith.constant 1 : i32
      %get3A_705 = arith.index_cast %get3A_704 : i32 to index
      %get3A_706 = arith.index_cast %scan3A_552 : i32 to index
      %get3A_707 = arith.constant 176 : index
      %get3A_708 = tpu.vector_load %arg5[%get3A_705, %get3A_706, %get3A_707] {strides = array<i32>} : memref<2x64x768xf32, #tpu.memory_space<vmem>>, vector<1x1x16xf32>,
      %get3A_709 = vector.shape_cast %get3A_708 : vector<1x1x16xf32> to vector<16xf32>
      %mul3A_710 = vector.broadcast %squeeze3A : f32 to vector<16xf32>
      %mul3A_711 = arith.mulf %get3A_709, %mul3A_710 : vector<16xf32>
      %add3A_712 = arith.addf %scan3A_564, %mul3A_711 : vector<16xf32>
      %get3A_713 = arith.constant 1 : i32
      %get3A_714 = arith.index_cast %get3A_713 : i32 to index
      %get3A_715 = arith.index_cast %scan3A_552 : i32 to index
      %get3A_716 = arith.constant 192 : index
      %get3A_717 = tpu.vector_load %arg5[%get3A_714, %get3A_715, %get3A_716] {strides = array<i32>} : memref<2x64x768xf32, #tpu.memory_space<vmem>>, vector<1x1x16xf32>,
      %get3A_718 = vector.shape_cast %get3A_717 : vector<1x1x16xf32> to vector<16xf32>
      %mul3A_719 = vector.broadcast %squeeze3A : f32 to vector<16xf32>
      %mul3A_720 = arith.mulf %get3A_718, %mul3A_719 : vector<16xf32>
      %add3A_721 = arith.addf %scan3A_565, %mul3A_720 : vector<16xf32>
      %get3A_722 = arith.constant 1 : i32
      %get3A_723 = arith.index_cast %get3A_722 : i32 to index
      %get3A_724 = arith.index_cast %scan3A_552 : i32 to index
      %get3A_725 = arith.constant 208 : index
      %get3A_726 = tpu.vector_load %arg5[%get3A_723, %get3A_724, %get3A_725] {strides = array<i32>} : memref<2x64x768xf32, #tpu.memory_space<vmem>>, vector<1x1x16xf32>,
      %get3A_727 = vector.shape_cast %get3A_726 : vector<1x1x16xf32> to vector<16xf32>
      %mul3A_728 = vector.broadcast %squeeze3A : f32 to vector<16xf32>
      %mul3A_729 = arith.mulf %get3A_727, %mul3A_728 : vector<16xf32>
      %add3A_730 = arith.addf %scan3A_566, %mul3A_729 : vector<16xf32>
      %get3A_731 = arith.constant 1 : i32
      %get3A_732 = arith.index_cast %get3A_731 : i32 to index
      %get3A_733 = arith.index_cast %scan3A_552 : i32 to index
      %get3A_734 = arith.constant 224 : index
      %get3A_735 = tpu.vector_load %arg5[%get3A_732, %get3A_733, %get3A_734] {strides = array<i32>} : memref<2x64x768xf32, #tpu.memory_space<vmem>>, vector<1x1x16xf32>,
      %get3A_736 = vector.shape_cast %get3A_735 : vector<1x1x16xf32> to vector<16xf32>
      %mul3A_737 = vector.broadcast %squeeze3A : f32 to vector<16xf32>
      %mul3A_738 = arith.mulf %get3A_736, %mul3A_737 : vector<16xf32>
      %add3A_739 = arith.addf %scan3A_567, %mul3A_738 : vector<16xf32>
      %get3A_740 = arith.constant 1 : i32
      %get3A_741 = arith.index_cast %get3A_740 : i32 to index
      %get3A_742 = arith.index_cast %scan3A_552 : i32 to index
      %get3A_743 = arith.constant 240 : index
      %get3A_744 = tpu.vector_load %arg5[%get3A_741, %get3A_742, %get3A_743] {strides = array<i32>} : memref<2x64x768xf32, #tpu.memory_space<vmem>>, vector<1x1x16xf32>,
      %get3A_745 = vector.shape_cast %get3A_744 : vector<1x1x16xf32> to vector<16xf32>
      %mul3A_746 = vector.broadcast %squeeze3A : f32 to vector<16xf32>
      %mul3A_747 = arith.mulf %get3A_745, %mul3A_746 : vector<16xf32>
      %add3A_748 = arith.addf %scan3A_568, %mul3A_747 : vector<16xf32>
      %get3A_749 = arith.constant 1 : i32
      %get3A_750 = arith.index_cast %get3A_749 : i32 to index
      %get3A_751 = arith.index_cast %scan3A_552 : i32 to index
      %get3A_752 = arith.constant 256 : index
      %get3A_753 = tpu.vector_load %arg5[%get3A_750, %get3A_751, %get3A_752] {strides = array<i32>} : memref<2x64x768xf32, #tpu.memory_space<vmem>>, vector<1x1x16xf32>,
      %get3A_754 = vector.shape_cast %get3A_753 : vector<1x1x16xf32> to vector<16xf32>
      %mul3A_755 = vector.broadcast %squeeze3A : f32 to vector<16xf32>
      %mul3A_756 = arith.mulf %get3A_754, %mul3A_755 : vector<16xf32>
      %add3A_757 = arith.addf %scan3A_569, %mul3A_756 : vector<16xf32>
      %get3A_758 = arith.constant 1 : i32
      %get3A_759 = arith.index_cast %get3A_758 : i32 to index
      %get3A_760 = arith.index_cast %scan3A_552 : i32 to index
      %get3A_761 = arith.constant 272 : index
      %get3A_762 = tpu.vector_load %arg5[%get3A_759, %get3A_760, %get3A_761] {strides = array<i32>} : memref<2x64x768xf32, #tpu.memory_space<vmem>>, vector<1x1x16xf32>,
      %get3A_763 = vector.shape_cast %get3A_762 : vector<1x1x16xf32> to vector<16xf32>
      %mul3A_764 = vector.broadcast %squeeze3A : f32 to vector<16xf32>
      %mul3A_765 = arith.mulf %get3A_763, %mul3A_764 : vector<16xf32>
      %add3A_766 = arith.addf %scan3A_570, %mul3A_765 : vector<16xf32>
      %get3A_767 = arith.constant 1 : i32
      %get3A_768 = arith.index_cast %get3A_767 : i32 to index
      %get3A_769 = arith.index_cast %scan3A_552 : i32 to index
      %get3A_770 = arith.constant 288 : index
      %get3A_771 = tpu.vector_load %arg5[%get3A_768, %get3A_769, %get3A_770] {strides = array<i32>} : memref<2x64x768xf32, #tpu.memory_space<vmem>>, vector<1x1x16xf32>,
      %get3A_772 = vector.shape_cast %get3A_771 : vector<1x1x16xf32> to vector<16xf32>
      %mul3A_773 = vector.broadcast %squeeze3A : f32 to vector<16xf32>
      %mul3A_774 = arith.mulf %get3A_772, %mul3A_773 : vector<16xf32>
      %add3A_775 = arith.addf %scan3A_571, %mul3A_774 : vector<16xf32>
      %get3A_776 = arith.constant 1 : i32
      %get3A_777 = arith.index_cast %get3A_776 : i32 to index
      %get3A_778 = arith.index_cast %scan3A_552 : i32 to index
      %get3A_779 = arith.constant 304 : index
      %get3A_780 = tpu.vector_load %arg5[%get3A_777, %get3A_778, %get3A_779] {strides = array<i32>} : memref<2x64x768xf32, #tpu.memory_space<vmem>>, vector<1x1x16xf32>,
      %get3A_781 = vector.shape_cast %get3A_780 : vector<1x1x16xf32> to vector<16xf32>
      %mul3A_782 = vector.broadcast %squeeze3A : f32 to vector<16xf32>
      %mul3A_783 = arith.mulf %get3A_781, %mul3A_782 : vector<16xf32>
      %add3A_784 = arith.addf %scan3A_572, %mul3A_783 : vector<16xf32>
      %get3A_785 = arith.constant 1 : i32
      %get3A_786 = arith.index_cast %get3A_785 : i32 to index
      %get3A_787 = arith.index_cast %scan3A_552 : i32 to index
      %get3A_788 = arith.constant 320 : index
      %get3A_789 = tpu.vector_load %arg5[%get3A_786, %get3A_787, %get3A_788] {strides = array<i32>} : memref<2x64x768xf32, #tpu.memory_space<vmem>>, vector<1x1x16xf32>,
      %get3A_790 = vector.shape_cast %get3A_789 : vector<1x1x16xf32> to vector<16xf32>
      %mul3A_791 = vector.broadcast %squeeze3A : f32 to vector<16xf32>
      %mul3A_792 = arith.mulf %get3A_790, %mul3A_791 : vector<16xf32>
      %add3A_793 = arith.addf %scan3A_573, %mul3A_792 : vector<16xf32>
      %get3A_794 = arith.constant 1 : i32
      %get3A_795 = arith.index_cast %get3A_794 : i32 to index
      %get3A_796 = arith.index_cast %scan3A_552 : i32 to index
      %get3A_797 = arith.constant 336 : index
      %get3A_798 = tpu.vector_load %arg5[%get3A_795, %get3A_796, %get3A_797] {strides = array<i32>} : memref<2x64x768xf32, #tpu.memory_space<vmem>>, vector<1x1x16xf32>,
      %get3A_799 = vector.shape_cast %get3A_798 : vector<1x1x16xf32> to vector<16xf32>
      %mul3A_800 = vector.broadcast %squeeze3A : f32 to vector<16xf32>
      %mul3A_801 = arith.mulf %get3A_799, %mul3A_800 : vector<16xf32>
      %add3A_802 = arith.addf %scan3A_574, %mul3A_801 : vector<16xf32>
      %get3A_803 = arith.constant 1 : i32
      %get3A_804 = arith.index_cast %get3A_803 : i32 to index
      %get3A_805 = arith.index_cast %scan3A_552 : i32 to index
      %get3A_806 = arith.constant 352 : index
      %get3A_807 = tpu.vector_load %arg5[%get3A_804, %get3A_805, %get3A_806] {strides = array<i32>} : memref<2x64x768xf32, #tpu.memory_space<vmem>>, vector<1x1x16xf32>,
      %get3A_808 = vector.shape_cast %get3A_807 : vector<1x1x16xf32> to vector<16xf32>
      %mul3A_809 = vector.broadcast %squeeze3A : f32 to vector<16xf32>
      %mul3A_810 = arith.mulf %get3A_808, %mul3A_809 : vector<16xf32>
      %add3A_811 = arith.addf %scan3A_575, %mul3A_810 : vector<16xf32>
      %get3A_812 = arith.constant 1 : i32
      %get3A_813 = arith.index_cast %get3A_812 : i32 to index
      %get3A_814 = arith.index_cast %scan3A_552 : i32 to index
      %get3A_815 = arith.constant 368 : index
      %get3A_816 = tpu.vector_load %arg5[%get3A_813, %get3A_814, %get3A_815] {strides = array<i32>} : memref<2x64x768xf32, #tpu.memory_space<vmem>>, vector<1x1x16xf32>,
      %get3A_817 = vector.shape_cast %get3A_816 : vector<1x1x16xf32> to vector<16xf32>
      %mul3A_818 = vector.broadcast %squeeze3A : f32 to vector<16xf32>
      %mul3A_819 = arith.mulf %get3A_817, %mul3A_818 : vector<16xf32>
      %add3A_820 = arith.addf %scan3A_576, %mul3A_819 : vector<16xf32>
      %get3A_821 = arith.constant 1 : i32
      %get3A_822 = arith.index_cast %get3A_821 : i32 to index
      %get3A_823 = arith.index_cast %scan3A_552 : i32 to index
      %get3A_824 = arith.constant 384 : index
      %get3A_825 = tpu.vector_load %arg5[%get3A_822, %get3A_823, %get3A_824] {strides = array<i32>} : memref<2x64x768xf32, #tpu.memory_space<vmem>>, vector<1x1x16xf32>,
      %get3A_826 = vector.shape_cast %get3A_825 : vector<1x1x16xf32> to vector<16xf32>
      %mul3A_827 = vector.broadcast %squeeze3A : f32 to vector<16xf32>
      %mul3A_828 = arith.mulf %get3A_826, %mul3A_827 : vector<16xf32>
      %add3A_829 = arith.addf %scan3A_577, %mul3A_828 : vector<16xf32>
      %get3A_830 = arith.constant 1 : i32
      %get3A_831 = arith.index_cast %get3A_830 : i32 to index
      %get3A_832 = arith.index_cast %scan3A_552 : i32 to index
      %get3A_833 = arith.constant 400 : index
      %get3A_834 = tpu.vector_load %arg5[%get3A_831, %get3A_832, %get3A_833] {strides = array<i32>} : memref<2x64x768xf32, #tpu.memory_space<vmem>>, vector<1x1x16xf32>,
      %get3A_835 = vector.shape_cast %get3A_834 : vector<1x1x16xf32> to vector<16xf32>
      %mul3A_836 = vector.broadcast %squeeze3A : f32 to vector<16xf32>
      %mul3A_837 = arith.mulf %get3A_835, %mul3A_836 : vector<16xf32>
      %add3A_838 = arith.addf %scan3A_578, %mul3A_837 : vector<16xf32>
      %get3A_839 = arith.constant 1 : i32
      %get3A_840 = arith.index_cast %get3A_839 : i32 to index
      %get3A_841 = arith.index_cast %scan3A_552 : i32 to index
      %get3A_842 = arith.constant 416 : index
      %get3A_843 = tpu.vector_load %arg5[%get3A_840, %get3A_841, %get3A_842] {strides = array<i32>} : memref<2x64x768xf32, #tpu.memory_space<vmem>>, vector<1x1x16xf32>,
      %get3A_844 = vector.shape_cast %get3A_843 : vector<1x1x16xf32> to vector<16xf32>
      %mul3A_845 = vector.broadcast %squeeze3A : f32 to vector<16xf32>
      %mul3A_846 = arith.mulf %get3A_844, %mul3A_845 : vector<16xf32>
      %add3A_847 = arith.addf %scan3A_579, %mul3A_846 : vector<16xf32>
      %get3A_848 = arith.constant 1 : i32
      %get3A_849 = arith.index_cast %get3A_848 : i32 to index
      %get3A_850 = arith.index_cast %scan3A_552 : i32 to index
      %get3A_851 = arith.constant 432 : index
      %get3A_852 = tpu.vector_load %arg5[%get3A_849, %get3A_850, %get3A_851] {strides = array<i32>} : memref<2x64x768xf32, #tpu.memory_space<vmem>>, vector<1x1x16xf32>,
      %get3A_853 = vector.shape_cast %get3A_852 : vector<1x1x16xf32> to vector<16xf32>
      %mul3A_854 = vector.broadcast %squeeze3A : f32 to vector<16xf32>
      %mul3A_855 = arith.mulf %get3A_853, %mul3A_854 : vector<16xf32>
      %add3A_856 = arith.addf %scan3A_580, %mul3A_855 : vector<16xf32>
      %get3A_857 = arith.constant 1 : i32
      %get3A_858 = arith.index_cast %get3A_857 : i32 to index
      %get3A_859 = arith.index_cast %scan3A_552 : i32 to index
      %get3A_860 = arith.constant 448 : index
      %get3A_861 = tpu.vector_load %arg5[%get3A_858, %get3A_859, %get3A_860] {strides = array<i32>} : memref<2x64x768xf32, #tpu.memory_space<vmem>>, vector<1x1x16xf32>,
      %get3A_862 = vector.shape_cast %get3A_861 : vector<1x1x16xf32> to vector<16xf32>
      %mul3A_863 = vector.broadcast %squeeze3A : f32 to vector<16xf32>
      %mul3A_864 = arith.mulf %get3A_862, %mul3A_863 : vector<16xf32>
      %add3A_865 = arith.addf %scan3A_581, %mul3A_864 : vector<16xf32>
      %get3A_866 = arith.constant 1 : i32
      %get3A_867 = arith.index_cast %get3A_866 : i32 to index
      %get3A_868 = arith.index_cast %scan3A_552 : i32 to index
      %get3A_869 = arith.constant 464 : index
      %get3A_870 = tpu.vector_load %arg5[%get3A_867, %get3A_868, %get3A_869] {strides = array<i32>} : memref<2x64x768xf32, #tpu.memory_space<vmem>>, vector<1x1x16xf32>,
      %get3A_871 = vector.shape_cast %get3A_870 : vector<1x1x16xf32> to vector<16xf32>
      %mul3A_872 = vector.broadcast %squeeze3A : f32 to vector<16xf32>
      %mul3A_873 = arith.mulf %get3A_871, %mul3A_872 : vector<16xf32>
      %add3A_874 = arith.addf %scan3A_582, %mul3A_873 : vector<16xf32>
      %get3A_875 = arith.constant 1 : i32
      %get3A_876 = arith.index_cast %get3A_875 : i32 to index
      %get3A_877 = arith.index_cast %scan3A_552 : i32 to index
      %get3A_878 = arith.constant 480 : index
      %get3A_879 = tpu.vector_load %arg5[%get3A_876, %get3A_877, %get3A_878] {strides = array<i32>} : memref<2x64x768xf32, #tpu.memory_space<vmem>>, vector<1x1x16xf32>,
      %get3A_880 = vector.shape_cast %get3A_879 : vector<1x1x16xf32> to vector<16xf32>
      %mul3A_881 = vector.broadcast %squeeze3A : f32 to vector<16xf32>
      %mul3A_882 = arith.mulf %get3A_880, %mul3A_881 : vector<16xf32>
      %add3A_883 = arith.addf %scan3A_583, %mul3A_882 : vector<16xf32>
      %get3A_884 = arith.constant 1 : i32
      %get3A_885 = arith.index_cast %get3A_884 : i32 to index
      %get3A_886 = arith.index_cast %scan3A_552 : i32 to index
      %get3A_887 = arith.constant 496 : index
      %get3A_888 = tpu.vector_load %arg5[%get3A_885, %get3A_886, %get3A_887] {strides = array<i32>} : memref<2x64x768xf32, #tpu.memory_space<vmem>>, vector<1x1x16xf32>,
      %get3A_889 = vector.shape_cast %get3A_888 : vector<1x1x16xf32> to vector<16xf32>
      %mul3A_890 = vector.broadcast %squeeze3A : f32 to vector<16xf32>
      %mul3A_891 = arith.mulf %get3A_889, %mul3A_890 : vector<16xf32>
      %add3A_892 = arith.addf %scan3A_584, %mul3A_891 : vector<16xf32>
      %get3A_893 = arith.constant 1 : i32
      %get3A_894 = arith.index_cast %get3A_893 : i32 to index
      %get3A_895 = arith.index_cast %scan3A_552 : i32 to index
      %get3A_896 = arith.constant 512 : index
      %get3A_897 = tpu.vector_load %arg5[%get3A_894, %get3A_895, %get3A_896] {strides = array<i32>} : memref<2x64x768xf32, #tpu.memory_space<vmem>>, vector<1x1x16xf32>,
      %get3A_898 = vector.shape_cast %get3A_897 : vector<1x1x16xf32> to vector<16xf32>
      %mul3A_899 = vector.broadcast %squeeze3A : f32 to vector<16xf32>
      %mul3A_900 = arith.mulf %get3A_898, %mul3A_899 : vector<16xf32>
      %add3A_901 = arith.addf %scan3A_585, %mul3A_900 : vector<16xf32>
      %get3A_902 = arith.constant 1 : i32
      %get3A_903 = arith.index_cast %get3A_902 : i32 to index
      %get3A_904 = arith.index_cast %scan3A_552 : i32 to index
      %get3A_905 = arith.constant 528 : index
      %get3A_906 = tpu.vector_load %arg5[%get3A_903, %get3A_904, %get3A_905] {strides = array<i32>} : memref<2x64x768xf32, #tpu.memory_space<vmem>>, vector<1x1x16xf32>,
      %get3A_907 = vector.shape_cast %get3A_906 : vector<1x1x16xf32> to vector<16xf32>
      %mul3A_908 = vector.broadcast %squeeze3A : f32 to vector<16xf32>
      %mul3A_909 = arith.mulf %get3A_907, %mul3A_908 : vector<16xf32>
      %add3A_910 = arith.addf %scan3A_586, %mul3A_909 : vector<16xf32>
      %get3A_911 = arith.constant 1 : i32
      %get3A_912 = arith.index_cast %get3A_911 : i32 to index
      %get3A_913 = arith.index_cast %scan3A_552 : i32 to index
      %get3A_914 = arith.constant 544 : index
      %get3A_915 = tpu.vector_load %arg5[%get3A_912, %get3A_913, %get3A_914] {strides = array<i32>} : memref<2x64x768xf32, #tpu.memory_space<vmem>>, vector<1x1x16xf32>,
      %get3A_916 = vector.shape_cast %get3A_915 : vector<1x1x16xf32> to vector<16xf32>
      %mul3A_917 = vector.broadcast %squeeze3A : f32 to vector<16xf32>
      %mul3A_918 = arith.mulf %get3A_916, %mul3A_917 : vector<16xf32>
      %add3A_919 = arith.addf %scan3A_587, %mul3A_918 : vector<16xf32>
      %get3A_920 = arith.constant 1 : i32
      %get3A_921 = arith.index_cast %get3A_920 : i32 to index
      %get3A_922 = arith.index_cast %scan3A_552 : i32 to index
      %get3A_923 = arith.constant 560 : index
      %get3A_924 = tpu.vector_load %arg5[%get3A_921, %get3A_922, %get3A_923] {strides = array<i32>} : memref<2x64x768xf32, #tpu.memory_space<vmem>>, vector<1x1x16xf32>,
      %get3A_925 = vector.shape_cast %get3A_924 : vector<1x1x16xf32> to vector<16xf32>
      %mul3A_926 = vector.broadcast %squeeze3A : f32 to vector<16xf32>
      %mul3A_927 = arith.mulf %get3A_925, %mul3A_926 : vector<16xf32>
      %add3A_928 = arith.addf %scan3A_588, %mul3A_927 : vector<16xf32>
      %get3A_929 = arith.constant 1 : i32
      %get3A_930 = arith.index_cast %get3A_929 : i32 to index
      %get3A_931 = arith.index_cast %scan3A_552 : i32 to index
      %get3A_932 = arith.constant 576 : index
      %get3A_933 = tpu.vector_load %arg5[%get3A_930, %get3A_931, %get3A_932] {strides = array<i32>} : memref<2x64x768xf32, #tpu.memory_space<vmem>>, vector<1x1x16xf32>,
      %get3A_934 = vector.shape_cast %get3A_933 : vector<1x1x16xf32> to vector<16xf32>
      %mul3A_935 = vector.broadcast %squeeze3A : f32 to vector<16xf32>
      %mul3A_936 = arith.mulf %get3A_934, %mul3A_935 : vector<16xf32>
      %add3A_937 = arith.addf %scan3A_589, %mul3A_936 : vector<16xf32>
      %get3A_938 = arith.constant 1 : i32
      %get3A_939 = arith.index_cast %get3A_938 : i32 to index
      %get3A_940 = arith.index_cast %scan3A_552 : i32 to index
      %get3A_941 = arith.constant 592 : index
      %get3A_942 = tpu.vector_load %arg5[%get3A_939, %get3A_940, %get3A_941] {strides = array<i32>} : memref<2x64x768xf32, #tpu.memory_space<vmem>>, vector<1x1x16xf32>,
      %get3A_943 = vector.shape_cast %get3A_942 : vector<1x1x16xf32> to vector<16xf32>
      %mul3A_944 = vector.broadcast %squeeze3A : f32 to vector<16xf32>
      %mul3A_945 = arith.mulf %get3A_943, %mul3A_944 : vector<16xf32>
      %add3A_946 = arith.addf %scan3A_590, %mul3A_945 : vector<16xf32>
      %get3A_947 = arith.constant 1 : i32
      %get3A_948 = arith.index_cast %get3A_947 : i32 to index
      %get3A_949 = arith.index_cast %scan3A_552 : i32 to index
      %get3A_950 = arith.constant 608 : index
      %get3A_951 = tpu.vector_load %arg5[%get3A_948, %get3A_949, %get3A_950] {strides = array<i32>} : memref<2x64x768xf32, #tpu.memory_space<vmem>>, vector<1x1x16xf32>,
      %get3A_952 = vector.shape_cast %get3A_951 : vector<1x1x16xf32> to vector<16xf32>
      %mul3A_953 = vector.broadcast %squeeze3A : f32 to vector<16xf32>
      %mul3A_954 = arith.mulf %get3A_952, %mul3A_953 : vector<16xf32>
      %add3A_955 = arith.addf %scan3A_591, %mul3A_954 : vector<16xf32>
      %get3A_956 = arith.constant 1 : i32
      %get3A_957 = arith.index_cast %get3A_956 : i32 to index
      %get3A_958 = arith.index_cast %scan3A_552 : i32 to index
      %get3A_959 = arith.constant 624 : index
      %get3A_960 = tpu.vector_load %arg5[%get3A_957, %get3A_958, %get3A_959] {strides = array<i32>} : memref<2x64x768xf32, #tpu.memory_space<vmem>>, vector<1x1x16xf32>,
      %get3A_961 = vector.shape_cast %get3A_960 : vector<1x1x16xf32> to vector<16xf32>
      %mul3A_962 = vector.broadcast %squeeze3A : f32 to vector<16xf32>
      %mul3A_963 = arith.mulf %get3A_961, %mul3A_962 : vector<16xf32>
      %add3A_964 = arith.addf %scan3A_592, %mul3A_963 : vector<16xf32>
      %get3A_965 = arith.constant 1 : i32
      %get3A_966 = arith.index_cast %get3A_965 : i32 to index
      %get3A_967 = arith.index_cast %scan3A_552 : i32 to index
      %get3A_968 = arith.constant 640 : index
      %get3A_969 = tpu.vector_load %arg5[%get3A_966, %get3A_967, %get3A_968] {strides = array<i32>} : memref<2x64x768xf32, #tpu.memory_space<vmem>>, vector<1x1x16xf32>,
      %get3A_970 = vector.shape_cast %get3A_969 : vector<1x1x16xf32> to vector<16xf32>
      %mul3A_971 = vector.broadcast %squeeze3A : f32 to vector<16xf32>
      %mul3A_972 = arith.mulf %get3A_970, %mul3A_971 : vector<16xf32>
      %add3A_973 = arith.addf %scan3A_593, %mul3A_972 : vector<16xf32>
      %get3A_974 = arith.constant 1 : i32
      %get3A_975 = arith.index_cast %get3A_974 : i32 to index
      %get3A_976 = arith.index_cast %scan3A_552 : i32 to index
      %get3A_977 = arith.constant 656 : index
      %get3A_978 = tpu.vector_load %arg5[%get3A_975, %get3A_976, %get3A_977] {strides = array<i32>} : memref<2x64x768xf32, #tpu.memory_space<vmem>>, vector<1x1x16xf32>,
      %get3A_979 = vector.shape_cast %get3A_978 : vector<1x1x16xf32> to vector<16xf32>
      %mul3A_980 = vector.broadcast %squeeze3A : f32 to vector<16xf32>
      %mul3A_981 = arith.mulf %get3A_979, %mul3A_980 : vector<16xf32>
      %add3A_982 = arith.addf %scan3A_594, %mul3A_981 : vector<16xf32>
      %get3A_983 = arith.constant 1 : i32
      %get3A_984 = arith.index_cast %get3A_983 : i32 to index
      %get3A_985 = arith.index_cast %scan3A_552 : i32 to index
      %get3A_986 = arith.constant 672 : index
      %get3A_987 = tpu.vector_load %arg5[%get3A_984, %get3A_985, %get3A_986] {strides = array<i32>} : memref<2x64x768xf32, #tpu.memory_space<vmem>>, vector<1x1x16xf32>,
      %get3A_988 = vector.shape_cast %get3A_987 : vector<1x1x16xf32> to vector<16xf32>
      %mul3A_989 = vector.broadcast %squeeze3A : f32 to vector<16xf32>
      %mul3A_990 = arith.mulf %get3A_988, %mul3A_989 : vector<16xf32>
      %add3A_991 = arith.addf %scan3A_595, %mul3A_990 : vector<16xf32>
      %get3A_992 = arith.constant 1 : i32
      %get3A_993 = arith.index_cast %get3A_992 : i32 to index
      %get3A_994 = arith.index_cast %scan3A_552 : i32 to index
      %get3A_995 = arith.constant 688 : index
      %get3A_996 = tpu.vector_load %arg5[%get3A_993, %get3A_994, %get3A_995] {strides = array<i32>} : memref<2x64x768xf32, #tpu.memory_space<vmem>>, vector<1x1x16xf32>,
      %get3A_997 = vector.shape_cast %get3A_996 : vector<1x1x16xf32> to vector<16xf32>
      %mul3A_998 = vector.broadcast %squeeze3A : f32 to vector<16xf32>
      %mul3A_999 = arith.mulf %get3A_997, %mul3A_998 : vector<16xf32>
      %add3A_1000 = arith.addf %scan3A_596, %mul3A_999 : vector<16xf32>
      %get3A_1001 = arith.constant 1 : i32
      %get3A_1002 = arith.index_cast %get3A_1001 : i32 to index
      %get3A_1003 = arith.index_cast %scan3A_552 : i32 to index
      %get3A_1004 = arith.constant 704 : index
      %get3A_1005 = tpu.vector_load %arg5[%get3A_1002, %get3A_1003, %get3A_1004] {strides = array<i32>} : memref<2x64x768xf32, #tpu.memory_space<vmem>>, vector<1x1x16xf32>,
      %get3A_1006 = vector.shape_cast %get3A_1005 : vector<1x1x16xf32> to vector<16xf32>
      %mul3A_1007 = vector.broadcast %squeeze3A : f32 to vector<16xf32>
      %mul3A_1008 = arith.mulf %get3A_1006, %mul3A_1007 : vector<16xf32>
      %add3A_1009 = arith.addf %scan3A_597, %mul3A_1008 : vector<16xf32>
      %get3A_1010 = arith.constant 1 : i32
      %get3A_1011 = arith.index_cast %get3A_1010 : i32 to index
      %get3A_1012 = arith.index_cast %scan3A_552 : i32 to index
      %get3A_1013 = arith.constant 720 : index
      %get3A_1014 = tpu.vector_load %arg5[%get3A_1011, %get3A_1012, %get3A_1013] {strides = array<i32>} : memref<2x64x768xf32, #tpu.memory_space<vmem>>, vector<1x1x16xf32>,
      %get3A_1015 = vector.shape_cast %get3A_1014 : vector<1x1x16xf32> to vector<16xf32>
      %mul3A_1016 = vector.broadcast %squeeze3A : f32 to vector<16xf32>
      %mul3A_1017 = arith.mulf %get3A_1015, %mul3A_1016 : vector<16xf32>
      %add3A_1018 = arith.addf %scan3A_598, %mul3A_1017 : vector<16xf32>
      %get3A_1019 = arith.constant 1 : i32
      %get3A_1020 = arith.index_cast %get3A_1019 : i32 to index
      %get3A_1021 = arith.index_cast %scan3A_552 : i32 to index
      %get3A_1022 = arith.constant 736 : index
      %get3A_1023 = tpu.vector_load %arg5[%get3A_1020, %get3A_1021, %get3A_1022] {strides = array<i32>} : memref<2x64x768xf32, #tpu.memory_space<vmem>>, vector<1x1x16xf32>,
      %get3A_1024 = vector.shape_cast %get3A_1023 : vector<1x1x16xf32> to vector<16xf32>
      %mul3A_1025 = vector.broadcast %squeeze3A : f32 to vector<16xf32>
      %mul3A_1026 = arith.mulf %get3A_1024, %mul3A_1025 : vector<16xf32>
      %add3A_1027 = arith.addf %scan3A_599, %mul3A_1026 : vector<16xf32>
      %get3A_1028 = arith.constant 1 : i32
      %get3A_1029 = arith.index_cast %get3A_1028 : i32 to index
      %get3A_1030 = arith.index_cast %scan3A_552 : i32 to index
      %get3A_1031 = arith.constant 752 : index
      %get3A_1032 = tpu.vector_load %arg5[%get3A_1029, %get3A_1030, %get3A_1031] {strides = array<i32>} : memref<2x64x768xf32, #tpu.memory_space<vmem>>, vector<1x1x16xf32>,
      %get3A_1033 = vector.shape_cast %get3A_1032 : vector<1x1x16xf32> to vector<16xf32>
      %mul3A_1034 = vector.broadcast %squeeze3A : f32 to vector<16xf32>
      %mul3A_1035 = arith.mulf %get3A_1033, %mul3A_1034 : vector<16xf32>
      %add3A_1036 = arith.addf %scan3A_600, %mul3A_1035 : vector<16xf32>
      scf.yield %add3A_613, %add3A_622, %add3A_631, %add3A_640, %add3A_649, %add3A_658, %add3A_667, %add3A_676, %add3A_685, %add3A_694, %add3A_703, %add3A_712, %add3A_721, %add3A_730, %add3A_739, %add3A_748, %add3A_757, %add3A_766, %add3A_775, %add3A_784, %add3A_793, %add3A_802, %add3A_811, %add3A_820, %add3A_829, %add3A_838, %add3A_847, %add3A_856, %add3A_865, %add3A_874, %add3A_883, %add3A_892, %add3A_901, %add3A_910, %add3A_919, %add3A_928, %add3A_937, %add3A_946, %add3A_955, %add3A_964, %add3A_973, %add3A_982, %add3A_991, %add3A_1000, %add3A_1009, %add3A_1018, %add3A_1027, %add3A_1036 : vector<16xf32>, vector<16xf32>, vector<16xf32>, vector<16xf32>, vector<16xf32>, vector<16xf32>, vector<16xf32>, vector<16xf32>, vector<16xf32>, vector<16xf32>, vector<16xf32>, vector<16xf32>, vector<16xf32>, vector<16xf32>, vector<16xf32>, vector<16xf32>, vector<16xf32>, vector<16xf32>, vector<16xf32>, vector<16xf32>, vector<16xf32>, vector<16xf32>, vector<16xf32>, vector<16xf32>, vector<16xf32>, vector<16xf32>, vector<16xf32>, vector<16xf32>, vector<16xf32>, vector<16xf32>, vector<16xf32>, vector<16xf32>, vector<16xf32>, vector<16xf32>, vector<16xf32>, vector<16xf32>, vector<16xf32>, vector<16xf32>, vector<16xf32>, vector<16xf32>, vector<16xf32>, vector<16xf32>, vector<16xf32>, vector<16xf32>, vector<16xf32>, vector<16xf32>, vector<16xf32>, vector<16xf32>
    }
    %scan3A_360 = arith.constant 64 : i32
    %swap3A = arith.constant 0 : index
    %swap3A_361 = tpu.vector_load %arg7[%swap3A] {strides = array<i32>} : memref<768xf32, #tpu.memory_space<vmem>>, vector<16xf32>,
    %swap3A_362 = vector.shape_cast %swap3A_361 : vector<16xf32> to vector<16xf32>
    %swap3A_363 = vector.shape_cast %scan3A_359#0 : vector<16xf32> to vector<16xf32>
    tpu.vector_store %arg7[%swap3A], %swap3A_363 {strides = array<i32>} : memref<768xf32, #tpu.memory_space<vmem>>, vector<16xf32>,
    %swap3A_364 = arith.constant 16 : index
    %swap3A_365 = tpu.vector_load %arg7[%swap3A_364] {strides = array<i32>} : memref<768xf32, #tpu.memory_space<vmem>>, vector<16xf32>,
    %swap3A_366 = vector.shape_cast %swap3A_365 : vector<16xf32> to vector<16xf32>
    %swap3A_367 = vector.shape_cast %scan3A_359#1 : vector<16xf32> to vector<16xf32>
    tpu.vector_store %arg7[%swap3A_364], %swap3A_367 {strides = array<i32>} : memref<768xf32, #tpu.memory_space<vmem>>, vector<16xf32>,
    %swap3A_368 = arith.constant 32 : index
    %swap3A_369 = tpu.vector_load %arg7[%swap3A_368] {strides = array<i32>} : memref<768xf32, #tpu.memory_space<vmem>>, vector<16xf32>,
    %swap3A_370 = vector.shape_cast %swap3A_369 : vector<16xf32> to vector<16xf32>
    %swap3A_371 = vector.shape_cast %scan3A_359#2 : vector<16xf32> to vector<16xf32>
    tpu.vector_store %arg7[%swap3A_368], %swap3A_371 {strides = array<i32>} : memref<768xf32, #tpu.memory_space<vmem>>, vector<16xf32>,
    %swap3A_372 = arith.constant 48 : index
    %swap3A_373 = tpu.vector_load %arg7[%swap3A_372] {strides = array<i32>} : memref<768xf32, #tpu.memory_space<vmem>>, vector<16xf32>,
    %swap3A_374 = vector.shape_cast %swap3A_373 : vector<16xf32> to vector<16xf32>
    %swap3A_375 = vector.shape_cast %scan3A_359#3 : vector<16xf32> to vector<16xf32>
    tpu.vector_store %arg7[%swap3A_372], %swap3A_375 {strides = array<i32>} : memref<768xf32, #tpu.memory_space<vmem>>, vector<16xf32>,
    %swap3A_376 = arith.constant 64 : index
    %swap3A_377 = tpu.vector_load %arg7[%swap3A_376] {strides = array<i32>} : memref<768xf32, #tpu.memory_space<vmem>>, vector<16xf32>,
    %swap3A_378 = vector.shape_cast %swap3A_377 : vector<16xf32> to vector<16xf32>
    %swap3A_379 = vector.shape_cast %scan3A_359#4 : vector<16xf32> to vector<16xf32>
    tpu.vector_store %arg7[%swap3A_376], %swap3A_379 {strides = array<i32>} : memref<768xf32, #tpu.memory_space<vmem>>, vector<16xf32>,
    %swap3A_380 = arith.constant 80 : index
    %swap3A_381 = tpu.vector_load %arg7[%swap3A_380] {strides = array<i32>} : memref<768xf32, #tpu.memory_space<vmem>>, vector<16xf32>,
    %swap3A_382 = vector.shape_cast %swap3A_381 : vector<16xf32> to vector<16xf32>
    %swap3A_383 = vector.shape_cast %scan3A_359#5 : vector<16xf32> to vector<16xf32>
    tpu.vector_store %arg7[%swap3A_380], %swap3A_383 {strides = array<i32>} : memref<768xf32, #tpu.memory_space<vmem>>, vector<16xf32>,
    %swap3A_384 = arith.constant 96 : index
    %swap3A_385 = tpu.vector_load %arg7[%swap3A_384] {strides = array<i32>} : memref<768xf32, #tpu.memory_space<vmem>>, vector<16xf32>,
    %swap3A_386 = vector.shape_cast %swap3A_385 : vector<16xf32> to vector<16xf32>
    %swap3A_387 = vector.shape_cast %scan3A_359#6 : vector<16xf32> to vector<16xf32>
    tpu.vector_store %arg7[%swap3A_384], %swap3A_387 {strides = array<i32>} : memref<768xf32, #tpu.memory_space<vmem>>, vector<16xf32>,
    %swap3A_388 = arith.constant 112 : index
    %swap3A_389 = tpu.vector_load %arg7[%swap3A_388] {strides = array<i32>} : memref<768xf32, #tpu.memory_space<vmem>>, vector<16xf32>,
    %swap3A_390 = vector.shape_cast %swap3A_389 : vector<16xf32> to vector<16xf32>
    %swap3A_391 = vector.shape_cast %scan3A_359#7 : vector<16xf32> to vector<16xf32>
    tpu.vector_store %arg7[%swap3A_388], %swap3A_391 {strides = array<i32>} : memref<768xf32, #tpu.memory_space<vmem>>, vector<16xf32>,
    %swap3A_392 = arith.constant 128 : index
    %swap3A_393 = tpu.vector_load %arg7[%swap3A_392] {strides = array<i32>} : memref<768xf32, #tpu.memory_space<vmem>>, vector<16xf32>,
    %swap3A_394 = vector.shape_cast %swap3A_393 : vector<16xf32> to vector<16xf32>
    %swap3A_395 = vector.shape_cast %scan3A_359#8 : vector<16xf32> to vector<16xf32>
    tpu.vector_store %arg7[%swap3A_392], %swap3A_395 {strides = array<i32>} : memref<768xf32, #tpu.memory_space<vmem>>, vector<16xf32>,
    %swap3A_396 = arith.constant 144 : index
    %swap3A_397 = tpu.vector_load %arg7[%swap3A_396] {strides = array<i32>} : memref<768xf32, #tpu.memory_space<vmem>>, vector<16xf32>,
    %swap3A_398 = vector.shape_cast %swap3A_397 : vector<16xf32> to vector<16xf32>
    %swap3A_399 = vector.shape_cast %scan3A_359#9 : vector<16xf32> to vector<16xf32>
    tpu.vector_store %arg7[%swap3A_396], %swap3A_399 {strides = array<i32>} : memref<768xf32, #tpu.memory_space<vmem>>, vector<16xf32>,
    %swap3A_400 = arith.constant 160 : index
    %swap3A_401 = tpu.vector_load %arg7[%swap3A_400] {strides = array<i32>} : memref<768xf32, #tpu.memory_space<vmem>>, vector<16xf32>,
    %swap3A_402 = vector.shape_cast %swap3A_401 : vector<16xf32> to vector<16xf32>
    %swap3A_403 = vector.shape_cast %scan3A_359#10 : vector<16xf32> to vector<16xf32>
    tpu.vector_store %arg7[%swap3A_400], %swap3A_403 {strides = array<i32>} : memref<768xf32, #tpu.memory_space<vmem>>, vector<16xf32>,
    %swap3A_404 = arith.constant 176 : index
    %swap3A_405 = tpu.vector_load %arg7[%swap3A_404] {strides = array<i32>} : memref<768xf32, #tpu.memory_space<vmem>>, vector<16xf32>,
    %swap3A_406 = vector.shape_cast %swap3A_405 : vector<16xf32> to vector<16xf32>
    %swap3A_407 = vector.shape_cast %scan3A_359#11 : vector<16xf32> to vector<16xf32>
    tpu.vector_store %arg7[%swap3A_404], %swap3A_407 {strides = array<i32>} : memref<768xf32, #tpu.memory_space<vmem>>, vector<16xf32>,
    %swap3A_408 = arith.constant 192 : index
    %swap3A_409 = tpu.vector_load %arg7[%swap3A_408] {strides = array<i32>} : memref<768xf32, #tpu.memory_space<vmem>>, vector<16xf32>,
    %swap3A_410 = vector.shape_cast %swap3A_409 : vector<16xf32> to vector<16xf32>
    %swap3A_411 = vector.shape_cast %scan3A_359#12 : vector<16xf32> to vector<16xf32>
    tpu.vector_store %arg7[%swap3A_408], %swap3A_411 {strides = array<i32>} : memref<768xf32, #tpu.memory_space<vmem>>, vector<16xf32>,
    %swap3A_412 = arith.constant 208 : index
    %swap3A_413 = tpu.vector_load %arg7[%swap3A_412] {strides = array<i32>} : memref<768xf32, #tpu.memory_space<vmem>>, vector<16xf32>,
    %swap3A_414 = vector.shape_cast %swap3A_413 : vector<16xf32> to vector<16xf32>
    %swap3A_415 = vector.shape_cast %scan3A_359#13 : vector<16xf32> to vector<16xf32>
    tpu.vector_store %arg7[%swap3A_412], %swap3A_415 {strides = array<i32>} : memref<768xf32, #tpu.memory_space<vmem>>, vector<16xf32>,
    %swap3A_416 = arith.constant 224 : index
    %swap3A_417 = tpu.vector_load %arg7[%swap3A_416] {strides = array<i32>} : memref<768xf32, #tpu.memory_space<vmem>>, vector<16xf32>,
    %swap3A_418 = vector.shape_cast %swap3A_417 : vector<16xf32> to vector<16xf32>
    %swap3A_419 = vector.shape_cast %scan3A_359#14 : vector<16xf32> to vector<16xf32>
    tpu.vector_store %arg7[%swap3A_416], %swap3A_419 {strides = array<i32>} : memref<768xf32, #tpu.memory_space<vmem>>, vector<16xf32>,
    %swap3A_420 = arith.constant 240 : index
    %swap3A_421 = tpu.vector_load %arg7[%swap3A_420] {strides = array<i32>} : memref<768xf32, #tpu.memory_space<vmem>>, vector<16xf32>,
    %swap3A_422 = vector.shape_cast %swap3A_421 : vector<16xf32> to vector<16xf32>
    %swap3A_423 = vector.shape_cast %scan3A_359#15 : vector<16xf32> to vector<16xf32>
    tpu.vector_store %arg7[%swap3A_420], %swap3A_423 {strides = array<i32>} : memref<768xf32, #tpu.memory_space<vmem>>, vector<16xf32>,
    %swap3A_424 = arith.constant 256 : index
    %swap3A_425 = tpu.vector_load %arg7[%swap3A_424] {strides = array<i32>} : memref<768xf32, #tpu.memory_space<vmem>>, vector<16xf32>,
    %swap3A_426 = vector.shape_cast %swap3A_425 : vector<16xf32> to vector<16xf32>
    %swap3A_427 = vector.shape_cast %scan3A_359#16 : vector<16xf32> to vector<16xf32>
    tpu.vector_store %arg7[%swap3A_424], %swap3A_427 {strides = array<i32>} : memref<768xf32, #tpu.memory_space<vmem>>, vector<16xf32>,
    %swap3A_428 = arith.constant 272 : index
    %swap3A_429 = tpu.vector_load %arg7[%swap3A_428] {strides = array<i32>} : memref<768xf32, #tpu.memory_space<vmem>>, vector<16xf32>,
    %swap3A_430 = vector.shape_cast %swap3A_429 : vector<16xf32> to vector<16xf32>
    %swap3A_431 = vector.shape_cast %scan3A_359#17 : vector<16xf32> to vector<16xf32>
    tpu.vector_store %arg7[%swap3A_428], %swap3A_431 {strides = array<i32>} : memref<768xf32, #tpu.memory_space<vmem>>, vector<16xf32>,
    %swap3A_432 = arith.constant 288 : index
    %swap3A_433 = tpu.vector_load %arg7[%swap3A_432] {strides = array<i32>} : memref<768xf32, #tpu.memory_space<vmem>>, vector<16xf32>,
    %swap3A_434 = vector.shape_cast %swap3A_433 : vector<16xf32> to vector<16xf32>
    %swap3A_435 = vector.shape_cast %scan3A_359#18 : vector<16xf32> to vector<16xf32>
    tpu.vector_store %arg7[%swap3A_432], %swap3A_435 {strides = array<i32>} : memref<768xf32, #tpu.memory_space<vmem>>, vector<16xf32>,
    %swap3A_436 = arith.constant 304 : index
    %swap3A_437 = tpu.vector_load %arg7[%swap3A_436] {strides = array<i32>} : memref<768xf32, #tpu.memory_space<vmem>>, vector<16xf32>,
    %swap3A_438 = vector.shape_cast %swap3A_437 : vector<16xf32> to vector<16xf32>
    %swap3A_439 = vector.shape_cast %scan3A_359#19 : vector<16xf32> to vector<16xf32>
    tpu.vector_store %arg7[%swap3A_436], %swap3A_439 {strides = array<i32>} : memref<768xf32, #tpu.memory_space<vmem>>, vector<16xf32>,
    %swap3A_440 = arith.constant 320 : index
    %swap3A_441 = tpu.vector_load %arg7[%swap3A_440] {strides = array<i32>} : memref<768xf32, #tpu.memory_space<vmem>>, vector<16xf32>,
    %swap3A_442 = vector.shape_cast %swap3A_441 : vector<16xf32> to vector<16xf32>
    %swap3A_443 = vector.shape_cast %scan3A_359#20 : vector<16xf32> to vector<16xf32>
    tpu.vector_store %arg7[%swap3A_440], %swap3A_443 {strides = array<i32>} : memref<768xf32, #tpu.memory_space<vmem>>, vector<16xf32>,
    %swap3A_444 = arith.constant 336 : index
    %swap3A_445 = tpu.vector_load %arg7[%swap3A_444] {strides = array<i32>} : memref<768xf32, #tpu.memory_space<vmem>>, vector<16xf32>,
    %swap3A_446 = vector.shape_cast %swap3A_445 : vector<16xf32> to vector<16xf32>
    %swap3A_447 = vector.shape_cast %scan3A_359#21 : vector<16xf32> to vector<16xf32>
    tpu.vector_store %arg7[%swap3A_444], %swap3A_447 {strides = array<i32>} : memref<768xf32, #tpu.memory_space<vmem>>, vector<16xf32>,
    %swap3A_448 = arith.constant 352 : index
    %swap3A_449 = tpu.vector_load %arg7[%swap3A_448] {strides = array<i32>} : memref<768xf32, #tpu.memory_space<vmem>>, vector<16xf32>,
    %swap3A_450 = vector.shape_cast %swap3A_449 : vector<16xf32> to vector<16xf32>
    %swap3A_451 = vector.shape_cast %scan3A_359#22 : vector<16xf32> to vector<16xf32>
    tpu.vector_store %arg7[%swap3A_448], %swap3A_451 {strides = array<i32>} : memref<768xf32, #tpu.memory_space<vmem>>, vector<16xf32>,
    %swap3A_452 = arith.constant 368 : index
    %swap3A_453 = tpu.vector_load %arg7[%swap3A_452] {strides = array<i32>} : memref<768xf32, #tpu.memory_space<vmem>>, vector<16xf32>,
    %swap3A_454 = vector.shape_cast %swap3A_453 : vector<16xf32> to vector<16xf32>
    %swap3A_455 = vector.shape_cast %scan3A_359#23 : vector<16xf32> to vector<16xf32>
    tpu.vector_store %arg7[%swap3A_452], %swap3A_455 {strides = array<i32>} : memref<768xf32, #tpu.memory_space<vmem>>, vector<16xf32>,
    %swap3A_456 = arith.constant 384 : index
    %swap3A_457 = tpu.vector_load %arg7[%swap3A_456] {strides = array<i32>} : memref<768xf32, #tpu.memory_space<vmem>>, vector<16xf32>,
    %swap3A_458 = vector.shape_cast %swap3A_457 : vector<16xf32> to vector<16xf32>
    %swap3A_459 = vector.shape_cast %scan3A_359#24 : vector<16xf32> to vector<16xf32>
    tpu.vector_store %arg7[%swap3A_456], %swap3A_459 {strides = array<i32>} : memref<768xf32, #tpu.memory_space<vmem>>, vector<16xf32>,
    %swap3A_460 = arith.constant 400 : index
    %swap3A_461 = tpu.vector_load %arg7[%swap3A_460] {strides = array<i32>} : memref<768xf32, #tpu.memory_space<vmem>>, vector<16xf32>,
    %swap3A_462 = vector.shape_cast %swap3A_461 : vector<16xf32> to vector<16xf32>
    %swap3A_463 = vector.shape_cast %scan3A_359#25 : vector<16xf32> to vector<16xf32>
    tpu.vector_store %arg7[%swap3A_460], %swap3A_463 {strides = array<i32>} : memref<768xf32, #tpu.memory_space<vmem>>, vector<16xf32>,
    %swap3A_464 = arith.constant 416 : index
    %swap3A_465 = tpu.vector_load %arg7[%swap3A_464] {strides = array<i32>} : memref<768xf32, #tpu.memory_space<vmem>>, vector<16xf32>,
    %swap3A_466 = vector.shape_cast %swap3A_465 : vector<16xf32> to vector<16xf32>
    %swap3A_467 = vector.shape_cast %scan3A_359#26 : vector<16xf32> to vector<16xf32>
    tpu.vector_store %arg7[%swap3A_464], %swap3A_467 {strides = array<i32>} : memref<768xf32, #tpu.memory_space<vmem>>, vector<16xf32>,
    %swap3A_468 = arith.constant 432 : index
    %swap3A_469 = tpu.vector_load %arg7[%swap3A_468] {strides = array<i32>} : memref<768xf32, #tpu.memory_space<vmem>>, vector<16xf32>,
    %swap3A_470 = vector.shape_cast %swap3A_469 : vector<16xf32> to vector<16xf32>
    %swap3A_471 = vector.shape_cast %scan3A_359#27 : vector<16xf32> to vector<16xf32>
    tpu.vector_store %arg7[%swap3A_468], %swap3A_471 {strides = array<i32>} : memref<768xf32, #tpu.memory_space<vmem>>, vector<16xf32>,
    %swap3A_472 = arith.constant 448 : index
    %swap3A_473 = tpu.vector_load %arg7[%swap3A_472] {strides = array<i32>} : memref<768xf32, #tpu.memory_space<vmem>>, vector<16xf32>,
    %swap3A_474 = vector.shape_cast %swap3A_473 : vector<16xf32> to vector<16xf32>
    %swap3A_475 = vector.shape_cast %scan3A_359#28 : vector<16xf32> to vector<16xf32>
    tpu.vector_store %arg7[%swap3A_472], %swap3A_475 {strides = array<i32>} : memref<768xf32, #tpu.memory_space<vmem>>, vector<16xf32>,
    %swap3A_476 = arith.constant 464 : index
    %swap3A_477 = tpu.vector_load %arg7[%swap3A_476] {strides = array<i32>} : memref<768xf32, #tpu.memory_space<vmem>>, vector<16xf32>,
    %swap3A_478 = vector.shape_cast %swap3A_477 : vector<16xf32> to vector<16xf32>
    %swap3A_479 = vector.shape_cast %scan3A_359#29 : vector<16xf32> to vector<16xf32>
    tpu.vector_store %arg7[%swap3A_476], %swap3A_479 {strides = array<i32>} : memref<768xf32, #tpu.memory_space<vmem>>, vector<16xf32>,
    %swap3A_480 = arith.constant 480 : index
    %swap3A_481 = tpu.vector_load %arg7[%swap3A_480] {strides = array<i32>} : memref<768xf32, #tpu.memory_space<vmem>>, vector<16xf32>,
    %swap3A_482 = vector.shape_cast %swap3A_481 : vector<16xf32> to vector<16xf32>
    %swap3A_483 = vector.shape_cast %scan3A_359#30 : vector<16xf32> to vector<16xf32>
    tpu.vector_store %arg7[%swap3A_480], %swap3A_483 {strides = array<i32>} : memref<768xf32, #tpu.memory_space<vmem>>, vector<16xf32>,
    %swap3A_484 = arith.constant 496 : index
    %swap3A_485 = tpu.vector_load %arg7[%swap3A_484] {strides = array<i32>} : memref<768xf32, #tpu.memory_space<vmem>>, vector<16xf32>,
    %swap3A_486 = vector.shape_cast %swap3A_485 : vector<16xf32> to vector<16xf32>
    %swap3A_487 = vector.shape_cast %scan3A_359#31 : vector<16xf32> to vector<16xf32>
    tpu.vector_store %arg7[%swap3A_484], %swap3A_487 {strides = array<i32>} : memref<768xf32, #tpu.memory_space<vmem>>, vector<16xf32>,
    %swap3A_488 = arith.constant 512 : index
    %swap3A_489 = tpu.vector_load %arg7[%swap3A_488] {strides = array<i32>} : memref<768xf32, #tpu.memory_space<vmem>>, vector<16xf32>,
    %swap3A_490 = vector.shape_cast %swap3A_489 : vector<16xf32> to vector<16xf32>
    %swap3A_491 = vector.shape_cast %scan3A_359#32 : vector<16xf32> to vector<16xf32>
    tpu.vector_store %arg7[%swap3A_488], %swap3A_491 {strides = array<i32>} : memref<768xf32, #tpu.memory_space<vmem>>, vector<16xf32>,
    %swap3A_492 = arith.constant 528 : index
    %swap3A_493 = tpu.vector_load %arg7[%swap3A_492] {strides = array<i32>} : memref<768xf32, #tpu.memory_space<vmem>>, vector<16xf32>,
    %swap3A_494 = vector.shape_cast %swap3A_493 : vector<16xf32> to vector<16xf32>
    %swap3A_495 = vector.shape_cast %scan3A_359#33 : vector<16xf32> to vector<16xf32>
    tpu.vector_store %arg7[%swap3A_492], %swap3A_495 {strides = array<i32>} : memref<768xf32, #tpu.memory_space<vmem>>, vector<16xf32>,
    %swap3A_496 = arith.constant 544 : index
    %swap3A_497 = tpu.vector_load %arg7[%swap3A_496] {strides = array<i32>} : memref<768xf32, #tpu.memory_space<vmem>>, vector<16xf32>,
    %swap3A_498 = vector.shape_cast %swap3A_497 : vector<16xf32> to vector<16xf32>
    %swap3A_499 = vector.shape_cast %scan3A_359#34 : vector<16xf32> to vector<16xf32>
    tpu.vector_store %arg7[%swap3A_496], %swap3A_499 {strides = array<i32>} : memref<768xf32, #tpu.memory_space<vmem>>, vector<16xf32>,
    %swap3A_500 = arith.constant 560 : index
    %swap3A_501 = tpu.vector_load %arg7[%swap3A_500] {strides = array<i32>} : memref<768xf32, #tpu.memory_space<vmem>>, vector<16xf32>,
    %swap3A_502 = vector.shape_cast %swap3A_501 : vector<16xf32> to vector<16xf32>
    %swap3A_503 = vector.shape_cast %scan3A_359#35 : vector<16xf32> to vector<16xf32>
    tpu.vector_store %arg7[%swap3A_500], %swap3A_503 {strides = array<i32>} : memref<768xf32, #tpu.memory_space<vmem>>, vector<16xf32>,
    %swap3A_504 = arith.constant 576 : index
    %swap3A_505 = tpu.vector_load %arg7[%swap3A_504] {strides = array<i32>} : memref<768xf32, #tpu.memory_space<vmem>>, vector<16xf32>,
    %swap3A_506 = vector.shape_cast %swap3A_505 : vector<16xf32> to vector<16xf32>
    %swap3A_507 = vector.shape_cast %scan3A_359#36 : vector<16xf32> to vector<16xf32>
    tpu.vector_store %arg7[%swap3A_504], %swap3A_507 {strides = array<i32>} : memref<768xf32, #tpu.memory_space<vmem>>, vector<16xf32>,
    %swap3A_508 = arith.constant 592 : index
    %swap3A_509 = tpu.vector_load %arg7[%swap3A_508] {strides = array<i32>} : memref<768xf32, #tpu.memory_space<vmem>>, vector<16xf32>,
    %swap3A_510 = vector.shape_cast %swap3A_509 : vector<16xf32> to vector<16xf32>
    %swap3A_511 = vector.shape_cast %scan3A_359#37 : vector<16xf32> to vector<16xf32>
    tpu.vector_store %arg7[%swap3A_508], %swap3A_511 {strides = array<i32>} : memref<768xf32, #tpu.memory_space<vmem>>, vector<16xf32>,
    %swap3A_512 = arith.constant 608 : index
    %swap3A_513 = tpu.vector_load %arg7[%swap3A_512] {strides = array<i32>} : memref<768xf32, #tpu.memory_space<vmem>>, vector<16xf32>,
    %swap3A_514 = vector.shape_cast %swap3A_513 : vector<16xf32> to vector<16xf32>
    %swap3A_515 = vector.shape_cast %scan3A_359#38 : vector<16xf32> to vector<16xf32>
    tpu.vector_store %arg7[%swap3A_512], %swap3A_515 {strides = array<i32>} : memref<768xf32, #tpu.memory_space<vmem>>, vector<16xf32>,
    %swap3A_516 = arith.constant 624 : index
    %swap3A_517 = tpu.vector_load %arg7[%swap3A_516] {strides = array<i32>} : memref<768xf32, #tpu.memory_space<vmem>>, vector<16xf32>,
    %swap3A_518 = vector.shape_cast %swap3A_517 : vector<16xf32> to vector<16xf32>
    %swap3A_519 = vector.shape_cast %scan3A_359#39 : vector<16xf32> to vector<16xf32>
    tpu.vector_store %arg7[%swap3A_516], %swap3A_519 {strides = array<i32>} : memref<768xf32, #tpu.memory_space<vmem>>, vector<16xf32>,
    %swap3A_520 = arith.constant 640 : index
    %swap3A_521 = tpu.vector_load %arg7[%swap3A_520] {strides = array<i32>} : memref<768xf32, #tpu.memory_space<vmem>>, vector<16xf32>,
    %swap3A_522 = vector.shape_cast %swap3A_521 : vector<16xf32> to vector<16xf32>
    %swap3A_523 = vector.shape_cast %scan3A_359#40 : vector<16xf32> to vector<16xf32>
    tpu.vector_store %arg7[%swap3A_520], %swap3A_523 {strides = array<i32>} : memref<768xf32, #tpu.memory_space<vmem>>, vector<16xf32>,
    %swap3A_524 = arith.constant 656 : index
    %swap3A_525 = tpu.vector_load %arg7[%swap3A_524] {strides = array<i32>} : memref<768xf32, #tpu.memory_space<vmem>>, vector<16xf32>,
    %swap3A_526 = vector.shape_cast %swap3A_525 : vector<16xf32> to vector<16xf32>
    %swap3A_527 = vector.shape_cast %scan3A_359#41 : vector<16xf32> to vector<16xf32>
    tpu.vector_store %arg7[%swap3A_524], %swap3A_527 {strides = array<i32>} : memref<768xf32, #tpu.memory_space<vmem>>, vector<16xf32>,
    %swap3A_528 = arith.constant 672 : index
    %swap3A_529 = tpu.vector_load %arg7[%swap3A_528] {strides = array<i32>} : memref<768xf32, #tpu.memory_space<vmem>>, vector<16xf32>,
    %swap3A_530 = vector.shape_cast %swap3A_529 : vector<16xf32> to vector<16xf32>
    %swap3A_531 = vector.shape_cast %scan3A_359#42 : vector<16xf32> to vector<16xf32>
    tpu.vector_store %arg7[%swap3A_528], %swap3A_531 {strides = array<i32>} : memref<768xf32, #tpu.memory_space<vmem>>, vector<16xf32>,
    %swap3A_532 = arith.constant 688 : index
    %swap3A_533 = tpu.vector_load %arg7[%swap3A_532] {strides = array<i32>} : memref<768xf32, #tpu.memory_space<vmem>>, vector<16xf32>,
    %swap3A_534 = vector.shape_cast %swap3A_533 : vector<16xf32> to vector<16xf32>
    %swap3A_535 = vector.shape_cast %scan3A_359#43 : vector<16xf32> to vector<16xf32>
    tpu.vector_store %arg7[%swap3A_532], %swap3A_535 {strides = array<i32>} : memref<768xf32, #tpu.memory_space<vmem>>, vector<16xf32>,
    %swap3A_536 = arith.constant 704 : index
    %swap3A_537 = tpu.vector_load %arg7[%swap3A_536] {strides = array<i32>} : memref<768xf32, #tpu.memory_space<vmem>>, vector<16xf32>,
    %swap3A_538 = vector.shape_cast %swap3A_537 : vector<16xf32> to vector<16xf32>
    %swap3A_539 = vector.shape_cast %scan3A_359#44 : vector<16xf32> to vector<16xf32>
    tpu.vector_store %arg7[%swap3A_536], %swap3A_539 {strides = array<i32>} : memref<768xf32, #tpu.memory_space<vmem>>, vector<16xf32>,
    %swap3A_540 = arith.constant 720 : index
    %swap3A_541 = tpu.vector_load %arg7[%swap3A_540] {strides = array<i32>} : memref<768xf32, #tpu.memory_space<vmem>>, vector<16xf32>,
    %swap3A_542 = vector.shape_cast %swap3A_541 : vector<16xf32> to vector<16xf32>
    %swap3A_543 = vector.shape_cast %scan3A_359#45 : vector<16xf32> to vector<16xf32>
    tpu.vector_store %arg7[%swap3A_540], %swap3A_543 {strides = array<i32>} : memref<768xf32, #tpu.memory_space<vmem>>, vector<16xf32>,
    %swap3A_544 = arith.constant 736 : index
    %swap3A_545 = tpu.vector_load %arg7[%swap3A_544] {strides = array<i32>} : memref<768xf32, #tpu.memory_space<vmem>>, vector<16xf32>,
    %swap3A_546 = vector.shape_cast %swap3A_545 : vector<16xf32> to vector<16xf32>
    %swap3A_547 = vector.shape_cast %scan3A_359#46 : vector<16xf32> to vector<16xf32>
    tpu.vector_store %arg7[%swap3A_544], %swap3A_547 {strides = array<i32>} : memref<768xf32, #tpu.memory_space<vmem>>, vector<16xf32>,
    %swap3A_548 = arith.constant 752 : index
    %swap3A_549 = tpu.vector_load %arg7[%swap3A_548] {strides = array<i32>} : memref<768xf32, #tpu.memory_space<vmem>>, vector<16xf32>,
    %swap3A_550 = vector.shape_cast %swap3A_549 : vector<16xf32> to vector<16xf32>
    %swap3A_551 = vector.shape_cast %scan3A_359#47 : vector<16xf32> to vector<16xf32>
    tpu.vector_store %arg7[%swap3A_548], %swap3A_551 {strides = array<i32>} : memref<768xf32, #tpu.memory_space<vmem>>, vector<16xf32>,
    "tpu.region"() ({
      %run_scoped3A = tpu.sem_alloc : memref<!tpu.dma_semaphore, #tpu.memory_space<semaphore_mem>>
      %dma_start3A_552 = arith.constant 0 : i32
      %dma_start3A_553 = tpu.memref_slice %arg4[%add3A, %dma_start3A_552] : memref<32x768xf32, #tpu.memory_space<hbm>> -> memref<1x768xf32, #tpu.memory_space<hbm>>
      %dma_start3A_554 = tpu.memref_squeeze %dma_start3A_553 : memref<1x768xf32, #tpu.memory_space<hbm>> -> memref<768xf32, #tpu.memory_space<hbm>>
      %dma_start3A_555 = arith.constant 0 : i32
      %dma_start3A_556 = tpu.memref_slice %arg4[%add3A, %dma_start3A_555] : memref<32x768xf32, #tpu.memory_space<hbm>> -> memref<1x768xf32, #tpu.memory_space<hbm>>
      %dma_start3A_557 = tpu.memref_squeeze %dma_start3A_556 : memref<1x768xf32, #tpu.memory_space<hbm>> -> memref<768xf32, #tpu.memory_space<hbm>>
      tpu.enqueue_dma source(%arg7 : memref<768xf32, #tpu.memory_space<vmem>>) target(%dma_start3A_557 : memref<768xf32, #tpu.memory_space<hbm>>) target_semaphore(%run_scoped3A : memref<!tpu.dma_semaphore, #tpu.memory_space<semaphore_mem>>)
      %dma_wait3A_558 = arith.constant 0 : i32
      %dma_wait3A_559 = tpu.memref_slice %arg4[%add3A, %dma_wait3A_558] : memref<32x768xf32, #tpu.memory_space<hbm>> -> memref<1x768xf32, #tpu.memory_space<hbm>>
      %dma_wait3A_560 = tpu.memref_squeeze %dma_wait3A_559 : memref<1x768xf32, #tpu.memory_space<hbm>> -> memref<768xf32, #tpu.memory_space<hbm>>
      %dma_wait3A_561 = arith.constant 0 : i32
      %dma_wait3A_562 = tpu.memref_slice %arg4[%add3A, %dma_wait3A_561] : memref<32x768xf32, #tpu.memory_space<hbm>> -> memref<1x768xf32, #tpu.memory_space<hbm>>
      %dma_wait3A_563 = tpu.memref_squeeze %dma_wait3A_562 : memref<1x768xf32, #tpu.memory_space<hbm>> -> memref<768xf32, #tpu.memory_space<hbm>>
      tpu.wait_dma2 semaphore(%run_scoped3A : memref<!tpu.dma_semaphore, #tpu.memory_space<semaphore_mem>>) src(%arg7 : memref<768xf32, #tpu.memory_space<vmem>>) dst(%dma_wait3A_563 : memref<768xf32, #tpu.memory_space<hbm>>)
      tpu.yield
    }) : () -> ()
    return
  }
}

module attributes {stable_mosaic.version = 14 : i64} {
  func.func @_tc_partial_body(%arg0: i32, %arg1: memref<2048x768xf32, #tpu.memory_space<vmem>>, %arg2: memref<1x2048xf32, #tpu.memory_space<vmem>>, %arg3: memref<1x768xf32, #tpu.memory_space<vmem>>, %arg4: memref<1x768xf32, #tpu.memory_space<vmem>>) attributes {dimension_semantics = [#tpu.dimension_semantics<arbitrary>], iteration_bounds = array<i64: 5>, scalar_prefetch = 0 : i64, scratch_operands = 1 : i64, tpu.core_type = #tpu.core_type<tc>, window_params = [{transform_indices = @transform_0, window_bounds = array<i64: 2048, 768>}, {transform_indices = @transform_1, window_bounds = array<i64: 1, 2048>}, {pipeline_mode = #tpu.pipeline_mode<synchronous>, transform_indices = @transform_2, window_bounds = array<i64: 1, 768>}]} {
    %eq3A = arith.constant 0 : i32
    %eq3A_0 = arith.cmpi eq, %arg0, %eq3A : i32
    %convert_element_type3A = arith.extui %eq3A_0 : i1 to i32
    %cond3A = arith.constant 0 : i32
    %cond3A_1 = arith.cmpi ne, %convert_element_type3A, %cond3A : i32
    scf.if %cond3A_1 {
      %broadcast_in_dim3A = arith.constant 0.000000e+00 : f32
      %broadcast_in_dim3A_18 = vector.broadcast %broadcast_in_dim3A : f32 to vector<1x768xf32>
      %swap3A_19 = arith.constant 0 : index
      %swap3A_20 = arith.constant 0 : index
      %swap3A_21 = vector.load %arg4[%swap3A_19, %swap3A_20] : memref<1x768xf32, #tpu.memory_space<vmem>>, vector<1x768xf32>
      tpu.vector_store %arg4[%swap3A_19, %swap3A_20], %broadcast_in_dim3A_18 {strides = array<i32>} : memref<1x768xf32, #tpu.memory_space<vmem>>, vector<1x768xf32>,
    } else {
    }
    %get3A = arith.constant 0 : index
    %get3A_2 = arith.constant 0 : index
    %get3A_3 = vector.load %arg4[%get3A, %get3A_2] : memref<1x768xf32, #tpu.memory_space<vmem>>, vector<1x768xf32>
    %get3A_4 = arith.constant 0 : index
    %get3A_5 = arith.constant 0 : index
    %get3A_6 = vector.load %arg2[%get3A_4, %get3A_5] : memref<1x2048xf32, #tpu.memory_space<vmem>>, vector<1x2048xf32>
    %get3A_7 = arith.constant 0 : index
    %get3A_8 = arith.constant 0 : index
    %get3A_9 = vector.load %arg1[%get3A_7, %get3A_8] : memref<2048x768xf32, #tpu.memory_space<vmem>>, vector<2048x768xf32>
    %dot_general3A = arith.constant dense<0.000000e+00> : vector<1x768xf32>
    %dot_general3A_10 = tpu.matmul %get3A_6, %get3A_9, %dot_general3A {dimension_numbers = #tpu.dot_dimension_numbers<[1], [0], [0], [1], [0, 0, 1, 1], [], []>, transpose_lhs_hint = false} : vector<1x2048xf32>, vector<2048x768xf32>, vector<1x768xf32> -> vector<1x768xf32>
    %add3A = arith.addf %get3A_3, %dot_general3A_10 : vector<1x768xf32>
    %swap3A = arith.constant 0 : index
    %swap3A_11 = arith.constant 0 : index
    %swap3A_12 = vector.load %arg4[%swap3A, %swap3A_11] : memref<1x768xf32, #tpu.memory_space<vmem>>, vector<1x768xf32>
    tpu.vector_store %arg4[%swap3A, %swap3A_11], %add3A {strides = array<i32>} : memref<1x768xf32, #tpu.memory_space<vmem>>, vector<1x768xf32>,
    %eq3A_13 = arith.constant 4 : i32
    %eq3A_14 = arith.cmpi eq, %arg0, %eq3A_13 : i32
    %convert_element_type3A_15 = arith.extui %eq3A_14 : i1 to i32
    %cond3A_16 = arith.constant 0 : i32
    %cond3A_17 = arith.cmpi ne, %convert_element_type3A_15, %cond3A_16 : i32
    scf.if %cond3A_17 {
      %get3A_18 = arith.constant 0 : index
      %get3A_19 = arith.constant 0 : index
      %get3A_20 = vector.load %arg4[%get3A_18, %get3A_19] : memref<1x768xf32, #tpu.memory_space<vmem>>, vector<1x768xf32>
      %swap3A_21 = arith.constant 0 : index
      %swap3A_22 = arith.constant 0 : index
      %swap3A_23 = vector.load %arg3[%swap3A_21, %swap3A_22] : memref<1x768xf32, #tpu.memory_space<vmem>>, vector<1x768xf32>
      tpu.vector_store %arg3[%swap3A_21, %swap3A_22], %get3A_20 {strides = array<i32>} : memref<1x768xf32, #tpu.memory_space<vmem>>, vector<1x768xf32>,
    } else {
    }
    return
  }
  func.func @transform_0(%arg0: i32) -> (i32, i32) {
    %add3A = arith.constant 0 : i32
    %add3A_0 = arith.addi %add3A, %arg0 : i32
    %c0_i32 = arith.constant 0 : i32
    %c0_i32_1 = arith.constant 0 : i32
    return %add3A_0, %c0_i32 : i32, i32
  }
  func.func @transform_1(%arg0: i32) -> (i32, i32) {
    %add3A = arith.constant 0 : i32
    %add3A_0 = arith.addi %add3A, %arg0 : i32
    %c0_i32 = arith.constant 0 : i32
    %c0_i32_1 = arith.constant 0 : i32
    return %c0_i32, %add3A_0 : i32, i32
  }
  func.func @transform_2(%arg0: i32) -> (i32, i32) {
    %c0_i32 = arith.constant 0 : i32
    %c0_i32_0 = arith.constant 0 : i32
    %c0_i32_1 = arith.constant 0 : i32
    return %c0_i32, %c0_i32_0 : i32, i32
  }
}

module attributes {stable_mosaic.version = 14 : i64} {
  func.func @_gate_body(%arg0: memref<1x768xf32, #tpu.memory_space<vmem>>, %arg1: memref<1x768xf32, #tpu.memory_space<vmem>>, %arg2: memref<32x768xf32, #tpu.memory_space<vmem>>, %arg3: memref<64x768xf32, #tpu.memory_space<vmem>>, %arg4: memref<64x64xf32, #tpu.memory_space<vmem>>, %arg5: memref<1x2xi32, #tpu.memory_space<vmem>>, %arg6: memref<1x2xf32, #tpu.memory_space<vmem>>) attributes {dimension_semantics = [], scalar_prefetch = 0 : i64, scratch_operands = 0 : i64, tpu.core_type = #tpu.core_type<tc>} {
    %get3A = arith.constant 0 : index
    %get3A_0 = arith.constant 0 : index
    %get3A_1 = vector.load %arg0[%get3A, %get3A_0] : memref<1x768xf32, #tpu.memory_space<vmem>>, vector<1x768xf32>
    %get3A_2 = arith.constant 0 : index
    %get3A_3 = arith.constant 0 : index
    %get3A_4 = vector.load %arg1[%get3A_2, %get3A_3] : memref<1x768xf32, #tpu.memory_space<vmem>>, vector<1x768xf32>
    %add3A = arith.addf %get3A_1, %get3A_4 : vector<1x768xf32>
    %get3A_5 = arith.constant 0 : index
    %get3A_6 = arith.constant 0 : index
    %get3A_7 = vector.load %arg2[%get3A_5, %get3A_6] : memref<32x768xf32, #tpu.memory_space<vmem>>, vector<32x768xf32>
    %reduce_sum3A = arith.constant dense<0.000000e+00> : vector<768xf32>
    %reduce_sum3A_8 = vector.multi_reduction <add>, %get3A_7, %reduce_sum3A [0] : vector<32x768xf32> to vector<768xf32>
    %broadcast_in_dim3A = vector.shape_cast %reduce_sum3A_8 : vector<768xf32> to vector<1x768xf32>
    %add3A_9 = arith.addf %add3A, %broadcast_in_dim3A : vector<1x768xf32>
    %get3A_10 = arith.constant 0 : index
    %get3A_11 = arith.constant 0 : index
    %get3A_12 = vector.load %arg3[%get3A_10, %get3A_11] : memref<64x768xf32, #tpu.memory_space<vmem>>, vector<64x768xf32>
    %dot_general3A = arith.constant dense<0.000000e+00> : vector<1x64xf32>
    %dot_general3A_13 = tpu.matmul %add3A_9, %get3A_12, %dot_general3A {dimension_numbers = #tpu.dot_dimension_numbers<[1], [1], [0], [0], [0, 0, 1, 0], [], []>, transpose_lhs_hint = false} : vector<1x768xf32>, vector<64x768xf32>, vector<1x64xf32> -> vector<1x64xf32>
    %get3A_14 = arith.constant 0 : index
    %get3A_15 = arith.constant 0 : index
    %get3A_16 = vector.load %arg4[%get3A_14, %get3A_15] : memref<64x64xf32, #tpu.memory_space<vmem>>, vector<64x64xf32>
    %dot_general3A_17 = arith.constant dense<0.000000e+00> : vector<1x64xf32>
    %dot_general3A_18 = tpu.matmul %dot_general3A_13, %get3A_16, %dot_general3A_17 {dimension_numbers = #tpu.dot_dimension_numbers<[1], [1], [0], [0], [0, 0, 1, 0], [], []>, transpose_lhs_hint = false} : vector<1x64xf32>, vector<64x64xf32>, vector<1x64xf32> -> vector<1x64xf32>
    %iota3A = tpu.iota {dimensions = array<i32: 1>} : vector<1x64xi32>
    %reduce_max3A = vector.shape_cast %dot_general3A_18 : vector<1x64xf32> to vector<1x1x64xf32>
    %reduce_max3A_19 = arith.constant dense<0xFF800000> : vector<1xf32>
    %reduce_max3A_20 = vector.multi_reduction <maximumf>, %reduce_max3A, %reduce_max3A_19 [1, 2] : vector<1x1x64xf32> to vector<1xf32>
    %reduce_max3A_21 = vector.shape_cast %reduce_max3A_20 : vector<1xf32> to vector<1x1x1xf32>
    %reduce_max3A_22 = vector.extract %reduce_max3A_21[0, 0, 0] : f32 from vector<1x1x1xf32>
    %eq3A = vector.broadcast %reduce_max3A_22 : f32 to vector<1x64xf32>
    %eq3A_23 = arith.cmpf oeq, %dot_general3A_18, %eq3A : vector<1x64xf32>
    %jit3A = arith.constant 64 : i32
    %broadcast_in_dim3A_24 = vector.broadcast %jit3A : i32 to vector<1x64xi32>
    %select_n3A = arith.select %eq3A_23, %iota3A, %broadcast_in_dim3A_24 : vector<1x64xi1>, vector<1x64xi32>
    %reduce_min3A = vector.shape_cast %select_n3A : vector<1x64xi32> to vector<1x1x64xi32>
    %reduce_min3A_25 = arith.constant dense<2147483647> : vector<1xi32>
    %reduce_min3A_26 = vector.multi_reduction <minsi>, %reduce_min3A, %reduce_min3A_25 [1, 2] : vector<1x1x64xi32> to vector<1xi32>
    %reduce_min3A_27 = vector.shape_cast %reduce_min3A_26 : vector<1xi32> to vector<1x1x1xi32>
    %reduce_min3A_28 = vector.extract %reduce_min3A_27[0, 0, 0] : i32 from vector<1x1x1xi32>
    %eq3A_29 = vector.broadcast %reduce_min3A_28 : i32 to vector<1x64xi32>
    %eq3A_30 = arith.cmpi eq, %iota3A, %eq3A_29 : vector<1x64xi32>
    %jit3A_31 = arith.constant 0xFF800000 : f32
    %broadcast_in_dim3A_32 = vector.broadcast %jit3A_31 : f32 to vector<1x64xf32>
    %select_n3A_33 = arith.select %eq3A_30, %broadcast_in_dim3A_32, %dot_general3A_18 : vector<1x64xi1>, vector<1x64xf32>
    %reduce_max3A_34 = vector.shape_cast %select_n3A_33 : vector<1x64xf32> to vector<1x1x64xf32>
    %reduce_max3A_35 = arith.constant dense<0xFF800000> : vector<1xf32>
    %reduce_max3A_36 = vector.multi_reduction <maximumf>, %reduce_max3A_34, %reduce_max3A_35 [1, 2] : vector<1x1x64xf32> to vector<1xf32>
    %reduce_max3A_37 = vector.shape_cast %reduce_max3A_36 : vector<1xf32> to vector<1x1x1xf32>
    %reduce_max3A_38 = vector.extract %reduce_max3A_37[0, 0, 0] : f32 from vector<1x1x1xf32>
    %eq3A_39 = vector.broadcast %reduce_max3A_38 : f32 to vector<1x64xf32>
    %eq3A_40 = arith.cmpf oeq, %select_n3A_33, %eq3A_39 : vector<1x64xf32>
    %jit3A_41 = arith.constant 64 : i32
    %broadcast_in_dim3A_42 = vector.broadcast %jit3A_41 : i32 to vector<1x64xi32>
    %select_n3A_43 = arith.select %eq3A_40, %iota3A, %broadcast_in_dim3A_42 : vector<1x64xi1>, vector<1x64xi32>
    %reduce_min3A_44 = vector.shape_cast %select_n3A_43 : vector<1x64xi32> to vector<1x1x64xi32>
    %reduce_min3A_45 = arith.constant dense<2147483647> : vector<1xi32>
    %reduce_min3A_46 = vector.multi_reduction <minsi>, %reduce_min3A_44, %reduce_min3A_45 [1, 2] : vector<1x1x64xi32> to vector<1xi32>
    %reduce_min3A_47 = vector.shape_cast %reduce_min3A_46 : vector<1xi32> to vector<1x1x1xi32>
    %reduce_min3A_48 = vector.extract %reduce_min3A_47[0, 0, 0] : i32 from vector<1x1x1xi32>
    %sub3A = arith.subf %reduce_max3A_38, %reduce_max3A_22 : f32
    %exp3A = math.exp %sub3A : f32
    %add3A_49 = arith.constant 1.000000e+00 : f32
    %add3A_50 = arith.addf %add3A_49, %exp3A : f32
    %div3A = arith.constant 1.000000e+00 : f32
    %div3A_51 = arith.divf %div3A, %add3A_50 : f32
    %iota3A_52 = tpu.iota {dimensions = array<i32: 1>} : vector<1x2xi32>
    %eq3A_53 = arith.constant 0 : i32
    %eq3A_54 = vector.broadcast %eq3A_53 : i32 to vector<1x2xi32>
    %eq3A_55 = arith.cmpi eq, %iota3A_52, %eq3A_54 : vector<1x2xi32>
    %broadcast_in_dim3A_56 = vector.broadcast %reduce_min3A_28 : i32 to vector<1x2xi32>
    %broadcast_in_dim3A_57 = vector.broadcast %reduce_min3A_48 : i32 to vector<1x2xi32>
    %select_n3A_58 = arith.select %eq3A_55, %broadcast_in_dim3A_56, %broadcast_in_dim3A_57 : vector<1x2xi1>, vector<1x2xi32>
    %swap3A = arith.constant 0 : index
    %swap3A_59 = arith.constant 0 : index
    %swap3A_60 = vector.load %arg5[%swap3A, %swap3A_59] : memref<1x2xi32, #tpu.memory_space<vmem>>, vector<1x2xi32>
    tpu.vector_store %arg5[%swap3A, %swap3A_59], %select_n3A_58 {strides = array<i32>} : memref<1x2xi32, #tpu.memory_space<vmem>>, vector<1x2xi32>,
    %eq3A_61 = arith.constant 0 : i32
    %eq3A_62 = vector.broadcast %eq3A_61 : i32 to vector<1x2xi32>
    %eq3A_63 = arith.cmpi eq, %iota3A_52, %eq3A_62 : vector<1x2xi32>
    %sub3A_64 = arith.constant 1.000000e+00 : f32
    %sub3A_65 = arith.subf %sub3A_64, %div3A_51 : f32
    %broadcast_in_dim3A_66 = vector.broadcast %div3A_51 : f32 to vector<1x2xf32>
    %broadcast_in_dim3A_67 = vector.broadcast %sub3A_65 : f32 to vector<1x2xf32>
    %select_n3A_68 = arith.select %eq3A_63, %broadcast_in_dim3A_66, %broadcast_in_dim3A_67 : vector<1x2xi1>, vector<1x2xf32>
    %swap3A_69 = arith.constant 0 : index
    %swap3A_70 = arith.constant 0 : index
    %swap3A_71 = vector.load %arg6[%swap3A_69, %swap3A_70] : memref<1x2xf32, #tpu.memory_space<vmem>>, vector<1x2xf32>
    tpu.vector_store %arg6[%swap3A_69, %swap3A_70], %select_n3A_68 {strides = array<i32>} : memref<1x2xf32, #tpu.memory_space<vmem>>, vector<1x2xf32>,
    return
  }
}

module attributes {stable_mosaic.version = 14 : i64} {
  func.func @_tc_partial_body(%arg0: i32, %arg1: memref<2048x768xf32, #tpu.memory_space<vmem>>, %arg2: memref<1x2048xf32, #tpu.memory_space<vmem>>, %arg3: memref<1x768xf32, #tpu.memory_space<vmem>>, %arg4: memref<1x768xf32, #tpu.memory_space<vmem>>) attributes {dimension_semantics = [#tpu.dimension_semantics<arbitrary>], iteration_bounds = array<i64: 5>, scalar_prefetch = 0 : i64, scratch_operands = 1 : i64, tpu.core_type = #tpu.core_type<tc>, window_params = [{transform_indices = @transform_0, window_bounds = array<i64: 2048, 768>}, {transform_indices = @transform_1, window_bounds = array<i64: 1, 2048>}, {pipeline_mode = #tpu.pipeline_mode<synchronous>, transform_indices = @transform_2, window_bounds = array<i64: 1, 768>}]} {
    %eq3A = arith.constant 0 : i32
    %eq3A_0 = arith.cmpi eq, %arg0, %eq3A : i32
    %convert_element_type3A = arith.extui %eq3A_0 : i1 to i32
    %cond3A = arith.constant 0 : i32
    %cond3A_1 = arith.cmpi ne, %convert_element_type3A, %cond3A : i32
    scf.if %cond3A_1 {
      %broadcast_in_dim3A = arith.constant 0.000000e+00 : f32
      %broadcast_in_dim3A_18 = vector.broadcast %broadcast_in_dim3A : f32 to vector<1x768xf32>
      %swap3A_19 = arith.constant 0 : index
      %swap3A_20 = arith.constant 0 : index
      %swap3A_21 = vector.load %arg4[%swap3A_19, %swap3A_20] : memref<1x768xf32, #tpu.memory_space<vmem>>, vector<1x768xf32>
      tpu.vector_store %arg4[%swap3A_19, %swap3A_20], %broadcast_in_dim3A_18 {strides = array<i32>} : memref<1x768xf32, #tpu.memory_space<vmem>>, vector<1x768xf32>,
    } else {
    }
    %get3A = arith.constant 0 : index
    %get3A_2 = arith.constant 0 : index
    %get3A_3 = vector.load %arg4[%get3A, %get3A_2] : memref<1x768xf32, #tpu.memory_space<vmem>>, vector<1x768xf32>
    %get3A_4 = arith.constant 0 : index
    %get3A_5 = arith.constant 0 : index
    %get3A_6 = vector.load %arg2[%get3A_4, %get3A_5] : memref<1x2048xf32, #tpu.memory_space<vmem>>, vector<1x2048xf32>
    %get3A_7 = arith.constant 0 : index
    %get3A_8 = arith.constant 0 : index
    %get3A_9 = vector.load %arg1[%get3A_7, %get3A_8] : memref<2048x768xf32, #tpu.memory_space<vmem>>, vector<2048x768xf32>
    %dot_general3A = arith.constant dense<0.000000e+00> : vector<1x768xf32>
    %dot_general3A_10 = tpu.matmul %get3A_6, %get3A_9, %dot_general3A {dimension_numbers = #tpu.dot_dimension_numbers<[1], [0], [0], [1], [0, 0, 1, 1], [], []>, transpose_lhs_hint = false} : vector<1x2048xf32>, vector<2048x768xf32>, vector<1x768xf32> -> vector<1x768xf32>
    %add3A = arith.addf %get3A_3, %dot_general3A_10 : vector<1x768xf32>
    %swap3A = arith.constant 0 : index
    %swap3A_11 = arith.constant 0 : index
    %swap3A_12 = vector.load %arg4[%swap3A, %swap3A_11] : memref<1x768xf32, #tpu.memory_space<vmem>>, vector<1x768xf32>
    tpu.vector_store %arg4[%swap3A, %swap3A_11], %add3A {strides = array<i32>} : memref<1x768xf32, #tpu.memory_space<vmem>>, vector<1x768xf32>,
    %eq3A_13 = arith.constant 4 : i32
    %eq3A_14 = arith.cmpi eq, %arg0, %eq3A_13 : i32
    %convert_element_type3A_15 = arith.extui %eq3A_14 : i1 to i32
    %cond3A_16 = arith.constant 0 : i32
    %cond3A_17 = arith.cmpi ne, %convert_element_type3A_15, %cond3A_16 : i32
    scf.if %cond3A_17 {
      %get3A_18 = arith.constant 0 : index
      %get3A_19 = arith.constant 0 : index
      %get3A_20 = vector.load %arg4[%get3A_18, %get3A_19] : memref<1x768xf32, #tpu.memory_space<vmem>>, vector<1x768xf32>
      %swap3A_21 = arith.constant 0 : index
      %swap3A_22 = arith.constant 0 : index
      %swap3A_23 = vector.load %arg3[%swap3A_21, %swap3A_22] : memref<1x768xf32, #tpu.memory_space<vmem>>, vector<1x768xf32>
      tpu.vector_store %arg3[%swap3A_21, %swap3A_22], %get3A_20 {strides = array<i32>} : memref<1x768xf32, #tpu.memory_space<vmem>>, vector<1x768xf32>,
    } else {
    }
    return
  }
  func.func @transform_0(%arg0: i32) -> (i32, i32) {
    %add3A = arith.constant 5 : i32
    %add3A_0 = arith.addi %add3A, %arg0 : i32
    %c0_i32 = arith.constant 0 : i32
    %c0_i32_1 = arith.constant 0 : i32
    return %add3A_0, %c0_i32 : i32, i32
  }
  func.func @transform_1(%arg0: i32) -> (i32, i32) {
    %add3A = arith.constant 5 : i32
    %add3A_0 = arith.addi %add3A, %arg0 : i32
    %c0_i32 = arith.constant 0 : i32
    %c0_i32_1 = arith.constant 0 : i32
    return %c0_i32, %add3A_0 : i32, i32
  }
  func.func @transform_2(%arg0: i32) -> (i32, i32) {
    %c0_i32 = arith.constant 0 : i32
    %c0_i32_0 = arith.constant 0 : i32
    %c0_i32_1 = arith.constant 0 : i32
    return %c0_i32, %c0_i32_0 : i32, i32
  }
}

</mosaic_0001>

<sc_bundles>
// kernel: kernel.6.cloned.1.call-start
scs
__scs_entry_jumppad:
0x0: {  	(pc) =	sbr.rel $0x88, $3  }
0x1: {  	(tag) =	ssettag $0x0;
	lr =	simm.s32 $0x1  }
0x2: {  	[smem:$0x3F9D] =	sst lr;
	_ =	strace $0xD0000000  }
0x3: {  	_ = 	snop  }
0x4: {  	_ = 	snop  }
0x5: {  	_ = 	snop  }
0x6: {  	_ = 	snop  }
0x7: {  	_ = 	snop  }
__scs_overlays_trampoline_lowered:
0x8: {  	[smem:$0x3FAC] =	sst s0  }
0x9: {  	[smem:$0x3FAD] =	sst s1  }
0xa: {  	[smem:$0x3FAE] =	sst s2  }
0xb: {  	[smem:$0x3FAF] =	sst s3  }
0xc: {  	[smem:$0x3FB0] =	sst s4  }
0xd: {  	[smem:$0x3FB1] =	sst s5  }
0xe: {  	[smem:$0x3FB2] =	sst s6  }
0xf: {  	[smem:$0x3FB3] =	sst s7  }
0x10: {  	[smem:$0x3FB4] =	sst s8  }
0x11: {  	[smem:$0x3FB5] =	sst s9;
	s0 =	simm.s32 @!p0 $0x0  }
0x12: {  	s1 =	sld [smem:$0x3F9B];
	s0 =	simm.s32 @p0 $0x1  }
0x13: {  	[smem:$0x3FB6] =	sst s0;
	s0 =	simm.s32 @!p1 $0x0  }
0x14: {  	s2 =	sld [smem:$0x3F9A];
	s0 =	simm.s32 @p1 $0x1  }
0x15: {  	[smem:$0x3FB7] =	sst s0;
	s0 =	simm.s32 @!p2 $0x0  }
0x16: {  	s3 =	sld [smem:$0x3FDB];
	s0 =	simm.s32 @p2 $0x1  }
0x17: {  	s4 =	simm.s32 $0x1BF5;
	[smem:$0x3FB9] =	sst s0  }
0x18: {  	s0 =	sld [smem:$0x3F9C];
	_ =	swait.ge [sflag:s4], $0x0  }
0x19: {  	s7 =	sld [smem:$0x3F9D]  }
0x1a: {  	s8 =	sadd.s32 $0xFFFFE003, lr  }
0x1b: {  	s9 =	sadd.s32 $0xFFFFFEF7, lr;
	s5 =	simm.s32 $0xFFFFFFFF;
	p2 =	slt.u32 s8, $0xFFFFF086  }
0x1c: {  	p1 =	slt.u32 s9, $0xF7A;
	s5 =	simm.s32 @!p2 $0x0  }
0x1d: {  	s5 =	simm.s32 @p1 $0x1;
	p0 =	seq.s32 s7, s2  }
0x1e: {  	s7 =	smul.u32 @!p0 $0xF7A, s2;
	p2 =	seq.s32 @!p0 s5, $0x0  }
0x1f: {  	s9 =	smul.u32 $0xF7A, s1;
	s8 =	simm.s32 @!p0 $0x1BF5;
	p2 =	por !p2, p0  }
0x20: {  	[sflag:s8] =	ssyncset.s32 @!p0 $0xFFFFF086;
	s6 =	sadd.s32 @!p0 s3, s7;
	s7 =	simm.s32 @!p0 $0x108  }
0x21: {  	s3 =	sadd.s32 s3, s9;
	s6 =	sadd.s32 @!p0 $0x88, s6;
	s7 =	simm.s32 @p2 $0x1082  }
0x22: {  	[simem:s7], [sflag:s8] =	dma.local @!p0 [hbm:s6], $0xF7A  }
0x23: {  	s9 =	sor.u32 $0xD0000000, s2;
	s6 =	simm.s32 $0x108;
	_ =	swait.ge @!p0 [sflag:s8], $0x0  }
0x24: {  	s3 =	sadd.s32 $0x88, s3;
	s6 =	simm.s32 @!p1 $0x1082;
	[sflag:s4] =	ssyncset.s32 $0xFFFFF086  }
0x25: {  	[simem:s6], [sflag:s4] =	dma.local [hbm:s3], $0xF7A  }
0x26: {  	[smem:$0x3F9D] =	sst s1;
	(tag) =	ssettag s2;
	_ =	strace s9  }
0x27: {  	s1 =	sld [smem:$0x3FAD]  }
0x28: {  	s2 =	sld [smem:$0x3FAE]  }
0x29: {  	s4 =	sld [smem:$0x3FB0]  }
0x2a: {  	p0 =	seq.s32 s5, $0x0;
	s5 =	sld [smem:$0x3FB1]  }
0x2b: {  	s6 =	sld [smem:$0x3FB2]  }
0x2c: {  	s7 =	sld [smem:$0x3FB3]  }
0x2d: {  	s3 =	simm.s32 $0x108;
	s8 =	sld [smem:$0x3FB4]  }
0x2e: {  	s3 =	simm.s32 @!p0 $0x1082;
	s9 =	sld [smem:$0x3FB5]  }
0x2f: {  	lr =	sadd.s32 s0, s3;
	s0 =	sld [smem:$0x3FAC]  }
0x30: {  	s3 =	sld [smem:$0x3FAF]  }
0x31: {  	[smem:$0x3FB8] =	sst s10  }
0x32: {  	s10 =	sld [smem:$0x3FB6];
	_ =	sdelay $0x3  }
0x33: {  	p0 =	seq.s32 s10, $0x1;
	s10 =	sld [smem:$0x3FB8];
	_ =	sdelay $0x3  }
0x34: {  	[smem:$0x3FB8] =	sst s10  }
0x35: {  	s10 =	sld [smem:$0x3FB7];
	_ =	sdelay $0x3  }
0x36: {  	p1 =	seq.s32 s10, $0x1;
	s10 =	sld [smem:$0x3FB8];
	_ =	sdelay $0x3  }
0x37: {  	[smem:$0x3FB8] =	sst s10  }
0x38: {  	s10 =	sld [smem:$0x3FB9]  }
0x39: {  	_ = 	snop;
	(pc) =	sbr.ind lr, $3  }
0x3a: {  	_ = 	snop  }
0x3b: {  	_ = 	snop  }
0x3c: {  	p2 =	seq.s32 s10, $0x1;
	s10 =	sld [smem:$0x3FB8]  }
0x3d: {  	_ =	shalt  }
0x3e: {  	_ =	shalt  }
0x3f: {  	_ =	shalt  }
0x40: {  	_ =	shalt  }
0x41: {  	_ =	shalt  }
0x42: {  	_ =	shalt  }
0x43: {  	_ =	shalt  }
0x44: {  	_ =	shalt  }
0x45: {  	_ =	shalt  }
0x46: {  	_ =	shalt  }
0x47: {  	_ =	shalt  }
0x48: {  	_ =	shalt  }
0x49: {  	_ =	shalt  }
0x4a: {  	_ =	shalt  }
0x4b: {  	_ =	shalt  }
0x4c: {  	_ =	shalt  }
0x4d: {  	_ =	shalt  }
0x4e: {  	_ =	shalt  }
0x4f: {  	_ =	shalt  }
0x50: {  	_ =	shalt  }
0x51: {  	_ =	shalt  }
0x52: {  	_ =	shalt  }
0x53: {  	_ =	shalt  }
0x54: {  	_ =	shalt  }
0x55: {  	_ =	shalt  }
0x56: {  	_ =	shalt  }
0x57: {  	_ =	shalt  }
0x58: {  	_ =	shalt  }
0x59: {  	_ =	shalt  }
0x5a: {  	_ =	shalt  }
0x5b: {  	_ =	shalt  }
0x5c: {  	_ =	shalt  }
0x5d: {  	_ =	shalt  }
0x5e: {  	_ =	shalt  }
0x5f: {  	_ =	shalt  }
0x60: {  	_ =	shalt  }
0x61: {  	_ =	shalt  }
0x62: {  	_ =	shalt  }
0x63: {  	_ =	shalt  }
0x64: {  	_ =	shalt  }
0x65: {  	_ =	shalt  }
0x66: {  	_ =	shalt  }
0x67: {  	_ =	shalt  }
0x68: {  	_ =	shalt  }
0x69: {  	_ =	shalt  }
0x6a: {  	_ =	shalt  }
0x6b: {  	_ =	shalt  }
0x6c: {  	_ =	shalt  }
0x6d: {  	_ =	shalt  }
0x6e: {  	_ =	shalt  }
0x6f: {  	_ =	shalt  }
0x70: {  	_ =	shalt  }
0x71: {  	_ =	shalt  }
0x72: {  	_ =	shalt  }
0x73: {  	_ =	shalt  }
0x74: {  	_ =	shalt  }
0x75: {  	_ =	shalt  }
0x76: {  	_ =	shalt  }
0x77: {  	_ =	shalt  }
0x78: {  	_ =	shalt  }
0x79: {  	_ =	shalt  }
0x7a: {  	_ =	shalt  }
0x7b: {  	_ =	shalt  }
0x7c: {  	_ =	shalt  }
0x7d: {  	_ =	shalt  }
0x7e: {  	_ =	shalt  }
0x7f: {  	_ =	shalt  }
0x80: {  	_ =	shalt  }
0x81: {  	_ =	shalt  }
0x82: {  	_ =	shalt  }
0x83: {  	_ =	shalt  }
0x84: {  	_ =	shalt  }
0x85: {  	_ =	shalt  }
0x86: {  	_ =	shalt  }
0x87: {  	_ =	shalt  }
.Lfunc_end0:
.L_simem_size_0:
called_computation_lowered:
.L_overlay_start_0:
0x88: {  	s2 =	sld [smem:$0x3FD9]  }
0x89: {  	s3 =	sld [smem:$0x3FFE];
	_ =	sdelay $0x1  }
0x8a: {  	s1 =	srdreg.scid  }
0x8b: {  	s0 =	sand.u32 $0x1, s1  }
0x8c: {  	s17 =	sshll.u32 s0, $0xA;
	s2 =	sadd.s32 s3, s2  }
0x8d: {  	s2 =	sadd.s32 s2, s17  }
0x8e: {  	[smem:$0x3FC4] =	sst s2  }
0x8f: {  	_ = 	snop  }
0x90: {  	s2 =	sld [smem:$0x3FC9]  }
0x91: {  	s18 =	sld [smem:$0x3FC6];
	(tm) =	ssettm $0x1  }
0x92: {  	s4 =	sld [smem:$0x3FFB];
	_ =	sdelay $0x3  }
0x93: {  	_ =	strace s4  }
0x94: {  	s4 =	sld [smem:$0x3FFC];
	_ =	sdelay $0x3  }
0x95: {  	_ =	strace s4  }
0x96: {  	s4 =	sld [smem:$0x3FFD];
	_ =	sdelay $0x3  }
0x97: {  	_ =	strace s4  }
0x98: {  	_ =	strace $0x8FFFFFFF  }
0x99: {  	s19 =	sld [smem:$0x3FDB];
	_ =	sdelay $0x1  }
0x9a: {  	s5 =	simm.s32 $_scs_section_size  }
0x9b: {  	s6 =	simm.s32 $_size__tile_overlayer_lowered;
	s7 =	simm.s32 $_tile_overlayer_lowered  }
0x9c: {  	s22 =	simm.s32 $0x1BFF;
	s21 =	sshll.u32 s7, $0x1;
	s4 =	sadd.s32 s5, s19  }
0x9d: {  	s8 =	simm.s32 $0x0;
	s20 =	sshll.u32 s6, $0x1;
	s6 =	sadd.s32 s21, s4  }
0x9e: {  	[timem:s8], [sflag:s22] =	dma.local [hbm:s6], s20  }
0x9f: {  	_ =	swait.ge [sflag:s22], s20  }
0xa0: {  	s5 =	ssub.s32 $0x0, s20;
	[sflag:s22] =	ssyncset.done $0x0  }
0xa1: {  	[sflag:s22] =	ssyncadd.s32 s5;
	_ =	sdelay $0x1  }
0xa2: {  	s23 =	simm.s32 $0x1B8B  }
0xa3: {  	_ =	swait.ge [sflag:s23], $0x1  }
0xa4: {  	[sflag:s23] =	ssyncset.done $0x0  }
0xa5: {  	s25 =	simm.s32 $0x1B8E;
	s24 =	sld [smem:$0x3FFE];
	[sflag:s23] =	ssyncadd.s32 $0xFFFFFFFF  }
0xa6: {  	s26 =	simm.s32 $execute0_lowered;
	[smem:$0x3FD2] =	sst s25  }
0xa7: {  	s6 =	sshll.u32 s26, $0x1;
	_ =	strace $0x80000046;
	[dreg:$0x1] =	wrdreg $0xFFFFFFFF  }
0xa8: {  	s28 =	simm.s32 $_size_execute0_lowered;
	s4 =	sadd.s32 s4, s6;
	[dreg:$0x0] =	wrdreg $0x0  }
0xa9: {  	s6 =	sshll.u32 s28, $0x1;
	[dreg:$0x2] =	wrdreg s4  }
0xaa: {  	[dreg:$0x3] =	wrdreg s6  }
0xab: {  	[dreg:$0x4] =	wrdreg $0xC0  }
0xac: {  	_ =	task [dreg:s8], $0x5FFFF  }
0xad: {  	[dreg:$0x1] =	wrdreg $0xFFFFFFFF  }
0xae: {  	[dreg:$0x0] =	wrdreg $0x60  }
0xaf: {  	[dreg:$0x2] =	wrdreg s2  }
0xb0: {  	[dreg:$0x3] =	wrdreg s18  }
0xb1: {  	[dreg:$0x4] =	wrdreg s24  }
0xb2: {  	[dreg:$0x5] =	wrdreg $0x9  }
0xb3: {  	_ =	task.clear_ibuf [dreg:s8], $0x6FFFF;
	_ =	strace $0x90000046  }
0xb4: {  	s29 =	simm.s32 $0x9;
	_ =	strace $0x80000048  }
0xb5: {  	_ =	swait.ge [sflag:s29], $0x1  }
0xb6: {  	[sflag:s29] =	ssyncadd.s32 $0xFFFFFFFF  }
0xb7: {  	_ =	strace $0x90000048  }
0xb8: {  	_ =	sfence  }
0xb9: {  	s30 =	sld [smem:$0x0];
	_ =	sdelay $0x2  }
0xba: {  	s31 =	sshll.u32 s1, $0xD;
	s1 =	sshrl.u32 s1, $0x2  }
0xbb: {  	s3 =	sand.u32 $0x4000, s31;
	s1 =	sadd.s32 s1, s30  }
0xbc: {  	s0 =	sor.u32 s3, s0;
	s1 =	sshll.u32 s1, $0x11  }
0xbd: {  	s0 =	sor.u32 s1, s0  }
0xbe: {  	s0 =	sadd.s32 $0x8F2B, s0  }
0xbf: {  	[sflag:s0] =	ssyncadd.remote.s32 $0x1  }
0xc0: {  	_ =	sfence.sel $0xFFFF  }
0xc1: {  	[dreg:$0x0] =	wrdreg $0xFFFFFFFF;
	(pc) =	sbr.abs _section_cstart, $3  }
0xc2: {  	[dreg:$0x1] =	wrdreg $0xFFFFFFFF  }
0xc3: {  	_ =	task.clear_ibuf [dreg:s8], $0x2FFFF;
	_ =	strace $0x9FFFFFFF  }
0xc4: {  	(tm) =	ssettm $0x7FFFFFFF  }
0xc5: {  	_ =	shalt  }
tec
execute0_lowered:
.L_overlay_start_1:
0x0: {  	(tag) =	ssettag $0x1  }
0x1: {  	s3 =	rddreg [dreg:$0x0]  }
0x2: {  	s1 =	srdreg.scid;
	s5 =	rddreg [dreg:$0x1]  }
0x3: {  	s0 =	stileid.u32;
	s7 =	rddreg [dreg:$0x2];
	s12 =	simm.s32 $0xC000  }
0x4: {  	s13 =	simm.s32 $0x3;
	s14 =	simm.s32 $0x1;
	s15 =	simm.s32 $0x2  }
0x5: {  	s16 =	simm.s32 $0x80;
	s17 =	simm.s32 $0x400;
	s18 =	simm.s32 $0x18200  }
0x6: {  	s4 =	sand.u32 $0x1, s1;
	s28 =	sshll.u32 s0, $0x1;
	s2 =	sshrl.u32 s0, $0x2  }
0x7: {  	s19 =	simm.s32 $0x4;
	s1 =	sor.u32 s4, s28;
	s6 =	smul.u32 $0x1800, s2  }
0x8: {  	s20 =	simm.s32 $0x0;
	s2 =	simm.s32 $0x0;
	s9 =	smul.u32 $0x180, s1  }
0x9: {  	s4 =	ssub.s32 $0x2, s4;
	s8 =	sshll.u32 s1, $0x7;
	s1 =	rddreg [dreg:$0x3]  }
0xa: {  	[smem:$0x7FF] =	sst s2;
	s8 =	sand.u32 $0x380, s8;
	s29 =	sshrl.u32 s9, $0x3  }
0xb: {  	s30 =	sshrl.u32 s4, $0x1;
	s6 =	sor.u32 s6, s8;
	s9 =	smul.u32 $0x300, s29  }
0xc: {  	_ =	strace $0x80000047;
	s11 =	ssub.s32 s4, s30;
	s6 =	sshrl.u32 s6, $0x3  }
0xd: {  	s31 =	sadd.s32 s5, s29;
	s10 =	sadd.s32 s6, s7;
	s9 =	sadd.s32 s3, s9  }
0xe: {  	s3 =	sadd.s32 $0xA00, s31;
	s10 =	sadd.s32 $0xE00, s10;
	s4 =	sadd.s32 $0x1E0000, s9  }
0xf: {  	s11 =	smax.u32 s11, $0x1;
	s5 =	sadd.s32 $0x1E1800, s9;
	s7 =	sadd.s32 $0x1E4800, s9  }
0x10: {  	s6 =	sadd.s32 $0x1E3000, s9;
	s8 =	sadd.s32 $0x1E6000, s9;
	s9 =	sadd.s32 $0x1E7800, s9  }
.LBB2_1:
0x11: {  	s21 =	simm.s32 $0x18000  }
0x12: {  	[tilespmem:s21], [sflag:$0x3] =	stream.linear.gather [hbm4b:s3+s2], $0x180, $0x38;
	[tilespmem:$0x18500] =	vst v63  }
0x13: {  	_ = 	snop  }
0x14: {  	[tilespmem:s2], [sflag:$0x1] =	stream.linear.gather [hbm4b:s4+s2], $0xC000, $0x38;
	[tilespmem:$0x18500] =	vst v63  }
0x15: {  	_ = 	snop  }
0x16: {  	[tilespmem:s12], [sflag:$0x2] =	stream.linear.gather [hbm4b:s5+s2], $0xC000, $0x38;
	[tilespmem:$0x18500] =	vst v63  }
0x17: {  	_ =	swait.ge [sflag:s13], $0x180  }
0x18: {  	[sflag:s13] =	ssyncset.done $0x0  }
0x19: {  	s22 =	simm.s32 $0x0;
	[sflag:s13] =	ssyncadd.s32 $0xFFFFFE80  }
0x1a: {  	s22 =	smul.u32 $0x6000, s22;
	_ =	swait.ge [sflag:s14], $0xC000  }
0x1b: {  	[sflag:s14] =	ssyncset.done $0x0  }
0x1c: {  	s23 =	sand.u32 $0x380, s2;
	s22 =	sshra.s32 s22, $0x2;
	[sflag:s14] =	ssyncadd.s32 $0xFFFF4000  }
0x1d: {  	s22 =	sor.u32 s23, s22;
	v0 =	vld.msk [tilespmem:s21+$0x0 ss:$0x0], $0xffff  }
0x1e: {  	v1 =	vld [tilespmem:s22+$0x1470]  }
0x1f: {  	v2 =	vld [tilespmem:s22+$0x0]  }
0x20: {  	v3 =	vld [tilespmem:s22+$0x10]  }
0x21: {  	v4 =	vld [tilespmem:s22+$0x20]  }
0x22: {  	v5 =	vld [tilespmem:s22+$0x30]  }
0x23: {  	v6 =	vld [tilespmem:s22+$0x40]  }
0x24: {  	v7 =	vld [tilespmem:s22+$0x50]  }
0x25: {  	v8 =	vld [tilespmem:s22+$0x60]  }
0x26: {  	v9 =	vld [tilespmem:s22+$0x70]  }
0x27: {  	v10 =	vld [tilespmem:s22+$0x400]  }
0x28: {  	v11 =	vld [tilespmem:s22+$0x410]  }
0x29: {  	v12 =	vld [tilespmem:s22+$0x420]  }
0x2a: {  	v13 =	vld [tilespmem:s22+$0x430]  }
0x2b: {  	v14 =	vld [tilespmem:s22+$0x440]  }
0x2c: {  	v42 =	vld [tilespmem:s22+$0x1030]  }
0x2d: {  	v43 =	vld [tilespmem:s22+$0x1040]  }
0x2e: {  	v44 =	vld [tilespmem:s22+$0x1060]  }
0x2f: {  	v39 =	vimm.f32 $0.0e+00;
	v15 =	vld [tilespmem:s22+$0x450]  }
0x30: {  	v47 =	vimm.f32 $0.0e+00;
	v48 =	vimm.f32 $0.0e+00;
	v16 =	vld [tilespmem:s22+$0x460];
	v1 =	vmul.f32 v1, v0  }
0x31: {  	v45 =	vimm.f32 $0.0e+00;
	v17 =	vld [tilespmem:s22+$0x470];
	v2 =	vmul.f32 v0, v2;
	v3 =	vmul.f32 v3, v0  }
0x32: {  	v46 =	vimm.f32 $0.0e+00;
	v18 =	vld [tilespmem:s22+$0x800];
	v62 =	vmul.f32 v42, v0;
	v63 =	vmul.f32 v43, v0  }
0x33: {  	v19 =	vld [tilespmem:s22+$0x810];
	v56 =	vmul.f32 v44, v0;
	v44 =	vimm.f32 $0.0e+00;
	v42 =	vimm.f32 $0.0e+00  }
0x34: {  	v40 =	vld [tilespmem:s22+$0x840];
	v38 =	vadd.f32 v1, v39;
	v30 =	vadd.f32 v2, v39;
	v2 =	vmul.f32 v4, v0  }
0x35: {  	v61 =	vld [tilespmem:s22+$0x1000];
	v4 =	vmul.f32 v5, v0;
	v31 =	vadd.f32 v3, v39;
	v3 =	vmul.f32 v6, v0  }
0x36: {  	v41 =	vld [tilespmem:s22+$0x1020];
	v6 =	vmul.f32 v7, v0;
	v7 =	vmul.f32 v11, v0;
	v32 =	vadd.f32 v2, v39  }
0x37: {  	v1 =	vld [tilespmem:s22+$0x820];
	v33 =	vadd.f32 v4, v39;
	v34 =	vadd.f32 v3, v39;
	v3 =	vmul.f32 v9, v0  }
0x38: {  	v5 =	vld [tilespmem:s22+$0x830];
	v2 =	vmul.f32 v8, v0;
	v35 =	vadd.f32 v6, v39;
	v8 =	vmul.f32 v13, v0  }
0x39: {  	v11 =	vld [tilespmem:s22+$0xC00];
	v27 =	vadd.f32 v7, v39;
	v37 =	vadd.f32 v3, v39;
	v3 =	vmul.f32 v12, v0  }
0x3a: {  	v4 =	vld [tilespmem:s22+$0x850];
	v7 =	vmul.f32 v17, v0;
	v36 =	vadd.f32 v2, v39;
	v2 =	vmul.f32 v10, v0  }
0x3b: {  	v6 =	vld [tilespmem:s22+$0x860];
	v29 =	vadd.f32 v8, v39;
	v28 =	vadd.f32 v3, v39;
	v3 =	vmul.f32 v15, v0  }
0x3c: {  	v9 =	vld [tilespmem:s22+$0x870];
	v8 =	vmul.f32 v19, v0;
	v26 =	vadd.f32 v2, v39;
	v2 =	vmul.f32 v14, v0  }
0x3d: {  	v13 =	vld [tilespmem:s22+$0xC10];
	v24 =	vadd.f32 v7, v39;
	v22 =	vadd.f32 v3, v39;
	v3 =	vmul.f32 v18, v0  }
0x3e: {  	v1 =	vmul.f32 v1, v0;
	v14 =	vld [tilespmem:s22+$0xC20];
	v25 =	vadd.f32 v2, v39;
	v2 =	vmul.f32 v16, v0  }
0x3f: {  	v15 =	vld [tilespmem:s22+$0xC30];
	v21 =	vadd.f32 v8, v39;
	v20 =	vadd.f32 v3, v39;
	v3 =	vmul.f32 v5, v0  }
0x40: {  	v7 =	vadd.f32 v1, v39;
	v1 =	vmul.f32 v40, v0;
	v23 =	vadd.f32 v2, v39;
	v2 =	vld [tilespmem:s22+$0xC50]  }
0x41: {  	v4 =	vmul.f32 v4, v0;
	v5 =	vld [tilespmem:s22+$0xC60];
	v8 =	vadd.f32 v3, v39;
	v3 =	vmul.f32 v6, v0  }
0x42: {  	v16 =	vld [tilespmem:s22+$0xC40];
	v6 =	vmul.f32 v9, v0;
	v9 =	vadd.f32 v1, v39;
	v1 =	vmul.f32 v11, v0  }
0x43: {  	v43 =	vimm.f32 $0.0e+00;
	v19 =	vld [tilespmem:s22+$0xC70];
	v10 =	vadd.f32 v4, v39;
	v11 =	vadd.f32 v3, v39  }
0x44: {  	v4 =	vld [tilespmem:s22+$0x1010];
	v3 =	vmul.f32 v13, v0;
	v13 =	vadd.f32 v1, v39;
	v1 =	vmul.f32 v14, v0  }
0x45: {  	v12 =	vadd.f32 v6, v39;
	v6 =	vmul.f32 v15, v0;
	v2 =	vmul.f32 v2, v0  }
0x46: {  	v14 =	vadd.f32 v3, v39;
	v15 =	vadd.f32 v1, v39;
	v1 =	vmul.f32 v5, v0;
	v5 =	vld [tilespmem:s22+$0x1050]  }
0x47: {  	v3 =	vmul.f32 v16, v0;
	v16 =	vadd.f32 v6, v39;
	v18 =	vadd.f32 v2, v39  }
0x48: {  	v51 =	vld [tilespmem:s22+$0x1070];
	v2 =	vmul.f32 v19, v0;
	v19 =	vadd.f32 v1, v39;
	v1 =	vmul.f32 v61, v0  }
0x49: {  	v52 =	vld [tilespmem:s22+$0x1400];
	v17 =	vadd.f32 v3, v39;
	v3 =	vmul.f32 v4, v0;
	v4 =	vmul.f32 v41, v0  }
0x4a: {  	v53 =	vld [tilespmem:s22+$0x1410];
	v40 =	vimm.f32 $0.0e+00;
	v6 =	vadd.f32 v2, v39;
	v1 =	vadd.f32 v1, v39  }
0x4b: {  	v50 =	vld [tilespmem:s22+$0x1420];
	v2 =	vadd.f32 v3, v39;
	v3 =	vadd.f32 v4, v39;
	v55 =	vmul.f32 v5, v0  }
0x4c: {  	s25 =	simm.s32 $0x0;
	s24 =	simm.s32 $0x2;
	s23 =	simm.s32 $0x0;
	v54 =	vld [tilespmem:s22+$0x1430];
	v41 =	vimm.f32 $0.0e+00;
	v4 =	vadd.f32 v62, v39;
	v5 =	vadd.f32 v63, v39  }
.LBB2_2:
0x4d: {  	p0 =	sne.s32 s24, $0x3F;
	s25 =	smul.u32 $0x6000, s25;
	v39 =	vadd.f32 v55, v39;
	v49 =	vmul.f32 v51, v0;
	v51 =	vld [tilespmem:s22+$0x1440]  }
0x4e: {  	s23 =	sadd.s32 $0x80, s23;
	v47 =	vadd.f32 v56, v47;
	v52 =	vmul.f32 v52, v0;
	v55 =	vld [tilespmem:s22+$0x1450]  }
0x4f: {  	s21 =	sadd.s32 $0x1, s21;
	s26 =	sand.u32 $0x380, s23;
	s25 =	sshra.s32 s25, $0x2;
	v48 =	vadd.f32 v49, v48;
	v49 =	vmul.f32 v53, v0;
	v53 =	vld [tilespmem:s22+$0x1460]  }
0x50: {  	s22 =	sor.u32 s26, s25;
	v56 =	vld.msk [tilespmem:s21+$0x0 ss:$0x0], $0xffff;
	v45 =	vadd.f32 v52, v45;
	v50 =	vmul.f32 v50, v0  }
0x51: {  	v52 =	vld [tilespmem:s22+$0x1470];
	v46 =	vadd.f32 v49, v46;
	v49 =	vmul.f32 v54, v0  }
0x52: {  	v54 =	vld [tilespmem:s22+$0x0];
	v44 =	vadd.f32 v50, v44;
	v50 =	vmul.f32 v51, v0  }
0x53: {  	v51 =	vld [tilespmem:s22+$0x10];
	v41 =	vadd.f32 v49, v41;
	v49 =	vmul.f32 v55, v0  }
0x54: {  	v55 =	vld [tilespmem:s22+$0x20];
	v42 =	vadd.f32 v50, v42;
	v53 =	vmul.f32 v53, v0  }
0x55: {  	v50 =	vld [tilespmem:s22+$0x30];
	v43 =	vadd.f32 v49, v43  }
0x56: {  	v0 =	vmov v56;
	v49 =	vld [tilespmem:s22+$0x40];
	v52 =	vmul.f32 v52, v56;
	v40 =	vadd.f32 v53, v40  }
0x57: {  	v53 =	vmul.f32 v0, v54;
	v54 =	vld [tilespmem:s22+$0x50]  }
0x58: {  	v51 =	vmul.f32 v51, v0;
	v56 =	vld [tilespmem:s22+$0x60];
	v38 =	vadd.f32 v52, v38  }
0x59: {  	v30 =	vadd.f32 v53, v30;
	v52 =	vmul.f32 v55, v0;
	v53 =	vld [tilespmem:s22+$0x70]  }
0x5a: {  	v31 =	vadd.f32 v51, v31;
	v50 =	vmul.f32 v50, v0;
	v51 =	vld [tilespmem:s22+$0x400]  }
0x5b: {  	v32 =	vadd.f32 v52, v32;
	v49 =	vmul.f32 v49, v0;
	v52 =	vld [tilespmem:s22+$0x410]  }
0x5c: {  	v33 =	vadd.f32 v50, v33;
	v50 =	vmul.f32 v54, v0;
	v54 =	vld [tilespmem:s22+$0x420]  }
0x5d: {  	v34 =	vadd.f32 v49, v34;
	v49 =	vmul.f32 v56, v0;
	v55 =	vld [tilespmem:s22+$0x430]  }
0x5e: {  	v35 =	vadd.f32 v50, v35;
	v50 =	vmul.f32 v53, v0;
	v53 =	vld [tilespmem:s22+$0x440]  }
0x5f: {  	v36 =	vadd.f32 v49, v36;
	v49 =	vmul.f32 v51, v0;
	v51 =	vld [tilespmem:s22+$0x450]  }
0x60: {  	v37 =	vadd.f32 v50, v37;
	v50 =	vmul.f32 v52, v0;
	v52 =	vld [tilespmem:s22+$0x460]  }
0x61: {  	v26 =	vadd.f32 v49, v26;
	v49 =	vmul.f32 v54, v0;
	v54 =	vld [tilespmem:s22+$0x470]  }
0x62: {  	v27 =	vadd.f32 v50, v27;
	v50 =	vmul.f32 v55, v0;
	v55 =	vld [tilespmem:s22+$0x800]  }
0x63: {  	v28 =	vadd.f32 v49, v28;
	v49 =	vmul.f32 v53, v0;
	v53 =	vld [tilespmem:s22+$0x810]  }
0x64: {  	v29 =	vadd.f32 v50, v29;
	v50 =	vmul.f32 v51, v0;
	v51 =	vld [tilespmem:s22+$0x820]  }
0x65: {  	v25 =	vadd.f32 v49, v25;
	v49 =	vmul.f32 v52, v0;
	v52 =	vld [tilespmem:s22+$0x830]  }
0x66: {  	v22 =	vadd.f32 v50, v22;
	v50 =	vmul.f32 v54, v0;
	v54 =	vld [tilespmem:s22+$0x840]  }
0x67: {  	v23 =	vadd.f32 v49, v23;
	v49 =	vmul.f32 v55, v0;
	v55 =	vld [tilespmem:s22+$0x850]  }
0x68: {  	v24 =	vadd.f32 v50, v24;
	v50 =	vmul.f32 v53, v0;
	v53 =	vld [tilespmem:s22+$0x860]  }
0x69: {  	v20 =	vadd.f32 v49, v20;
	v49 =	vmul.f32 v51, v0;
	v51 =	vld [tilespmem:s22+$0x870]  }
0x6a: {  	v21 =	vadd.f32 v50, v21;
	v50 =	vmul.f32 v52, v0;
	v52 =	vld [tilespmem:s22+$0xC00]  }
0x6b: {  	v7 =	vadd.f32 v49, v7;
	v49 =	vmul.f32 v54, v0;
	v54 =	vld [tilespmem:s22+$0xC10]  }
0x6c: {  	v8 =	vadd.f32 v50, v8;
	v50 =	vmul.f32 v55, v0;
	v55 =	vld [tilespmem:s22+$0xC20]  }
0x6d: {  	v9 =	vadd.f32 v49, v9;
	v49 =	vmul.f32 v53, v0;
	v53 =	vld [tilespmem:s22+$0xC30]  }
0x6e: {  	v10 =	vadd.f32 v50, v10;
	v50 =	vmul.f32 v51, v0;
	v51 =	vld [tilespmem:s22+$0xC40]  }
0x6f: {  	v11 =	vadd.f32 v49, v11;
	v49 =	vmul.f32 v52, v0;
	v52 =	vld [tilespmem:s22+$0xC50]  }
0x70: {  	v12 =	vadd.f32 v50, v12;
	v50 =	vmul.f32 v54, v0;
	v54 =	vld [tilespmem:s22+$0xC60]  }
0x71: {  	v13 =	vadd.f32 v49, v13;
	v49 =	vmul.f32 v55, v0;
	v55 =	vld [tilespmem:s22+$0xC70]  }
0x72: {  	v14 =	vadd.f32 v50, v14;
	v50 =	vmul.f32 v53, v0;
	v53 =	vld [tilespmem:s22+$0x1000]  }
0x73: {  	v15 =	vadd.f32 v49, v15;
	v49 =	vmul.f32 v51, v0;
	v51 =	vld [tilespmem:s22+$0x1010]  }
0x74: {  	v16 =	vadd.f32 v50, v16;
	v50 =	vmul.f32 v52, v0;
	v52 =	vld [tilespmem:s22+$0x1020]  }
0x75: {  	v17 =	vadd.f32 v49, v17;
	v49 =	vmul.f32 v54, v0;
	v54 =	vld [tilespmem:s22+$0x1030]  }
0x76: {  	v18 =	vadd.f32 v50, v18;
	v50 =	vmul.f32 v55, v0;
	v55 =	vld [tilespmem:s22+$0x1040]  }
0x77: {  	v19 =	vadd.f32 v49, v19;
	v49 =	vmul.f32 v53, v0;
	v56 =	vld [tilespmem:s22+$0x1050]  }
0x78: {  	v6 =	vadd.f32 v50, v6;
	v50 =	vmul.f32 v51, v0;
	v57 =	vld [tilespmem:s22+$0x1060]  }
.Ltmp0:
0x79: {  	v1 =	vadd.f32 v49, v1;
	v49 =	vmul.f32 v52, v0;
	v51 =	vld [tilespmem:s22+$0x1070];
	(pc) =	sbr.rel @p0 .LBB2_2-.Ltmp0, $4  }
0x7a: {  	v2 =	vadd.f32 v50, v2;
	v50 =	vmul.f32 v54, v0;
	v52 =	vld [tilespmem:s22+$0x1400]  }
0x7b: {  	v3 =	vadd.f32 v49, v3;
	v49 =	vmul.f32 v55, v0;
	v53 =	vld [tilespmem:s22+$0x1410]  }
0x7c: {  	v4 =	vadd.f32 v50, v4;
	v55 =	vmul.f32 v56, v0;
	v50 =	vld [tilespmem:s22+$0x1420]  }
0x7d: {  	s25 =	sshrl.u32 s24, $0x3;
	s24 =	sadd.s32 $0x1, s24;
	v5 =	vadd.f32 v49, v5;
	v56 =	vmul.f32 v57, v0;
	v54 =	vld [tilespmem:s22+$0x1430]  }
0x7e: {  	s24 =	smul.u32 $0x6000, s25  }
0x7f: {  	s23 =	sadd.s32 $0x80, s23  }
0x80: {  	s23 =	sand.u32 $0x380, s23;
	s24 =	sshra.s32 s24, $0x2  }
0x81: {  	s28 =	sor.u32 s23, s24  }
0x82: {  	v63 =	vld [tilespmem:s28+$0x20];
	_ =	sdelay $0x4  }
0x83: {  	[tilespmem:$0x1FCC0] =	vst v63;
	v63 =	vld [tilespmem:s28+$0x30];
	_ =	sdelay $0x4  }
0x84: {  	[tilespmem:$0x1FCD0] =	vst v63;
	v63 =	vld [tilespmem:s28+$0x40];
	_ =	sdelay $0x4  }
0x85: {  	[tilespmem:$0x1FCE0] =	vst v63;
	v63 =	vld [tilespmem:s28+$0x50];
	_ =	sdelay $0x4  }
0x86: {  	[tilespmem:$0x1FCF0] =	vst v63;
	v63 =	vld [tilespmem:s28+$0x60];
	_ =	sdelay $0x4  }
0x87: {  	[tilespmem:$0x1FD00] =	vst v63;
	v63 =	vld [tilespmem:s28+$0x70];
	_ =	sdelay $0x4  }
0x88: {  	[tilespmem:$0x1FD10] =	vst v63;
	v63 =	vld [tilespmem:s28+$0x400];
	_ =	sdelay $0x4  }
0x89: {  	[tilespmem:$0x1FD20] =	vst v63;
	v63 =	vld [tilespmem:s28+$0x410];
	_ =	sdelay $0x4  }
0x8a: {  	[tilespmem:$0x1FD30] =	vst v63;
	v63 =	vld [tilespmem:s28+$0x420];
	_ =	sdelay $0x4  }
0x8b: {  	[tilespmem:$0x1FD40] =	vst v63;
	v63 =	vld [tilespmem:s28+$0x430];
	_ =	sdelay $0x4  }
0x8c: {  	[tilespmem:$0x1FD50] =	vst v63;
	v63 =	vld [tilespmem:s28+$0x440];
	_ =	sdelay $0x4  }
0x8d: {  	[tilespmem:$0x1FD60] =	vst v63;
	v63 =	vld [tilespmem:s28+$0x450];
	_ =	sdelay $0x4  }
0x8e: {  	[tilespmem:$0x1FD70] =	vst v63;
	v63 =	vld [tilespmem:s28+$0x460];
	_ =	sdelay $0x4  }
0x8f: {  	[tilespmem:$0x1FD80] =	vst v63;
	v63 =	vld [tilespmem:s28+$0x470];
	_ =	sdelay $0x4  }
0x90: {  	[tilespmem:$0x1FD90] =	vst v63;
	v63 =	vld [tilespmem:s28+$0x800];
	_ =	sdelay $0x4  }
0x91: {  	[tilespmem:$0x1FDA0] =	vst v63;
	v63 =	vld [tilespmem:s28+$0x810];
	_ =	sdelay $0x4  }
0x92: {  	[tilespmem:$0x1FDB0] =	vst v63;
	v63 =	vld [tilespmem:s28+$0x820];
	_ =	sdelay $0x4  }
0x93: {  	[tilespmem:$0x1FDC0] =	vst v63;
	v63 =	vld [tilespmem:s28+$0x830];
	_ =	sdelay $0x4  }
0x94: {  	[tilespmem:$0x1FDD0] =	vst v63;
	v63 =	vld [tilespmem:s28+$0x840];
	_ =	sdelay $0x4  }
0x95: {  	[tilespmem:$0x1FDE0] =	vst v63;
	v63 =	vld [tilespmem:s28+$0x850];
	_ =	sdelay $0x4  }
0x96: {  	[tilespmem:$0x1FDF0] =	vst v63;
	v63 =	vld [tilespmem:s28+$0x860];
	_ =	sdelay $0x3  }
0x97: {  	v57 =	vld [tilespmem:s22+$0x1440]  }
0x98: {  	[tilespmem:$0x1FE00] =	vst v63;
	v63 =	vld [tilespmem:s28+$0x870]  }
0x99: {  	v58 =	vld [tilespmem:s22+$0x1450]  }
0x9a: {  	v59 =	vld [tilespmem:s22+$0x1460];
	s21 =	sadd.s32 $0x1, s21  }
0x9b: {  	v49 =	vld.msk [tilespmem:s21+$0x0 ss:$0x0], $0xffff  }
0x9c: {  	v60 =	vld [tilespmem:s28+$0x1470]  }
0x9d: {  	v51 =	vmul.f32 v51, v0;
	v39 =	vadd.f32 v55, v39;
	v50 =	vmul.f32 v50, v0;
	[tilespmem:$0x1FE10] =	vst v63;
	v63 =	vld [tilespmem:s28+$0xC00]  }
0x9e: {  	v52 =	vmul.f32 v52, v0;
	v53 =	vmul.f32 v53, v0  }
0x9f: {  	[tilespmem:$0x1FEC0] =	vst v39;
	v61 =	vld [tilespmem:s28+$0x0];
	v39 =	vmul.f32 v54, v0;
	v44 =	vadd.f32 v50, v44;
	v50 =	vmul.f32 v57, v0  }
0xa0: {  	v54 =	vmul.f32 v58, v0;
	v0 =	vmul.f32 v59, v0  }
0xa1: {  	v62 =	vld [tilespmem:s28+$0x10]  }
0xa2: {  	v0 =	vadd.f32 v0, v40;
	v60 =	vmul.f32 v60, v49;
	[tilespmem:$0x1FE20] =	vst v63;
	v63 =	vld [tilespmem:s28+$0xC10];
	_ =	sdelay $0x1  }
0xa3: {  	v42 =	vadd.f32 v50, v42;
	v50 =	vmul.f32 v49, v61;
	[tilespmem:$0x1FF00] =	vst v0;
	v0 =	vadd.f32 v60, v38;
	_ =	sdelay $0x1  }
0xa4: {  	v30 =	vadd.f32 v50, v30;
	[tilespmem:$0x1FF10] =	vst v0;
	v0 =	vmul.f32 v62, v49  }
0xa5: {  	[tilespmem:$0x1FE30] =	vst v63;
	v63 =	vld [tilespmem:s28+$0xC20]  }
0xa6: {  	[tilespmem:$0x1FF20] =	vst v30;
	v30 =	vld [tilespmem:$0x1FCC0];
	v0 =	vadd.f32 v0, v31  }
0xa7: {  	v57 =	vld [tilespmem:$0x1FCD0]  }
0xa8: {  	[tilespmem:$0x1FF30] =	vst v0;
	v0 =	vld [tilespmem:$0x1FCE0]  }
0xa9: {  	v31 =	vld [tilespmem:$0x1FCF0]  }
0xaa: {  	[tilespmem:$0x1FE40] =	vst v63;
	v63 =	vld [tilespmem:s28+$0xC30];
	_ =	sdelay $0x1  }
0xab: {  	v58 =	vadd.f32 v39, v41;
	v30 =	vmul.f32 v30, v49  }
0xac: {  	v0 =	vmul.f32 v0, v49  }
0xad: {  	[tilespmem:$0x1FED0] =	vst v58;
	v58 =	vmul.f32 v57, v49;
	v30 =	vadd.f32 v30, v32  }
0xae: {  	v0 =	vadd.f32 v0, v34;
	v31 =	vmul.f32 v31, v49;
	[tilespmem:$0x1FE50] =	vst v63;
	v63 =	vld [tilespmem:s28+$0xC40]  }
0xaf: {  	v55 =	vld [tilespmem:s28+$0x1020];
	[tilespmem:$0x1FF40] =	vst v30;
	v30 =	vadd.f32 v58, v33  }
0xb0: {  	v48 =	vadd.f32 v51, v48;
	v51 =	vld [tilespmem:s28+$0x1030];
	[tilespmem:$0x1FF60] =	vst v0;
	v0 =	vadd.f32 v31, v35  }
0xb1: {  	[tilespmem:$0x1FF50] =	vst v30;
	v30 =	vld [tilespmem:$0x1FD00]  }
0xb2: {  	[tilespmem:$0x1FF70] =	vst v0;
	v0 =	vld [tilespmem:$0x1FD10]  }
0xb3: {  	[tilespmem:$0x1FE60] =	vst v63;
	v63 =	vld [tilespmem:s28+$0xC50]  }
0xb4: {  	v46 =	vadd.f32 v53, v46;
	v53 =	vld [tilespmem:s28+$0x1040]  }
0xb5: {  	v47 =	vadd.f32 v56, v47;
	v56 =	vld [tilespmem:s28+$0x1060]  }
0xb6: {  	v41 =	vld [tilespmem:s28+$0x1410];
	v30 =	vmul.f32 v30, v49  }
0xb7: {  	v39 =	vld [tilespmem:s28+$0x1420]  }
0xb8: {  	v30 =	vadd.f32 v30, v36;
	v0 =	vmul.f32 v0, v49;
	[tilespmem:$0x1FE70] =	vst v63;
	v63 =	vld [tilespmem:s28+$0xC60]  }
0xb9: {  	v40 =	vld [tilespmem:s28+$0x1430]  }
0xba: {  	[tilespmem:$0x1FF80] =	vst v30;
	v30 =	vld [tilespmem:$0x1FD20];
	v0 =	vadd.f32 v0, v37  }
0xbb: {  	[tilespmem:$0x1FEB0] =	vst v55;
	v55 =	vld [tilespmem:s28+$0x1050]  }
0xbc: {  	v43 =	vadd.f32 v54, v43;
	[tilespmem:$0x1FF90] =	vst v0;
	v0 =	vld [tilespmem:$0x1FD40]  }
0xbd: {  	[tilespmem:$0x1FE80] =	vst v63;
	v63 =	vld [tilespmem:s28+$0xC70]  }
0xbe: {  	[tilespmem:$0x1FEF0] =	vst v43;
	v43 =	vld [tilespmem:s28+$0x1070]  }
0xbf: {  	[tilespmem:$0x1FEE0] =	vst v42;
	v42 =	vld [tilespmem:s28+$0x1400];
	v30 =	vmul.f32 v30, v49  }
0xc0: {  	v38 =	vld [tilespmem:s28+$0x1440]  }
0xc1: {  	v26 =	vadd.f32 v30, v26;
	v30 =	vld [tilespmem:$0x1FD60]  }
0xc2: {  	v0 =	vmul.f32 v0, v49;
	[tilespmem:$0x1FE90] =	vst v63;
	v63 =	vld [tilespmem:s28+$0x1000]  }
0xc3: {  	v36 =	vld [tilespmem:s28+$0x1450]  }
0xc4: {  	v28 =	vadd.f32 v0, v28;
	v0 =	vld [tilespmem:$0x1FD70]  }
0xc5: {  	v37 =	vld [tilespmem:s28+$0x1460]  }
0xc6: {  	s21 =	simm.s32 $0x0;
	v31 =	vld [tilespmem:$0x1FD30]  }
0xc7: {  	v30 =	vmul.f32 v30, v49;
	[tilespmem:$0x1FEA0] =	vst v63;
	v63 =	vld [tilespmem:s28+$0x1010];
	[tilespmem:s21], [sflag:$0x1] =	stream.linear.gather [hbm4b:s6+s21], $0xC000, $0x38  }
0xc8: {  	v59 =	vld [tilespmem:$0x1FD50];
	_ =	swait.ge [sflag:s15], $0xC000  }
0xc9: {  	v25 =	vadd.f32 v30, v25;
	v0 =	vmul.f32 v0, v49;
	v30 =	vld [tilespmem:$0x1FD80];
	_ =	sdelay $0x1  }
0xca: {  	v0 =	vadd.f32 v0, v22;
	v22 =	vld [tilespmem:$0x1FDB0];
	_ =	sdelay $0x2  }
0xcb: {  	v30 =	vmul.f32 v30, v49;
	_ =	sdelay $0x1  }
0xcc: {  	v60 =	vmul.f32 v22, v49;
	v22 =	vadd.f32 v30, v23;
	_ =	sdelay $0x1  }
0xcd: {  	[tilespmem:$0x1FFB0] =	vst v22;
	v22 =	vld [tilespmem:$0x1FDC0];
	_ =	sdelay $0x3  }
0xce: {  	[tilespmem:$0x1FFA0] =	vst v0;
	v0 =	vld [tilespmem:$0x1FDA0]  }
0xcf: {  	v30 =	vmul.f32 v22, v49;
	_ =	sdelay $0x1  }
0xd0: {  	v50 =	vadd.f32 v30, v7;
	v7 =	vld [tilespmem:$0x1FDE0]  }
0xd1: {  	v31 =	vmul.f32 v31, v49  }
0xd2: {  	v0 =	vmul.f32 v0, v49  }
0xd3: {  	v27 =	vadd.f32 v31, v27;
	v31 =	vld [tilespmem:$0x1FD90]  }
0xd4: {  	v0 =	vadd.f32 v0, v20  }
0xd5: {  	v30 =	vmul.f32 v7, v49;
	v7 =	vld [tilespmem:$0x1FDF0]  }
0xd6: {  	[tilespmem:$0x1FFC0] =	vst v0;
	v0 =	vadd.f32 v60, v21;
	_ =	sdelay $0x1  }
0xd7: {  	v31 =	vmul.f32 v31, v49;
	[tilespmem:$0x1FFD0] =	vst v0;
	v0 =	vld [tilespmem:$0x1FDD0];
	_ =	sdelay $0x1  }
0xd8: {  	v24 =	vadd.f32 v31, v24;
	v31 =	vmul.f32 v7, v49;
	v7 =	vld [tilespmem:$0x1FE00];
	_ =	sdelay $0x2  }
0xd9: {  	v21 =	vmul.f32 v0, v49;
	_ =	sdelay $0x1  }
0xda: {  	v45 =	vadd.f32 v52, v45;
	v52 =	vadd.f32 v21, v8;
	v21 =	vmul.f32 v7, v49;
	v7 =	vld [tilespmem:$0x1FE10];
	_ =	sdelay $0x4  }
0xdb: {  	v61 =	vmul.f32 v7, v49;
	v7 =	vld [tilespmem:$0x1FE20];
	_ =	sdelay $0x4  }
0xdc: {  	v54 =	vadd.f32 v30, v9;
	v30 =	vmul.f32 v7, v49;
	v7 =	vld [tilespmem:$0x1FE30];
	_ =	sdelay $0x4  }
0xdd: {  	v58 =	vadd.f32 v21, v11;
	v21 =	vmul.f32 v7, v49;
	v7 =	vld [tilespmem:$0x1FE40];
	_ =	sdelay $0x4  }
0xde: {  	v13 =	vadd.f32 v30, v13;
	v30 =	vmul.f32 v7, v49;
	v7 =	vld [tilespmem:$0x1FE50];
	_ =	sdelay $0x4  }
0xdf: {  	v57 =	vadd.f32 v31, v10;
	v31 =	vmul.f32 v7, v49;
	v7 =	vld [tilespmem:$0x1FE60];
	_ =	sdelay $0x4  }
0xe0: {  	v14 =	vadd.f32 v21, v14;
	v21 =	vmul.f32 v7, v49;
	v7 =	vld [tilespmem:$0x1FE70]  }
0xe1: {  	v8 =	vld [tilespmem:$0x1FE90];
	_ =	sdelay $0x3  }
0xe2: {  	v62 =	vmul.f32 v7, v49;
	v7 =	vld [tilespmem:$0x1FE80]  }
0xe3: {  	v17 =	vadd.f32 v21, v17;
	v21 =	vmul.f32 v8, v49  }
0xe4: {  	v9 =	vld [tilespmem:$0x1FEA0]  }
0xe5: {  	v21 =	vadd.f32 v21, v6;
	v6 =	vld [tilespmem:$0x1FEB0];
	_ =	sdelay $0x1  }
0xe6: {  	v15 =	vadd.f32 v30, v15;
	v30 =	vmul.f32 v7, v49;
	_ =	sdelay $0x1  }
0xe7: {  	v32 =	vmul.f32 v59, v49;
	v59 =	vadd.f32 v30, v19;
	v19 =	vmul.f32 v9, v49  }
0xe8: {  	v16 =	vadd.f32 v31, v16;
	v31 =	vmul.f32 v51, v49;
	v6 =	vmul.f32 v6, v49  }
0xe9: {  	v60 =	vadd.f32 v61, v12;
	v61 =	vadd.f32 v19, v1;
	v1 =	vmul.f32 v53, v49;
	v19 =	vld [tilespmem:$0x1FEC0]  }
0xea: {  	v30 =	vmul.f32 v63, v49;
	v63 =	vadd.f32 v6, v3;
	v3 =	vadd.f32 v31, v4  }
0xeb: {  	v1 =	vadd.f32 v1, v5;
	v5 =	vmul.f32 v43, v49  }
0xec: {  	s29 =	simm.s32 $0x0;
	v29 =	vadd.f32 v32, v29;
	[tilespmem:$0x1FFE0] =	vst v3;
	v3 =	vmul.f32 v55, v49  }
0xed: {  	s30 =	smul.u32 $0x6000, s29;
	v18 =	vadd.f32 v62, v18;
	[tilespmem:$0x1FFF0] =	vst v1;
	v1 =	vmul.f32 v56, v49;
	v32 =	vadd.f32 v5, v48;
	v48 =	vld [tilespmem:$0x1FED0]  }
0xee: {  	v62 =	vadd.f32 v30, v2;
	v56 =	vld [tilespmem:$0x1FEE0];
	v30 =	vadd.f32 v3, v19;
	v3 =	vmul.f32 v42, v49  }
0xef: {  	s31 =	sand.u32 $0x380, s21;
	s23 =	sshra.s32 s30, $0x2;
	[sflag:s15] =	ssyncset.done $0x0;
	v31 =	vadd.f32 v1, v47;
	v1 =	vmul.f32 v39, v49  }
0xf0: {  	s23 =	sor.u32 s31, s23;
	[sflag:s15] =	ssyncadd.s32 $0xFFFF4000;
	v33 =	vadd.f32 v3, v45  }
0xf1: {  	s22 =	simm.s32 $0x18040;
	v22 =	vld [tilespmem:s23+$0xC000];
	v3 =	vmul.f32 v40, v49;
	v35 =	vadd.f32 v1, v44;
	v1 =	vmul.f32 v38, v49  }
0xf2: {  	v0 =	vld.msk [tilespmem:s22+$0x0 ss:$0x0], $0xffff;
	v47 =	vmul.f32 v36, v49  }
0xf3: {  	v36 =	vadd.f32 v3, v48;
	v3 =	vmul.f32 v37, v49;
	v37 =	vadd.f32 v1, v56;
	v1 =	vld [tilespmem:$0x1FEF0];
	_ =	sdelay $0x4  }
0xf4: {  	v38 =	vadd.f32 v47, v1;
	v1 =	vmul.f32 v0, v22;
	v22 =	vld [tilespmem:$0x1FF00];
	_ =	sdelay $0x4  }
0xf5: {  	v39 =	vadd.f32 v3, v22;
	v22 =	vld [tilespmem:$0x1FF20]  }
0xf6: {  	v20 =	vld [tilespmem:s23+$0xD470]  }
0xf7: {  	v23 =	vld [tilespmem:s23+$0xC010]  }
0xf8: {  	v3 =	vld [tilespmem:$0x1FF10]  }
0xf9: {  	v10 =	vld [tilespmem:s23+$0xC040]  }
0xfa: {  	v19 =	vmul.f32 v41, v49;
	v41 =	vadd.f32 v1, v22;
	v22 =	vld [tilespmem:$0x1FF30]  }
0xfb: {  	v20 =	vmul.f32 v20, v0;
	v11 =	vld [tilespmem:s23+$0xC030]  }
0xfc: {  	v12 =	vld [tilespmem:s23+$0xC020]  }
0xfd: {  	v51 =	vld [tilespmem:s23+$0xC400];
	v40 =	vadd.f32 v20, v3;
	v3 =	vmul.f32 v23, v0  }
0xfe: {  	v8 =	vld [tilespmem:s23+$0xC060]  }
0xff: {  	v42 =	vadd.f32 v3, v22;
	v22 =	vld [tilespmem:$0x1FF40]  }
0x100: {  	v7 =	vld [tilespmem:s23+$0xC050]  }
0x101: {  	v9 =	vld [tilespmem:s23+$0xC070]  }
0x102: {  	v4 =	vld [tilespmem:s23+$0xC420];
	v1 =	vmul.f32 v12, v0  }
0x103: {  	v6 =	vld [tilespmem:s23+$0xC430]  }
0x104: {  	v43 =	vadd.f32 v1, v22;
	v1 =	vld [tilespmem:$0x1FF50]  }
0x105: {  	v2 =	vld [tilespmem:s23+$0xC410]  }
0x106: {  	v53 =	vld [tilespmem:s23+$0xC440]  }
0x107: {  	v11 =	vmul.f32 v11, v0;
	v5 =	vld [tilespmem:s23+$0xC450]  }
0x108: {  	v55 =	vld [tilespmem:s23+$0xC470]  }
0x109: {  	v44 =	vadd.f32 v11, v1;
	v11 =	vld [tilespmem:$0x1FF60]  }
0x10a: {  	v2 =	vmul.f32 v2, v0;
	v34 =	vadd.f32 v19, v46;
	v19 =	vld [tilespmem:s23+$0xC460]  }
0x10b: {  	v49 =	vld [tilespmem:s23+$0xC800]  }
0x10c: {  	v27 =	vadd.f32 v2, v27;
	v2 =	vmul.f32 v5, v0;
	v5 =	vld [tilespmem:$0x1FFB0];
	v3 =	vmul.f32 v10, v0  }
0x10d: {  	v56 =	vld [tilespmem:s23+$0xC810]  }
0x10e: {  	v45 =	vadd.f32 v3, v11;
	v3 =	vld [tilespmem:$0x1FF70]  }
0x10f: {  	v20 =	vld [tilespmem:s23+$0xC820]  }
0x110: {  	v11 =	vld [tilespmem:$0x1FF90]  }
0x111: {  	v7 =	vmul.f32 v7, v0;
	v12 =	vld [tilespmem:s23+$0xC830]  }
0x112: {  	v10 =	vld [tilespmem:s23+$0xC840]  }
0x113: {  	v1 =	vmul.f32 v8, v0;
	v8 =	vld [tilespmem:s23+$0xC850];
	v46 =	vadd.f32 v7, v3;
	v3 =	vmul.f32 v9, v0  }
0x114: {  	v9 =	vld [tilespmem:$0x1FF80]  }
0x115: {  	v7 =	vld [tilespmem:s23+$0xC860];
	v48 =	vadd.f32 v3, v11;
	v3 =	vmul.f32 v4, v0;
	v4 =	vmul.f32 v6, v0  }
0x116: {  	v6 =	vld [tilespmem:s23+$0xCC00]  }
0x117: {  	v28 =	vadd.f32 v3, v28;
	v29 =	vadd.f32 v4, v29;
	v3 =	vmul.f32 v55, v0;
	v4 =	vld [tilespmem:$0x1FFA0]  }
0x118: {  	v11 =	vld [tilespmem:s23+$0xCC10]  }
0x119: {  	v47 =	vadd.f32 v1, v9;
	v1 =	vmul.f32 v51, v0;
	v24 =	vadd.f32 v3, v24;
	v3 =	vld [tilespmem:$0x1FFC0]  }
0x11a: {  	v55 =	vld [tilespmem:s23+$0xCC50]  }
0x11b: {  	v9 =	vld [tilespmem:s23+$0xC870];
	v26 =	vadd.f32 v1, v26;
	v1 =	vmul.f32 v53, v0  }
0x11c: {  	v53 =	vld [tilespmem:s23+$0xCC30];
	v22 =	vadd.f32 v2, v4;
	v2 =	vmul.f32 v49, v0  }
0x11d: {  	v51 =	vld [tilespmem:s23+$0xCC20];
	v25 =	vadd.f32 v1, v25;
	v1 =	vmul.f32 v19, v0  }
0x11e: {  	v4 =	vmul.f32 v56, v0;
	v19 =	vadd.f32 v2, v3;
	v2 =	vld [tilespmem:$0x1FFD0]  }
0x11f: {  	v49 =	vld [tilespmem:s23+$0xCC40];
	v23 =	vadd.f32 v1, v5;
	v1 =	vmul.f32 v20, v0;
	v3 =	vmul.f32 v10, v0  }
0x120: {  	v56 =	vld [tilespmem:s23+$0xD020];
	v5 =	vmul.f32 v7, v0;
	v7 =	vmul.f32 v9, v0  }
0x121: {  	v9 =	vmul.f32 v11, v0;
	v11 =	vmul.f32 v53, v0;
	v53 =	vld [tilespmem:s23+$0xD030]  }
0x122: {  	v3 =	vadd.f32 v3, v54;
	v54 =	vld [tilespmem:s23+$0xD010]  }
0x123: {  	v1 =	vadd.f32 v1, v50;
	v50 =	vld [tilespmem:s23+$0xCC70];
	v20 =	vadd.f32 v4, v2;
	v2 =	vmul.f32 v12, v0  }
0x124: {  	v12 =	vld [tilespmem:s23+$0xCC60];
	v4 =	vmul.f32 v8, v0;
	v8 =	vmul.f32 v6, v0  }
0x125: {  	v10 =	vmul.f32 v51, v0;
	v6 =	vadd.f32 v7, v60;
	v60 =	vld [tilespmem:s23+$0xD060];
	v2 =	vadd.f32 v2, v52  }
0x126: {  	v52 =	vld [tilespmem:s23+$0xD000];
	v7 =	vadd.f32 v8, v13;
	v8 =	vadd.f32 v9, v14;
	v13 =	vmul.f32 v49, v0  }
0x127: {  	v49 =	vld [tilespmem:s23+$0xD040];
	v9 =	vadd.f32 v10, v15;
	v10 =	vadd.f32 v11, v16;
	v16 =	vmul.f32 v54, v0  }
0x128: {  	v14 =	vmul.f32 v55, v0;
	v55 =	vld [tilespmem:s23+$0xD050];
	v11 =	vadd.f32 v13, v17;
	v17 =	vmul.f32 v56, v0  }
0x129: {  	v16 =	vadd.f32 v16, v62;
	v62 =	vld [tilespmem:$0x1FFE0]  }
0x12a: {  	v15 =	vmul.f32 v12, v0;
	v17 =	vadd.f32 v17, v63;
	v63 =	vld [tilespmem:$0x1FFF0]  }
0x12b: {  	v51 =	vld [tilespmem:s23+$0xD070];
	v12 =	vadd.f32 v14, v18;
	v14 =	vmul.f32 v50, v0  }
0x12c: {  	v5 =	vadd.f32 v5, v58;
	v13 =	vadd.f32 v15, v59;
	v15 =	vmul.f32 v52, v0;
	v52 =	vld [tilespmem:s23+$0xD400]  }
0x12d: {  	v18 =	vmul.f32 v53, v0;
	v53 =	vld [tilespmem:s23+$0xD410];
	v14 =	vadd.f32 v14, v21;
	v21 =	vmul.f32 v49, v0  }
0x12e: {  	v4 =	vadd.f32 v4, v57;
	v50 =	vld [tilespmem:s23+$0xD420];
	v55 =	vmul.f32 v55, v0;
	v15 =	vadd.f32 v15, v61  }
0x12f: {  	s25 =	simm.s32 $0x0;
	s24 =	simm.s32 $0x2;
	v54 =	vld [tilespmem:s23+$0xD430];
	v56 =	vmul.f32 v60, v0;
	v18 =	vadd.f32 v18, v62;
	v21 =	vadd.f32 v21, v63  }
.LBB2_4:
0x130: {  	p0 =	sne.s32 s24, $0x3F;
	s25 =	smul.u32 $0x6000, s25;
	v30 =	vadd.f32 v55, v30;
	v49 =	vmul.f32 v51, v0;
	v51 =	vld [tilespmem:s23+$0xD440]  }
0x131: {  	s21 =	sadd.s32 $0x80, s21;
	v31 =	vadd.f32 v56, v31;
	v52 =	vmul.f32 v52, v0;
	v55 =	vld [tilespmem:s23+$0xD450]  }
0x132: {  	s22 =	sadd.s32 $0x1, s22;
	s26 =	sand.u32 $0x380, s21;
	s25 =	sshra.s32 s25, $0x2;
	v32 =	vadd.f32 v49, v32;
	v49 =	vmul.f32 v53, v0;
	v53 =	vld [tilespmem:s23+$0xD460]  }
0x133: {  	s23 =	sor.u32 s26, s25;
	v56 =	vld.msk [tilespmem:s22+$0x0 ss:$0x0], $0xffff;
	v33 =	vadd.f32 v52, v33;
	v50 =	vmul.f32 v50, v0  }
0x134: {  	v52 =	vld [tilespmem:s23+$0xD470];
	v34 =	vadd.f32 v49, v34;
	v49 =	vmul.f32 v54, v0  }
0x135: {  	v54 =	vld [tilespmem:s23+$0xC000];
	v35 =	vadd.f32 v50, v35;
	v50 =	vmul.f32 v51, v0  }
0x136: {  	v51 =	vld [tilespmem:s23+$0xC010];
	v36 =	vadd.f32 v49, v36;
	v49 =	vmul.f32 v55, v0  }
0x137: {  	v55 =	vld [tilespmem:s23+$0xC020];
	v37 =	vadd.f32 v50, v37;
	v53 =	vmul.f32 v53, v0  }
0x138: {  	v50 =	vld [tilespmem:s23+$0xC030];
	v38 =	vadd.f32 v49, v38  }
0x139: {  	v0 =	vmov v56;
	v49 =	vld [tilespmem:s23+$0xC040];
	v52 =	vmul.f32 v52, v56;
	v39 =	vadd.f32 v53, v39  }
0x13a: {  	v53 =	vmul.f32 v0, v54;
	v54 =	vld [tilespmem:s23+$0xC050]  }
0x13b: {  	v51 =	vmul.f32 v51, v0;
	v56 =	vld [tilespmem:s23+$0xC060];
	v40 =	vadd.f32 v52, v40  }
0x13c: {  	v41 =	vadd.f32 v53, v41;
	v52 =	vmul.f32 v55, v0;
	v53 =	vld [tilespmem:s23+$0xC070]  }
0x13d: {  	v42 =	vadd.f32 v51, v42;
	v50 =	vmul.f32 v50, v0;
	v51 =	vld [tilespmem:s23+$0xC400]  }
0x13e: {  	v43 =	vadd.f32 v52, v43;
	v49 =	vmul.f32 v49, v0;
	v52 =	vld [tilespmem:s23+$0xC410]  }
0x13f: {  	v44 =	vadd.f32 v50, v44;
	v50 =	vmul.f32 v54, v0;
	v54 =	vld [tilespmem:s23+$0xC420]  }
0x140: {  	v45 =	vadd.f32 v49, v45;
	v49 =	vmul.f32 v56, v0;
	v55 =	vld [tilespmem:s23+$0xC430]  }
0x141: {  	v46 =	vadd.f32 v50, v46;
	v50 =	vmul.f32 v53, v0;
	v53 =	vld [tilespmem:s23+$0xC440]  }
0x142: {  	v47 =	vadd.f32 v49, v47;
	v49 =	vmul.f32 v51, v0;
	v51 =	vld [tilespmem:s23+$0xC450]  }
0x143: {  	v48 =	vadd.f32 v50, v48;
	v50 =	vmul.f32 v52, v0;
	v52 =	vld [tilespmem:s23+$0xC460]  }
0x144: {  	v26 =	vadd.f32 v49, v26;
	v49 =	vmul.f32 v54, v0;
	v54 =	vld [tilespmem:s23+$0xC470]  }
0x145: {  	v27 =	vadd.f32 v50, v27;
	v50 =	vmul.f32 v55, v0;
	v55 =	vld [tilespmem:s23+$0xC800]  }
0x146: {  	v28 =	vadd.f32 v49, v28;
	v49 =	vmul.f32 v53, v0;
	v53 =	vld [tilespmem:s23+$0xC810]  }
0x147: {  	v29 =	vadd.f32 v50, v29;
	v50 =	vmul.f32 v51, v0;
	v51 =	vld [tilespmem:s23+$0xC820]  }
0x148: {  	v25 =	vadd.f32 v49, v25;
	v49 =	vmul.f32 v52, v0;
	v52 =	vld [tilespmem:s23+$0xC830]  }
0x149: {  	v22 =	vadd.f32 v50, v22;
	v50 =	vmul.f32 v54, v0;
	v54 =	vld [tilespmem:s23+$0xC840]  }
0x14a: {  	v23 =	vadd.f32 v49, v23;
	v49 =	vmul.f32 v55, v0;
	v55 =	vld [tilespmem:s23+$0xC850]  }
0x14b: {  	v24 =	vadd.f32 v50, v24;
	v50 =	vmul.f32 v53, v0;
	v53 =	vld [tilespmem:s23+$0xC860]  }
0x14c: {  	v19 =	vadd.f32 v49, v19;
	v49 =	vmul.f32 v51, v0;
	v51 =	vld [tilespmem:s23+$0xC870]  }
0x14d: {  	v20 =	vadd.f32 v50, v20;
	v50 =	vmul.f32 v52, v0;
	v52 =	vld [tilespmem:s23+$0xCC00]  }
0x14e: {  	v1 =	vadd.f32 v49, v1;
	v49 =	vmul.f32 v54, v0;
	v54 =	vld [tilespmem:s23+$0xCC10]  }
0x14f: {  	v2 =	vadd.f32 v50, v2;
	v50 =	vmul.f32 v55, v0;
	v55 =	vld [tilespmem:s23+$0xCC20]  }
0x150: {  	v3 =	vadd.f32 v49, v3;
	v49 =	vmul.f32 v53, v0;
	v53 =	vld [tilespmem:s23+$0xCC30]  }
0x151: {  	v4 =	vadd.f32 v50, v4;
	v50 =	vmul.f32 v51, v0;
	v51 =	vld [tilespmem:s23+$0xCC40]  }
0x152: {  	v5 =	vadd.f32 v49, v5;
	v49 =	vmul.f32 v52, v0;
	v52 =	vld [tilespmem:s23+$0xCC50]  }
0x153: {  	v6 =	vadd.f32 v50, v6;
	v50 =	vmul.f32 v54, v0;
	v54 =	vld [tilespmem:s23+$0xCC60]  }
0x154: {  	v7 =	vadd.f32 v49, v7;
	v49 =	vmul.f32 v55, v0;
	v55 =	vld [tilespmem:s23+$0xCC70]  }
0x155: {  	v8 =	vadd.f32 v50, v8;
	v50 =	vmul.f32 v53, v0;
	v53 =	vld [tilespmem:s23+$0xD000]  }
0x156: {  	v9 =	vadd.f32 v49, v9;
	v49 =	vmul.f32 v51, v0;
	v51 =	vld [tilespmem:s23+$0xD010]  }
0x157: {  	v10 =	vadd.f32 v50, v10;
	v50 =	vmul.f32 v52, v0;
	v52 =	vld [tilespmem:s23+$0xD020]  }
0x158: {  	v11 =	vadd.f32 v49, v11;
	v49 =	vmul.f32 v54, v0;
	v54 =	vld [tilespmem:s23+$0xD030]  }
0x159: {  	v12 =	vadd.f32 v50, v12;
	v50 =	vmul.f32 v55, v0;
	v55 =	vld [tilespmem:s23+$0xD040]  }
0x15a: {  	v13 =	vadd.f32 v49, v13;
	v49 =	vmul.f32 v53, v0;
	v56 =	vld [tilespmem:s23+$0xD050]  }
0x15b: {  	v14 =	vadd.f32 v50, v14;
	v50 =	vmul.f32 v51, v0;
	v57 =	vld [tilespmem:s23+$0xD060]  }
.Ltmp1:
0x15c: {  	v15 =	vadd.f32 v49, v15;
	v49 =	vmul.f32 v52, v0;
	v51 =	vld [tilespmem:s23+$0xD070];
	(pc) =	sbr.rel @p0 .LBB2_4-.Ltmp1, $4  }
0x15d: {  	v16 =	vadd.f32 v50, v16;
	v50 =	vmul.f32 v54, v0;
	v52 =	vld [tilespmem:s23+$0xD400]  }
0x15e: {  	v17 =	vadd.f32 v49, v17;
	v49 =	vmul.f32 v55, v0;
	v53 =	vld [tilespmem:s23+$0xD410]  }
0x15f: {  	v18 =	vadd.f32 v50, v18;
	v55 =	vmul.f32 v56, v0;
	v50 =	vld [tilespmem:s23+$0xD420]  }
0x160: {  	s25 =	sshrl.u32 s24, $0x3;
	s24 =	sadd.s32 $0x1, s24;
	v21 =	vadd.f32 v49, v21;
	v56 =	vmul.f32 v57, v0;
	v54 =	vld [tilespmem:s23+$0xD430]  }
0x161: {  	s24 =	smul.u32 $0x6000, s25  }
0x162: {  	s21 =	sadd.s32 $0x80, s21  }
0x163: {  	s21 =	sand.u32 $0x380, s21;
	s24 =	sshra.s32 s24, $0x2  }
0x164: {  	s28 =	sor.u32 s21, s24  }
0x165: {  	v63 =	vld [tilespmem:s28+$0xC020];
	_ =	sdelay $0x4  }
0x166: {  	[tilespmem:$0x1FA10] =	vst v63;
	v63 =	vld [tilespmem:s28+$0xC030];
	_ =	sdelay $0x4  }
0x167: {  	[tilespmem:$0x1FA20] =	vst v63;
	v63 =	vld [tilespmem:s28+$0xC040];
	_ =	sdelay $0x4  }
0x168: {  	[tilespmem:$0x1FA30] =	vst v63;
	v63 =	vld [tilespmem:s28+$0xC050];
	_ =	sdelay $0x4  }
0x169: {  	[tilespmem:$0x1FA40] =	vst v63;
	v63 =	vld [tilespmem:s28+$0xC060];
	_ =	sdelay $0x4  }
0x16a: {  	[tilespmem:$0x1FA50] =	vst v63;
	v63 =	vld [tilespmem:s28+$0xC070];
	_ =	sdelay $0x4  }
0x16b: {  	[tilespmem:$0x1FA60] =	vst v63;
	v63 =	vld [tilespmem:s28+$0xC400];
	_ =	sdelay $0x4  }
0x16c: {  	[tilespmem:$0x1FA70] =	vst v63;
	v63 =	vld [tilespmem:s28+$0xC410];
	_ =	sdelay $0x4  }
0x16d: {  	[tilespmem:$0x1FA80] =	vst v63;
	v63 =	vld [tilespmem:s28+$0xC420];
	_ =	sdelay $0x4  }
0x16e: {  	[tilespmem:$0x1FA90] =	vst v63;
	v63 =	vld [tilespmem:s28+$0xC430];
	_ =	sdelay $0x4  }
0x16f: {  	[tilespmem:$0x1FAA0] =	vst v63;
	v63 =	vld [tilespmem:s28+$0xC440];
	_ =	sdelay $0x4  }
0x170: {  	[tilespmem:$0x1FAB0] =	vst v63;
	v63 =	vld [tilespmem:s28+$0xC450];
	_ =	sdelay $0x4  }
0x171: {  	[tilespmem:$0x1FAC0] =	vst v63;
	v63 =	vld [tilespmem:s28+$0xC460];
	_ =	sdelay $0x4  }
0x172: {  	[tilespmem:$0x1FAD0] =	vst v63;
	v63 =	vld [tilespmem:s28+$0xC470];
	_ =	sdelay $0x4  }
0x173: {  	[tilespmem:$0x1FAE0] =	vst v63;
	v63 =	vld [tilespmem:s28+$0xC800];
	_ =	sdelay $0x4  }
0x174: {  	[tilespmem:$0x1FAF0] =	vst v63;
	v63 =	vld [tilespmem:s28+$0xC810];
	_ =	sdelay $0x4  }
0x175: {  	[tilespmem:$0x1FB00] =	vst v63;
	v63 =	vld [tilespmem:s28+$0xC820];
	_ =	sdelay $0x4  }
0x176: {  	[tilespmem:$0x1FB10] =	vst v63;
	v63 =	vld [tilespmem:s28+$0xC830];
	_ =	sdelay $0x4  }
0x177: {  	[tilespmem:$0x1FB20] =	vst v63;
	v63 =	vld [tilespmem:s28+$0xC840];
	_ =	sdelay $0x4  }
0x178: {  	[tilespmem:$0x1FB30] =	vst v63;
	v63 =	vld [tilespmem:s28+$0xC850];
	_ =	sdelay $0x4  }
0x179: {  	[tilespmem:$0x1FB40] =	vst v63;
	v63 =	vld [tilespmem:s28+$0xC860];
	_ =	sdelay $0x4  }
0x17a: {  	[tilespmem:$0x1FB50] =	vst v63;
	v63 =	vld [tilespmem:s28+$0xC870];
	_ =	sdelay $0x4  }
0x17b: {  	[tilespmem:$0x1FB60] =	vst v63;
	v63 =	vld [tilespmem:s28+$0xCC00];
	_ =	sdelay $0x4  }
0x17c: {  	[tilespmem:$0x1FB70] =	vst v63;
	v63 =	vld [tilespmem:s28+$0xCC10];
	_ =	sdelay $0x4  }
0x17d: {  	[tilespmem:$0x1FB80] =	vst v63;
	v63 =	vld [tilespmem:s28+$0xCC20];
	_ =	sdelay $0x4  }
0x17e: {  	[tilespmem:$0x1FB90] =	vst v63;
	v63 =	vld [tilespmem:s28+$0xCC30];
	_ =	sdelay $0x4  }
0x17f: {  	[tilespmem:$0x1FBA0] =	vst v63;
	v63 =	vld [tilespmem:s28+$0xCC40];
	_ =	sdelay $0x4  }
0x180: {  	[tilespmem:$0x1FBB0] =	vst v63;
	v63 =	vld [tilespmem:s28+$0xCC50];
	_ =	sdelay $0x3  }
0x181: {  	v57 =	vld [tilespmem:s23+$0xD440]  }
0x182: {  	[tilespmem:$0x1FBC0] =	vst v63;
	v63 =	vld [tilespmem:s28+$0xCC60];
	_ =	sdelay $0x1  }
0x183: {  	v50 =	vmul.f32 v50, v0;
	_ =	sdelay $0x1  }
0x184: {  	v30 =	vadd.f32 v55, v30;
	v35 =	vadd.f32 v50, v35;
	v50 =	vmul.f32 v57, v0  }
0x185: {  	[tilespmem:$0x1FBD0] =	vst v63;
	v63 =	vld [tilespmem:s28+$0xCC70]  }
0x186: {  	s26 =	sadd.s32 $0x1, s22;
	[tilespmem:$0x1FC10] =	vst v30;
	v30 =	vadd.f32 v50, v37  }
0x187: {  	v49 =	vld.msk [tilespmem:s26+$0x0 ss:$0x0], $0xffff  }
0x188: {  	[tilespmem:$0x1FC20] =	vst v30;
	v30 =	vld [tilespmem:$0x1FA10];
	_ =	sdelay $0x1  }
0x189: {  	[tilespmem:$0x1FBE0] =	vst v63;
	v63 =	vld [tilespmem:s28+$0xD000];
	_ =	sdelay $0x1  }
0x18a: {  	v58 =	vld [tilespmem:s23+$0xD450]  }
0x18b: {  	v50 =	vmul.f32 v30, v49;
	v30 =	vld [tilespmem:$0x1FA20]  }
0x18c: {  	v59 =	vld [tilespmem:s23+$0xD460]  }
0x18d: {  	[tilespmem:$0x1FBF0] =	vst v63;
	v63 =	vld [tilespmem:s28+$0xD010]  }
0x18e: {  	v60 =	vld [tilespmem:s28+$0xD470]  }
0x18f: {  	v52 =	vmul.f32 v52, v0;
	v62 =	vld [tilespmem:s28+$0xC010]  }
0x190: {  	v51 =	vmul.f32 v51, v0;
	v37 =	vmul.f32 v30, v49;
	v30 =	vld [tilespmem:$0x1FA40]  }
0x191: {  	v53 =	vmul.f32 v53, v0;
	v33 =	vadd.f32 v52, v33;
	v52 =	vmul.f32 v54, v0  }
0x192: {  	[tilespmem:$0x1FC00] =	vst v63;
	v63 =	vmul.f32 v58, v0;
	v0 =	vmul.f32 v59, v0  }
0x193: {  	v60 =	vmul.f32 v60, v49  }
0x194: {  	v39 =	vadd.f32 v0, v39;
	v0 =	vmul.f32 v62, v49  }
0x195: {  	v40 =	vadd.f32 v60, v40;
	v60 =	vmul.f32 v30, v49;
	v30 =	vld [tilespmem:$0x1FA50]  }
0x196: {  	v42 =	vadd.f32 v0, v42;
	v0 =	vld [tilespmem:$0x1FA30]  }
0x197: {  	v61 =	vld [tilespmem:s28+$0xC000]  }
0x198: {  	v55 =	vld [tilespmem:s28+$0xD020]  }
0x199: {  	v32 =	vadd.f32 v51, v32;
	v51 =	vld [tilespmem:s28+$0xD030]  }
0x19a: {  	v34 =	vadd.f32 v53, v34;
	v53 =	vld [tilespmem:s28+$0xD040]  }
0x19b: {  	v44 =	vadd.f32 v37, v44;
	v37 =	vmul.f32 v30, v49;
	v30 =	vld [tilespmem:$0x1FA70];
	v0 =	vmul.f32 v0, v49  }
0x19c: {  	v31 =	vadd.f32 v56, v31;
	v56 =	vld [tilespmem:s28+$0xD050]  }
0x19d: {  	v45 =	vadd.f32 v0, v45;
	v0 =	vld [tilespmem:$0x1FA60]  }
0x19e: {  	v54 =	vld [tilespmem:s28+$0xD070]  }
0x19f: {  	v57 =	vld [tilespmem:s28+$0xD060]  }
0x1a0: {  	v43 =	vadd.f32 v50, v43;
	v50 =	vmul.f32 v30, v49;
	v30 =	vld [tilespmem:$0x1FA80]  }
0x1a1: {  	v36 =	vadd.f32 v52, v36;
	v52 =	vld [tilespmem:s28+$0xD400]  }
0x1a2: {  	v46 =	vadd.f32 v60, v46;
	v60 =	vld [tilespmem:s28+$0xD440];
	v0 =	vmul.f32 v0, v49  }
0x1a3: {  	v47 =	vadd.f32 v37, v47;
	v37 =	vld [tilespmem:s28+$0xD460]  }
0x1a4: {  	v48 =	vadd.f32 v0, v48;
	v0 =	vld [tilespmem:$0x1FA90]  }
0x1a5: {  	v62 =	vmul.f32 v30, v49;
	v30 =	vld [tilespmem:$0x1FAA0]  }
0x1a6: {  	v59 =	vld [tilespmem:s28+$0xD410]  }
0x1a7: {  	v58 =	vld [tilespmem:s28+$0xD430];
	v38 =	vadd.f32 v63, v38;
	v63 =	vmul.f32 v49, v61  }
0x1a8: {  	v61 =	vld [tilespmem:s28+$0xD420]  }
0x1a9: {  	s21 =	simm.s32 $0x0;
	v41 =	vadd.f32 v63, v41;
	v63 =	vld [tilespmem:s28+$0xD450];
	v0 =	vmul.f32 v0, v49  }
0x1aa: {  	v27 =	vadd.f32 v62, v27;
	v62 =	vld [tilespmem:$0x1FAB0];
	[tilespmem:s12], [sflag:$0x2] =	stream.linear.gather [hbm4b:s7+s21], $0xC000, $0x38;
	v30 =	vmul.f32 v30, v49  }
0x1ab: {  	v28 =	vadd.f32 v0, v28;
	v0 =	vld [tilespmem:$0x1FAC0];
	_ =	swait.ge [sflag:s14], $0xC000  }
0x1ac: {  	v29 =	vadd.f32 v30, v29;
	v30 =	vld [tilespmem:$0x1FAD0];
	_ =	sdelay $0x4  }
0x1ad: {  	v26 =	vadd.f32 v50, v26;
	v50 =	vmul.f32 v62, v49;
	v62 =	vld [tilespmem:$0x1FAE0];
	v30 =	vmul.f32 v30, v49  }
0x1ae: {  	v0 =	vmul.f32 v0, v49  }
0x1af: {  	v23 =	vadd.f32 v30, v23;
	v30 =	vld [tilespmem:$0x1FB10]  }
0x1b0: {  	v22 =	vadd.f32 v0, v22;
	v0 =	vld [tilespmem:$0x1FAF0];
	_ =	sdelay $0x1  }
0x1b1: {  	v25 =	vadd.f32 v50, v25;
	v50 =	vmul.f32 v62, v49;
	v62 =	vld [tilespmem:$0x1FB00];
	_ =	sdelay $0x1  }
0x1b2: {  	v30 =	vmul.f32 v30, v49  }
0x1b3: {  	v0 =	vmul.f32 v0, v49  }
0x1b4: {  	v1 =	vadd.f32 v30, v1  }
0x1b5: {  	v62 =	vmul.f32 v62, v49;
	v0 =	vadd.f32 v0, v19  }
0x1b6: {  	[tilespmem:$0x1FC50] =	vst v1;
	v1 =	vld [tilespmem:$0x1FB30]  }
0x1b7: {  	[tilespmem:$0x1FC30] =	vst v0;
	v0 =	vadd.f32 v62, v20;
	_ =	sdelay $0x1  }
0x1b8: {  	[tilespmem:$0x1FC40] =	vst v0;
	v0 =	vld [tilespmem:$0x1FB20];
	_ =	sdelay $0x1  }
0x1b9: {  	v30 =	vmul.f32 v1, v49;
	v1 =	vld [tilespmem:$0x1FB40];
	_ =	sdelay $0x2  }
0x1ba: {  	v24 =	vadd.f32 v50, v24;
	v50 =	vmul.f32 v0, v49;
	_ =	sdelay $0x1  }
0x1bb: {  	v62 =	vmul.f32 v1, v49;
	v1 =	vadd.f32 v50, v2  }
0x1bc: {  	v2 =	vadd.f32 v30, v3  }
0x1bd: {  	[tilespmem:$0x1FC60] =	vst v1  }
0x1be: {  	v1 =	vld [tilespmem:$0x1FB50];
	[tilespmem:$0x1FC70] =	vst v2;
	v2 =	vadd.f32 v62, v4;
	_ =	sdelay $0x1  }
0x1bf: {  	[tilespmem:$0x1FC80] =	vst v2;
	v2 =	vld [tilespmem:$0x1FB70];
	_ =	sdelay $0x2  }
0x1c0: {  	v50 =	vmul.f32 v1, v49  }
0x1c1: {  	v1 =	vld [tilespmem:$0x1FB60]  }
0x1c2: {  	v30 =	vmul.f32 v2, v49;
	v2 =	vadd.f32 v50, v5;
	_ =	sdelay $0x1  }
0x1c3: {  	[tilespmem:$0x1FC90] =	vst v2;
	v2 =	vadd.f32 v30, v7;
	_ =	sdelay $0x1  }
0x1c4: {  	v1 =	vmul.f32 v1, v49;
	[tilespmem:$0x1FCB0] =	vst v2;
	v2 =	vld [tilespmem:$0x1FB90];
	_ =	sdelay $0x1  }
0x1c5: {  	v1 =	vadd.f32 v1, v6;
	_ =	sdelay $0x1  }
0x1c6: {  	[tilespmem:$0x1FCA0] =	vst v1;
	v1 =	vld [tilespmem:$0x1FB80]  }
0x1c7: {  	v30 =	vmul.f32 v2, v49;
	v2 =	vld [tilespmem:$0x1FBA0];
	_ =	sdelay $0x3  }
0x1c8: {  	v1 =	vmul.f32 v1, v49  }
0x1c9: {  	v2 =	vmul.f32 v2, v49  }
0x1ca: {  	v8 =	vadd.f32 v1, v8;
	v1 =	vld [tilespmem:$0x1FBB0]  }
0x1cb: {  	v10 =	vadd.f32 v2, v10;
	v2 =	vld [tilespmem:$0x1FBD0];
	_ =	sdelay $0x3  }
0x1cc: {  	v1 =	vmul.f32 v1, v49  }
0x1cd: {  	v5 =	vld [tilespmem:$0x1FC00];
	v2 =	vmul.f32 v2, v49  }
0x1ce: {  	v11 =	vadd.f32 v1, v11;
	v1 =	vld [tilespmem:$0x1FBE0]  }
0x1cf: {  	v13 =	vadd.f32 v2, v13;
	v2 =	vld [tilespmem:$0x1FBF0]  }
0x1d0: {  	s29 =	simm.s32 $0x0  }
0x1d1: {  	s30 =	smul.u32 $0x6000, s29  }
0x1d2: {  	v9 =	vadd.f32 v30, v9;
	v30 =	vmul.f32 v5, v49  }
0x1d3: {  	s23 =	sshra.s32 s30, $0x2;
	s31 =	sand.u32 $0x380, s21;
	v51 =	vmul.f32 v51, v49;
	[sflag:s14] =	ssyncset.done $0x0;
	v1 =	vmul.f32 v1, v49  }
0x1d4: {  	s23 =	sor.u32 s31, s23;
	[sflag:s14] =	ssyncadd.s32 $0xFFFF4000;
	v16 =	vadd.f32 v30, v16;
	v30 =	vld [tilespmem:$0x1FC10];
	v2 =	vmul.f32 v2, v49  }
0x1d5: {  	v18 =	vadd.f32 v51, v18;
	v51 =	vld [tilespmem:s23+$0x420];
	v14 =	vadd.f32 v1, v14;
	v1 =	vmul.f32 v55, v49  }
0x1d6: {  	v19 =	vld [tilespmem:s23+$0x1470];
	v15 =	vadd.f32 v2, v15;
	v2 =	vmul.f32 v53, v49  }
0x1d7: {  	s22 =	simm.s32 $0x18080;
	v20 =	vld [tilespmem:s23+$0x0];
	v17 =	vadd.f32 v1, v17;
	v1 =	vmul.f32 v56, v49  }
0x1d8: {  	v0 =	vld.msk [tilespmem:s22+$0x0 ss:$0x0], $0xffff;
	v21 =	vadd.f32 v2, v21;
	v2 =	vmul.f32 v57, v49  }
0x1d9: {  	v3 =	vld [tilespmem:$0x1FBC0];
	v30 =	vadd.f32 v1, v30;
	v1 =	vmul.f32 v52, v49  }
0x1da: {  	v62 =	vld [tilespmem:s23+$0x10];
	v31 =	vadd.f32 v2, v31;
	v2 =	vmul.f32 v61, v49  }
0x1db: {  	v33 =	vadd.f32 v1, v33;
	v1 =	vmul.f32 v58, v49;
	v61 =	vmul.f32 v63, v49;
	v63 =	vld [tilespmem:$0x1FC20]  }
0x1dc: {  	v6 =	vld [tilespmem:s23+$0x40]  }
0x1dd: {  	v50 =	vld [tilespmem:s23+$0x20];
	v36 =	vadd.f32 v1, v36;
	v1 =	vmul.f32 v37, v49  }
0x1de: {  	v3 =	vmul.f32 v3, v49;
	v5 =	vld [tilespmem:s23+$0x70];
	v35 =	vadd.f32 v2, v35;
	v2 =	vmul.f32 v60, v49  }
0x1df: {  	v54 =	vmul.f32 v54, v49;
	v53 =	vld [tilespmem:s23+$0x410];
	v39 =	vadd.f32 v1, v39;
	v1 =	vmul.f32 v62, v0  }
0x1e0: {  	v12 =	vadd.f32 v3, v12;
	v3 =	vld [tilespmem:s23+$0x60];
	v37 =	vadd.f32 v2, v63;
	v2 =	vmul.f32 v0, v20  }
0x1e1: {  	v52 =	vmul.f32 v59, v49;
	v59 =	vld [tilespmem:s23+$0x470];
	v42 =	vadd.f32 v1, v42;
	v1 =	vmul.f32 v6, v0  }
0x1e2: {  	v32 =	vadd.f32 v54, v32;
	v55 =	vld [tilespmem:s23+$0x400];
	v41 =	vadd.f32 v2, v41  }
0x1e3: {  	v54 =	vld [tilespmem:s23+$0x450];
	v2 =	vmul.f32 v50, v0;
	v45 =	vadd.f32 v1, v45;
	v1 =	vmul.f32 v5, v0  }
0x1e4: {  	v19 =	vmul.f32 v19, v0;
	v57 =	vld [tilespmem:s23+$0x440];
	v34 =	vadd.f32 v52, v34;
	v5 =	vmul.f32 v53, v0  }
0x1e5: {  	v52 =	vld [tilespmem:s23+$0x460];
	v43 =	vadd.f32 v2, v43;
	v2 =	vmul.f32 v3, v0;
	v48 =	vadd.f32 v1, v48  }
0x1e6: {  	v49 =	vld [tilespmem:s23+$0x800];
	v1 =	vmul.f32 v51, v0;
	v27 =	vadd.f32 v5, v27;
	v5 =	vmul.f32 v59, v0  }
0x1e7: {  	v40 =	vadd.f32 v19, v40;
	v19 =	vld [tilespmem:s23+$0x820];
	v47 =	vadd.f32 v2, v47;
	v2 =	vmul.f32 v55, v0  }
0x1e8: {  	v28 =	vadd.f32 v1, v28;
	v1 =	vmul.f32 v54, v0;
	v24 =	vadd.f32 v5, v24;
	v5 =	vld [tilespmem:$0x1FC30]  }
0x1e9: {  	v26 =	vadd.f32 v2, v26;
	v2 =	vmul.f32 v57, v0  }
0x1ea: {  	v4 =	vld [tilespmem:s23+$0x50];
	v22 =	vadd.f32 v1, v22  }
0x1eb: {  	v20 =	vld [tilespmem:s23+$0x810];
	v1 =	vmul.f32 v49, v0;
	v25 =	vadd.f32 v2, v25;
	v2 =	vmul.f32 v52, v0  }
0x1ec: {  	v56 =	vld [tilespmem:s23+$0x430]  }
0x1ed: {  	v23 =	vadd.f32 v2, v23;
	v2 =	vmul.f32 v19, v0;
	v19 =	vadd.f32 v1, v5;
	v1 =	vld [tilespmem:$0x1FC40]  }
0x1ee: {  	v7 =	vld [tilespmem:s23+$0x30]  }
0x1ef: {  	v3 =	vld [tilespmem:s23+$0x850]  }
0x1f0: {  	v20 =	vmul.f32 v20, v0  }
0x1f1: {  	v4 =	vmul.f32 v4, v0;
	v6 =	vld [tilespmem:s23+$0x840]  }
0x1f2: {  	v38 =	vadd.f32 v61, v38;
	v61 =	vmul.f32 v56, v0;
	v20 =	vadd.f32 v20, v1;
	v1 =	vld [tilespmem:$0x1FC50]  }
0x1f3: {  	v46 =	vadd.f32 v4, v46;
	v4 =	vld [tilespmem:s23+$0x860]  }
0x1f4: {  	v7 =	vmul.f32 v7, v0;
	v29 =	vadd.f32 v61, v29;
	v61 =	vmul.f32 v3, v0;
	v3 =	vld [tilespmem:$0x1FC70]  }
0x1f5: {  	v60 =	vld [tilespmem:s23+$0x830]  }
0x1f6: {  	v44 =	vadd.f32 v7, v44;
	v7 =	vld [tilespmem:s23+$0x870]  }
0x1f7: {  	v6 =	vmul.f32 v6, v0;
	v1 =	vadd.f32 v2, v1;
	v2 =	vld [tilespmem:$0x1FC60]  }
0x1f8: {  	v58 =	vld [tilespmem:s23+$0x1000]  }
0x1f9: {  	v3 =	vadd.f32 v6, v3;
	v6 =	vld [tilespmem:$0x1FC90]  }
0x1fa: {  	v56 =	vld [tilespmem:s23+$0x1010];
	v5 =	vmul.f32 v60, v0  }
0x1fb: {  	v62 =	vld [tilespmem:s23+$0xC40]  }
0x1fc: {  	v63 =	vld [tilespmem:s23+$0xC50];
	v2 =	vadd.f32 v5, v2;
	v5 =	vmul.f32 v4, v0  }
0x1fd: {  	v53 =	vld [tilespmem:s23+$0xC00]  }
0x1fe: {  	v5 =	vadd.f32 v5, v6;
	v6 =	vld [tilespmem:$0x1FCA0]  }
0x1ff: {  	v55 =	vld [tilespmem:s23+$0xC10]  }
0x200: {  	v51 =	vld [tilespmem:s23+$0xC20]  }
0x201: {  	v7 =	vmul.f32 v7, v0;
	v59 =	vld [tilespmem:s23+$0x1020]  }
0x202: {  	v57 =	vld [tilespmem:s23+$0xC70]  }
0x203: {  	v6 =	vadd.f32 v7, v6;
	v7 =	vld [tilespmem:$0x1FCB0]  }
0x204: {  	v55 =	vmul.f32 v55, v0;
	v60 =	vld [tilespmem:s23+$0xC60]  }
0x205: {  	v56 =	vmul.f32 v56, v0;
	v52 =	vld [tilespmem:s23+$0xC30]  }
0x206: {  	v53 =	vmul.f32 v53, v0;
	v8 =	vadd.f32 v55, v8;
	v55 =	vld [tilespmem:s23+$0x1040]  }
0x207: {  	v16 =	vadd.f32 v56, v16;
	v54 =	vmul.f32 v63, v0;
	v4 =	vld [tilespmem:$0x1FC80]  }
0x208: {  	v63 =	vmul.f32 v58, v0;
	v49 =	vmul.f32 v62, v0;
	v7 =	vadd.f32 v53, v7;
	v53 =	vld [tilespmem:s23+$0x1030]  }
0x209: {  	v12 =	vadd.f32 v54, v12;
	v51 =	vmul.f32 v51, v0;
	v50 =	vmul.f32 v60, v0;
	v60 =	vld [tilespmem:s23+$0x1050]  }
0x20a: {  	v54 =	vld [tilespmem:s23+$0x1060];
	v15 =	vadd.f32 v63, v15;
	v62 =	vmul.f32 v57, v0;
	v52 =	vmul.f32 v52, v0  }
0x20b: {  	v11 =	vadd.f32 v49, v11;
	v9 =	vadd.f32 v51, v9;
	v51 =	vld [tilespmem:s23+$0x1070]  }
0x20c: {  	v14 =	vadd.f32 v62, v14;
	v10 =	vadd.f32 v52, v10;
	v52 =	vld [tilespmem:s23+$0x1400];
	v63 =	vmul.f32 v55, v0  }
0x20d: {  	v4 =	vadd.f32 v61, v4;
	v61 =	vmul.f32 v59, v0;
	v62 =	vmul.f32 v53, v0;
	v53 =	vld [tilespmem:s23+$0x1410]  }
0x20e: {  	v13 =	vadd.f32 v50, v13;
	v50 =	vld [tilespmem:s23+$0x1420];
	v21 =	vadd.f32 v63, v21;
	v55 =	vmul.f32 v60, v0  }
0x20f: {  	s25 =	simm.s32 $0x0;
	s24 =	simm.s32 $0x2;
	v56 =	vmul.f32 v54, v0;
	v54 =	vld [tilespmem:s23+$0x1430];
	v17 =	vadd.f32 v61, v17;
	v18 =	vadd.f32 v62, v18  }
.LBB2_6:
0x210: {  	p0 =	sne.s32 s24, $0x3F;
	s25 =	smul.u32 $0x6000, s25;
	v30 =	vadd.f32 v55, v30;
	v49 =	vmul.f32 v51, v0;
	v51 =	vld [tilespmem:s23+$0x1440]  }
0x211: {  	s21 =	sadd.s32 $0x80, s21;
	v31 =	vadd.f32 v56, v31;
	v52 =	vmul.f32 v52, v0;
	v55 =	vld [tilespmem:s23+$0x1450]  }
0x212: {  	s22 =	sadd.s32 $0x1, s22;
	s26 =	sand.u32 $0x380, s21;
	s25 =	sshra.s32 s25, $0x2;
	v32 =	vadd.f32 v49, v32;
	v49 =	vmul.f32 v53, v0;
	v53 =	vld [tilespmem:s23+$0x1460]  }
0x213: {  	s23 =	sor.u32 s26, s25;
	v56 =	vld.msk [tilespmem:s22+$0x0 ss:$0x0], $0xffff;
	v33 =	vadd.f32 v52, v33;
	v50 =	vmul.f32 v50, v0  }
0x214: {  	v52 =	vld [tilespmem:s23+$0x1470];
	v34 =	vadd.f32 v49, v34;
	v49 =	vmul.f32 v54, v0  }
0x215: {  	v54 =	vld [tilespmem:s23+$0x0];
	v35 =	vadd.f32 v50, v35;
	v50 =	vmul.f32 v51, v0  }
0x216: {  	v51 =	vld [tilespmem:s23+$0x10];
	v36 =	vadd.f32 v49, v36;
	v49 =	vmul.f32 v55, v0  }
0x217: {  	v55 =	vld [tilespmem:s23+$0x20];
	v37 =	vadd.f32 v50, v37;
	v53 =	vmul.f32 v53, v0  }
0x218: {  	v50 =	vld [tilespmem:s23+$0x30];
	v38 =	vadd.f32 v49, v38  }
0x219: {  	v0 =	vmov v56;
	v49 =	vld [tilespmem:s23+$0x40];
	v52 =	vmul.f32 v52, v56;
	v39 =	vadd.f32 v53, v39  }
0x21a: {  	v53 =	vmul.f32 v0, v54;
	v54 =	vld [tilespmem:s23+$0x50]  }
0x21b: {  	v51 =	vmul.f32 v51, v0;
	v56 =	vld [tilespmem:s23+$0x60];
	v40 =	vadd.f32 v52, v40  }
0x21c: {  	v41 =	vadd.f32 v53, v41;
	v52 =	vmul.f32 v55, v0;
	v53 =	vld [tilespmem:s23+$0x70]  }
0x21d: {  	v42 =	vadd.f32 v51, v42;
	v50 =	vmul.f32 v50, v0;
	v51 =	vld [tilespmem:s23+$0x400]  }
0x21e: {  	v43 =	vadd.f32 v52, v43;
	v49 =	vmul.f32 v49, v0;
	v52 =	vld [tilespmem:s23+$0x410]  }
0x21f: {  	v44 =	vadd.f32 v50, v44;
	v50 =	vmul.f32 v54, v0;
	v54 =	vld [tilespmem:s23+$0x420]  }
0x220: {  	v45 =	vadd.f32 v49, v45;
	v49 =	vmul.f32 v56, v0;
	v55 =	vld [tilespmem:s23+$0x430]  }
0x221: {  	v46 =	vadd.f32 v50, v46;
	v50 =	vmul.f32 v53, v0;
	v53 =	vld [tilespmem:s23+$0x440]  }
0x222: {  	v47 =	vadd.f32 v49, v47;
	v49 =	vmul.f32 v51, v0;
	v51 =	vld [tilespmem:s23+$0x450]  }
0x223: {  	v48 =	vadd.f32 v50, v48;
	v50 =	vmul.f32 v52, v0;
	v52 =	vld [tilespmem:s23+$0x460]  }
0x224: {  	v26 =	vadd.f32 v49, v26;
	v49 =	vmul.f32 v54, v0;
	v54 =	vld [tilespmem:s23+$0x470]  }
0x225: {  	v27 =	vadd.f32 v50, v27;
	v50 =	vmul.f32 v55, v0;
	v55 =	vld [tilespmem:s23+$0x800]  }
0x226: {  	v28 =	vadd.f32 v49, v28;
	v49 =	vmul.f32 v53, v0;
	v53 =	vld [tilespmem:s23+$0x810]  }
0x227: {  	v29 =	vadd.f32 v50, v29;
	v50 =	vmul.f32 v51, v0;
	v51 =	vld [tilespmem:s23+$0x820]  }
0x228: {  	v25 =	vadd.f32 v49, v25;
	v49 =	vmul.f32 v52, v0;
	v52 =	vld [tilespmem:s23+$0x830]  }
0x229: {  	v22 =	vadd.f32 v50, v22;
	v50 =	vmul.f32 v54, v0;
	v54 =	vld [tilespmem:s23+$0x840]  }
0x22a: {  	v23 =	vadd.f32 v49, v23;
	v49 =	vmul.f32 v55, v0;
	v55 =	vld [tilespmem:s23+$0x850]  }
0x22b: {  	v24 =	vadd.f32 v50, v24;
	v50 =	vmul.f32 v53, v0;
	v53 =	vld [tilespmem:s23+$0x860]  }
0x22c: {  	v19 =	vadd.f32 v49, v19;
	v49 =	vmul.f32 v51, v0;
	v51 =	vld [tilespmem:s23+$0x870]  }
0x22d: {  	v20 =	vadd.f32 v50, v20;
	v50 =	vmul.f32 v52, v0;
	v52 =	vld [tilespmem:s23+$0xC00]  }
0x22e: {  	v1 =	vadd.f32 v49, v1;
	v49 =	vmul.f32 v54, v0;
	v54 =	vld [tilespmem:s23+$0xC10]  }
0x22f: {  	v2 =	vadd.f32 v50, v2;
	v50 =	vmul.f32 v55, v0;
	v55 =	vld [tilespmem:s23+$0xC20]  }
0x230: {  	v3 =	vadd.f32 v49, v3;
	v49 =	vmul.f32 v53, v0;
	v53 =	vld [tilespmem:s23+$0xC30]  }
0x231: {  	v4 =	vadd.f32 v50, v4;
	v50 =	vmul.f32 v51, v0;
	v51 =	vld [tilespmem:s23+$0xC40]  }
0x232: {  	v5 =	vadd.f32 v49, v5;
	v49 =	vmul.f32 v52, v0;
	v52 =	vld [tilespmem:s23+$0xC50]  }
0x233: {  	v6 =	vadd.f32 v50, v6;
	v50 =	vmul.f32 v54, v0;
	v54 =	vld [tilespmem:s23+$0xC60]  }
0x234: {  	v7 =	vadd.f32 v49, v7;
	v49 =	vmul.f32 v55, v0;
	v55 =	vld [tilespmem:s23+$0xC70]  }
0x235: {  	v8 =	vadd.f32 v50, v8;
	v50 =	vmul.f32 v53, v0;
	v53 =	vld [tilespmem:s23+$0x1000]  }
0x236: {  	v9 =	vadd.f32 v49, v9;
	v49 =	vmul.f32 v51, v0;
	v51 =	vld [tilespmem:s23+$0x1010]  }
0x237: {  	v10 =	vadd.f32 v50, v10;
	v50 =	vmul.f32 v52, v0;
	v52 =	vld [tilespmem:s23+$0x1020]  }
0x238: {  	v11 =	vadd.f32 v49, v11;
	v49 =	vmul.f32 v54, v0;
	v54 =	vld [tilespmem:s23+$0x1030]  }
0x239: {  	v12 =	vadd.f32 v50, v12;
	v50 =	vmul.f32 v55, v0;
	v55 =	vld [tilespmem:s23+$0x1040]  }
0x23a: {  	v13 =	vadd.f32 v49, v13;
	v49 =	vmul.f32 v53, v0;
	v56 =	vld [tilespmem:s23+$0x1050]  }
0x23b: {  	v14 =	vadd.f32 v50, v14;
	v50 =	vmul.f32 v51, v0;
	v57 =	vld [tilespmem:s23+$0x1060]  }
.Ltmp2:
0x23c: {  	v15 =	vadd.f32 v49, v15;
	v49 =	vmul.f32 v52, v0;
	v51 =	vld [tilespmem:s23+$0x1070];
	(pc) =	sbr.rel @p0 .LBB2_6-.Ltmp2, $4  }
0x23d: {  	v16 =	vadd.f32 v50, v16;
	v50 =	vmul.f32 v54, v0;
	v52 =	vld [tilespmem:s23+$0x1400]  }
0x23e: {  	v17 =	vadd.f32 v49, v17;
	v49 =	vmul.f32 v55, v0;
	v53 =	vld [tilespmem:s23+$0x1410]  }
0x23f: {  	v18 =	vadd.f32 v50, v18;
	v55 =	vmul.f32 v56, v0;
	v50 =	vld [tilespmem:s23+$0x1420]  }
0x240: {  	s25 =	sshrl.u32 s24, $0x3;
	s24 =	sadd.s32 $0x1, s24;
	v21 =	vadd.f32 v49, v21;
	v56 =	vmul.f32 v57, v0;
	v54 =	vld [tilespmem:s23+$0x1430]  }
0x241: {  	s24 =	smul.u32 $0x6000, s25  }
0x242: {  	s21 =	sadd.s32 $0x80, s21  }
0x243: {  	s21 =	sand.u32 $0x380, s21;
	s24 =	sshra.s32 s24, $0x2  }
0x244: {  	s28 =	sor.u32 s21, s24  }
0x245: {  	v63 =	vld [tilespmem:s28+$0x20];
	_ =	sdelay $0x4  }
0x246: {  	[tilespmem:$0x1F760] =	vst v63;
	v63 =	vld [tilespmem:s28+$0x30];
	_ =	sdelay $0x4  }
0x247: {  	[tilespmem:$0x1F770] =	vst v63;
	v63 =	vld [tilespmem:s28+$0x40];
	_ =	sdelay $0x4  }
0x248: {  	[tilespmem:$0x1F780] =	vst v63;
	v63 =	vld [tilespmem:s28+$0x50];
	_ =	sdelay $0x4  }
0x249: {  	[tilespmem:$0x1F790] =	vst v63;
	v63 =	vld [tilespmem:s28+$0x60];
	_ =	sdelay $0x4  }
0x24a: {  	[tilespmem:$0x1F7A0] =	vst v63;
	v63 =	vld [tilespmem:s28+$0x70];
	_ =	sdelay $0x4  }
0x24b: {  	[tilespmem:$0x1F7B0] =	vst v63;
	v63 =	vld [tilespmem:s28+$0x400];
	_ =	sdelay $0x4  }
0x24c: {  	[tilespmem:$0x1F7C0] =	vst v63;
	v63 =	vld [tilespmem:s28+$0x410];
	_ =	sdelay $0x4  }
0x24d: {  	[tilespmem:$0x1F7D0] =	vst v63;
	v63 =	vld [tilespmem:s28+$0x420];
	_ =	sdelay $0x4  }
0x24e: {  	[tilespmem:$0x1F7E0] =	vst v63;
	v63 =	vld [tilespmem:s28+$0x430];
	_ =	sdelay $0x4  }
0x24f: {  	[tilespmem:$0x1F7F0] =	vst v63;
	v63 =	vld [tilespmem:s28+$0x440];
	_ =	sdelay $0x4  }
0x250: {  	[tilespmem:$0x1F800] =	vst v63;
	v63 =	vld [tilespmem:s28+$0x450];
	_ =	sdelay $0x4  }
0x251: {  	[tilespmem:$0x1F810] =	vst v63;
	v63 =	vld [tilespmem:s28+$0x460];
	_ =	sdelay $0x4  }
0x252: {  	[tilespmem:$0x1F820] =	vst v63;
	v63 =	vld [tilespmem:s28+$0x470];
	_ =	sdelay $0x4  }
0x253: {  	[tilespmem:$0x1F830] =	vst v63;
	v63 =	vld [tilespmem:s28+$0x800];
	_ =	sdelay $0x4  }
0x254: {  	[tilespmem:$0x1F840] =	vst v63;
	v63 =	vld [tilespmem:s28+$0x810];
	_ =	sdelay $0x4  }
0x255: {  	[tilespmem:$0x1F850] =	vst v63;
	v63 =	vld [tilespmem:s28+$0x820];
	_ =	sdelay $0x4  }
0x256: {  	[tilespmem:$0x1F860] =	vst v63;
	v63 =	vld [tilespmem:s28+$0x830];
	_ =	sdelay $0x4  }
0x257: {  	[tilespmem:$0x1F870] =	vst v63;
	v63 =	vld [tilespmem:s28+$0x840];
	_ =	sdelay $0x4  }
0x258: {  	[tilespmem:$0x1F880] =	vst v63;
	v63 =	vld [tilespmem:s28+$0x850];
	_ =	sdelay $0x4  }
0x259: {  	[tilespmem:$0x1F890] =	vst v63;
	v63 =	vld [tilespmem:s28+$0x860];
	_ =	sdelay $0x4  }
0x25a: {  	[tilespmem:$0x1F8A0] =	vst v63;
	v63 =	vld [tilespmem:s28+$0x870];
	_ =	sdelay $0x4  }
0x25b: {  	[tilespmem:$0x1F8B0] =	vst v63;
	v63 =	vld [tilespmem:s28+$0xC00];
	_ =	sdelay $0x4  }
0x25c: {  	[tilespmem:$0x1F8C0] =	vst v63;
	v63 =	vld [tilespmem:s28+$0xC10];
	_ =	sdelay $0x4  }
0x25d: {  	[tilespmem:$0x1F8D0] =	vst v63;
	v63 =	vld [tilespmem:s28+$0xC20];
	_ =	sdelay $0x4  }
0x25e: {  	[tilespmem:$0x1F8E0] =	vst v63;
	v63 =	vld [tilespmem:s28+$0xC30];
	_ =	sdelay $0x4  }
0x25f: {  	[tilespmem:$0x1F8F0] =	vst v63;
	v63 =	vld [tilespmem:s28+$0xC40];
	_ =	sdelay $0x4  }
0x260: {  	[tilespmem:$0x1F900] =	vst v63;
	v63 =	vld [tilespmem:s28+$0xC50];
	_ =	sdelay $0x3  }
0x261: {  	v57 =	vld [tilespmem:s23+$0x1440]  }
0x262: {  	[tilespmem:$0x1F910] =	vst v63;
	v63 =	vld [tilespmem:s28+$0xC60];
	_ =	sdelay $0x1  }
0x263: {  	v50 =	vmul.f32 v50, v0;
	_ =	sdelay $0x1  }
0x264: {  	v30 =	vadd.f32 v55, v30;
	v35 =	vadd.f32 v50, v35;
	v50 =	vmul.f32 v57, v0  }
0x265: {  	[tilespmem:$0x1F920] =	vst v63;
	v63 =	vld [tilespmem:s28+$0xC70]  }
0x266: {  	s26 =	sadd.s32 $0x1, s22;
	[tilespmem:$0x1F960] =	vst v30;
	v30 =	vadd.f32 v50, v37  }
0x267: {  	v49 =	vld.msk [tilespmem:s26+$0x0 ss:$0x0], $0xffff  }
0x268: {  	[tilespmem:$0x1F970] =	vst v30;
	v30 =	vld [tilespmem:$0x1F760];
	_ =	sdelay $0x1  }
0x269: {  	[tilespmem:$0x1F930] =	vst v63;
	v63 =	vld [tilespmem:s28+$0x1000];
	_ =	sdelay $0x1  }
0x26a: {  	v58 =	vld [tilespmem:s23+$0x1450]  }
0x26b: {  	v50 =	vmul.f32 v30, v49;
	v30 =	vld [tilespmem:$0x1F770]  }
0x26c: {  	v59 =	vld [tilespmem:s23+$0x1460]  }
0x26d: {  	[tilespmem:$0x1F940] =	vst v63;
	v63 =	vld [tilespmem:s28+$0x1010]  }
0x26e: {  	v60 =	vld [tilespmem:s28+$0x1470]  }
0x26f: {  	v52 =	vmul.f32 v52, v0;
	v62 =	vld [tilespmem:s28+$0x10]  }
0x270: {  	v51 =	vmul.f32 v51, v0;
	v37 =	vmul.f32 v30, v49;
	v30 =	vld [tilespmem:$0x1F790]  }
0x271: {  	v53 =	vmul.f32 v53, v0;
	v33 =	vadd.f32 v52, v33;
	v52 =	vmul.f32 v54, v0  }
0x272: {  	[tilespmem:$0x1F950] =	vst v63;
	v63 =	vmul.f32 v58, v0;
	v0 =	vmul.f32 v59, v0  }
0x273: {  	v60 =	vmul.f32 v60, v49  }
0x274: {  	v39 =	vadd.f32 v0, v39;
	v0 =	vmul.f32 v62, v49  }
0x275: {  	v40 =	vadd.f32 v60, v40;
	v60 =	vmul.f32 v30, v49;
	v30 =	vld [tilespmem:$0x1F7A0]  }
0x276: {  	v42 =	vadd.f32 v0, v42;
	v0 =	vld [tilespmem:$0x1F780]  }
0x277: {  	v61 =	vld [tilespmem:s28+$0x0]  }
0x278: {  	v55 =	vld [tilespmem:s28+$0x1020]  }
0x279: {  	v32 =	vadd.f32 v51, v32;
	v51 =	vld [tilespmem:s28+$0x1030]  }
0x27a: {  	v34 =	vadd.f32 v53, v34;
	v53 =	vld [tilespmem:s28+$0x1040]  }
0x27b: {  	v44 =	vadd.f32 v37, v44;
	v37 =	vmul.f32 v30, v49;
	v30 =	vld [tilespmem:$0x1F7C0];
	v0 =	vmul.f32 v0, v49  }
0x27c: {  	v31 =	vadd.f32 v56, v31;
	v56 =	vld [tilespmem:s28+$0x1050]  }
0x27d: {  	v45 =	vadd.f32 v0, v45;
	v0 =	vld [tilespmem:$0x1F7B0]  }
0x27e: {  	v54 =	vld [tilespmem:s28+$0x1070]  }
0x27f: {  	v57 =	vld [tilespmem:s28+$0x1060]  }
0x280: {  	v43 =	vadd.f32 v50, v43;
	v50 =	vmul.f32 v30, v49;
	v30 =	vld [tilespmem:$0x1F7D0]  }
0x281: {  	v36 =	vadd.f32 v52, v36;
	v52 =	vld [tilespmem:s28+$0x1400]  }
0x282: {  	v46 =	vadd.f32 v60, v46;
	v60 =	vld [tilespmem:s28+$0x1440];
	v0 =	vmul.f32 v0, v49  }
0x283: {  	v47 =	vadd.f32 v37, v47;
	v37 =	vld [tilespmem:s28+$0x1460]  }
0x284: {  	v48 =	vadd.f32 v0, v48;
	v0 =	vld [tilespmem:$0x1F7E0]  }
0x285: {  	v62 =	vmul.f32 v30, v49;
	v30 =	vld [tilespmem:$0x1F7F0]  }
0x286: {  	v59 =	vld [tilespmem:s28+$0x1410]  }
0x287: {  	v58 =	vld [tilespmem:s28+$0x1430];
	v38 =	vadd.f32 v63, v38;
	v63 =	vmul.f32 v49, v61  }
0x288: {  	v61 =	vld [tilespmem:s28+$0x1420]  }
0x289: {  	s21 =	simm.s32 $0x0;
	v41 =	vadd.f32 v63, v41;
	v63 =	vld [tilespmem:s28+$0x1450];
	v0 =	vmul.f32 v0, v49  }
0x28a: {  	v27 =	vadd.f32 v62, v27;
	v62 =	vld [tilespmem:$0x1F800];
	[tilespmem:s21], [sflag:$0x1] =	stream.linear.gather [hbm4b:s8+s21], $0xC000, $0x38;
	v30 =	vmul.f32 v30, v49  }
0x28b: {  	v28 =	vadd.f32 v0, v28;
	v0 =	vld [tilespmem:$0x1F810];
	_ =	swait.ge [sflag:s15], $0xC000  }
0x28c: {  	v29 =	vadd.f32 v30, v29;
	v30 =	vld [tilespmem:$0x1F820];
	_ =	sdelay $0x4  }
0x28d: {  	v26 =	vadd.f32 v50, v26;
	v50 =	vmul.f32 v62, v49;
	v62 =	vld [tilespmem:$0x1F830];
	v30 =	vmul.f32 v30, v49  }
0x28e: {  	v0 =	vmul.f32 v0, v49  }
0x28f: {  	v23 =	vadd.f32 v30, v23;
	v30 =	vld [tilespmem:$0x1F860]  }
0x290: {  	v22 =	vadd.f32 v0, v22;
	v0 =	vld [tilespmem:$0x1F840];
	_ =	sdelay $0x1  }
0x291: {  	v25 =	vadd.f32 v50, v25;
	v50 =	vmul.f32 v62, v49;
	v62 =	vld [tilespmem:$0x1F850];
	_ =	sdelay $0x1  }
0x292: {  	v30 =	vmul.f32 v30, v49  }
0x293: {  	v0 =	vmul.f32 v0, v49  }
0x294: {  	v1 =	vadd.f32 v30, v1  }
0x295: {  	v62 =	vmul.f32 v62, v49;
	v0 =	vadd.f32 v0, v19  }
0x296: {  	[tilespmem:$0x1F9A0] =	vst v1;
	v1 =	vld [tilespmem:$0x1F880]  }
0x297: {  	[tilespmem:$0x1F980] =	vst v0;
	v0 =	vadd.f32 v62, v20;
	_ =	sdelay $0x1  }
0x298: {  	[tilespmem:$0x1F990] =	vst v0;
	v0 =	vld [tilespmem:$0x1F870];
	_ =	sdelay $0x1  }
0x299: {  	v30 =	vmul.f32 v1, v49;
	v1 =	vld [tilespmem:$0x1F890];
	_ =	sdelay $0x2  }
0x29a: {  	v24 =	vadd.f32 v50, v24;
	v50 =	vmul.f32 v0, v49;
	_ =	sdelay $0x1  }
0x29b: {  	v62 =	vmul.f32 v1, v49;
	v1 =	vadd.f32 v50, v2  }
0x29c: {  	v2 =	vadd.f32 v30, v3  }
0x29d: {  	[tilespmem:$0x1F9B0] =	vst v1  }
0x29e: {  	v1 =	vld [tilespmem:$0x1F8A0];
	[tilespmem:$0x1F9C0] =	vst v2;
	v2 =	vadd.f32 v62, v4;
	_ =	sdelay $0x1  }
0x29f: {  	[tilespmem:$0x1F9D0] =	vst v2;
	v2 =	vld [tilespmem:$0x1F8C0];
	_ =	sdelay $0x2  }
0x2a0: {  	v50 =	vmul.f32 v1, v49  }
0x2a1: {  	v1 =	vld [tilespmem:$0x1F8B0]  }
0x2a2: {  	v30 =	vmul.f32 v2, v49;
	v2 =	vadd.f32 v50, v5;
	_ =	sdelay $0x1  }
0x2a3: {  	[tilespmem:$0x1F9E0] =	vst v2;
	v2 =	vadd.f32 v30, v7;
	_ =	sdelay $0x1  }
0x2a4: {  	v1 =	vmul.f32 v1, v49;
	[tilespmem:$0x1FA00] =	vst v2;
	v2 =	vld [tilespmem:$0x1F8E0];
	_ =	sdelay $0x1  }
0x2a5: {  	v1 =	vadd.f32 v1, v6;
	_ =	sdelay $0x1  }
0x2a6: {  	[tilespmem:$0x1F9F0] =	vst v1;
	v1 =	vld [tilespmem:$0x1F8D0]  }
0x2a7: {  	v30 =	vmul.f32 v2, v49;
	v2 =	vld [tilespmem:$0x1F8F0];
	_ =	sdelay $0x3  }
0x2a8: {  	v1 =	vmul.f32 v1, v49  }
0x2a9: {  	v2 =	vmul.f32 v2, v49  }
0x2aa: {  	v8 =	vadd.f32 v1, v8;
	v1 =	vld [tilespmem:$0x1F900]  }
0x2ab: {  	v10 =	vadd.f32 v2, v10;
	v2 =	vld [tilespmem:$0x1F920];
	_ =	sdelay $0x3  }
0x2ac: {  	v1 =	vmul.f32 v1, v49  }
0x2ad: {  	v5 =	vld [tilespmem:$0x1F950];
	v2 =	vmul.f32 v2, v49  }
0x2ae: {  	v11 =	vadd.f32 v1, v11;
	v1 =	vld [tilespmem:$0x1F930]  }
0x2af: {  	v13 =	vadd.f32 v2, v13;
	v2 =	vld [tilespmem:$0x1F940]  }
0x2b0: {  	s29 =	simm.s32 $0x0  }
0x2b1: {  	s30 =	smul.u32 $0x6000, s29  }
0x2b2: {  	v9 =	vadd.f32 v30, v9;
	v30 =	vmul.f32 v5, v49  }
0x2b3: {  	s23 =	sshra.s32 s30, $0x2;
	s31 =	sand.u32 $0x380, s21;
	v51 =	vmul.f32 v51, v49;
	[sflag:s15] =	ssyncset.done $0x0;
	v1 =	vmul.f32 v1, v49  }
0x2b4: {  	s23 =	sor.u32 s31, s23;
	[sflag:s15] =	ssyncadd.s32 $0xFFFF4000;
	v16 =	vadd.f32 v30, v16;
	v30 =	vld [tilespmem:$0x1F960];
	v2 =	vmul.f32 v2, v49  }
0x2b5: {  	v18 =	vadd.f32 v51, v18;
	v51 =	vld [tilespmem:s23+$0xC420];
	v14 =	vadd.f32 v1, v14;
	v1 =	vmul.f32 v55, v49  }
0x2b6: {  	v19 =	vld [tilespmem:s23+$0xD470];
	v15 =	vadd.f32 v2, v15;
	v2 =	vmul.f32 v53, v49  }
0x2b7: {  	s22 =	simm.s32 $0x180C0;
	v20 =	vld [tilespmem:s23+$0xC000];
	v17 =	vadd.f32 v1, v17;
	v1 =	vmul.f32 v56, v49  }
0x2b8: {  	v0 =	vld.msk [tilespmem:s22+$0x0 ss:$0x0], $0xffff;
	v21 =	vadd.f32 v2, v21;
	v2 =	vmul.f32 v57, v49  }
0x2b9: {  	v3 =	vld [tilespmem:$0x1F910];
	v30 =	vadd.f32 v1, v30;
	v1 =	vmul.f32 v52, v49  }
0x2ba: {  	v62 =	vld [tilespmem:s23+$0xC010];
	v31 =	vadd.f32 v2, v31;
	v2 =	vmul.f32 v61, v49  }
0x2bb: {  	v33 =	vadd.f32 v1, v33;
	v1 =	vmul.f32 v58, v49;
	v61 =	vmul.f32 v63, v49;
	v63 =	vld [tilespmem:$0x1F970]  }
0x2bc: {  	v6 =	vld [tilespmem:s23+$0xC040]  }
0x2bd: {  	v50 =	vld [tilespmem:s23+$0xC020];
	v36 =	vadd.f32 v1, v36;
	v1 =	vmul.f32 v37, v49  }
0x2be: {  	v3 =	vmul.f32 v3, v49;
	v5 =	vld [tilespmem:s23+$0xC070];
	v35 =	vadd.f32 v2, v35;
	v2 =	vmul.f32 v60, v49  }
0x2bf: {  	v54 =	vmul.f32 v54, v49;
	v53 =	vld [tilespmem:s23+$0xC410];
	v39 =	vadd.f32 v1, v39;
	v1 =	vmul.f32 v62, v0  }
0x2c0: {  	v12 =	vadd.f32 v3, v12;
	v3 =	vld [tilespmem:s23+$0xC060];
	v37 =	vadd.f32 v2, v63;
	v2 =	vmul.f32 v0, v20  }
0x2c1: {  	v52 =	vmul.f32 v59, v49;
	v59 =	vld [tilespmem:s23+$0xC470];
	v42 =	vadd.f32 v1, v42;
	v1 =	vmul.f32 v6, v0  }
0x2c2: {  	v32 =	vadd.f32 v54, v32;
	v55 =	vld [tilespmem:s23+$0xC400];
	v41 =	vadd.f32 v2, v41  }
0x2c3: {  	v54 =	vld [tilespmem:s23+$0xC450];
	v2 =	vmul.f32 v50, v0;
	v45 =	vadd.f32 v1, v45;
	v1 =	vmul.f32 v5, v0  }
0x2c4: {  	v19 =	vmul.f32 v19, v0;
	v57 =	vld [tilespmem:s23+$0xC440];
	v34 =	vadd.f32 v52, v34;
	v5 =	vmul.f32 v53, v0  }
0x2c5: {  	v52 =	vld [tilespmem:s23+$0xC460];
	v43 =	vadd.f32 v2, v43;
	v2 =	vmul.f32 v3, v0;
	v48 =	vadd.f32 v1, v48  }
0x2c6: {  	v49 =	vld [tilespmem:s23+$0xC800];
	v1 =	vmul.f32 v51, v0;
	v27 =	vadd.f32 v5, v27;
	v5 =	vmul.f32 v59, v0  }
0x2c7: {  	v40 =	vadd.f32 v19, v40;
	v19 =	vld [tilespmem:s23+$0xC820];
	v47 =	vadd.f32 v2, v47;
	v2 =	vmul.f32 v55, v0  }
0x2c8: {  	v28 =	vadd.f32 v1, v28;
	v1 =	vmul.f32 v54, v0;
	v24 =	vadd.f32 v5, v24;
	v5 =	vld [tilespmem:$0x1F980]  }
0x2c9: {  	v26 =	vadd.f32 v2, v26;
	v2 =	vmul.f32 v57, v0  }
0x2ca: {  	v4 =	vld [tilespmem:s23+$0xC050];
	v22 =	vadd.f32 v1, v22  }
0x2cb: {  	v20 =	vld [tilespmem:s23+$0xC810];
	v1 =	vmul.f32 v49, v0;
	v25 =	vadd.f32 v2, v25;
	v2 =	vmul.f32 v52, v0  }
0x2cc: {  	v56 =	vld [tilespmem:s23+$0xC430]  }
0x2cd: {  	v23 =	vadd.f32 v2, v23;
	v2 =	vmul.f32 v19, v0;
	v19 =	vadd.f32 v1, v5;
	v1 =	vld [tilespmem:$0x1F990]  }
0x2ce: {  	v7 =	vld [tilespmem:s23+$0xC030]  }
0x2cf: {  	v3 =	vld [tilespmem:s23+$0xC850]  }
0x2d0: {  	v20 =	vmul.f32 v20, v0  }
0x2d1: {  	v4 =	vmul.f32 v4, v0;
	v6 =	vld [tilespmem:s23+$0xC840]  }
0x2d2: {  	v38 =	vadd.f32 v61, v38;
	v61 =	vmul.f32 v56, v0;
	v20 =	vadd.f32 v20, v1;
	v1 =	vld [tilespmem:$0x1F9A0]  }
0x2d3: {  	v46 =	vadd.f32 v4, v46;
	v4 =	vld [tilespmem:s23+$0xC860]  }
0x2d4: {  	v7 =	vmul.f32 v7, v0;
	v29 =	vadd.f32 v61, v29;
	v61 =	vmul.f32 v3, v0;
	v3 =	vld [tilespmem:$0x1F9C0]  }
0x2d5: {  	v60 =	vld [tilespmem:s23+$0xC830]  }
0x2d6: {  	v44 =	vadd.f32 v7, v44;
	v7 =	vld [tilespmem:s23+$0xC870]  }
0x2d7: {  	v6 =	vmul.f32 v6, v0;
	v1 =	vadd.f32 v2, v1;
	v2 =	vld [tilespmem:$0x1F9B0]  }
0x2d8: {  	v58 =	vld [tilespmem:s23+$0xD000]  }
0x2d9: {  	v3 =	vadd.f32 v6, v3;
	v6 =	vld [tilespmem:$0x1F9E0]  }
0x2da: {  	v56 =	vld [tilespmem:s23+$0xD010];
	v5 =	vmul.f32 v60, v0  }
0x2db: {  	v62 =	vld [tilespmem:s23+$0xCC40]  }
0x2dc: {  	v63 =	vld [tilespmem:s23+$0xCC50];
	v2 =	vadd.f32 v5, v2;
	v5 =	vmul.f32 v4, v0  }
0x2dd: {  	v53 =	vld [tilespmem:s23+$0xCC00]  }
0x2de: {  	v5 =	vadd.f32 v5, v6;
	v6 =	vld [tilespmem:$0x1F9F0]  }
0x2df: {  	v55 =	vld [tilespmem:s23+$0xCC10]  }
0x2e0: {  	v51 =	vld [tilespmem:s23+$0xCC20]  }
0x2e1: {  	v7 =	vmul.f32 v7, v0;
	v59 =	vld [tilespmem:s23+$0xD020]  }
0x2e2: {  	v57 =	vld [tilespmem:s23+$0xCC70]  }
0x2e3: {  	v6 =	vadd.f32 v7, v6;
	v7 =	vld [tilespmem:$0x1FA00]  }
0x2e4: {  	v55 =	vmul.f32 v55, v0;
	v60 =	vld [tilespmem:s23+$0xCC60]  }
0x2e5: {  	v56 =	vmul.f32 v56, v0;
	v52 =	vld [tilespmem:s23+$0xCC30]  }
0x2e6: {  	v53 =	vmul.f32 v53, v0;
	v8 =	vadd.f32 v55, v8;
	v55 =	vld [tilespmem:s23+$0xD040]  }
0x2e7: {  	v16 =	vadd.f32 v56, v16;
	v54 =	vmul.f32 v63, v0;
	v4 =	vld [tilespmem:$0x1F9D0]  }
0x2e8: {  	v63 =	vmul.f32 v58, v0;
	v49 =	vmul.f32 v62, v0;
	v7 =	vadd.f32 v53, v7;
	v53 =	vld [tilespmem:s23+$0xD030]  }
0x2e9: {  	v12 =	vadd.f32 v54, v12;
	v51 =	vmul.f32 v51, v0;
	v50 =	vmul.f32 v60, v0;
	v60 =	vld [tilespmem:s23+$0xD050]  }
0x2ea: {  	v54 =	vld [tilespmem:s23+$0xD060];
	v15 =	vadd.f32 v63, v15;
	v62 =	vmul.f32 v57, v0;
	v52 =	vmul.f32 v52, v0  }
0x2eb: {  	v11 =	vadd.f32 v49, v11;
	v9 =	vadd.f32 v51, v9;
	v51 =	vld [tilespmem:s23+$0xD070]  }
0x2ec: {  	v14 =	vadd.f32 v62, v14;
	v10 =	vadd.f32 v52, v10;
	v52 =	vld [tilespmem:s23+$0xD400];
	v63 =	vmul.f32 v55, v0  }
0x2ed: {  	v4 =	vadd.f32 v61, v4;
	v61 =	vmul.f32 v59, v0;
	v62 =	vmul.f32 v53, v0;
	v53 =	vld [tilespmem:s23+$0xD410]  }
0x2ee: {  	v13 =	vadd.f32 v50, v13;
	v50 =	vld [tilespmem:s23+$0xD420];
	v21 =	vadd.f32 v63, v21;
	v55 =	vmul.f32 v60, v0  }
0x2ef: {  	s25 =	simm.s32 $0x0;
	s24 =	simm.s32 $0x2;
	v56 =	vmul.f32 v54, v0;
	v54 =	vld [tilespmem:s23+$0xD430];
	v17 =	vadd.f32 v61, v17;
	v18 =	vadd.f32 v62, v18  }
.LBB2_8:
0x2f0: {  	p0 =	sne.s32 s24, $0x3F;
	s25 =	smul.u32 $0x6000, s25;
	v30 =	vadd.f32 v55, v30;
	v49 =	vmul.f32 v51, v0;
	v51 =	vld [tilespmem:s23+$0xD440]  }
0x2f1: {  	s21 =	sadd.s32 $0x80, s21;
	v31 =	vadd.f32 v56, v31;
	v52 =	vmul.f32 v52, v0;
	v55 =	vld [tilespmem:s23+$0xD450]  }
0x2f2: {  	s22 =	sadd.s32 $0x1, s22;
	s26 =	sand.u32 $0x380, s21;
	s25 =	sshra.s32 s25, $0x2;
	v32 =	vadd.f32 v49, v32;
	v49 =	vmul.f32 v53, v0;
	v53 =	vld [tilespmem:s23+$0xD460]  }
0x2f3: {  	s23 =	sor.u32 s26, s25;
	v56 =	vld.msk [tilespmem:s22+$0x0 ss:$0x0], $0xffff;
	v33 =	vadd.f32 v52, v33;
	v50 =	vmul.f32 v50, v0  }
0x2f4: {  	v52 =	vld [tilespmem:s23+$0xD470];
	v34 =	vadd.f32 v49, v34;
	v49 =	vmul.f32 v54, v0  }
0x2f5: {  	v54 =	vld [tilespmem:s23+$0xC000];
	v35 =	vadd.f32 v50, v35;
	v50 =	vmul.f32 v51, v0  }
0x2f6: {  	v51 =	vld [tilespmem:s23+$0xC010];
	v36 =	vadd.f32 v49, v36;
	v49 =	vmul.f32 v55, v0  }
0x2f7: {  	v55 =	vld [tilespmem:s23+$0xC020];
	v37 =	vadd.f32 v50, v37;
	v53 =	vmul.f32 v53, v0  }
0x2f8: {  	v50 =	vld [tilespmem:s23+$0xC030];
	v38 =	vadd.f32 v49, v38  }
0x2f9: {  	v0 =	vmov v56;
	v49 =	vld [tilespmem:s23+$0xC040];
	v52 =	vmul.f32 v52, v56;
	v39 =	vadd.f32 v53, v39  }
0x2fa: {  	v53 =	vmul.f32 v0, v54;
	v54 =	vld [tilespmem:s23+$0xC050]  }
0x2fb: {  	v51 =	vmul.f32 v51, v0;
	v56 =	vld [tilespmem:s23+$0xC060];
	v40 =	vadd.f32 v52, v40  }
0x2fc: {  	v41 =	vadd.f32 v53, v41;
	v52 =	vmul.f32 v55, v0;
	v53 =	vld [tilespmem:s23+$0xC070]  }
0x2fd: {  	v42 =	vadd.f32 v51, v42;
	v50 =	vmul.f32 v50, v0;
	v51 =	vld [tilespmem:s23+$0xC400]  }
0x2fe: {  	v43 =	vadd.f32 v52, v43;
	v49 =	vmul.f32 v49, v0;
	v52 =	vld [tilespmem:s23+$0xC410]  }
0x2ff: {  	v44 =	vadd.f32 v50, v44;
	v50 =	vmul.f32 v54, v0;
	v54 =	vld [tilespmem:s23+$0xC420]  }
0x300: {  	v45 =	vadd.f32 v49, v45;
	v49 =	vmul.f32 v56, v0;
	v55 =	vld [tilespmem:s23+$0xC430]  }
0x301: {  	v46 =	vadd.f32 v50, v46;
	v50 =	vmul.f32 v53, v0;
	v53 =	vld [tilespmem:s23+$0xC440]  }
0x302: {  	v47 =	vadd.f32 v49, v47;
	v49 =	vmul.f32 v51, v0;
	v51 =	vld [tilespmem:s23+$0xC450]  }
0x303: {  	v48 =	vadd.f32 v50, v48;
	v50 =	vmul.f32 v52, v0;
	v52 =	vld [tilespmem:s23+$0xC460]  }
0x304: {  	v26 =	vadd.f32 v49, v26;
	v49 =	vmul.f32 v54, v0;
	v54 =	vld [tilespmem:s23+$0xC470]  }
0x305: {  	v27 =	vadd.f32 v50, v27;
	v50 =	vmul.f32 v55, v0;
	v55 =	vld [tilespmem:s23+$0xC800]  }
0x306: {  	v28 =	vadd.f32 v49, v28;
	v49 =	vmul.f32 v53, v0;
	v53 =	vld [tilespmem:s23+$0xC810]  }
0x307: {  	v29 =	vadd.f32 v50, v29;
	v50 =	vmul.f32 v51, v0;
	v51 =	vld [tilespmem:s23+$0xC820]  }
0x308: {  	v25 =	vadd.f32 v49, v25;
	v49 =	vmul.f32 v52, v0;
	v52 =	vld [tilespmem:s23+$0xC830]  }
0x309: {  	v22 =	vadd.f32 v50, v22;
	v50 =	vmul.f32 v54, v0;
	v54 =	vld [tilespmem:s23+$0xC840]  }
0x30a: {  	v23 =	vadd.f32 v49, v23;
	v49 =	vmul.f32 v55, v0;
	v55 =	vld [tilespmem:s23+$0xC850]  }
0x30b: {  	v24 =	vadd.f32 v50, v24;
	v50 =	vmul.f32 v53, v0;
	v53 =	vld [tilespmem:s23+$0xC860]  }
0x30c: {  	v19 =	vadd.f32 v49, v19;
	v49 =	vmul.f32 v51, v0;
	v51 =	vld [tilespmem:s23+$0xC870]  }
0x30d: {  	v20 =	vadd.f32 v50, v20;
	v50 =	vmul.f32 v52, v0;
	v52 =	vld [tilespmem:s23+$0xCC00]  }
0x30e: {  	v1 =	vadd.f32 v49, v1;
	v49 =	vmul.f32 v54, v0;
	v54 =	vld [tilespmem:s23+$0xCC10]  }
0x30f: {  	v2 =	vadd.f32 v50, v2;
	v50 =	vmul.f32 v55, v0;
	v55 =	vld [tilespmem:s23+$0xCC20]  }
0x310: {  	v3 =	vadd.f32 v49, v3;
	v49 =	vmul.f32 v53, v0;
	v53 =	vld [tilespmem:s23+$0xCC30]  }
0x311: {  	v4 =	vadd.f32 v50, v4;
	v50 =	vmul.f32 v51, v0;
	v51 =	vld [tilespmem:s23+$0xCC40]  }
0x312: {  	v5 =	vadd.f32 v49, v5;
	v49 =	vmul.f32 v52, v0;
	v52 =	vld [tilespmem:s23+$0xCC50]  }
0x313: {  	v6 =	vadd.f32 v50, v6;
	v50 =	vmul.f32 v54, v0;
	v54 =	vld [tilespmem:s23+$0xCC60]  }
0x314: {  	v7 =	vadd.f32 v49, v7;
	v49 =	vmul.f32 v55, v0;
	v55 =	vld [tilespmem:s23+$0xCC70]  }
0x315: {  	v8 =	vadd.f32 v50, v8;
	v50 =	vmul.f32 v53, v0;
	v53 =	vld [tilespmem:s23+$0xD000]  }
0x316: {  	v9 =	vadd.f32 v49, v9;
	v49 =	vmul.f32 v51, v0;
	v51 =	vld [tilespmem:s23+$0xD010]  }
0x317: {  	v10 =	vadd.f32 v50, v10;
	v50 =	vmul.f32 v52, v0;
	v52 =	vld [tilespmem:s23+$0xD020]  }
0x318: {  	v11 =	vadd.f32 v49, v11;
	v49 =	vmul.f32 v54, v0;
	v54 =	vld [tilespmem:s23+$0xD030]  }
0x319: {  	v12 =	vadd.f32 v50, v12;
	v50 =	vmul.f32 v55, v0;
	v55 =	vld [tilespmem:s23+$0xD040]  }
0x31a: {  	v13 =	vadd.f32 v49, v13;
	v49 =	vmul.f32 v53, v0;
	v56 =	vld [tilespmem:s23+$0xD050]  }
0x31b: {  	v14 =	vadd.f32 v50, v14;
	v50 =	vmul.f32 v51, v0;
	v57 =	vld [tilespmem:s23+$0xD060]  }
.Ltmp3:
0x31c: {  	v15 =	vadd.f32 v49, v15;
	v49 =	vmul.f32 v52, v0;
	v51 =	vld [tilespmem:s23+$0xD070];
	(pc) =	sbr.rel @p0 .LBB2_8-.Ltmp3, $4  }
0x31d: {  	v16 =	vadd.f32 v50, v16;
	v50 =	vmul.f32 v54, v0;
	v52 =	vld [tilespmem:s23+$0xD400]  }
0x31e: {  	v17 =	vadd.f32 v49, v17;
	v49 =	vmul.f32 v55, v0;
	v53 =	vld [tilespmem:s23+$0xD410]  }
0x31f: {  	v18 =	vadd.f32 v50, v18;
	v55 =	vmul.f32 v56, v0;
	v50 =	vld [tilespmem:s23+$0xD420]  }
0x320: {  	s25 =	sshrl.u32 s24, $0x3;
	s24 =	sadd.s32 $0x1, s24;
	v21 =	vadd.f32 v49, v21;
	v56 =	vmul.f32 v57, v0;
	v54 =	vld [tilespmem:s23+$0xD430]  }
0x321: {  	s24 =	smul.u32 $0x6000, s25  }
0x322: {  	s21 =	sadd.s32 $0x80, s21  }
0x323: {  	s21 =	sand.u32 $0x380, s21;
	s24 =	sshra.s32 s24, $0x2  }
0x324: {  	s28 =	sor.u32 s21, s24  }
0x325: {  	v63 =	vld [tilespmem:s28+$0xC020];
	_ =	sdelay $0x4  }
0x326: {  	[tilespmem:$0x1F470] =	vst v63;
	v63 =	vld [tilespmem:s28+$0xC030];
	_ =	sdelay $0x4  }
0x327: {  	[tilespmem:$0x1F480] =	vst v63;
	v63 =	vld [tilespmem:s28+$0xC040];
	_ =	sdelay $0x4  }
0x328: {  	[tilespmem:$0x1F490] =	vst v63;
	v63 =	vld [tilespmem:s28+$0xC050];
	_ =	sdelay $0x4  }
0x329: {  	[tilespmem:$0x1F4A0] =	vst v63;
	v63 =	vld [tilespmem:s28+$0xC060];
	_ =	sdelay $0x4  }
0x32a: {  	[tilespmem:$0x1F4B0] =	vst v63;
	v63 =	vld [tilespmem:s28+$0xC070];
	_ =	sdelay $0x4  }
0x32b: {  	[tilespmem:$0x1F4C0] =	vst v63;
	v63 =	vld [tilespmem:s28+$0xC400];
	_ =	sdelay $0x4  }
0x32c: {  	[tilespmem:$0x1F4D0] =	vst v63;
	v63 =	vld [tilespmem:s28+$0xC410];
	_ =	sdelay $0x4  }
0x32d: {  	[tilespmem:$0x1F4E0] =	vst v63;
	v63 =	vld [tilespmem:s28+$0xC420];
	_ =	sdelay $0x4  }
0x32e: {  	[tilespmem:$0x1F4F0] =	vst v63;
	v63 =	vld [tilespmem:s28+$0xC430];
	_ =	sdelay $0x4  }
0x32f: {  	[tilespmem:$0x1F500] =	vst v63;
	v63 =	vld [tilespmem:s28+$0xC440];
	_ =	sdelay $0x4  }
0x330: {  	[tilespmem:$0x1F510] =	vst v63;
	v63 =	vld [tilespmem:s28+$0xC450];
	_ =	sdelay $0x4  }
0x331: {  	[tilespmem:$0x1F520] =	vst v63;
	v63 =	vld [tilespmem:s28+$0xC460];
	_ =	sdelay $0x4  }
0x332: {  	[tilespmem:$0x1F530] =	vst v63;
	v63 =	vld [tilespmem:s28+$0xC470];
	_ =	sdelay $0x4  }
0x333: {  	[tilespmem:$0x1F540] =	vst v63;
	v63 =	vld [tilespmem:s28+$0xC800];
	_ =	sdelay $0x4  }
0x334: {  	[tilespmem:$0x1F550] =	vst v63;
	v63 =	vld [tilespmem:s28+$0xC810];
	_ =	sdelay $0x4  }
0x335: {  	[tilespmem:$0x1F560] =	vst v63;
	v63 =	vld [tilespmem:s28+$0xC820];
	_ =	sdelay $0x4  }
0x336: {  	[tilespmem:$0x1F570] =	vst v63;
	v63 =	vld [tilespmem:s28+$0xC830];
	_ =	sdelay $0x4  }
0x337: {  	[tilespmem:$0x1F580] =	vst v63;
	v63 =	vld [tilespmem:s28+$0xC840];
	_ =	sdelay $0x4  }
0x338: {  	[tilespmem:$0x1F590] =	vst v63;
	v63 =	vld [tilespmem:s28+$0xC850];
	_ =	sdelay $0x4  }
0x339: {  	[tilespmem:$0x1F5A0] =	vst v63;
	v63 =	vld [tilespmem:s28+$0xC860];
	_ =	sdelay $0x4  }
0x33a: {  	[tilespmem:$0x1F5B0] =	vst v63;
	v63 =	vld [tilespmem:s28+$0xC870];
	_ =	sdelay $0x4  }
0x33b: {  	[tilespmem:$0x1F5C0] =	vst v63;
	v63 =	vld [tilespmem:s28+$0xCC00];
	_ =	sdelay $0x4  }
0x33c: {  	[tilespmem:$0x1F5D0] =	vst v63;
	v63 =	vld [tilespmem:s28+$0xCC10];
	_ =	sdelay $0x4  }
0x33d: {  	[tilespmem:$0x1F5E0] =	vst v63;
	v63 =	vld [tilespmem:s28+$0xCC20];
	_ =	sdelay $0x4  }
0x33e: {  	[tilespmem:$0x1F5F0] =	vst v63;
	v63 =	vld [tilespmem:s28+$0xCC30];
	_ =	sdelay $0x4  }
0x33f: {  	[tilespmem:$0x1F600] =	vst v63;
	v63 =	vld [tilespmem:s28+$0xCC40];
	_ =	sdelay $0x4  }
0x340: {  	[tilespmem:$0x1F610] =	vst v63;
	v63 =	vld [tilespmem:s28+$0xCC50];
	_ =	sdelay $0x4  }
0x341: {  	[tilespmem:$0x1F620] =	vst v63;
	v63 =	vld [tilespmem:s28+$0xCC60];
	_ =	sdelay $0x4  }
0x342: {  	[tilespmem:$0x1F630] =	vst v63;
	v63 =	vld [tilespmem:s28+$0xCC70];
	_ =	sdelay $0x4  }
0x343: {  	[tilespmem:$0x1F640] =	vst v63;
	v63 =	vld [tilespmem:s28+$0xD000];
	_ =	sdelay $0x1  }
0x344: {  	v57 =	vld [tilespmem:s23+$0xD440]  }
0x345: {  	v58 =	vld [tilespmem:s23+$0xD450]  }
0x346: {  	v59 =	vld [tilespmem:s23+$0xD460]  }
0x347: {  	s26 =	sadd.s32 $0x1, s22;
	v51 =	vmul.f32 v51, v0;
	v30 =	vadd.f32 v55, v30;
	[tilespmem:$0x1F650] =	vst v63;
	v63 =	vld [tilespmem:s28+$0xD010]  }
0x348: {  	v49 =	vld.msk [tilespmem:s26+$0x0 ss:$0x0], $0xffff  }
0x349: {  	v52 =	vmul.f32 v52, v0;
	[tilespmem:$0x1F670] =	vst v30;
	v30 =	vadd.f32 v51, v32;
	v62 =	vld [tilespmem:s28+$0xC010]  }
0x34a: {  	v53 =	vmul.f32 v53, v0;
	v50 =	vmul.f32 v50, v0  }
0x34b: {  	[tilespmem:$0x1F680] =	vst v30;
	v30 =	vadd.f32 v52, v33;
	v32 =	vmul.f32 v57, v0;
	v33 =	vmul.f32 v58, v0  }
0x34c: {  	[tilespmem:$0x1F660] =	vst v63;
	v63 =	vmul.f32 v54, v0;
	v0 =	vmul.f32 v59, v0;
	_ =	sdelay $0x1  }
0x34d: {  	v39 =	vadd.f32 v0, v39;
	v0 =	vmul.f32 v62, v49;
	_ =	sdelay $0x1  }
0x34e: {  	v42 =	vadd.f32 v0, v42;
	v0 =	vld [tilespmem:$0x1F490];
	_ =	sdelay $0x1  }
0x34f: {  	v36 =	vadd.f32 v63, v36;
	v63 =	vld [tilespmem:$0x1F4A0];
	_ =	sdelay $0x2  }
0x350: {  	v0 =	vmul.f32 v0, v49;
	_ =	sdelay $0x1  }
0x351: {  	v60 =	vld [tilespmem:s28+$0xD470];
	v52 =	vmul.f32 v63, v49;
	v0 =	vadd.f32 v0, v45  }
0x352: {  	v62 =	vld [tilespmem:$0x1F480]  }
0x353: {  	v61 =	vld [tilespmem:s28+$0xC000];
	[tilespmem:$0x1F6B0] =	vst v0;
	v0 =	vadd.f32 v52, v46  }
0x354: {  	v55 =	vld [tilespmem:s28+$0xD020]  }
0x355: {  	[tilespmem:$0x1F6C0] =	vst v0;
	v0 =	vld [tilespmem:$0x1F4C0]  }
0x356: {  	v31 =	vadd.f32 v56, v31;
	v56 =	vld [tilespmem:s28+$0xD030]  }
0x357: {  	v57 =	vld [tilespmem:s28+$0xD050];
	v51 =	vmul.f32 v62, v49  }
0x358: {  	v58 =	vld [tilespmem:s28+$0xD060]  }
0x359: {  	[tilespmem:$0x1F690] =	vst v30;
	v30 =	vadd.f32 v53, v34;
	v44 =	vadd.f32 v51, v44;
	v51 =	vld [tilespmem:$0x1F4B0]  }
0x35a: {  	v38 =	vadd.f32 v33, v38;
	v33 =	vld [tilespmem:s28+$0xD460];
	v0 =	vmul.f32 v0, v49  }
0x35b: {  	[tilespmem:$0x1F6A0] =	vst v30;
	v30 =	vld [tilespmem:s28+$0xD040];
	v34 =	vmul.f32 v60, v49  }
0x35c: {  	v60 =	vld [tilespmem:s28+$0xD400];
	v0 =	vadd.f32 v0, v48  }
0x35d: {  	v40 =	vadd.f32 v34, v40;
	v34 =	vld [tilespmem:s28+$0xD440]  }
0x35e: {  	v53 =	vmul.f32 v51, v49;
	[tilespmem:$0x1F6E0] =	vst v0;
	v0 =	vld [tilespmem:$0x1F4F0]  }
0x35f: {  	v54 =	vmul.f32 v49, v61;
	v61 =	vld [tilespmem:$0x1F470]  }
0x360: {  	v37 =	vadd.f32 v32, v37;
	v32 =	vadd.f32 v53, v47;
	v47 =	vld [tilespmem:$0x1F500]  }
0x361: {  	v59 =	vld [tilespmem:s28+$0xD070]  }
0x362: {  	v41 =	vadd.f32 v54, v41;
	v54 =	vld [tilespmem:$0x1F4D0]  }
0x363: {  	v46 =	vld [tilespmem:$0x1F4E0];
	v0 =	vmul.f32 v0, v49  }
0x364: {  	v35 =	vadd.f32 v50, v35;
	v50 =	vmul.f32 v61, v49;
	v61 =	vld [tilespmem:s28+$0xD410]  }
0x365: {  	v48 =	vmul.f32 v47, v49;
	v47 =	vadd.f32 v0, v28;
	v0 =	vld [tilespmem:$0x1F520]  }
0x366: {  	v62 =	vld [tilespmem:s28+$0xD420]  }
0x367: {  	s21 =	simm.s32 $0x0;
	v63 =	vld [tilespmem:s28+$0xD430];
	v45 =	vmul.f32 v54, v49  }
0x368: {  	[tilespmem:$0x1F6D0] =	vst v32;
	v51 =	vmul.f32 v46, v49;
	v32 =	vld [tilespmem:s28+$0xD450];
	[tilespmem:s12], [sflag:$0x2] =	stream.linear.gather [hbm4b:s9+s21], $0xC000, $0x38  }
0x369: {  	v45 =	vadd.f32 v45, v26;
	v26 =	vld [tilespmem:$0x1F510];
	_ =	swait.ge [sflag:s14], $0xC000  }
0x36a: {  	v46 =	vadd.f32 v51, v27;
	v27 =	vld [tilespmem:$0x1F540];
	v0 =	vmul.f32 v0, v49;
	_ =	sdelay $0x1  }
0x36b: {  	v0 =	vadd.f32 v0, v22;
	v22 =	vld [tilespmem:$0x1F560];
	_ =	sdelay $0x2  }
0x36c: {  	v27 =	vmul.f32 v27, v49;
	_ =	sdelay $0x1  }
0x36d: {  	v28 =	vmul.f32 v22, v49;
	v22 =	vadd.f32 v27, v24;
	_ =	sdelay $0x1  }
0x36e: {  	[tilespmem:$0x1F700] =	vst v22;
	v22 =	vld [tilespmem:$0x1F570];
	_ =	sdelay $0x3  }
0x36f: {  	[tilespmem:$0x1F6F0] =	vst v0;
	v0 =	vld [tilespmem:$0x1F550]  }
0x370: {  	v24 =	vmul.f32 v22, v49;
	_ =	sdelay $0x1  }
0x371: {  	v43 =	vadd.f32 v50, v43;
	v50 =	vadd.f32 v24, v1;
	v1 =	vld [tilespmem:$0x1F590];
	_ =	sdelay $0x1  }
0x372: {  	v0 =	vmul.f32 v0, v49;
	_ =	sdelay $0x1  }
0x373: {  	v26 =	vmul.f32 v26, v49;
	v0 =	vadd.f32 v0, v19  }
0x374: {  	v24 =	vmul.f32 v1, v49;
	v1 =	vld [tilespmem:$0x1F5A0]  }
0x375: {  	v25 =	vadd.f32 v26, v25;
	v26 =	vld [tilespmem:$0x1F530];
	[tilespmem:$0x1F710] =	vst v0;
	v0 =	vadd.f32 v28, v20;
	_ =	sdelay $0x1  }
0x376: {  	[tilespmem:$0x1F720] =	vst v0;
	v0 =	vld [tilespmem:$0x1F580];
	_ =	sdelay $0x1  }
0x377: {  	v27 =	vmul.f32 v1, v49;
	v1 =	vld [tilespmem:$0x1F5B0]  }
0x378: {  	v26 =	vmul.f32 v26, v49;
	_ =	sdelay $0x1  }
0x379: {  	v23 =	vadd.f32 v26, v23;
	v26 =	vmul.f32 v0, v49;
	_ =	sdelay $0x1  }
0x37a: {  	v51 =	vadd.f32 v26, v2;
	v26 =	vmul.f32 v1, v49;
	v1 =	vld [tilespmem:$0x1F5C0];
	_ =	sdelay $0x4  }
0x37b: {  	v28 =	vmul.f32 v1, v49;
	_ =	sdelay $0x1  }
0x37c: {  	v1 =	vld [tilespmem:$0x1F5D0];
	v2 =	vadd.f32 v28, v6;
	_ =	sdelay $0x1  }
0x37d: {  	[tilespmem:$0x1F730] =	vst v2;
	v2 =	vld [tilespmem:$0x1F5E0];
	_ =	sdelay $0x2  }
0x37e: {  	v52 =	vadd.f32 v24, v3;
	v24 =	vmul.f32 v1, v49;
	_ =	sdelay $0x1  }
0x37f: {  	v54 =	vadd.f32 v26, v5;
	v26 =	vmul.f32 v2, v49;
	v2 =	vadd.f32 v24, v7;
	_ =	sdelay $0x1  }
0x380: {  	[tilespmem:$0x1F740] =	vst v2;
	v2 =	vld [tilespmem:$0x1F5F0];
	_ =	sdelay $0x4  }
0x381: {  	v24 =	vmul.f32 v2, v49;
	v2 =	vld [tilespmem:$0x1F600];
	_ =	sdelay $0x4  }
0x382: {  	v53 =	vadd.f32 v27, v4;
	v27 =	vmul.f32 v2, v49;
	v2 =	vadd.f32 v26, v8;
	_ =	sdelay $0x1  }
0x383: {  	[tilespmem:$0x1F750] =	vst v2;
	v2 =	vld [tilespmem:$0x1F610];
	_ =	sdelay $0x4  }
0x384: {  	v26 =	vmul.f32 v2, v49;
	v2 =	vld [tilespmem:$0x1F620];
	_ =	sdelay $0x4  }
0x385: {  	v28 =	vmul.f32 v2, v49;
	v2 =	vld [tilespmem:$0x1F630];
	_ =	sdelay $0x4  }
0x386: {  	v9 =	vadd.f32 v24, v9;
	v24 =	vmul.f32 v2, v49;
	v2 =	vld [tilespmem:$0x1F640];
	_ =	sdelay $0x4  }
0x387: {  	v11 =	vadd.f32 v26, v11;
	v26 =	vmul.f32 v2, v49;
	v2 =	vld [tilespmem:$0x1F650];
	_ =	sdelay $0x3  }
0x388: {  	s29 =	simm.s32 $0x0  }
0x389: {  	s30 =	smul.u32 $0x6000, s29;
	v13 =	vadd.f32 v24, v13;
	v24 =	vmul.f32 v2, v49;
	v2 =	vld [tilespmem:$0x1F660]  }
0x38a: {  	s22 =	simm.s32 $0x18100;
	[sflag:s14] =	ssyncset.done $0x0  }
0x38b: {  	s23 =	sshra.s32 s30, $0x2;
	s31 =	sand.u32 $0x380, s21;
	[sflag:s14] =	ssyncadd.s32 $0xFFFF4000  }
0x38c: {  	s23 =	sor.u32 s31, s23;
	v0 =	vld.msk [tilespmem:s22+$0x0 ss:$0x0], $0xffff;
	v15 =	vadd.f32 v24, v15;
	v24 =	vmul.f32 v30, v49  }
0x38d: {  	v6 =	vld [tilespmem:s23+$0x20];
	v10 =	vadd.f32 v27, v10  }
0x38e: {  	v21 =	vadd.f32 v24, v21;
	v24 =	vmul.f32 v58, v49;
	v27 =	vmul.f32 v2, v49  }
0x38f: {  	v48 =	vadd.f32 v48, v29;
	v29 =	vmul.f32 v60, v49  }
0x390: {  	v60 =	vld [tilespmem:s23+$0x450];
	v16 =	vadd.f32 v27, v16;
	v27 =	vadd.f32 v24, v31;
	v24 =	vmul.f32 v62, v49  }
0x391: {  	v19 =	vld [tilespmem:s23+$0x1470];
	v30 =	vmul.f32 v61, v49;
	v61 =	vmul.f32 v63, v49  }
0x392: {  	v20 =	vld [tilespmem:s23+$0x0];
	v6 =	vmul.f32 v6, v0;
	v31 =	vadd.f32 v24, v35;
	v24 =	vmul.f32 v34, v49  }
0x393: {  	v7 =	vld [tilespmem:s23+$0x40];
	v34 =	vmul.f32 v32, v49;
	v32 =	vadd.f32 v61, v36;
	v36 =	vmul.f32 v33, v49  }
0x394: {  	v22 =	vld [tilespmem:s23+$0x50]  }
0x395: {  	v35 =	vadd.f32 v36, v39;
	v39 =	vadd.f32 v6, v43;
	v6 =	vld [tilespmem:$0x1F6B0]  }
0x396: {  	v1 =	vld [tilespmem:s23+$0x10]  }
0x397: {  	v3 =	vld [tilespmem:s23+$0x830]  }
0x398: {  	v20 =	vmul.f32 v0, v20;
	v4 =	vld [tilespmem:s23+$0x60];
	v7 =	vmul.f32 v7, v0  }
0x399: {  	v19 =	vmul.f32 v19, v0;
	v8 =	vld [tilespmem:s23+$0x70];
	v33 =	vadd.f32 v24, v37  }
0x39a: {  	v37 =	vadd.f32 v20, v41;
	v41 =	vadd.f32 v7, v6;
	v6 =	vld [tilespmem:$0x1F6C0]  }
0x39b: {  	v5 =	vld [tilespmem:s23+$0x30];
	v12 =	vadd.f32 v28, v12;
	v36 =	vadd.f32 v19, v40;
	v19 =	vmul.f32 v1, v0  }
0x39c: {  	v28 =	vmul.f32 v56, v49;
	v56 =	vld [tilespmem:s23+$0x410];
	v14 =	vadd.f32 v26, v14;
	v26 =	vmul.f32 v55, v49  }
0x39d: {  	v55 =	vld [tilespmem:s23+$0x400];
	v34 =	vadd.f32 v34, v38;
	v38 =	vadd.f32 v19, v42;
	v19 =	vmul.f32 v22, v0  }
0x39e: {  	v2 =	vld [tilespmem:$0x1F670]  }
0x39f: {  	v42 =	vadd.f32 v19, v6;
	v6 =	vmul.f32 v8, v0;
	v8 =	vld [tilespmem:$0x1F6D0]  }
0x3a0: {  	v18 =	vadd.f32 v28, v18;
	v28 =	vmul.f32 v59, v49;
	v59 =	vld [tilespmem:s23+$0x440]  }
0x3a1: {  	v17 =	vadd.f32 v26, v17;
	v26 =	vmul.f32 v57, v49;
	v57 =	vld [tilespmem:s23+$0x420]  }
0x3a2: {  	v4 =	vmul.f32 v4, v0;
	v62 =	vld [tilespmem:s23+$0x460]  }
0x3a3: {  	v26 =	vadd.f32 v26, v2;
	v2 =	vld [tilespmem:$0x1F680]  }
0x3a4: {  	v63 =	vld [tilespmem:s23+$0x470];
	v43 =	vadd.f32 v4, v8;
	v4 =	vmul.f32 v55, v0  }
0x3a5: {  	v58 =	vld [tilespmem:s23+$0x430]  }
0x3a6: {  	v19 =	vld [tilespmem:$0x1F6E0];
	v45 =	vadd.f32 v4, v45;
	v4 =	vmul.f32 v59, v0  }
0x3a7: {  	v49 =	vld [tilespmem:s23+$0x800]  }
0x3a8: {  	v28 =	vadd.f32 v28, v2;
	v2 =	vld [tilespmem:$0x1F690];
	v25 =	vadd.f32 v4, v25;
	v4 =	vmul.f32 v62, v0  }
0x3a9: {  	v5 =	vmul.f32 v5, v0;
	v1 =	vld [tilespmem:s23+$0x820]  }
0x3aa: {  	v22 =	vadd.f32 v4, v23;
	v4 =	vld [tilespmem:$0x1F700]  }
0x3ab: {  	v61 =	vld [tilespmem:s23+$0x810];
	v40 =	vadd.f32 v5, v44;
	v44 =	vadd.f32 v6, v19;
	v19 =	vmul.f32 v58, v0  }
0x3ac: {  	v20 =	vld [tilespmem:$0x1F6F0]  }
0x3ad: {  	v29 =	vadd.f32 v29, v2;
	v2 =	vld [tilespmem:$0x1F6A0];
	v48 =	vadd.f32 v19, v48;
	v19 =	vmul.f32 v63, v0  }
0x3ae: {  	v5 =	vld [tilespmem:s23+$0x850];
	v6 =	vmul.f32 v57, v0  }
0x3af: {  	v1 =	vmul.f32 v1, v0;
	v23 =	vadd.f32 v19, v4;
	v4 =	vld [tilespmem:$0x1F710]  }
0x3b0: {  	v7 =	vld [tilespmem:s23+$0x860];
	v47 =	vadd.f32 v6, v47;
	v6 =	vmul.f32 v60, v0  }
0x3b1: {  	v1 =	vadd.f32 v1, v50;
	v50 =	vld [tilespmem:s23+$0xC70]  }
0x3b2: {  	v30 =	vadd.f32 v30, v2;
	v2 =	vld [tilespmem:s23+$0x840];
	v24 =	vadd.f32 v6, v20;
	v6 =	vmul.f32 v49, v0  }
0x3b3: {  	v55 =	vld [tilespmem:s23+$0x870]  }
0x3b4: {  	v19 =	vadd.f32 v6, v4;
	v4 =	vld [tilespmem:$0x1F720]  }
0x3b5: {  	v8 =	vmul.f32 v56, v0;
	v56 =	vld [tilespmem:s23+$0xC00]  }
0x3b6: {  	v57 =	vld [tilespmem:s23+$0xC20]  }
0x3b7: {  	v58 =	vld [tilespmem:s23+$0xC30];
	v20 =	vmul.f32 v61, v0  }
0x3b8: {  	v46 =	vadd.f32 v8, v46;
	v8 =	vld [tilespmem:s23+$0xC10]  }
0x3b9: {  	v3 =	vmul.f32 v3, v0;
	v59 =	vld [tilespmem:s23+$0xC50];
	v20 =	vadd.f32 v20, v4;
	v4 =	vmul.f32 v2, v0  }
0x3ba: {  	v5 =	vmul.f32 v5, v0;
	v60 =	vld [tilespmem:s23+$0xC60];
	v6 =	vmul.f32 v7, v0  }
0x3bb: {  	v63 =	vld [tilespmem:$0x1F750];
	v2 =	vadd.f32 v3, v51;
	v3 =	vadd.f32 v4, v52  }
0x3bc: {  	v4 =	vadd.f32 v5, v53;
	v5 =	vadd.f32 v6, v54;
	v6 =	vld [tilespmem:$0x1F730]  }
0x3bd: {  	v49 =	vld [tilespmem:s23+$0xC40]  }
0x3be: {  	v61 =	vmul.f32 v56, v0;
	v56 =	vld [tilespmem:s23+$0x1030]  }
0x3bf: {  	v7 =	vmul.f32 v55, v0;
	v51 =	vld [tilespmem:s23+$0x1000]  }
0x3c0: {  	v62 =	vmul.f32 v58, v0;
	v53 =	vld [tilespmem:s23+$0x1010]  }
0x3c1: {  	v8 =	vmul.f32 v8, v0;
	v6 =	vadd.f32 v7, v6;
	v7 =	vld [tilespmem:$0x1F740]  }
0x3c2: {  	v58 =	vld [tilespmem:s23+$0x1040];
	v10 =	vadd.f32 v62, v10;
	v62 =	vmul.f32 v60, v0  }
0x3c3: {  	v8 =	vadd.f32 v8, v63;
	v49 =	vmul.f32 v49, v0;
	v54 =	vld [tilespmem:s23+$0x1020]  }
0x3c4: {  	v63 =	vmul.f32 v50, v0;
	v13 =	vadd.f32 v62, v13;
	v62 =	vmul.f32 v56, v0;
	v55 =	vld [tilespmem:s23+$0x1050]  }
0x3c5: {  	v11 =	vadd.f32 v49, v11;
	v52 =	vmul.f32 v57, v0;
	v57 =	vld [tilespmem:s23+$0x1060];
	v60 =	vmul.f32 v51, v0  }
0x3c6: {  	v51 =	vld [tilespmem:s23+$0x1070];
	v53 =	vmul.f32 v53, v0;
	v7 =	vadd.f32 v61, v7;
	v61 =	vmul.f32 v59, v0  }
0x3c7: {  	v14 =	vadd.f32 v63, v14;
	v63 =	vmul.f32 v58, v0;
	v9 =	vadd.f32 v52, v9;
	v52 =	vld [tilespmem:s23+$0x1400]  }
0x3c8: {  	v16 =	vadd.f32 v53, v16;
	v53 =	vld [tilespmem:s23+$0x1410];
	v12 =	vadd.f32 v61, v12;
	v61 =	vmul.f32 v54, v0  }
0x3c9: {  	v50 =	vld [tilespmem:s23+$0x1420];
	v18 =	vadd.f32 v62, v18;
	v21 =	vadd.f32 v63, v21;
	v55 =	vmul.f32 v55, v0  }
0x3ca: {  	s25 =	simm.s32 $0x0;
	s24 =	simm.s32 $0x2;
	v15 =	vadd.f32 v60, v15;
	v56 =	vmul.f32 v57, v0;
	v54 =	vld [tilespmem:s23+$0x1430];
	v17 =	vadd.f32 v61, v17  }
.LBB2_10:
0x3cb: {  	p0 =	sne.s32 s24, $0x3F;
	s25 =	smul.u32 $0x6000, s25;
	v26 =	vadd.f32 v55, v26;
	v49 =	vmul.f32 v51, v0;
	v51 =	vld [tilespmem:s23+$0x1440]  }
0x3cc: {  	s21 =	sadd.s32 $0x80, s21;
	v27 =	vadd.f32 v56, v27;
	v52 =	vmul.f32 v52, v0;
	v55 =	vld [tilespmem:s23+$0x1450]  }
0x3cd: {  	s22 =	sadd.s32 $0x1, s22;
	s26 =	sand.u32 $0x380, s21;
	s25 =	sshra.s32 s25, $0x2;
	v28 =	vadd.f32 v49, v28;
	v49 =	vmul.f32 v53, v0;
	v53 =	vld [tilespmem:s23+$0x1460]  }
0x3ce: {  	s23 =	sor.u32 s26, s25;
	v56 =	vld.msk [tilespmem:s22+$0x0 ss:$0x0], $0xffff;
	v29 =	vadd.f32 v52, v29;
	v50 =	vmul.f32 v50, v0  }
0x3cf: {  	v52 =	vld [tilespmem:s23+$0x1470];
	v30 =	vadd.f32 v49, v30;
	v49 =	vmul.f32 v54, v0  }
0x3d0: {  	v54 =	vld [tilespmem:s23+$0x0];
	v31 =	vadd.f32 v50, v31;
	v50 =	vmul.f32 v51, v0  }
0x3d1: {  	v51 =	vld [tilespmem:s23+$0x10];
	v32 =	vadd.f32 v49, v32;
	v49 =	vmul.f32 v55, v0  }
0x3d2: {  	v55 =	vld [tilespmem:s23+$0x20];
	v33 =	vadd.f32 v50, v33;
	v53 =	vmul.f32 v53, v0  }
0x3d3: {  	v50 =	vld [tilespmem:s23+$0x30];
	v34 =	vadd.f32 v49, v34  }
0x3d4: {  	v0 =	vmov v56;
	v49 =	vld [tilespmem:s23+$0x40];
	v52 =	vmul.f32 v52, v56;
	v35 =	vadd.f32 v53, v35  }
0x3d5: {  	v53 =	vmul.f32 v0, v54;
	v54 =	vld [tilespmem:s23+$0x50]  }
0x3d6: {  	v51 =	vmul.f32 v51, v0;
	v56 =	vld [tilespmem:s23+$0x60];
	v36 =	vadd.f32 v52, v36  }
0x3d7: {  	v37 =	vadd.f32 v53, v37;
	v52 =	vmul.f32 v55, v0;
	v53 =	vld [tilespmem:s23+$0x70]  }
0x3d8: {  	v38 =	vadd.f32 v51, v38;
	v50 =	vmul.f32 v50, v0;
	v51 =	vld [tilespmem:s23+$0x400]  }
0x3d9: {  	v39 =	vadd.f32 v52, v39;
	v49 =	vmul.f32 v49, v0;
	v52 =	vld [tilespmem:s23+$0x410]  }
0x3da: {  	v40 =	vadd.f32 v50, v40;
	v50 =	vmul.f32 v54, v0;
	v54 =	vld [tilespmem:s23+$0x420]  }
0x3db: {  	v41 =	vadd.f32 v49, v41;
	v49 =	vmul.f32 v56, v0;
	v55 =	vld [tilespmem:s23+$0x430]  }
0x3dc: {  	v42 =	vadd.f32 v50, v42;
	v50 =	vmul.f32 v53, v0;
	v53 =	vld [tilespmem:s23+$0x440]  }
0x3dd: {  	v43 =	vadd.f32 v49, v43;
	v49 =	vmul.f32 v51, v0;
	v51 =	vld [tilespmem:s23+$0x450]  }
0x3de: {  	v44 =	vadd.f32 v50, v44;
	v50 =	vmul.f32 v52, v0;
	v52 =	vld [tilespmem:s23+$0x460]  }
0x3df: {  	v45 =	vadd.f32 v49, v45;
	v49 =	vmul.f32 v54, v0;
	v54 =	vld [tilespmem:s23+$0x470]  }
0x3e0: {  	v46 =	vadd.f32 v50, v46;
	v50 =	vmul.f32 v55, v0;
	v55 =	vld [tilespmem:s23+$0x800]  }
0x3e1: {  	v47 =	vadd.f32 v49, v47;
	v49 =	vmul.f32 v53, v0;
	v53 =	vld [tilespmem:s23+$0x810]  }
0x3e2: {  	v48 =	vadd.f32 v50, v48;
	v50 =	vmul.f32 v51, v0;
	v51 =	vld [tilespmem:s23+$0x820]  }
0x3e3: {  	v25 =	vadd.f32 v49, v25;
	v49 =	vmul.f32 v52, v0;
	v52 =	vld [tilespmem:s23+$0x830]  }
0x3e4: {  	v24 =	vadd.f32 v50, v24;
	v50 =	vmul.f32 v54, v0;
	v54 =	vld [tilespmem:s23+$0x840]  }
0x3e5: {  	v22 =	vadd.f32 v49, v22;
	v49 =	vmul.f32 v55, v0;
	v55 =	vld [tilespmem:s23+$0x850]  }
0x3e6: {  	v23 =	vadd.f32 v50, v23;
	v50 =	vmul.f32 v53, v0;
	v53 =	vld [tilespmem:s23+$0x860]  }
0x3e7: {  	v19 =	vadd.f32 v49, v19;
	v49 =	vmul.f32 v51, v0;
	v51 =	vld [tilespmem:s23+$0x870]  }
0x3e8: {  	v20 =	vadd.f32 v50, v20;
	v50 =	vmul.f32 v52, v0;
	v52 =	vld [tilespmem:s23+$0xC00]  }
0x3e9: {  	v1 =	vadd.f32 v49, v1;
	v49 =	vmul.f32 v54, v0;
	v54 =	vld [tilespmem:s23+$0xC10]  }
0x3ea: {  	v2 =	vadd.f32 v50, v2;
	v50 =	vmul.f32 v55, v0;
	v55 =	vld [tilespmem:s23+$0xC20]  }
0x3eb: {  	v3 =	vadd.f32 v49, v3;
	v49 =	vmul.f32 v53, v0;
	v53 =	vld [tilespmem:s23+$0xC30]  }
0x3ec: {  	v4 =	vadd.f32 v50, v4;
	v50 =	vmul.f32 v51, v0;
	v51 =	vld [tilespmem:s23+$0xC40]  }
0x3ed: {  	v5 =	vadd.f32 v49, v5;
	v49 =	vmul.f32 v52, v0;
	v52 =	vld [tilespmem:s23+$0xC50]  }
0x3ee: {  	v6 =	vadd.f32 v50, v6;
	v50 =	vmul.f32 v54, v0;
	v54 =	vld [tilespmem:s23+$0xC60]  }
0x3ef: {  	v7 =	vadd.f32 v49, v7;
	v49 =	vmul.f32 v55, v0;
	v55 =	vld [tilespmem:s23+$0xC70]  }
0x3f0: {  	v8 =	vadd.f32 v50, v8;
	v50 =	vmul.f32 v53, v0;
	v53 =	vld [tilespmem:s23+$0x1000]  }
0x3f1: {  	v9 =	vadd.f32 v49, v9;
	v49 =	vmul.f32 v51, v0;
	v51 =	vld [tilespmem:s23+$0x1010]  }
0x3f2: {  	v10 =	vadd.f32 v50, v10;
	v50 =	vmul.f32 v52, v0;
	v52 =	vld [tilespmem:s23+$0x1020]  }
0x3f3: {  	v11 =	vadd.f32 v49, v11;
	v49 =	vmul.f32 v54, v0;
	v54 =	vld [tilespmem:s23+$0x1030]  }
0x3f4: {  	v12 =	vadd.f32 v50, v12;
	v50 =	vmul.f32 v55, v0;
	v55 =	vld [tilespmem:s23+$0x1040]  }
0x3f5: {  	v13 =	vadd.f32 v49, v13;
	v49 =	vmul.f32 v53, v0;
	v56 =	vld [tilespmem:s23+$0x1050]  }
0x3f6: {  	v14 =	vadd.f32 v50, v14;
	v50 =	vmul.f32 v51, v0;
	v57 =	vld [tilespmem:s23+$0x1060]  }
.Ltmp4:
0x3f7: {  	v15 =	vadd.f32 v49, v15;
	v49 =	vmul.f32 v52, v0;
	v51 =	vld [tilespmem:s23+$0x1070];
	(pc) =	sbr.rel @p0 .LBB2_10-.Ltmp4, $4  }
0x3f8: {  	v16 =	vadd.f32 v50, v16;
	v50 =	vmul.f32 v54, v0;
	v52 =	vld [tilespmem:s23+$0x1400]  }
0x3f9: {  	v17 =	vadd.f32 v49, v17;
	v49 =	vmul.f32 v55, v0;
	v53 =	vld [tilespmem:s23+$0x1410]  }
0x3fa: {  	v18 =	vadd.f32 v50, v18;
	v55 =	vmul.f32 v56, v0;
	v50 =	vld [tilespmem:s23+$0x1420]  }
0x3fb: {  	s25 =	sshrl.u32 s24, $0x3;
	s24 =	sadd.s32 $0x1, s24;
	v21 =	vadd.f32 v49, v21;
	v56 =	vmul.f32 v57, v0;
	v54 =	vld [tilespmem:s23+$0x1430]  }
0x3fc: {  	s24 =	smul.u32 $0x6000, s25  }
0x3fd: {  	s21 =	sadd.s32 $0x80, s21  }
0x3fe: {  	s21 =	sand.u32 $0x380, s21;
	s24 =	sshra.s32 s24, $0x2  }
0x3ff: {  	s21 =	sor.u32 s21, s24  }
0x400: {  	v63 =	vld [tilespmem:s21+$0x20];
	_ =	sdelay $0x4  }
0x401: {  	[tilespmem:$0x1F140] =	vst v63;
	v63 =	vld [tilespmem:s21+$0x30];
	_ =	sdelay $0x4  }
0x402: {  	[tilespmem:$0x1F150] =	vst v63;
	v63 =	vld [tilespmem:s21+$0x40];
	_ =	sdelay $0x4  }
0x403: {  	[tilespmem:$0x1F160] =	vst v63;
	v63 =	vld [tilespmem:s21+$0x50];
	_ =	sdelay $0x4  }
0x404: {  	[tilespmem:$0x1F170] =	vst v63;
	v63 =	vld [tilespmem:s21+$0x60];
	_ =	sdelay $0x4  }
0x405: {  	[tilespmem:$0x1F180] =	vst v63;
	v63 =	vld [tilespmem:s21+$0x70];
	_ =	sdelay $0x4  }
0x406: {  	[tilespmem:$0x1F190] =	vst v63;
	v63 =	vld [tilespmem:s21+$0x400];
	_ =	sdelay $0x4  }
0x407: {  	[tilespmem:$0x1F1A0] =	vst v63;
	v63 =	vld [tilespmem:s21+$0x410];
	_ =	sdelay $0x4  }
0x408: {  	[tilespmem:$0x1F1B0] =	vst v63;
	v63 =	vld [tilespmem:s21+$0x420];
	_ =	sdelay $0x4  }
0x409: {  	[tilespmem:$0x1F1C0] =	vst v63;
	v63 =	vld [tilespmem:s21+$0x430];
	_ =	sdelay $0x4  }
0x40a: {  	[tilespmem:$0x1F1D0] =	vst v63;
	v63 =	vld [tilespmem:s21+$0x440];
	_ =	sdelay $0x4  }
0x40b: {  	[tilespmem:$0x1F1E0] =	vst v63;
	v63 =	vld [tilespmem:s21+$0x450];
	_ =	sdelay $0x4  }
0x40c: {  	[tilespmem:$0x1F1F0] =	vst v63;
	v63 =	vld [tilespmem:s21+$0x460];
	_ =	sdelay $0x4  }
0x40d: {  	[tilespmem:$0x1F200] =	vst v63;
	v63 =	vld [tilespmem:s21+$0x470];
	_ =	sdelay $0x4  }
0x40e: {  	[tilespmem:$0x1F210] =	vst v63;
	v63 =	vld [tilespmem:s21+$0x800];
	_ =	sdelay $0x4  }
0x40f: {  	[tilespmem:$0x1F220] =	vst v63;
	v63 =	vld [tilespmem:s21+$0x810];
	_ =	sdelay $0x4  }
0x410: {  	[tilespmem:$0x1F230] =	vst v63;
	v63 =	vld [tilespmem:s21+$0x820];
	_ =	sdelay $0x4  }
0x411: {  	[tilespmem:$0x1F240] =	vst v63;
	v63 =	vld [tilespmem:s21+$0x830];
	_ =	sdelay $0x4  }
0x412: {  	[tilespmem:$0x1F250] =	vst v63;
	v63 =	vld [tilespmem:s21+$0x840];
	_ =	sdelay $0x4  }
0x413: {  	[tilespmem:$0x1F260] =	vst v63;
	v63 =	vld [tilespmem:s21+$0x850];
	_ =	sdelay $0x4  }
0x414: {  	[tilespmem:$0x1F270] =	vst v63;
	v63 =	vld [tilespmem:s21+$0x860];
	_ =	sdelay $0x4  }
0x415: {  	[tilespmem:$0x1F280] =	vst v63;
	v63 =	vld [tilespmem:s21+$0x870];
	_ =	sdelay $0x4  }
0x416: {  	[tilespmem:$0x1F290] =	vst v63;
	v63 =	vld [tilespmem:s21+$0xC00];
	_ =	sdelay $0x4  }
0x417: {  	[tilespmem:$0x1F2A0] =	vst v63;
	v63 =	vld [tilespmem:s21+$0xC10];
	_ =	sdelay $0x4  }
0x418: {  	[tilespmem:$0x1F2B0] =	vst v63;
	v63 =	vld [tilespmem:s21+$0xC20];
	_ =	sdelay $0x4  }
0x419: {  	[tilespmem:$0x1F2C0] =	vst v63;
	v63 =	vld [tilespmem:s21+$0xC30];
	_ =	sdelay $0x4  }
0x41a: {  	[tilespmem:$0x1F2D0] =	vst v63;
	v63 =	vld [tilespmem:s21+$0xC40];
	_ =	sdelay $0x4  }
0x41b: {  	[tilespmem:$0x1F2E0] =	vst v63;
	v63 =	vld [tilespmem:s21+$0xC50];
	_ =	sdelay $0x4  }
0x41c: {  	v26 =	vadd.f32 v55, v26;
	[tilespmem:$0x1F2F0] =	vst v63;
	v63 =	vld [tilespmem:s21+$0xC60];
	_ =	sdelay $0x1  }
0x41d: {  	[tilespmem:$0x1F330] =	vst v26;
	v26 =	vadd.f32 v56, v27  }
0x41e: {  	v51 =	vmul.f32 v51, v0  }
0x41f: {  	[tilespmem:$0x1F340] =	vst v26  }
0x420: {  	v52 =	vmul.f32 v52, v0;
	v26 =	vadd.f32 v51, v28;
	[tilespmem:$0x1F300] =	vst v63;
	v63 =	vld [tilespmem:s21+$0xC70];
	_ =	sdelay $0x1  }
0x421: {  	[tilespmem:$0x1F350] =	vst v26;
	v26 =	vadd.f32 v52, v29  }
0x422: {  	v57 =	vld [tilespmem:s23+$0x1440];
	v53 =	vmul.f32 v53, v0  }
0x423: {  	v58 =	vld [tilespmem:s23+$0x1450];
	[tilespmem:$0x1F360] =	vst v26  }
0x424: {  	v51 =	vmul.f32 v54, v0;
	v26 =	vadd.f32 v53, v30;
	[tilespmem:$0x1F310] =	vst v63;
	v63 =	vld [tilespmem:s21+$0x1000]  }
0x425: {  	v50 =	vmul.f32 v50, v0  }
0x426: {  	[tilespmem:$0x1F370] =	vst v26;
	v26 =	vadd.f32 v51, v32  }
0x427: {  	v31 =	vadd.f32 v50, v31;
	v50 =	vmul.f32 v57, v0  }
0x428: {  	[tilespmem:$0x1F380] =	vst v26  }
0x429: {  	v26 =	vadd.f32 v50, v33;
	[tilespmem:$0x1F320] =	vst v63;
	v63 =	vmul.f32 v58, v0;
	_ =	sdelay $0x1  }
0x42a: {  	v59 =	vld [tilespmem:s23+$0x1460];
	s22 =	sadd.s32 $0x1, s22;
	[tilespmem:$0x1F390] =	vst v26;
	v26 =	vadd.f32 v63, v34  }
0x42b: {  	v49 =	vld.msk [tilespmem:s22+$0x0 ss:$0x0], $0xffff  }
0x42c: {  	[tilespmem:$0x1F3A0] =	vst v26;
	v26 =	vld [tilespmem:$0x1F140];
	_ =	sdelay $0x1  }
0x42d: {  	v60 =	vld [tilespmem:s21+$0x1470];
	_ =	sdelay $0x2  }
0x42e: {  	v0 =	vmul.f32 v59, v0;
	v33 =	vmul.f32 v26, v49;
	v26 =	vld [tilespmem:$0x1F150]  }
0x42f: {  	v62 =	vld [tilespmem:s21+$0x10]  }
0x430: {  	v54 =	vmul.f32 v60, v49;
	v0 =	vadd.f32 v0, v35;
	_ =	sdelay $0x1  }
0x431: {  	[tilespmem:$0x1F3B0] =	vst v0;
	v0 =	vadd.f32 v54, v36  }
0x432: {  	v34 =	vmul.f32 v26, v49;
	v26 =	vld [tilespmem:$0x1F170]  }
0x433: {  	[tilespmem:$0x1F3C0] =	vst v0;
	v0 =	vmul.f32 v62, v49;
	_ =	sdelay $0x1  }
0x434: {  	v38 =	vadd.f32 v0, v38;
	v0 =	vld [tilespmem:$0x1F160];
	_ =	sdelay $0x1  }
0x435: {  	v35 =	vmul.f32 v26, v49;
	v26 =	vld [tilespmem:$0x1F180];
	_ =	sdelay $0x2  }
0x436: {  	v0 =	vmul.f32 v0, v49;
	_ =	sdelay $0x1  }
0x437: {  	v0 =	vadd.f32 v0, v41;
	v36 =	vmul.f32 v26, v49;
	_ =	sdelay $0x1  }
0x438: {  	[tilespmem:$0x1F3D0] =	vst v0;
	v0 =	vld [tilespmem:$0x1F190];
	v26 =	vadd.f32 v36, v43;
	_ =	sdelay $0x1  }
0x439: {  	[tilespmem:$0x1F3E0] =	vst v26;
	v26 =	vld [tilespmem:$0x1F1A0];
	_ =	sdelay $0x2  }
0x43a: {  	v0 =	vmul.f32 v0, v49  }
0x43b: {  	v61 =	vld [tilespmem:s21+$0x0]  }
0x43c: {  	v0 =	vadd.f32 v0, v44;
	v50 =	vmul.f32 v26, v49;
	v26 =	vld [tilespmem:$0x1F1B0]  }
0x43d: {  	v55 =	vld [tilespmem:s21+$0x1010]  }
0x43e: {  	[tilespmem:$0x1F3F0] =	vst v0;
	v0 =	vld [tilespmem:$0x1F1C0]  }
0x43f: {  	v56 =	vld [tilespmem:s21+$0x1020]  }
0x440: {  	v28 =	vld [tilespmem:s21+$0x1420]  }
0x441: {  	v57 =	vmul.f32 v26, v49;
	v26 =	vld [tilespmem:$0x1F1D0]  }
0x442: {  	v27 =	vld [tilespmem:s21+$0x1440]  }
0x443: {  	v52 =	vld [tilespmem:s21+$0x1030];
	v0 =	vmul.f32 v0, v49  }
0x444: {  	v29 =	vld [tilespmem:s21+$0x1430];
	v30 =	vadd.f32 v50, v45  }
0x445: {  	v60 =	vld [tilespmem:s21+$0x1060];
	v32 =	vmul.f32 v49, v61;
	v0 =	vadd.f32 v0, v47  }
0x446: {  	v61 =	vld [tilespmem:s21+$0x1070];
	v39 =	vadd.f32 v33, v39;
	[tilespmem:$0x1F400] =	vst v30;
	v30 =	vadd.f32 v57, v46;
	v33 =	vmul.f32 v26, v49  }
0x447: {  	v58 =	vld [tilespmem:s21+$0x1040];
	[tilespmem:$0x1F420] =	vst v0  }
0x448: {  	[tilespmem:$0x1F410] =	vst v30;
	v30 =	vld [tilespmem:$0x1F1E0];
	v0 =	vadd.f32 v33, v48  }
0x449: {  	v59 =	vld [tilespmem:s21+$0x1050]  }
0x44a: {  	[tilespmem:$0x1F430] =	vst v0;
	v0 =	vld [tilespmem:$0x1F1F0]  }
0x44b: {  	v63 =	vld [tilespmem:s21+$0x1410]  }
0x44c: {  	v62 =	vld [tilespmem:s21+$0x1400]  }
0x44d: {  	v40 =	vadd.f32 v34, v40;
	v45 =	vld [tilespmem:s21+$0x1460];
	v34 =	vmul.f32 v30, v49  }
0x44e: {  	v26 =	vld [tilespmem:s21+$0x1450];
	_ =	swait.ge [sflag:s15], $0xC000  }
0x44f: {  	v37 =	vadd.f32 v32, v37;
	v32 =	vadd.f32 v34, v25;
	v25 =	vld [tilespmem:$0x1F200];
	v0 =	vmul.f32 v0, v49;
	_ =	sdelay $0x1  }
0x450: {  	v36 =	vadd.f32 v0, v24;
	v0 =	vld [tilespmem:$0x1F220];
	_ =	sdelay $0x2  }
0x451: {  	v42 =	vadd.f32 v35, v42;
	v35 =	vmul.f32 v25, v49;
	_ =	sdelay $0x1  }
0x452: {  	v41 =	vadd.f32 v35, v22;
	v22 =	vld [tilespmem:$0x1F240];
	v0 =	vmul.f32 v0, v49;
	_ =	sdelay $0x1  }
0x453: {  	v34 =	vadd.f32 v0, v19;
	v0 =	vld [tilespmem:$0x1F250];
	_ =	sdelay $0x2  }
0x454: {  	v51 =	vmul.f32 v22, v49;
	_ =	sdelay $0x1  }
0x455: {  	v30 =	vadd.f32 v51, v1;
	v1 =	vld [tilespmem:$0x1F260];
	v53 =	vmul.f32 v0, v49;
	_ =	sdelay $0x1  }
0x456: {  	v35 =	vadd.f32 v53, v2;
	v2 =	vld [tilespmem:$0x1F280];
	_ =	sdelay $0x1  }
0x457: {  	v24 =	vld [tilespmem:$0x1F230]  }
0x458: {  	v1 =	vmul.f32 v1, v49;
	_ =	sdelay $0x1  }
0x459: {  	v22 =	vadd.f32 v1, v3;
	v1 =	vld [tilespmem:$0x1F2A0];
	v2 =	vmul.f32 v2, v49;
	_ =	sdelay $0x1  }
0x45a: {  	v50 =	vmul.f32 v24, v49;
	v24 =	vadd.f32 v2, v5;
	v2 =	vld [tilespmem:$0x1F2B0]  }
0x45b: {  	v25 =	vld [tilespmem:$0x1F210]  }
0x45c: {  	v19 =	vld [tilespmem:$0x1F270]  }
0x45d: {  	v1 =	vmul.f32 v1, v49;
	_ =	sdelay $0x1  }
0x45e: {  	v51 =	vadd.f32 v1, v7;
	v1 =	vld [tilespmem:$0x1F2C0];
	v2 =	vmul.f32 v2, v49;
	_ =	sdelay $0x1  }
0x45f: {  	v48 =	vmul.f32 v25, v49;
	v54 =	vmul.f32 v19, v49;
	v53 =	vadd.f32 v2, v8;
	v2 =	vld [tilespmem:$0x1F2E0];
	_ =	sdelay $0x1  }
0x460: {  	v33 =	vadd.f32 v48, v23;
	v23 =	vadd.f32 v54, v4;
	v4 =	vld [tilespmem:$0x1F2F0]  }
0x461: {  	v1 =	vmul.f32 v1, v49;
	_ =	sdelay $0x1  }
0x462: {  	v54 =	vadd.f32 v1, v9;
	v1 =	vld [tilespmem:$0x1F300];
	v2 =	vmul.f32 v2, v49;
	_ =	sdelay $0x1  }
0x463: {  	v4 =	vmul.f32 v4, v49;
	v2 =	vadd.f32 v2, v11;
	_ =	sdelay $0x1  }
0x464: {  	[tilespmem:$0x1F440] =	vst v2;
	v2 =	vadd.f32 v4, v12  }
0x465: {  	v1 =	vmul.f32 v1, v49  }
0x466: {  	[tilespmem:$0x1F450] =	vst v2;
	v2 =	vld [tilespmem:$0x1F310]  }
0x467: {  	v13 =	vadd.f32 v1, v13;
	v1 =	vld [tilespmem:$0x1F320];
	_ =	sdelay $0x2  }
0x468: {  	v19 =	vld [tilespmem:$0x1F290]  }
0x469: {  	v3 =	vld [tilespmem:$0x1F2D0];
	v2 =	vmul.f32 v2, v49  }
0x46a: {  	v1 =	vmul.f32 v1, v49  }
0x46b: {  	v4 =	vmul.f32 v52, v49;
	v14 =	vadd.f32 v2, v14;
	v2 =	vmul.f32 v56, v49  }
0x46c: {  	v5 =	vld [tilespmem:$0x1F340];
	v15 =	vadd.f32 v1, v15  }
0x46d: {  	v1 =	vmul.f32 v58, v49;
	v58 =	vadd.f32 v2, v17;
	v2 =	vadd.f32 v4, v18  }
0x46e: {  	v57 =	vmul.f32 v19, v49;
	v3 =	vmul.f32 v3, v49  }
0x46f: {  	[tilespmem:$0x1F460] =	vst v2;
	v2 =	vmul.f32 v59, v49;
	v59 =	vadd.f32 v1, v21;
	v1 =	vmul.f32 v60, v49  }
0x470: {  	v25 =	vadd.f32 v50, v20;
	v50 =	vadd.f32 v57, v6  }
0x471: {  	v57 =	vadd.f32 v3, v10;
	v10 =	vadd.f32 v1, v5;
	v1 =	vld [tilespmem:$0x1F350]  }
0x472: {  	v3 =	vmul.f32 v55, v49;
	_ =	sdelay $0x1  }
0x473: {  	v52 =	vadd.f32 v3, v16;
	v3 =	vmul.f32 v61, v49;
	v4 =	vld [tilespmem:$0x1F330];
	_ =	sdelay $0x1  }
0x474: {  	v9 =	vadd.f32 v3, v1;
	v3 =	vld [tilespmem:$0x1F360];
	_ =	sdelay $0x2  }
0x475: {  	v11 =	vadd.f32 v2, v4;
	v2 =	vmul.f32 v62, v49;
	_ =	sdelay $0x1  }
0x476: {  	v8 =	vadd.f32 v2, v3;
	v2 =	vld [tilespmem:$0x1F370];
	_ =	sdelay $0x2  }
0x477: {  	v4 =	vmul.f32 v63, v49;
	_ =	sdelay $0x1  }
0x478: {  	v7 =	vadd.f32 v4, v2;
	v4 =	vld [tilespmem:$0x1F380];
	_ =	sdelay $0x2  }
0x479: {  	v2 =	vmul.f32 v29, v49;
	_ =	sdelay $0x1  }
0x47a: {  	v5 =	vadd.f32 v2, v4;
	v4 =	vld [tilespmem:$0x1F390]  }
0x47b: {  	v1 =	vmul.f32 v28, v49;
	_ =	sdelay $0x1  }
0x47c: {  	v6 =	vadd.f32 v1, v31;
	v1 =	vmul.f32 v27, v49;
	_ =	sdelay $0x1  }
0x47d: {  	v4 =	vadd.f32 v1, v4;
	v1 =	vld [tilespmem:$0x1F3A0]  }
0x47e: {  	s29 =	simm.s32 $0x0  }
0x47f: {  	s30 =	smul.u32 $0x6000, s29  }
0x480: {  	s21 =	simm.s32 $0x0;
	v3 =	vmul.f32 v26, v49  }
0x481: {  	s23 =	sshra.s32 s30, $0x2;
	s31 =	sand.u32 $0x380, s21;
	[sflag:s15] =	ssyncset.done $0x0  }
0x482: {  	s23 =	sor.u32 s31, s23;
	[sflag:s15] =	ssyncadd.s32 $0xFFFF4000;
	v3 =	vadd.f32 v3, v1;
	v1 =	vld [tilespmem:$0x1F3B0]  }
0x483: {  	v46 =	vld [tilespmem:s23+$0xD470]  }
0x484: {  	s22 =	simm.s32 $0x18140;
	v47 =	vld [tilespmem:s23+$0xC000]  }
0x485: {  	v0 =	vld.msk [tilespmem:s22+$0x0 ss:$0x0], $0xffff;
	v2 =	vmul.f32 v45, v49  }
0x486: {  	v43 =	vld [tilespmem:s23+$0xC010]  }
0x487: {  	v2 =	vadd.f32 v2, v1;
	v1 =	vld [tilespmem:$0x1F3C0]  }
0x488: {  	v44 =	vld [tilespmem:s23+$0xC020];
	_ =	sdelay $0x1  }
0x489: {  	v48 =	vld [tilespmem:s23+$0xC030];
	v27 =	vmul.f32 v46, v0  }
0x48a: {  	v31 =	vmul.f32 v0, v47  }
0x48b: {  	v1 =	vadd.f32 v27, v1  }
0x48c: {  	v20 =	vld [tilespmem:s23+$0xC040];
	v27 =	vmul.f32 v43, v0;
	v43 =	vadd.f32 v31, v37;
	v31 =	vmul.f32 v44, v0;
	_ =	sdelay $0x1  }
0x48d: {  	v37 =	vmul.f32 v48, v0;
	v48 =	vadd.f32 v31, v39;
	v31 =	vld [tilespmem:$0x1F3D0];
	_ =	sdelay $0x2  }
0x48e: {  	v20 =	vmul.f32 v20, v0;
	v12 =	vld [tilespmem:s23+$0xC060];
	_ =	sdelay $0x1  }
0x48f: {  	v45 =	vadd.f32 v20, v31;
	v31 =	vld [tilespmem:$0x1F3E0]  }
0x490: {  	v19 =	vld [tilespmem:s23+$0xC050];
	_ =	sdelay $0x1  }
0x491: {  	v55 =	vld [tilespmem:s23+$0xC070];
	v12 =	vmul.f32 v12, v0;
	_ =	sdelay $0x1  }
0x492: {  	v47 =	vadd.f32 v27, v38;
	v38 =	vadd.f32 v12, v31;
	v31 =	vld [tilespmem:$0x1F3F0]  }
0x493: {  	v19 =	vmul.f32 v19, v0;
	_ =	sdelay $0x1  }
0x494: {  	v56 =	vld [tilespmem:s23+$0xC400];
	v44 =	vadd.f32 v37, v40;
	v37 =	vadd.f32 v19, v42;
	v19 =	vmul.f32 v55, v0;
	_ =	sdelay $0x1  }
0x495: {  	v42 =	vadd.f32 v19, v31;
	v31 =	vld [tilespmem:$0x1F400];
	_ =	sdelay $0x2  }
0x496: {  	v16 =	vld [tilespmem:s23+$0xC410];
	v12 =	vmul.f32 v56, v0  }
0x497: {  	v21 =	vld [tilespmem:s23+$0xC440]  }
0x498: {  	v46 =	vadd.f32 v12, v31;
	v12 =	vld [tilespmem:$0x1F410];
	_ =	sdelay $0x2  }
0x499: {  	v16 =	vmul.f32 v16, v0;
	v17 =	vld [tilespmem:s23+$0xC420];
	_ =	sdelay $0x1  }
0x49a: {  	v39 =	vadd.f32 v16, v12;
	v12 =	vmul.f32 v21, v0;
	v21 =	vld [tilespmem:$0x1F420]  }
0x49b: {  	v61 =	vld [tilespmem:s23+$0xC820]  }
0x49c: {  	v18 =	vld [tilespmem:s23+$0xC430]  }
0x49d: {  	v60 =	vld [tilespmem:s23+$0xC810];
	v17 =	vmul.f32 v17, v0  }
0x49e: {  	v28 =	vld [tilespmem:s23+$0xC450]  }
0x49f: {  	v40 =	vadd.f32 v17, v21;
	v17 =	vld [tilespmem:$0x1F430]  }
0x4a0: {  	v29 =	vld [tilespmem:s23+$0xC460]  }
0x4a1: {  	v49 =	vld [tilespmem:s23+$0xC800]  }
0x4a2: {  	v18 =	vmul.f32 v18, v0;
	v26 =	vld [tilespmem:s23+$0xC470]  }
0x4a3: {  	v62 =	vld [tilespmem:s23+$0xC830]  }
0x4a4: {  	v31 =	vadd.f32 v18, v17;
	v17 =	vmul.f32 v28, v0  }
0x4a5: {  	v20 =	vld [tilespmem:s23+$0xC860];
	v32 =	vadd.f32 v12, v32;
	v12 =	vmul.f32 v29, v0  }
0x4a6: {  	v27 =	vld [tilespmem:s23+$0xC840];
	v36 =	vadd.f32 v17, v36;
	v17 =	vmul.f32 v49, v0  }
0x4a7: {  	v29 =	vld [tilespmem:s23+$0xCC30];
	v41 =	vadd.f32 v12, v41;
	v21 =	vmul.f32 v26, v0;
	v26 =	vmul.f32 v60, v0  }
0x4a8: {  	v19 =	vld [tilespmem:s23+$0xCC00];
	v12 =	vmul.f32 v61, v0;
	v34 =	vadd.f32 v17, v34;
	v17 =	vmul.f32 v62, v0  }
0x4a9: {  	v33 =	vadd.f32 v21, v33;
	v21 =	vld [tilespmem:s23+$0xCC50];
	v25 =	vadd.f32 v26, v25  }
0x4aa: {  	v16 =	vld [tilespmem:s23+$0xCC10];
	v26 =	vadd.f32 v12, v30;
	v30 =	vadd.f32 v17, v35;
	v17 =	vmul.f32 v20, v0  }
0x4ab: {  	v55 =	vld [tilespmem:s23+$0xC870];
	v12 =	vmul.f32 v27, v0  }
0x4ac: {  	v49 =	vld [tilespmem:s23+$0xCC40];
	v28 =	vadd.f32 v17, v24;
	v17 =	vmul.f32 v29, v0  }
0x4ad: {  	v63 =	vld [tilespmem:s23+$0xC850];
	v35 =	vadd.f32 v12, v22  }
0x4ae: {  	v12 =	vmul.f32 v19, v0;
	v19 =	vmul.f32 v21, v0;
	v21 =	vadd.f32 v17, v57;
	v17 =	vld [tilespmem:$0x1F440]  }
0x4af: {  	v16 =	vmul.f32 v16, v0;
	v18 =	vld [tilespmem:s23+$0xCC20]  }
0x4b0: {  	v56 =	vld [tilespmem:s23+$0xCC60]  }
0x4b1: {  	v60 =	vld [tilespmem:s23+$0xCC70];
	v20 =	vmul.f32 v55, v0;
	v24 =	vadd.f32 v16, v53;
	v16 =	vmul.f32 v49, v0  }
0x4b2: {  	v27 =	vmul.f32 v63, v0;
	v55 =	vld [tilespmem:s23+$0xD000]  }
0x4b3: {  	v22 =	vadd.f32 v20, v50;
	v20 =	vadd.f32 v16, v17;
	v16 =	vld [tilespmem:$0x1F450]  }
0x4b4: {  	v63 =	vld [tilespmem:s23+$0xD020];
	v27 =	vadd.f32 v27, v23;
	v23 =	vadd.f32 v12, v51;
	v12 =	vmul.f32 v18, v0  }
0x4b5: {  	v18 =	vld [tilespmem:s23+$0xD030]  }
0x4b6: {  	v61 =	vld [tilespmem:s23+$0xD010];
	v29 =	vadd.f32 v12, v54;
	v12 =	vmul.f32 v56, v0  }
0x4b7: {  	v62 =	vld [tilespmem:s23+$0xD050];
	v17 =	vmul.f32 v60, v0  }
0x4b8: {  	v49 =	vld [tilespmem:s23+$0xD040];
	v19 =	vadd.f32 v19, v16;
	v16 =	vadd.f32 v12, v13;
	v12 =	vmul.f32 v55, v0  }
0x4b9: {  	v54 =	vld [tilespmem:s23+$0xD060];
	v17 =	vadd.f32 v17, v14  }
0x4ba: {  	v14 =	vmul.f32 v63, v0;
	v63 =	vmul.f32 v18, v0;
	v18 =	vadd.f32 v12, v15;
	v12 =	vld [tilespmem:$0x1F460]  }
0x4bb: {  	v57 =	vld [tilespmem:s23+$0xD070];
	v13 =	vmul.f32 v61, v0  }
0x4bc: {  	v55 =	vld [tilespmem:s23+$0xD400]  }
0x4bd: {  	v53 =	vld [tilespmem:s23+$0xD410];
	v15 =	vadd.f32 v13, v52;
	v13 =	vmul.f32 v49, v0  }
0x4be: {  	v60 =	vmul.f32 v62, v0;
	v14 =	vadd.f32 v14, v58;
	v49 =	vld [tilespmem:s23+$0xD420]  }
0x4bf: {  	s25 =	simm.s32 $0x0;
	s24 =	simm.s32 $0x2;
	v50 =	vld [tilespmem:s23+$0xD430];
	v13 =	vadd.f32 v13, v59;
	v59 =	vmul.f32 v54, v0;
	v12 =	vadd.f32 v63, v12  }
.LBB2_12:
0x4c0: {  	p0 =	sne.s32 s24, $0x3F;
	s25 =	smul.u32 $0x6000, s25;
	v11 =	vadd.f32 v60, v11;
	v51 =	vmul.f32 v57, v0;
	v52 =	vld [tilespmem:s23+$0xD440]  }
0x4c1: {  	s21 =	sadd.s32 $0x80, s21;
	v10 =	vadd.f32 v59, v10;
	v54 =	vmul.f32 v55, v0;
	v55 =	vld [tilespmem:s23+$0xD450]  }
0x4c2: {  	s22 =	sadd.s32 $0x1, s22;
	s26 =	sand.u32 $0x380, s21;
	s25 =	sshra.s32 s25, $0x2;
	v9 =	vadd.f32 v51, v9;
	v51 =	vmul.f32 v53, v0;
	v53 =	vld [tilespmem:s23+$0xD460]  }
0x4c3: {  	s23 =	sor.u32 s26, s25;
	v56 =	vld.msk [tilespmem:s22+$0x0 ss:$0x0], $0xffff;
	v8 =	vadd.f32 v54, v8;
	v49 =	vmul.f32 v49, v0  }
0x4c4: {  	v54 =	vld [tilespmem:s23+$0xD470];
	v7 =	vadd.f32 v51, v7;
	v50 =	vmul.f32 v50, v0  }
0x4c5: {  	v51 =	vld [tilespmem:s23+$0xC000];
	v6 =	vadd.f32 v49, v6;
	v49 =	vmul.f32 v52, v0  }
0x4c6: {  	v52 =	vld [tilespmem:s23+$0xC010];
	v5 =	vadd.f32 v50, v5;
	v50 =	vmul.f32 v55, v0  }
0x4c7: {  	v55 =	vld [tilespmem:s23+$0xC020];
	v4 =	vadd.f32 v49, v4;
	v57 =	vmul.f32 v53, v0  }
0x4c8: {  	v49 =	vld [tilespmem:s23+$0xC030];
	v3 =	vadd.f32 v50, v3  }
0x4c9: {  	v0 =	vmov v56;
	v50 =	vld [tilespmem:s23+$0xC040];
	v53 =	vmul.f32 v54, v56;
	v2 =	vadd.f32 v57, v2  }
0x4ca: {  	v51 =	vmul.f32 v0, v51;
	v54 =	vld [tilespmem:s23+$0xC050]  }
0x4cb: {  	v52 =	vmul.f32 v52, v0;
	v56 =	vld [tilespmem:s23+$0xC060];
	v1 =	vadd.f32 v53, v1  }
0x4cc: {  	v43 =	vadd.f32 v51, v43;
	v51 =	vmul.f32 v55, v0;
	v53 =	vld [tilespmem:s23+$0xC070]  }
0x4cd: {  	v47 =	vadd.f32 v52, v47;
	v49 =	vmul.f32 v49, v0;
	v52 =	vld [tilespmem:s23+$0xC400]  }
0x4ce: {  	v48 =	vadd.f32 v51, v48;
	v50 =	vmul.f32 v50, v0;
	v51 =	vld [tilespmem:s23+$0xC410]  }
0x4cf: {  	v44 =	vadd.f32 v49, v44;
	v49 =	vmul.f32 v54, v0;
	v54 =	vld [tilespmem:s23+$0xC420]  }
0x4d0: {  	v45 =	vadd.f32 v50, v45;
	v50 =	vmul.f32 v56, v0;
	v55 =	vld [tilespmem:s23+$0xC430]  }
0x4d1: {  	v37 =	vadd.f32 v49, v37;
	v49 =	vmul.f32 v53, v0;
	v53 =	vld [tilespmem:s23+$0xC440]  }
0x4d2: {  	v38 =	vadd.f32 v50, v38;
	v50 =	vmul.f32 v52, v0;
	v52 =	vld [tilespmem:s23+$0xC450]  }
0x4d3: {  	v42 =	vadd.f32 v49, v42;
	v49 =	vmul.f32 v51, v0;
	v51 =	vld [tilespmem:s23+$0xC460]  }
0x4d4: {  	v46 =	vadd.f32 v50, v46;
	v50 =	vmul.f32 v54, v0;
	v54 =	vld [tilespmem:s23+$0xC470]  }
0x4d5: {  	v39 =	vadd.f32 v49, v39;
	v49 =	vmul.f32 v55, v0;
	v55 =	vld [tilespmem:s23+$0xC800]  }
0x4d6: {  	v40 =	vadd.f32 v50, v40;
	v50 =	vmul.f32 v53, v0;
	v53 =	vld [tilespmem:s23+$0xC810]  }
0x4d7: {  	v31 =	vadd.f32 v49, v31;
	v49 =	vmul.f32 v52, v0;
	v52 =	vld [tilespmem:s23+$0xC820]  }
0x4d8: {  	v32 =	vadd.f32 v50, v32;
	v50 =	vmul.f32 v51, v0;
	v51 =	vld [tilespmem:s23+$0xC830]  }
0x4d9: {  	v36 =	vadd.f32 v49, v36;
	v49 =	vmul.f32 v54, v0;
	v54 =	vld [tilespmem:s23+$0xC840]  }
0x4da: {  	v41 =	vadd.f32 v50, v41;
	v50 =	vmul.f32 v55, v0;
	v55 =	vld [tilespmem:s23+$0xC850]  }
0x4db: {  	v33 =	vadd.f32 v49, v33;
	v49 =	vmul.f32 v53, v0;
	v53 =	vld [tilespmem:s23+$0xC860]  }
0x4dc: {  	v34 =	vadd.f32 v50, v34;
	v50 =	vmul.f32 v52, v0;
	v52 =	vld [tilespmem:s23+$0xC870]  }
0x4dd: {  	v25 =	vadd.f32 v49, v25;
	v49 =	vmul.f32 v51, v0;
	v51 =	vld [tilespmem:s23+$0xCC00]  }
0x4de: {  	v26 =	vadd.f32 v50, v26;
	v50 =	vmul.f32 v54, v0;
	v54 =	vld [tilespmem:s23+$0xCC10]  }
0x4df: {  	v30 =	vadd.f32 v49, v30;
	v49 =	vmul.f32 v55, v0;
	v55 =	vld [tilespmem:s23+$0xCC20]  }
0x4e0: {  	v35 =	vadd.f32 v50, v35;
	v50 =	vmul.f32 v53, v0;
	v53 =	vld [tilespmem:s23+$0xCC30]  }
0x4e1: {  	v27 =	vadd.f32 v49, v27;
	v49 =	vmul.f32 v52, v0;
	v52 =	vld [tilespmem:s23+$0xCC40]  }
0x4e2: {  	v28 =	vadd.f32 v50, v28;
	v50 =	vmul.f32 v51, v0;
	v51 =	vld [tilespmem:s23+$0xCC50]  }
0x4e3: {  	v22 =	vadd.f32 v49, v22;
	v49 =	vmul.f32 v54, v0;
	v54 =	vld [tilespmem:s23+$0xCC60]  }
0x4e4: {  	v23 =	vadd.f32 v50, v23;
	v50 =	vmul.f32 v55, v0;
	v55 =	vld [tilespmem:s23+$0xCC70]  }
0x4e5: {  	v24 =	vadd.f32 v49, v24;
	v49 =	vmul.f32 v53, v0;
	v53 =	vld [tilespmem:s23+$0xD000]  }
0x4e6: {  	v29 =	vadd.f32 v50, v29;
	v50 =	vmul.f32 v52, v0;
	v52 =	vld [tilespmem:s23+$0xD010]  }
0x4e7: {  	v21 =	vadd.f32 v49, v21;
	v49 =	vmul.f32 v51, v0;
	v51 =	vld [tilespmem:s23+$0xD020]  }
0x4e8: {  	v20 =	vadd.f32 v50, v20;
	v50 =	vmul.f32 v54, v0;
	v54 =	vld [tilespmem:s23+$0xD030]  }
0x4e9: {  	v19 =	vadd.f32 v49, v19;
	v49 =	vmul.f32 v55, v0;
	v56 =	vld [tilespmem:s23+$0xD040]  }
0x4ea: {  	v16 =	vadd.f32 v50, v16;
	v50 =	vmul.f32 v53, v0;
	v58 =	vld [tilespmem:s23+$0xD050]  }
0x4eb: {  	v17 =	vadd.f32 v49, v17;
	v49 =	vmul.f32 v52, v0;
	v52 =	vld [tilespmem:s23+$0xD060]  }
.Ltmp5:
0x4ec: {  	v18 =	vadd.f32 v50, v18;
	v50 =	vmul.f32 v51, v0;
	v57 =	vld [tilespmem:s23+$0xD070];
	(pc) =	sbr.rel @p0 .LBB2_12-.Ltmp5, $4  }
0x4ed: {  	v15 =	vadd.f32 v49, v15;
	v49 =	vmul.f32 v54, v0;
	v55 =	vld [tilespmem:s23+$0xD400]  }
0x4ee: {  	v14 =	vadd.f32 v50, v14;
	v50 =	vmul.f32 v56, v0;
	v53 =	vld [tilespmem:s23+$0xD410]  }
0x4ef: {  	v12 =	vadd.f32 v49, v12;
	v60 =	vmul.f32 v58, v0;
	v49 =	vld [tilespmem:s23+$0xD420]  }
0x4f0: {  	s25 =	sshrl.u32 s24, $0x3;
	s24 =	sadd.s32 $0x1, s24;
	v13 =	vadd.f32 v50, v13;
	v59 =	vmul.f32 v52, v0;
	v50 =	vld [tilespmem:s23+$0xD430]  }
0x4f1: {  	s24 =	smul.u32 $0x6000, s25  }
0x4f2: {  	s21 =	sadd.s32 $0x80, s21  }
0x4f3: {  	s21 =	sand.u32 $0x380, s21;
	s24 =	sshra.s32 s24, $0x2  }
0x4f4: {  	s21 =	sor.u32 s21, s24  }
0x4f5: {  	v52 =	vld [tilespmem:s21+$0xD470];
	_ =	sdelay $0x4  }
0x4f6: {  	[tilespmem:$0x1F130] =	vst v52;
	v52 =	vld [tilespmem:s21+$0xC050];
	_ =	sdelay $0x4  }
0x4f7: {  	[tilespmem:$0x1EEA0] =	vst v52;
	v52 =	vld [tilespmem:s21+$0xC060];
	_ =	sdelay $0x4  }
0x4f8: {  	[tilespmem:$0x1EEB0] =	vst v52;
	v52 =	vld [tilespmem:s21+$0xC070];
	_ =	sdelay $0x4  }
0x4f9: {  	[tilespmem:$0x1EEC0] =	vst v52;
	v52 =	vld [tilespmem:s21+$0xC400];
	_ =	sdelay $0x4  }
0x4fa: {  	[tilespmem:$0x1EED0] =	vst v52;
	v52 =	vld [tilespmem:s21+$0xC410];
	_ =	sdelay $0x4  }
0x4fb: {  	[tilespmem:$0x1EEE0] =	vst v52;
	v52 =	vld [tilespmem:s21+$0xC420];
	_ =	sdelay $0x4  }
0x4fc: {  	[tilespmem:$0x1EEF0] =	vst v52;
	v52 =	vld [tilespmem:s21+$0xC430];
	_ =	sdelay $0x4  }
0x4fd: {  	[tilespmem:$0x1EF00] =	vst v52;
	v52 =	vld [tilespmem:s21+$0xC440];
	_ =	sdelay $0x4  }
0x4fe: {  	[tilespmem:$0x1EF10] =	vst v52;
	v52 =	vld [tilespmem:s21+$0xC450];
	_ =	sdelay $0x4  }
0x4ff: {  	[tilespmem:$0x1EF20] =	vst v52;
	v52 =	vld [tilespmem:s21+$0xC460];
	_ =	sdelay $0x4  }
0x500: {  	[tilespmem:$0x1EF30] =	vst v52;
	v52 =	vld [tilespmem:s21+$0xC470];
	_ =	sdelay $0x4  }
0x501: {  	[tilespmem:$0x1EF40] =	vst v52;
	v52 =	vld [tilespmem:s21+$0xC800];
	_ =	sdelay $0x4  }
0x502: {  	[tilespmem:$0x1EF50] =	vst v52;
	v52 =	vld [tilespmem:s21+$0xC810];
	_ =	sdelay $0x4  }
0x503: {  	[tilespmem:$0x1EF60] =	vst v52;
	v52 =	vld [tilespmem:s21+$0xC820];
	_ =	sdelay $0x4  }
0x504: {  	[tilespmem:$0x1EF70] =	vst v52;
	v52 =	vld [tilespmem:s21+$0xC830];
	_ =	sdelay $0x4  }
0x505: {  	[tilespmem:$0x1EF80] =	vst v52;
	v52 =	vld [tilespmem:s21+$0xC840];
	_ =	sdelay $0x4  }
0x506: {  	[tilespmem:$0x1EF90] =	vst v52;
	v52 =	vld [tilespmem:s21+$0xC850];
	_ =	sdelay $0x4  }
0x507: {  	[tilespmem:$0x1EFA0] =	vst v52;
	v52 =	vld [tilespmem:s21+$0xC860];
	_ =	sdelay $0x4  }
0x508: {  	[tilespmem:$0x1EFB0] =	vst v52;
	v52 =	vld [tilespmem:s21+$0xC870];
	_ =	sdelay $0x4  }
0x509: {  	[tilespmem:$0x1EFC0] =	vst v52;
	v52 =	vld [tilespmem:s21+$0xCC00];
	_ =	sdelay $0x4  }
0x50a: {  	[tilespmem:$0x1EFD0] =	vst v52;
	v52 =	vld [tilespmem:s21+$0xCC10];
	_ =	sdelay $0x4  }
0x50b: {  	[tilespmem:$0x1EFE0] =	vst v52;
	v52 =	vld [tilespmem:s21+$0xCC20];
	_ =	sdelay $0x4  }
0x50c: {  	[tilespmem:$0x1EFF0] =	vst v52;
	v52 =	vld [tilespmem:s21+$0xCC30];
	_ =	sdelay $0x4  }
0x50d: {  	[tilespmem:$0x1F000] =	vst v52;
	v52 =	vld [tilespmem:s21+$0xCC40];
	_ =	sdelay $0x4  }
0x50e: {  	[tilespmem:$0x1F010] =	vst v52;
	v52 =	vld [tilespmem:s21+$0xCC50];
	_ =	sdelay $0x4  }
0x50f: {  	[tilespmem:$0x1F020] =	vst v52;
	v52 =	vld [tilespmem:s21+$0xCC60];
	_ =	sdelay $0x4  }
0x510: {  	[tilespmem:$0x1F030] =	vst v52;
	v52 =	vld [tilespmem:s21+$0xCC70];
	_ =	sdelay $0x4  }
0x511: {  	[tilespmem:$0x1F040] =	vst v52;
	v52 =	vld [tilespmem:s21+$0xD000];
	_ =	sdelay $0x4  }
0x512: {  	[tilespmem:$0x1F050] =	vst v52;
	v52 =	vld [tilespmem:s21+$0xD010];
	_ =	sdelay $0x4  }
0x513: {  	[tilespmem:$0x1F060] =	vst v52;
	v52 =	vld [tilespmem:s21+$0xD020];
	_ =	sdelay $0x4  }
0x514: {  	[tilespmem:$0x1F070] =	vst v52;
	v52 =	vld [tilespmem:s21+$0xD030];
	_ =	sdelay $0x4  }
0x515: {  	[tilespmem:$0x1F080] =	vst v52;
	v52 =	vld [tilespmem:s21+$0xD040];
	_ =	sdelay $0x4  }
0x516: {  	[tilespmem:$0x1F090] =	vst v52;
	v52 =	vld [tilespmem:s21+$0xD050];
	_ =	sdelay $0x4  }
0x517: {  	[tilespmem:$0x1F0A0] =	vst v52;
	v52 =	vld [tilespmem:s21+$0xD060];
	_ =	sdelay $0x4  }
0x518: {  	[tilespmem:$0x1F0B0] =	vst v52;
	v52 =	vld [tilespmem:s21+$0xD070];
	_ =	sdelay $0x4  }
0x519: {  	[tilespmem:$0x1F0C0] =	vst v52;
	v52 =	vld [tilespmem:s21+$0xD400];
	_ =	sdelay $0x1  }
0x51a: {  	v51 =	vld [tilespmem:s23+$0xD440]  }
0x51b: {  	v62 =	vld [tilespmem:s23+$0xD460]  }
0x51c: {  	v61 =	vld [tilespmem:s23+$0xD450]  }
0x51d: {  	[tilespmem:$0x1F0E0] =	vst v52;
	v52 =	vld [tilespmem:s21+$0xD410]  }
0x51e: {  	s22 =	sadd.s32 $0x1, s22;
	v56 =	vld [tilespmem:s21+$0xC020]  }
0x51f: {  	[tilespmem:$0x1F0D0] =	vst v51;
	v51 =	vld.msk [tilespmem:s22+$0x0 ss:$0x0], $0xffff  }
0x520: {  	[tilespmem:$0x1F120] =	vst v62;
	v62 =	vld [tilespmem:s21+$0xC010]  }
0x521: {  	[tilespmem:$0x1F100] =	vst v61;
	v61 =	vld [tilespmem:s21+$0xC000]  }
0x522: {  	[tilespmem:$0x1F0F0] =	vst v52;
	v52 =	vld [tilespmem:s21+$0xD420];
	_ =	sdelay $0x1  }
0x523: {  	v58 =	vld [tilespmem:s21+$0xC030]  }
0x524: {  	v63 =	vld [tilespmem:s21+$0xC040];
	v54 =	vmul.f32 v62, v51  }
0x525: {  	v62 =	vld [tilespmem:s21+$0xD440];
	v56 =	vmul.f32 v56, v51  }
0x526: {  	v54 =	vadd.f32 v54, v47;
	v47 =	vld [tilespmem:s21+$0xD460];
	[tilespmem:$0x1F110] =	vst v52;
	v52 =	vmul.f32 v51, v61  }
0x527: {  	v48 =	vadd.f32 v56, v48;
	v56 =	vld [tilespmem:$0x1EEB0]  }
0x528: {  	v61 =	vld [tilespmem:s21+$0xD430];
	v43 =	vadd.f32 v52, v43  }
0x529: {  	v52 =	vld [tilespmem:s21+$0xD450]  }
0x52a: {  	[tilespmem:$0x18200] =	vst v43;
	v43 =	vmul.f32 v63, v51;
	v63 =	vld [tilespmem:$0x1EEA0]  }
0x52b: {  	v58 =	vmul.f32 v58, v51  }
0x52c: {  	v43 =	vadd.f32 v43, v45;
	v45 =	vmul.f32 v56, v51  }
0x52d: {  	v44 =	vadd.f32 v58, v44;
	v58 =	vld [tilespmem:$0x1EEC0]  }
0x52e: {  	v38 =	vadd.f32 v45, v38;
	v45 =	vld [tilespmem:$0x1EEF0]  }
0x52f: {  	[tilespmem:$0x18210] =	vst v54;
	v54 =	vmul.f32 v63, v51;
	v63 =	vld [tilespmem:$0x1EED0]  }
0x530: {  	[tilespmem:$0x18220] =	vst v48;
	v48 =	vld [tilespmem:$0x1EF10];
	_ =	sdelay $0x1  }
0x531: {  	[tilespmem:$0x18230] =	vst v44;
	v44 =	vmul.f32 v58, v51  }
0x532: {  	[tilespmem:$0x18260] =	vst v38;
	v38 =	vmul.f32 v45, v51  }
0x533: {  	v42 =	vadd.f32 v44, v42;
	v44 =	vld [tilespmem:$0x1EEE0];
	[tilespmem:$0x18240] =	vst v43;
	v43 =	vmul.f32 v63, v51  }
0x534: {  	v56 =	vld [tilespmem:$0x1EF30];
	v38 =	vadd.f32 v38, v40;
	v40 =	vmul.f32 v48, v51  }
0x535: {  	v43 =	vadd.f32 v43, v46;
	v46 =	vld [tilespmem:$0x1EF00]  }
0x536: {  	v37 =	vadd.f32 v54, v37;
	v32 =	vadd.f32 v40, v32;
	v40 =	vld [tilespmem:$0x1EF50]  }
0x537: {  	v58 =	vld [tilespmem:$0x1EF40];
	[tilespmem:$0x18270] =	vst v42  }
0x538: {  	v42 =	vld [tilespmem:$0x1EF70];
	[tilespmem:$0x18250] =	vst v37;
	v37 =	vmul.f32 v44, v51  }
0x539: {  	v54 =	vld [tilespmem:$0x1EF20];
	[tilespmem:$0x182A0] =	vst v38;
	v38 =	vmul.f32 v56, v51  }
0x53a: {  	v44 =	vld [tilespmem:$0x1EF90];
	v37 =	vadd.f32 v37, v39;
	v39 =	vmul.f32 v46, v51  }
0x53b: {  	v63 =	vadd.f32 v38, v41;
	[tilespmem:$0x182C0] =	vst v32;
	v41 =	vld [tilespmem:$0x1EF60];
	v32 =	vmul.f32 v40, v51  }
0x53c: {  	v48 =	vld [tilespmem:$0x1EFB0];
	[tilespmem:$0x18290] =	vst v37;
	v31 =	vadd.f32 v39, v31  }
0x53d: {  	[tilespmem:$0x18280] =	vst v43;
	v43 =	vld [tilespmem:$0x1EF80];
	v32 =	vadd.f32 v32, v34;
	v34 =	vmul.f32 v42, v51  }
0x53e: {  	v56 =	vld [tilespmem:$0x1EFD0];
	[tilespmem:$0x182B0] =	vst v31;
	v31 =	vmul.f32 v58, v51  }
0x53f: {  	v45 =	vld [tilespmem:$0x1EFA0];
	v37 =	vmul.f32 v54, v51;
	[tilespmem:$0x182E0] =	vst v63;
	v26 =	vadd.f32 v34, v26  }
0x540: {  	v54 =	vld [tilespmem:$0x1EFC0];
	[tilespmem:$0x18300] =	vst v32;
	v31 =	vadd.f32 v31, v33;
	v33 =	vmul.f32 v41, v51  }
0x541: {  	v36 =	vadd.f32 v37, v36;
	v37 =	vld [tilespmem:$0x1F050];
	v32 =	vmul.f32 v44, v51;
	[tilespmem:$0x18320] =	vst v26;
	v26 =	vmul.f32 v48, v51  }
0x542: {  	v63 =	vld [tilespmem:$0x1EFF0];
	v25 =	vadd.f32 v33, v25;
	[tilespmem:$0x182F0] =	vst v31;
	v31 =	vmul.f32 v43, v51  }
0x543: {  	[tilespmem:$0x182D0] =	vst v36;
	v58 =	vld [tilespmem:$0x1EFE0];
	v46 =	vadd.f32 v32, v35;
	v26 =	vadd.f32 v26, v28;
	v28 =	vmul.f32 v56, v51  }
0x544: {  	v30 =	vadd.f32 v31, v30;
	[tilespmem:$0x18310] =	vst v25;
	v25 =	vmul.f32 v45, v51;
	v31 =	vld [tilespmem:$0x1F010]  }
0x545: {  	[tilespmem:$0x18340] =	vst v46;
	v23 =	vadd.f32 v28, v23;
	v28 =	vld [tilespmem:$0x1F000]  }
0x546: {  	v38 =	vld [tilespmem:$0x1F060];
	v45 =	vmul.f32 v50, v0;
	[tilespmem:$0x18360] =	vst v26;
	v25 =	vadd.f32 v25, v27;
	v27 =	vmul.f32 v54, v51  }
0x547: {  	v32 =	vld [tilespmem:$0x1F020];
	v26 =	vmul.f32 v63, v51;
	[tilespmem:$0x18330] =	vst v30  }
0x548: {  	v34 =	vld [tilespmem:$0x1F030];
	v56 =	vmul.f32 v61, v51;
	v5 =	vadd.f32 v45, v5;
	[tilespmem:$0x18380] =	vst v23;
	v22 =	vadd.f32 v27, v22  }
0x549: {  	v36 =	vmul.f32 v55, v0;
	v55 =	vld [tilespmem:$0x1F110];
	v30 =	vadd.f32 v26, v29;
	[tilespmem:$0x18350] =	vst v25;
	v25 =	vmul.f32 v58, v51  }
0x54a: {  	v35 =	vld [tilespmem:$0x1F040];
	v5 =	vadd.f32 v56, v5;
	v26 =	vmul.f32 v31, v51;
	[tilespmem:$0x18370] =	vst v22;
	v22 =	vmul.f32 v28, v51  }
0x54b: {  	v40 =	vld [tilespmem:$0x1F070];
	[tilespmem:$0x183A0] =	vst v30;
	v24 =	vadd.f32 v25, v24  }
0x54c: {  	v43 =	vld [tilespmem:$0x1F090];
	[tilespmem:$0x184B0] =	vst v5;
	v20 =	vadd.f32 v26, v20;
	v21 =	vadd.f32 v22, v21;
	v22 =	vmul.f32 v32, v51  }
0x54d: {  	v41 =	vld [tilespmem:$0x1F080];
	[tilespmem:$0x18390] =	vst v24;
	v24 =	vmul.f32 v34, v51  }
0x54e: {  	v39 =	vmul.f32 v53, v0;
	v53 =	vld [tilespmem:$0x1F0F0];
	[tilespmem:$0x183C0] =	vst v20;
	v20 =	vmul.f32 v38, v51;
	v19 =	vadd.f32 v22, v19  }
0x54f: {  	v11 =	vadd.f32 v60, v11;
	v44 =	vld [tilespmem:$0x1F0A0];
	v22 =	vmul.f32 v35, v51;
	[tilespmem:$0x183B0] =	vst v21;
	v16 =	vadd.f32 v24, v16  }
0x550: {  	v10 =	vadd.f32 v59, v10;
	v46 =	vld [tilespmem:$0x1F0B0];
	v24 =	vmul.f32 v37, v51;
	v15 =	vadd.f32 v20, v15;
	[tilespmem:$0x183D0] =	vst v19  }
0x551: {  	v42 =	vmul.f32 v49, v0;
	v49 =	vld [tilespmem:$0x1F0D0];
	v20 =	vmul.f32 v43, v51;
	v17 =	vadd.f32 v22, v17;
	[tilespmem:$0x183E0] =	vst v16  }
0x552: {  	v48 =	vld [tilespmem:$0x1F0C0];
	v18 =	vadd.f32 v24, v18;
	v22 =	vmul.f32 v40, v51;
	v16 =	vmul.f32 v41, v51;
	[tilespmem:$0x18410] =	vst v15  }
0x553: {  	v59 =	vmul.f32 v62, v51;
	v33 =	vmul.f32 v57, v0;
	v50 =	vld [tilespmem:$0x1F0E0];
	v13 =	vadd.f32 v20, v13;
	[tilespmem:$0x183F0] =	vst v17  }
0x554: {  	v57 =	vld [tilespmem:$0x1F120];
	v14 =	vadd.f32 v22, v14;
	[tilespmem:$0x18400] =	vst v18;
	v12 =	vadd.f32 v16, v12;
	v16 =	vmul.f32 v44, v51  }
0x555: {  	v8 =	vadd.f32 v36, v8;
	v7 =	vadd.f32 v39, v7;
	v54 =	vld [tilespmem:$0x1F100];
	v18 =	vmul.f32 v46, v51;
	[tilespmem:$0x18440] =	vst v13  }
0x556: {  	v6 =	vadd.f32 v42, v6;
	v13 =	vmul.f32 v53, v51;
	[tilespmem:$0x18420] =	vst v14;
	v11 =	vadd.f32 v16, v11  }
0x557: {  	v9 =	vadd.f32 v33, v9;
	v14 =	vmul.f32 v48, v51;
	[tilespmem:$0x18430] =	vst v12;
	v10 =	vadd.f32 v18, v10  }
0x558: {  	v63 =	vld [tilespmem:$0x1F130];
	v12 =	vmul.f32 v49, v0;
	v16 =	vmul.f32 v50, v51;
	v7 =	vadd.f32 v13, v7;
	[tilespmem:$0x18450] =	vst v11  }
0x559: {  	v58 =	vmul.f32 v57, v0;
	v9 =	vadd.f32 v14, v9;
	v14 =	vmul.f32 v55, v51;
	[tilespmem:$0x18460] =	vst v10  }
0x55a: {  	v11 =	vmul.f32 v54, v0;
	v8 =	vadd.f32 v16, v8;
	v4 =	vadd.f32 v12, v4;
	[tilespmem:$0x18490] =	vst v7  }
0x55b: {  	v62 =	vmul.f32 v47, v51;
	v0 =	vadd.f32 v58, v2;
	[tilespmem:$0x18470] =	vst v9;
	v6 =	vadd.f32 v14, v6  }
0x55c: {  	v60 =	vmul.f32 v52, v51;
	[tilespmem:$0x18480] =	vst v8;
	v3 =	vadd.f32 v11, v3;
	v61 =	vadd.f32 v59, v4  }
0x55d: {  	v0 =	vadd.f32 v62, v0;
	[tilespmem:$0x184A0] =	vst v6;
	v6 =	vmul.f32 v63, v51  }
0x55e: {  	v3 =	vadd.f32 v60, v3;
	[tilespmem:$0x184C0] =	vst v61  }
0x55f: {  	s20 =	sadd.s32 $0x1, s20;
	[tilespmem:$0x184E0] =	vst v0;
	v1 =	vadd.f32 v6, v1  }
0x560: {  	p0 =	sne.s32 s20, s11;
	[tilespmem:$0x184D0] =	vst v3  }
.Ltmp6:
0x561: {  	[tilespmem:$0x184F0] =	vst v1;
	(pc) =	sbr.rel @p0 .LBB2_1-.Ltmp6, $4  }
0x562: {  	[hbm4b:s10+s16] =	stream.strided.scatter [tilespmem:s18], [sflag:$0x4], $0x300, s17, s16, $0x38;
	[tilespmem:$0x18500] =	vst v63  }
0x563: {  	_ =	swait.ge [sflag:s19], $0x300  }
0x564: {  	[sflag:s19] =	ssyncset.done $0x0  }
0x565: {  	[sflag:s19] =	ssyncadd.s32 $0xFFFFFD00  }
0x566: {  	_ =	sfence.sel $0x180000  }
0x567: {  	[bflag:$0x0] =	sbarrier.arrive $0xFFFF  }
0x568: {  	p0 =	sne.s32 s0, $0x0;
	_ =	strace $0x90000047  }
0x569: {  	s0 =	sadd.s32 @!p0 $0x100000, s1;
	[bflag:$0x2] =	sbarrier.arrive $0xFFFF  }
0x56a: {  	[sflag:s0] =	ssyncadd.tile.s32 @!p0 $0x1;
	_ =	shalt  }
.Lfunc_end2:
_tile_overlayer_lowered:
.L_overlay_start_2:
0x56b: {  	(tag) =	ssettag $0x2  }
0x56c: {  	s0 =	rddreg [dreg:$0x0];
	s2 =	stileid.u32  }
0x56d: {  	s1 =	rddreg [dreg:$0x1];
	p0 =	sne.s32 s2, $0x0  }
0x56e: {  	s3 =	rddreg [dreg:$0x2];
	[bflag:$0x3] =	sbarrier.arrive $0xFFFF;
	s2 =	simm.s32 @!p0 $0x1C04  }
0x56f: {  	[timem:s3], [sflag:s2] =	dma.local @!p0 [hbm:s0], s1  }
0x570: {  	s0 =	simm.s32 @!p0 $0x4  }
0x571: {  	_ =	swait.ge @!p0 [sflag:s0], s1  }
0x572: {  	s1 =	ssub.s32 @!p0 $0x0, s1;
	[sflag:s0] =	ssyncset.done @!p0 $0x0  }
0x573: {  	[sflag:s0] =	ssyncadd.s32 @!p0 s1  }
0x574: {  	[bflag:$0x3] =	sbarrier.arrive $0xFFFF  }
0x575: {  	_ =	shalt  }

</sc_bundles>
